<compile_context>
chip_gen: v7x
topology: tpu7x:2x2x1
jax: 0.10.2.dev20260603
libtpu: 0.0.44.dev20260713+nightly
codegen_flags: <defaults>
</compile_context>

<pallas_src>
import functools

import numpy as np

import jax
import jax.numpy as jnp
from jax import lax
from jax.experimental import pallas as pl
from jax.experimental.pallas import tpu as pltpu
from jax.experimental.pallas import tpu_sc as plsc

N = 10000
NP = 10112
D = 128
E2 = 640000
CHUNKS = 160
EPT = CHUNKS * 128
EPAD = EPT * 32
ROWS_PT = NP // 16
GB = 32
BN = 1000
BV = 400
NCB = 4096

f32 = jnp.float32
i32 = jnp.int32


def _sc_edge_body(y_hbm, src_hbm, ew_hbm, dst_hbm, out_hbm,
                  agg, sbuf, ebuf, dbuf, rows0, sem_g):
    c = lax.axis_index("c")
    s = lax.axis_index("s")
    wid = c * 16 + s
    zero16 = jnp.zeros((16,), f32)

    def zrow(r, carry):
        for k in range(8):
            rows0[r, pl.ds(k * 16, 16)] = zero16
        return carry
    lax.fori_loop(0, 128, zrow, 0)
    base = s * ROWS_PT
    for k in range(4):
        pltpu.sync_copy(rows0, agg.at[pl.ds(base + k * 128, 128), :])
    pltpu.sync_copy(rows0.at[pl.ds(0, ROWS_PT - 512), :],
                    agg.at[pl.ds(base + 512, ROWS_PT - 512), :])

    plsc.subcore_barrier()

    def group(g, carry):
        roff = wid * CHUNKS + g * GB
        pltpu.sync_copy(src_hbm.at[pl.ds(roff, GB), :], sbuf)
        pltpu.sync_copy(ew_hbm.at[pl.ds(roff, GB), :], ebuf)
        pltpu.sync_copy(dst_hbm.at[pl.ds(roff, GB), :], dbuf)

        def rcalc(j, c2):
            for k in range(8):
                e = ebuf[j, pl.ds(k * 16, 16)]
                sv = sbuf[j, pl.ds(k * 16, 16)]
                ec = jnp.where((e >= 1) & (e <= 4), e, 0)
                ebuf[j, pl.ds(k * 16, 16)] = ec * N + sv
            return c2
        lax.fori_loop(0, GB, rcalc, 0)

        def chunk(j, c2):
            pltpu.async_copy(y_hbm.at[ebuf.at[j]], rows0, sem_g).wait()
            pltpu.sync_copy(rows0, agg.at[dbuf.at[j]], add=True)
            return c2
        lax.fori_loop(0, GB, chunk, 0)
        return carry
    lax.fori_loop(0, CHUNKS // GB, group, 0)

    plsc.subcore_barrier()

    for k in range(4):
        pltpu.sync_copy(agg.at[pl.ds(base + k * 128, 128), :], rows0)
        pltpu.sync_copy(rows0, out_hbm.at[c, pl.ds(base + k * 128, 128), :])
    pltpu.sync_copy(agg.at[pl.ds(base + 512, ROWS_PT - 512), :],
                    rows0.at[pl.ds(0, ROWS_PT - 512), :])
    pltpu.sync_copy(rows0.at[pl.ds(0, ROWS_PT - 512), :],
                    out_hbm.at[c, pl.ds(base + 512, ROWS_PT - 512), :])


_sc_edge = pl.kernel(
    _sc_edge_body,
    out_type=jax.ShapeDtypeStruct((2, NP, D), f32),
    mesh=plsc.VectorSubcoreMesh(core_axis_name="c", subcore_axis_name="s"),
    scratch_types=[
        pltpu.VMEM_SHARED((NP, D), f32),
        pltpu.VMEM((GB, 128), i32),
        pltpu.VMEM((GB, 128), i32),
        pltpu.VMEM((GB, 128), i32),
        pltpu.VMEM((128, D), f32),
        pltpu.SemaphoreType.DMA,
    ],
)


def _embed_body(f_ref, off_ref, T_ref, s0T_ref, bond_ref, eW_ref, eb_ref,
                h0_ref, hs_ref, y_ref):
    adj = f_ref[...] + off_ref[...]
    iot = lax.broadcasted_iota(i32, (BN, 256), 1)
    oh = jnp.zeros((BN, 256), f32)
    for j in range(27):
        oh = oh + (adj[:, j][:, None] == iot).astype(f32)
    h0 = jnp.dot(oh, T_ref[...], preferred_element_type=f32,
                 precision=lax.Precision.HIGHEST)
    h0_ref[...] = h0
    hs_ref[...] = jnp.dot(h0, s0T_ref[...], preferred_element_type=f32)
    etab = jnp.dot(bond_ref[...], eW_ref[...],
                   preferred_element_type=f32) + eb_ref[...]
    for v in range(5):
        y_ref[v] = jnp.maximum(h0 + etab[v][None, :], 0.0)


def _node_body(with_skip, with_y, *refs):
    idx = 0
    x_ref = refs[idx]; idx += 1
    agg_ref = refs[idx]; idx += 1
    if with_skip:
        skip_ref = refs[idx]; idx += 1
    W1T_ref = refs[idx]; idx += 1
    b1_ref = refs[idx]; idx += 1
    W2Ts_ref = refs[idx]; idx += 1
    b2s_ref = refs[idx]; idx += 1
    g_ref = refs[idx]; idx += 1
    b_ref = refs[idx]; idx += 1
    if with_y:
        bond_ref = refs[idx]; idx += 1
        eW_ref = refs[idx]; idx += 1
        eb_ref = refs[idx]; idx += 1
    h_ref = refs[idx]; idx += 1
    if with_y:
        y_ref = refs[idx]; idx += 1

    x = x_ref[...]
    h = x + (agg_ref[0] + agg_ref[1])
    t = jnp.maximum(jnp.dot(h, W1T_ref[...], preferred_element_type=f32)
                    + b1_ref[...], 0.0)
    t2 = jnp.maximum(jnp.dot(t, W2Ts_ref[...], preferred_element_type=f32)
                     + b2s_ref[...], 0.0)
    z = t2 + (skip_ref[...] if with_skip else x)
    mu = jnp.mean(z, axis=1, keepdims=True)
    dfc = z - mu
    var = jnp.mean(dfc * dfc, axis=1, keepdims=True)
    hn = dfc / jnp.sqrt(var + 1e-5) * g_ref[...] + b_ref[...]
    h_ref[...] = hn
    if with_y:
        etab = jnp.dot(bond_ref[...], eW_ref[...],
                       preferred_element_type=f32) + eb_ref[...]
        for v in range(5):
            y_ref[v] = jnp.maximum(hn + etab[v][None, :], 0.0)


def _final_body(h0_ref, h1_ref, h2_ref, h3_ref,
                A0_ref, A1_ref, A2_ref, A3_ref, mb1_ref,
                W2T_ref, mb2_ref, oWT_ref, ob_ref,
                g_ref, b_ref, msk_ref, cbT_ref, cbp_ref, q_ref):
    u = (jnp.dot(h0_ref[...], A0_ref[...], preferred_element_type=f32)
         + jnp.dot(h1_ref[...], A1_ref[...], preferred_element_type=f32)
         + jnp.dot(h2_ref[...], A2_ref[...], preferred_element_type=f32)
         + jnp.dot(h3_ref[...], A3_ref[...], preferred_element_type=f32)
         + mb1_ref[...])
    t = jnp.maximum(u, 0.0)
    t2 = jnp.maximum(jnp.dot(t, W2T_ref[...], preferred_element_type=f32)
                     + mb2_ref[...], 0.0)
    ho = jnp.dot(t2, oWT_ref[...], preferred_element_type=f32) + ob_ref[...]
    mu = jnp.sum(ho, axis=1, keepdims=True) / 120.0
    dfc = (ho - mu) * msk_ref[...]
    var = jnp.sum(dfc * dfc, axis=1, keepdims=True) / 120.0
    hv = dfc / jnp.sqrt(var + 1e-5) * g_ref[...] + b_ref[...]
    hvsq = jnp.sum(hv * hv, axis=1, keepdims=True)
    sc = jnp.dot(hv, cbT_ref[...], preferred_element_type=f32)
    cbsq = jnp.sum(cbT_ref[...] * cbT_ref[...], axis=0, keepdims=True)
    d = hvsq - 2.0 * sc + cbsq
    m = jnp.min(d, axis=1, keepdims=True)
    iot = lax.broadcasted_iota(i32, (BV, NCB), 1)
    idx = jnp.min(jnp.where(d == m, iot, NCB), axis=1, keepdims=True)
    ohv = (iot == idx).astype(f32)
    q_ref[...] = jnp.dot(ohv, cbp_ref[...], preferred_element_type=f32,
                         precision=lax.Precision.HIGHEST)


def _full(shape):
    return pl.BlockSpec(shape, lambda i: tuple(0 for _ in shape))


def _embed_call(fpad, offs, T, s0T, bondp, eWT, eb):
    return pl.pallas_call(
        _embed_body,
        grid=(N // BN,),
        in_specs=[
            pl.BlockSpec((BN, 128), lambda i: (i, 0)),
            _full((1, 128)), _full((256, 128)), _full((128, 128)),
            _full((8, 32)), _full((32, 128)), _full((1, 128)),
        ],
        out_specs=[
            pl.BlockSpec((BN, D), lambda i: (i, 0)),
            pl.BlockSpec((BN, D), lambda i: (i, 0)),
            pl.BlockSpec((5, BN, D), lambda i: (0, i, 0)),
        ],
        out_shape=[
            jax.ShapeDtypeStruct((N, D), f32),
            jax.ShapeDtypeStruct((N, D), f32),
            jax.ShapeDtypeStruct((5, N, D), f32),
        ],
    )(fpad, offs, T, s0T, bondp, eWT, eb)


def _node_call(with_skip, with_y, x, agg, *args):
    in_specs = [pl.BlockSpec((BN, D), lambda i: (i, 0)),
                pl.BlockSpec((2, BN, D), lambda i: (0, i, 0))]
    if with_skip:
        in_specs.append(pl.BlockSpec((BN, D), lambda i: (i, 0)))
    in_specs += [_full((128, 128)), _full((1, 128)),
                 _full((128, 128)), _full((1, 128)),
                 _full((1, 128)), _full((1, 128))]
    if with_y:
        in_specs += [_full((8, 32)), _full((32, 128)), _full((1, 128))]
    out_specs = [pl.BlockSpec((BN, D), lambda i: (i, 0))]
    out_shape = [jax.ShapeDtypeStruct((N, D), f32)]
    if with_y:
        out_specs.append(pl.BlockSpec((5, BN, D), lambda i: (0, i, 0)))
        out_shape.append(jax.ShapeDtypeStruct((5, N, D), f32))
    res = pl.pallas_call(
        functools.partial(_node_body, with_skip, with_y),
        grid=(N // BN,),
        in_specs=in_specs,
        out_specs=out_specs,
        out_shape=out_shape,
    )(x, agg, *args)
    return res if with_y else res[0]


def _final_call(h0, h1, h2, h3, *args):
    in_specs = [pl.BlockSpec((BV, D), lambda i: (i, 0)) for _ in range(4)]
    in_specs += [_full((128, 256)) for _ in range(4)]
    in_specs += [_full((1, 256)), _full((256, 128)), _full((1, 128)),
                 _full((128, 128)), _full((1, 128)),
                 _full((1, 128)), _full((1, 128)), _full((1, 128)),
                 _full((128, NCB)), _full((NCB, 128))]
    return pl.pallas_call(
        _final_body,
        grid=(N // BV,),
        in_specs=in_specs,
        out_specs=pl.BlockSpec((BV, D), lambda i: (i, 0)),
        out_shape=jax.ShapeDtypeStruct((N, D), f32),
    )(h0, h1, h2, h3, *args)


_OFFS = np.full((1, 128), -(1 << 20), np.int32)
_OFFS[0, :7] = [0, 120, 127 + 1, 134, 142, 144, 150]
for _i in range(20):
    _OFFS[0, 7 + _i] = 155 + 2 * _i


def _pad2(a, rows, cols):
    return jnp.pad(a, ((0, rows - a.shape[0]), (0, cols - a.shape[1])))


def _row(a, cols=128):
    return jnp.pad(a, (0, cols - a.shape[0]))[None, :]


def kernel(params, features, src, dst, edge_weight):
    p = params

    T = jnp.zeros((256, 128), f32)
    T = T.at[0:120, 0:16].set(p['elem'])
    T = T.at[120:127, 16:20].set(p['degree'])
    T = T.at[127:134, 20:24].set(p['valence'])
    T = T.at[134:142, 24:28].set(p['charge'])
    T = T.at[142:144, 28:32].set(p['aromatic'])
    T = T.at[144:150, 32:36].set(p['hybrid'])
    T = T.at[150:155, 36:40].set(p['hydrogen'])
    for i in range(20):
        T = T.at[155 + 2 * i:157 + 2 * i, 40 + 4 * i:44 + 4 * i].set(p['bin'][i])

    fpad = jnp.pad(features.astype(i32), ((0, 0), (0, 128 - 27)))
    offs = jnp.asarray(_OFFS)
    s0T = _pad2(p['skip0'].T, 128, 128)
    bondp = jnp.pad(p['bond'], ((0, 3), (0, 0)))

    eWT = {}
    ebp = {}
    W1T = {}
    b1p = {}
    W2Ts = {}
    b2s = {}
    for l, r in (('g1', 'res1'), ('g2', 'res2'), ('g3', 'res3')):
        eWT[l] = _pad2(p[l + '_eW'].T, 32, 128)
        ebp[l] = _row(p[l + '_eb'])
        W1T[l] = _pad2(p[l + '_W1'].T, 128, 128)
        b1p[l] = _row(p[l + '_b1'])
        W2Ts[l] = _pad2(p[l + '_W2'].T * p[r], 128, 128)
        b2s[l] = _row(p[l + '_b2'] * p[r])

    lng = {l: _row(p[l + '_g']) for l in ('ln1', 'ln2', 'ln3')}
    lnb = {l: _row(p[l + '_b']) for l in ('ln1', 'ln2', 'ln3')}

    A0 = _pad2(p['mix_W1'][:, 0:120].T, 128, 256)
    A1 = p['mix_W1'][:, 120:248].T
    A2 = p['mix_W1'][:, 248:376].T
    A3 = p['mix_W1'][:, 376:504].T
    mb1 = p['mix_b1'][None, :]
    mW2T = p['mix_W2'].T
    mb2 = _row(p['mix_b2'])
    oWT = _pad2(p['out_W'].T, 128, 128)
    obp = _row(p['out_b'])
    lnvg = _row(p['lnvq_g'])
    lnvb = _row(p['lnvq_b'])
    msk = jnp.asarray(np.concatenate([np.ones((1, 120), np.float32),
                                      np.zeros((1, 8), np.float32)], axis=1))
    cbT = _pad2(p['cb'].T, 128, NCB)
    cbp = _pad2(p['cb'], NCB, 128)

    s2 = jnp.concatenate([src, dst]).astype(i32)
    d2 = jnp.concatenate([dst, src]).astype(i32)
    e2 = jnp.concatenate([edge_weight, edge_weight]).astype(i32)
    s2 = jnp.pad(s2, (0, EPAD - E2))
    d2 = jnp.pad(d2, (0, EPAD - E2), constant_values=N)
    e2 = jnp.pad(e2, (0, EPAD - E2))
    perm = jnp.argsort(d2, stable=True)
    s2 = s2[perm].reshape(EPAD // 128, 128)
    d2 = d2[perm].reshape(EPAD // 128, 128)
    e2 = e2[perm].reshape(EPAD // 128, 128)

    h0, h0skip, y1 = _embed_call(fpad, offs, T, s0T, bondp, eWT['g1'],
                                 ebp['g1'])
    agg1 = _sc_edge(y1.reshape(5 * N, D), s2, e2, d2)
    h1, y2 = _node_call(True, True, h0, agg1, h0skip,
                        W1T['g1'], b1p['g1'], W2Ts['g1'], b2s['g1'],
                        lng['ln1'], lnb['ln1'], bondp, eWT['g2'], ebp['g2'])
    agg2 = _sc_edge(y2.reshape(5 * N, D), s2, e2, d2)
    h2, y3 = _node_call(False, True, h1, agg2,
                        W1T['g2'], b1p['g2'], W2Ts['g2'], b2s['g2'],
                        lng['ln2'], lnb['ln2'], bondp, eWT['g3'], ebp['g3'])
    agg3 = _sc_edge(y3.reshape(5 * N, D), s2, e2, d2)
    h3 = _node_call(False, False, h2, agg3,
                    W1T['g3'], b1p['g3'], W2Ts['g3'], b2s['g3'],
                    lng['ln3'], lnb['ln3'])
    q = _final_call(h0, h1, h2, h3, A0, A1, A2, A3, mb1, mW2T, mb2,
                    oWT, obp, lnvg, lnvb, msk, cbT, cbp)
    return q[:, :120]

# --- scband reference (transcript-rebuilt; emitter-appended) ---
"""Pipeline reference for scband-equivariant-three-hop-gine-29291676958835 (READ-ONLY COPY).

The authoritative reference and input builder live on the scoring server;
editing this copy changes nothing except your own understanding.
"""

import jax, jax.numpy as jnp
import numpy as np

N_NODES = 10000
N_EDGES = 320000


def _ln(x, g, b):
    mu = jnp.mean(x, axis=-1, keepdims=True)
    var = jnp.var(x, axis=-1, keepdims=True)
    return (x - mu) / jnp.sqrt(var + 1e-5) * g + b


def _atom_embed(f, p):
    outs = [p['elem'][f[:, 0]], p['degree'][f[:, 1]], p['valence'][f[:, 2] + 1],
            p['charge'][f[:, 3]], p['aromatic'][f[:, 4]], p['hybrid'][f[:, 5]],
            p['hydrogen'][f[:, 6]]]
    for i in range(20):
        outs.append(p['bin'][i][f[:, 7 + i]])
    return jnp.concatenate(outs, axis=-1)


def _gine(x, src, dst, eattr, eW, eb, W1, b1, W2, b2):
    e = eattr @ eW.T + eb
    m = jax.nn.relu(x[src] + e)
    agg = jax.ops.segment_sum(m, dst, num_segments=x.shape[0])
    h = x + agg
    h = jax.nn.relu(h @ W1.T + b1)
    return jax.nn.relu(h @ W2.T + b2)


def _forward(params, features, src, dst, edge_weight):
    p = params
    s2 = jnp.concatenate([src, dst])
    d2 = jnp.concatenate([dst, src])
    e = jnp.concatenate([edge_weight, edge_weight])
    e = jnp.where((e >= 1) & (e <= 4), e, jnp.zeros_like(e))
    eattr = p['bond'][e]
    h0 = _atom_embed(features, p)
    h0_for1 = h0 @ p['skip0'].T
    h1 = _ln(_gine(h0, s2, d2, eattr, p['g1_eW'], p['g1_eb'], p['g1_W1'], p['g1_b1'], p['g1_W2'], p['g1_b2']) * p['res1'] + h0_for1, p['ln1_g'], p['ln1_b'])
    h2 = _ln(_gine(h1, s2, d2, eattr, p['g2_eW'], p['g2_eb'], p['g2_W1'], p['g2_b1'], p['g2_W2'], p['g2_b2']) * p['res2'] + h1, p['ln2_g'], p['ln2_b'])
    h3 = _ln(_gine(h2, s2, d2, eattr, p['g3_eW'], p['g3_eb'], p['g3_W1'], p['g3_b1'], p['g3_W2'], p['g3_b2']) * p['res3'] + h2, p['ln3_g'], p['ln3_b'])
    hc = jnp.concatenate([h0, h1, h2, h3], axis=-1)
    hm = jax.nn.relu(hc @ p['mix_W1'].T + p['mix_b1'])
    hm = jax.nn.relu(hm @ p['mix_W2'].T + p['mix_b2'])
    ho = hm @ p['out_W'].T + p['out_b']
    hv = _ln(ho, p['lnvq_g'], p['lnvq_b'])
    d = jnp.sum(hv * hv, axis=1, keepdims=True) - 2.0 * hv @ p['cb'].T + jnp.sum(p['cb'] * p['cb'], axis=1)
    idx = jnp.argmin(d, axis=1)
    q = p['cb'][idx]
    q = hv + jax.lax.stop_gradient(q - hv)
    return q


def _init_params(key):
    c = [0]
    def nrm(shape, s=0.05):
        c[0] += 1
        return jax.random.normal(jax.random.fold_in(key, c[0]), shape, dtype=jnp.float32) * s
    p = {}
    p['elem'] = nrm((120, 16))
    p['degree'] = nrm((7, 4))
    p['valence'] = nrm((7, 4))
    p['charge'] = nrm((8, 4))
    p['aromatic'] = nrm((2, 4))
    p['hybrid'] = nrm((6, 4))
    p['hydrogen'] = nrm((5, 4))
    p['bin'] = nrm((20, 2, 4))
    p['bond'] = nrm((5, 32)).at[0].set(0.0)
    p['skip0'] = nrm((128, 120))
    p['g1_eW'] = nrm((120, 32)); p['g1_eb'] = jnp.zeros((120,), jnp.float32)
    p['g1_W1'] = nrm((128, 120)); p['g1_b1'] = jnp.zeros((128,), jnp.float32)
    p['g1_W2'] = nrm((128, 128)); p['g1_b2'] = jnp.zeros((128,), jnp.float32)
    for i in ['g2', 'g3']:
        p[i + '_eW'] = nrm((128, 32)); p[i + '_eb'] = jnp.zeros((128,), jnp.float32)
        p[i + '_W1'] = nrm((128, 128)); p[i + '_b1'] = jnp.zeros((128,), jnp.float32)
        p[i + '_W2'] = nrm((128, 128)); p[i + '_b2'] = jnp.zeros((128,), jnp.float32)
    for i in ['ln1', 'ln2', 'ln3']:
        p[i + '_g'] = jnp.ones((128,), jnp.float32); p[i + '_b'] = jnp.zeros((128,), jnp.float32)
    p['lnvq_g'] = jnp.ones((120,), jnp.float32); p['lnvq_b'] = jnp.zeros((120,), jnp.float32)
    p['res1'] = jnp.array(0.5, jnp.float32)
    p['res2'] = jnp.array(0.5, jnp.float32)
    p['res3'] = jnp.array(0.5, jnp.float32)
    p['mix_W1'] = nrm((256, 504)); p['mix_b1'] = jnp.zeros((256,), jnp.float32)
    p['mix_W2'] = nrm((128, 256)); p['mix_b2'] = jnp.zeros((128,), jnp.float32)
    p['out_W'] = nrm((120, 128)); p['out_b'] = jnp.zeros((120,), jnp.float32)
    p['cb'] = nrm((4096, 120), 1.0)
    return p


def setup_inputs(seed: int = 0):
    key = jax.random.key(seed)
    features = jax.random.randint(jax.random.fold_in(key, 101), (N_NODES, 27), 0, 2)
    src = jax.random.randint(jax.random.fold_in(key, 102), (N_EDGES,), 0, N_NODES)
    dst = jax.random.randint(jax.random.fold_in(key, 103), (N_EDGES,), 0, N_NODES)
    edge_weight = jax.random.randint(jax.random.fold_in(key, 104), (N_EDGES,), 0, 5)
    params = _init_params(jax.random.fold_in(key, 1))
    return {'params': params, 'features': features, 'src': src, 'dst': dst, 'edge_weight': edge_weight}


def reference(params, features, src, dst, edge_weight):
    return _forward(params, features, src, dst, edge_weight)

if __name__ == "__main__":
    import jax
    _d = setup_inputs()
    print(jax.jit(kernel)(*tuple(_d.values())))

</pallas_src>

<mosaic_0001>
#map = affine_map<(d0, d1) -> (0, 0)>
#map1 = affine_map<(d0, d1) -> (0, 0, 0)>
module attributes {stable_mosaic.version = 14 : i64} {
  func.func @_sc_edge_body(%arg0: i32, %arg1: i32, %arg2: memref<50000x128xf32, #tpu.memory_space<hbm>>, %arg3: memref<5120x128xi32, #tpu.memory_space<hbm>>, %arg4: memref<5120x128xi32, #tpu.memory_space<hbm>>, %arg5: memref<5120x128xi32, #tpu.memory_space<hbm>>, %arg6: memref<2x10112x128xf32, #tpu.memory_space<hbm>>, %arg7: memref<10112x128xf32, #tpu.memory_space<vmem_shared>>, %arg8: memref<32x128xi32, #tpu.memory_space<vmem>>, %arg9: memref<32x128xi32, #tpu.memory_space<vmem>>, %arg10: memref<32x128xi32, #tpu.memory_space<vmem>>, %arg11: memref<128x128xf32, #tpu.memory_space<vmem>>, %arg12: memref<!tpu.dma_semaphore, #tpu.memory_space<semaphore_mem>>) attributes {dimension_semantics = [#tpu.dimension_semantics<core_parallel>, #tpu.dimension_semantics<subcore_parallel>], iteration_bounds = array<i64: 2, 16>, scalar_prefetch = 0 : i64, scratch_operands = 6 : i64, tpu.core_type = #tpu.core_type<sc_vector_subcore>, window_params = [{transform_indices = #map}, {transform_indices = #map}, {transform_indices = #map}, {transform_indices = #map}, {transform_indices = #map1}]} {
    %mul3A = arith.constant 16 : i32
    %mul3A_0 = arith.muli %arg0, %mul3A : i32
    %add3A = arith.addi %mul3A_0, %arg1 : i32
    %broadcast_in_dim3A = arith.constant 0.000000e+00 : f32
    %broadcast_in_dim3A_1 = vector.broadcast %broadcast_in_dim3A : f32 to vector<16xf32>
    %scan3A = arith.constant 0 : i32
    %scan3A_2 = arith.constant 0 : i32
    %scan3A_3 = arith.constant 128 : i32
    %scan3A_4 = arith.addi %scan3A_2, %scan3A_3 : i32
    %scan3A_5 = arith.constant 1 : i32
    scf.for %scan3A_46 = %scan3A_2 to %scan3A_4 step %scan3A_5  : i32 {
      %swap3A = arith.index_cast %scan3A_46 : i32 to index
      %swap3A_47 = arith.constant 0 : index
      %swap3A_48 = tpu.vector_load %arg11[%swap3A, %swap3A_47] {strides = array<i32>} : memref<128x128xf32, #tpu.memory_space<vmem>>, vector<1x16xf32>,
      %swap3A_49 = vector.shape_cast %swap3A_48 : vector<1x16xf32> to vector<16xf32>
      %swap3A_50 = vector.shape_cast %broadcast_in_dim3A_1 : vector<16xf32> to vector<1x16xf32>
      tpu.vector_store %arg11[%swap3A, %swap3A_47], %swap3A_50 {strides = array<i32>} : memref<128x128xf32, #tpu.memory_space<vmem>>, vector<1x16xf32>,
      %swap3A_51 = arith.index_cast %scan3A_46 : i32 to index
      %swap3A_52 = arith.constant 16 : index
      %swap3A_53 = tpu.vector_load %arg11[%swap3A_51, %swap3A_52] {strides = array<i32>} : memref<128x128xf32, #tpu.memory_space<vmem>>, vector<1x16xf32>,
      %swap3A_54 = vector.shape_cast %swap3A_53 : vector<1x16xf32> to vector<16xf32>
      %swap3A_55 = vector.shape_cast %broadcast_in_dim3A_1 : vector<16xf32> to vector<1x16xf32>
      tpu.vector_store %arg11[%swap3A_51, %swap3A_52], %swap3A_55 {strides = array<i32>} : memref<128x128xf32, #tpu.memory_space<vmem>>, vector<1x16xf32>,
      %swap3A_56 = arith.index_cast %scan3A_46 : i32 to index
      %swap3A_57 = arith.constant 32 : index
      %swap3A_58 = tpu.vector_load %arg11[%swap3A_56, %swap3A_57] {strides = array<i32>} : memref<128x128xf32, #tpu.memory_space<vmem>>, vector<1x16xf32>,
      %swap3A_59 = vector.shape_cast %swap3A_58 : vector<1x16xf32> to vector<16xf32>
      %swap3A_60 = vector.shape_cast %broadcast_in_dim3A_1 : vector<16xf32> to vector<1x16xf32>
      tpu.vector_store %arg11[%swap3A_56, %swap3A_57], %swap3A_60 {strides = array<i32>} : memref<128x128xf32, #tpu.memory_space<vmem>>, vector<1x16xf32>,
      %swap3A_61 = arith.index_cast %scan3A_46 : i32 to index
      %swap3A_62 = arith.constant 48 : index
      %swap3A_63 = tpu.vector_load %arg11[%swap3A_61, %swap3A_62] {strides = array<i32>} : memref<128x128xf32, #tpu.memory_space<vmem>>, vector<1x16xf32>,
      %swap3A_64 = vector.shape_cast %swap3A_63 : vector<1x16xf32> to vector<16xf32>
      %swap3A_65 = vector.shape_cast %broadcast_in_dim3A_1 : vector<16xf32> to vector<1x16xf32>
      tpu.vector_store %arg11[%swap3A_61, %swap3A_62], %swap3A_65 {strides = array<i32>} : memref<128x128xf32, #tpu.memory_space<vmem>>, vector<1x16xf32>,
      %swap3A_66 = arith.index_cast %scan3A_46 : i32 to index
      %swap3A_67 = arith.constant 64 : index
      %swap3A_68 = tpu.vector_load %arg11[%swap3A_66, %swap3A_67] {strides = array<i32>} : memref<128x128xf32, #tpu.memory_space<vmem>>, vector<1x16xf32>,
      %swap3A_69 = vector.shape_cast %swap3A_68 : vector<1x16xf32> to vector<16xf32>
      %swap3A_70 = vector.shape_cast %broadcast_in_dim3A_1 : vector<16xf32> to vector<1x16xf32>
      tpu.vector_store %arg11[%swap3A_66, %swap3A_67], %swap3A_70 {strides = array<i32>} : memref<128x128xf32, #tpu.memory_space<vmem>>, vector<1x16xf32>,
      %swap3A_71 = arith.index_cast %scan3A_46 : i32 to index
      %swap3A_72 = arith.constant 80 : index
      %swap3A_73 = tpu.vector_load %arg11[%swap3A_71, %swap3A_72] {strides = array<i32>} : memref<128x128xf32, #tpu.memory_space<vmem>>, vector<1x16xf32>,
      %swap3A_74 = vector.shape_cast %swap3A_73 : vector<1x16xf32> to vector<16xf32>
      %swap3A_75 = vector.shape_cast %broadcast_in_dim3A_1 : vector<16xf32> to vector<1x16xf32>
      tpu.vector_store %arg11[%swap3A_71, %swap3A_72], %swap3A_75 {strides = array<i32>} : memref<128x128xf32, #tpu.memory_space<vmem>>, vector<1x16xf32>,
      %swap3A_76 = arith.index_cast %scan3A_46 : i32 to index
      %swap3A_77 = arith.constant 96 : index
      %swap3A_78 = tpu.vector_load %arg11[%swap3A_76, %swap3A_77] {strides = array<i32>} : memref<128x128xf32, #tpu.memory_space<vmem>>, vector<1x16xf32>,
      %swap3A_79 = vector.shape_cast %swap3A_78 : vector<1x16xf32> to vector<16xf32>
      %swap3A_80 = vector.shape_cast %broadcast_in_dim3A_1 : vector<16xf32> to vector<1x16xf32>
      tpu.vector_store %arg11[%swap3A_76, %swap3A_77], %swap3A_80 {strides = array<i32>} : memref<128x128xf32, #tpu.memory_space<vmem>>, vector<1x16xf32>,
      %swap3A_81 = arith.index_cast %scan3A_46 : i32 to index
      %swap3A_82 = arith.constant 112 : index
      %swap3A_83 = tpu.vector_load %arg11[%swap3A_81, %swap3A_82] {strides = array<i32>} : memref<128x128xf32, #tpu.memory_space<vmem>>, vector<1x16xf32>,
      %swap3A_84 = vector.shape_cast %swap3A_83 : vector<1x16xf32> to vector<16xf32>
      %swap3A_85 = vector.shape_cast %broadcast_in_dim3A_1 : vector<16xf32> to vector<1x16xf32>
      tpu.vector_store %arg11[%swap3A_81, %swap3A_82], %swap3A_85 {strides = array<i32>} : memref<128x128xf32, #tpu.memory_space<vmem>>, vector<1x16xf32>,
    }
    %scan3A_6 = arith.constant 128 : i32
    %mul3A_7 = arith.constant 632 : i32
    %mul3A_8 = arith.muli %arg1, %mul3A_7 : i32
    %add3A_9 = arith.constant 0 : i32
    %add3A_10 = arith.addi %mul3A_8, %add3A_9 : i32
    "tpu.region"() ({
      %run_scoped3A = tpu.sem_alloc : memref<!tpu.dma_semaphore, #tpu.memory_space<semaphore_mem>>
      %dma_start3A = arith.constant 0 : i32
      %dma_start3A_46 = tpu.memref_slice %arg7[%add3A_10, %dma_start3A] : memref<10112x128xf32, #tpu.memory_space<vmem_shared>> -> memref<128x128xf32, #tpu.memory_space<vmem_shared>>
      %dma_start3A_47 = arith.constant 0 : i32
      %dma_start3A_48 = tpu.memref_slice %arg7[%add3A_10, %dma_start3A_47] : memref<10112x128xf32, #tpu.memory_space<vmem_shared>> -> memref<128x128xf32, #tpu.memory_space<vmem_shared>>
      tpu.enqueue_dma source(%arg11 : memref<128x128xf32, #tpu.memory_space<vmem>>) target(%dma_start3A_48 : memref<128x128xf32, #tpu.memory_space<vmem_shared>>) target_semaphore(%run_scoped3A : memref<!tpu.dma_semaphore, #tpu.memory_space<semaphore_mem>>)
      %dma_wait3A = arith.constant 0 : i32
      %dma_wait3A_49 = tpu.memref_slice %arg7[%add3A_10, %dma_wait3A] : memref<10112x128xf32, #tpu.memory_space<vmem_shared>> -> memref<128x128xf32, #tpu.memory_space<vmem_shared>>
      %dma_wait3A_50 = arith.constant 0 : i32
      %dma_wait3A_51 = tpu.memref_slice %arg7[%add3A_10, %dma_wait3A_50] : memref<10112x128xf32, #tpu.memory_space<vmem_shared>> -> memref<128x128xf32, #tpu.memory_space<vmem_shared>>
      tpu.wait_dma2 semaphore(%run_scoped3A : memref<!tpu.dma_semaphore, #tpu.memory_space<semaphore_mem>>) src(%arg11 : memref<128x128xf32, #tpu.memory_space<vmem>>) dst(%dma_wait3A_51 : memref<128x128xf32, #tpu.memory_space<vmem_shared>>)
      tpu.yield
    }) : () -> ()
    %add3A_11 = arith.constant 128 : i32
    %add3A_12 = arith.addi %mul3A_8, %add3A_11 : i32
    "tpu.region"() ({
      %run_scoped3A = tpu.sem_alloc : memref<!tpu.dma_semaphore, #tpu.memory_space<semaphore_mem>>
      %dma_start3A = arith.constant 0 : i32
      %dma_start3A_46 = tpu.memref_slice %arg7[%add3A_12, %dma_start3A] : memref<10112x128xf32, #tpu.memory_space<vmem_shared>> -> memref<128x128xf32, #tpu.memory_space<vmem_shared>>
      %dma_start3A_47 = arith.constant 0 : i32
      %dma_start3A_48 = tpu.memref_slice %arg7[%add3A_12, %dma_start3A_47] : memref<10112x128xf32, #tpu.memory_space<vmem_shared>> -> memref<128x128xf32, #tpu.memory_space<vmem_shared>>
      tpu.enqueue_dma source(%arg11 : memref<128x128xf32, #tpu.memory_space<vmem>>) target(%dma_start3A_48 : memref<128x128xf32, #tpu.memory_space<vmem_shared>>) target_semaphore(%run_scoped3A : memref<!tpu.dma_semaphore, #tpu.memory_space<semaphore_mem>>)
      %dma_wait3A = arith.constant 0 : i32
      %dma_wait3A_49 = tpu.memref_slice %arg7[%add3A_12, %dma_wait3A] : memref<10112x128xf32, #tpu.memory_space<vmem_shared>> -> memref<128x128xf32, #tpu.memory_space<vmem_shared>>
      %dma_wait3A_50 = arith.constant 0 : i32
      %dma_wait3A_51 = tpu.memref_slice %arg7[%add3A_12, %dma_wait3A_50] : memref<10112x128xf32, #tpu.memory_space<vmem_shared>> -> memref<128x128xf32, #tpu.memory_space<vmem_shared>>
      tpu.wait_dma2 semaphore(%run_scoped3A : memref<!tpu.dma_semaphore, #tpu.memory_space<semaphore_mem>>) src(%arg11 : memref<128x128xf32, #tpu.memory_space<vmem>>) dst(%dma_wait3A_51 : memref<128x128xf32, #tpu.memory_space<vmem_shared>>)
      tpu.yield
    }) : () -> ()
    %add3A_13 = arith.constant 256 : i32
    %add3A_14 = arith.addi %mul3A_8, %add3A_13 : i32
    "tpu.region"() ({
      %run_scoped3A = tpu.sem_alloc : memref<!tpu.dma_semaphore, #tpu.memory_space<semaphore_mem>>
      %dma_start3A = arith.constant 0 : i32
      %dma_start3A_46 = tpu.memref_slice %arg7[%add3A_14, %dma_start3A] : memref<10112x128xf32, #tpu.memory_space<vmem_shared>> -> memref<128x128xf32, #tpu.memory_space<vmem_shared>>
      %dma_start3A_47 = arith.constant 0 : i32
      %dma_start3A_48 = tpu.memref_slice %arg7[%add3A_14, %dma_start3A_47] : memref<10112x128xf32, #tpu.memory_space<vmem_shared>> -> memref<128x128xf32, #tpu.memory_space<vmem_shared>>
      tpu.enqueue_dma source(%arg11 : memref<128x128xf32, #tpu.memory_space<vmem>>) target(%dma_start3A_48 : memref<128x128xf32, #tpu.memory_space<vmem_shared>>) target_semaphore(%run_scoped3A : memref<!tpu.dma_semaphore, #tpu.memory_space<semaphore_mem>>)
      %dma_wait3A = arith.constant 0 : i32
      %dma_wait3A_49 = tpu.memref_slice %arg7[%add3A_14, %dma_wait3A] : memref<10112x128xf32, #tpu.memory_space<vmem_shared>> -> memref<128x128xf32, #tpu.memory_space<vmem_shared>>
      %dma_wait3A_50 = arith.constant 0 : i32
      %dma_wait3A_51 = tpu.memref_slice %arg7[%add3A_14, %dma_wait3A_50] : memref<10112x128xf32, #tpu.memory_space<vmem_shared>> -> memref<128x128xf32, #tpu.memory_space<vmem_shared>>
      tpu.wait_dma2 semaphore(%run_scoped3A : memref<!tpu.dma_semaphore, #tpu.memory_space<semaphore_mem>>) src(%arg11 : memref<128x128xf32, #tpu.memory_space<vmem>>) dst(%dma_wait3A_51 : memref<128x128xf32, #tpu.memory_space<vmem_shared>>)
      tpu.yield
    }) : () -> ()
    %add3A_15 = arith.constant 384 : i32
    %add3A_16 = arith.addi %mul3A_8, %add3A_15 : i32
    "tpu.region"() ({
      %run_scoped3A = tpu.sem_alloc : memref<!tpu.dma_semaphore, #tpu.memory_space<semaphore_mem>>
      %dma_start3A = arith.constant 0 : i32
      %dma_start3A_46 = tpu.memref_slice %arg7[%add3A_16, %dma_start3A] : memref<10112x128xf32, #tpu.memory_space<vmem_shared>> -> memref<128x128xf32, #tpu.memory_space<vmem_shared>>
      %dma_start3A_47 = arith.constant 0 : i32
      %dma_start3A_48 = tpu.memref_slice %arg7[%add3A_16, %dma_start3A_47] : memref<10112x128xf32, #tpu.memory_space<vmem_shared>> -> memref<128x128xf32, #tpu.memory_space<vmem_shared>>
      tpu.enqueue_dma source(%arg11 : memref<128x128xf32, #tpu.memory_space<vmem>>) target(%dma_start3A_48 : memref<128x128xf32, #tpu.memory_space<vmem_shared>>) target_semaphore(%run_scoped3A : memref<!tpu.dma_semaphore, #tpu.memory_space<semaphore_mem>>)
      %dma_wait3A = arith.constant 0 : i32
      %dma_wait3A_49 = tpu.memref_slice %arg7[%add3A_16, %dma_wait3A] : memref<10112x128xf32, #tpu.memory_space<vmem_shared>> -> memref<128x128xf32, #tpu.memory_space<vmem_shared>>
      %dma_wait3A_50 = arith.constant 0 : i32
      %dma_wait3A_51 = tpu.memref_slice %arg7[%add3A_16, %dma_wait3A_50] : memref<10112x128xf32, #tpu.memory_space<vmem_shared>> -> memref<128x128xf32, #tpu.memory_space<vmem_shared>>
      tpu.wait_dma2 semaphore(%run_scoped3A : memref<!tpu.dma_semaphore, #tpu.memory_space<semaphore_mem>>) src(%arg11 : memref<128x128xf32, #tpu.memory_space<vmem>>) dst(%dma_wait3A_51 : memref<128x128xf32, #tpu.memory_space<vmem_shared>>)
      tpu.yield
    }) : () -> ()
    %add3A_17 = arith.constant 512 : i32
    %add3A_18 = arith.addi %mul3A_8, %add3A_17 : i32
    "tpu.region"() ({
      %run_scoped3A = tpu.sem_alloc : memref<!tpu.dma_semaphore, #tpu.memory_space<semaphore_mem>>
      %dma_start3A = arith.constant 0 : i32
      %dma_start3A_46 = arith.constant 0 : i32
      %dma_start3A_47 = tpu.memref_slice %arg11[%dma_start3A, %dma_start3A_46] : memref<128x128xf32, #tpu.memory_space<vmem>> -> memref<120x128xf32, #tpu.memory_space<vmem>>
      %dma_start3A_48 = arith.constant 0 : i32
      %dma_start3A_49 = tpu.memref_slice %arg7[%add3A_18, %dma_start3A_48] : memref<10112x128xf32, #tpu.memory_space<vmem_shared>> -> memref<120x128xf32, #tpu.memory_space<vmem_shared>>
      %dma_start3A_50 = arith.constant 0 : i32
      %dma_start3A_51 = tpu.memref_slice %arg7[%add3A_18, %dma_start3A_50] : memref<10112x128xf32, #tpu.memory_space<vmem_shared>> -> memref<120x128xf32, #tpu.memory_space<vmem_shared>>
      %dma_start3A_52 = arith.constant 0 : i32
      %dma_start3A_53 = arith.constant 0 : i32
      %dma_start3A_54 = tpu.memref_slice %arg11[%dma_start3A_52, %dma_start3A_53] : memref<128x128xf32, #tpu.memory_space<vmem>> -> memref<120x128xf32, #tpu.memory_space<vmem>>
      tpu.enqueue_dma source(%dma_start3A_54 : memref<120x128xf32, #tpu.memory_space<vmem>>) target(%dma_start3A_51 : memref<120x128xf32, #tpu.memory_space<vmem_shared>>) target_semaphore(%run_scoped3A : memref<!tpu.dma_semaphore, #tpu.memory_space<semaphore_mem>>)
      %dma_wait3A = arith.constant 0 : i32
      %dma_wait3A_55 = arith.constant 0 : i32
      %dma_wait3A_56 = tpu.memref_slice %arg11[%dma_wait3A, %dma_wait3A_55] : memref<128x128xf32, #tpu.memory_space<vmem>> -> memref<120x128xf32, #tpu.memory_space<vmem>>
      %dma_wait3A_57 = arith.constant 0 : i32
      %dma_wait3A_58 = tpu.memref_slice %arg7[%add3A_18, %dma_wait3A_57] : memref<10112x128xf32, #tpu.memory_space<vmem_shared>> -> memref<120x128xf32, #tpu.memory_space<vmem_shared>>
      %dma_wait3A_59 = arith.constant 0 : i32
      %dma_wait3A_60 = tpu.memref_slice %arg7[%add3A_18, %dma_wait3A_59] : memref<10112x128xf32, #tpu.memory_space<vmem_shared>> -> memref<120x128xf32, #tpu.memory_space<vmem_shared>>
      %dma_wait3A_61 = arith.constant 0 : i32
      %dma_wait3A_62 = arith.constant 0 : i32
      %dma_wait3A_63 = tpu.memref_slice %arg11[%dma_wait3A_61, %dma_wait3A_62] : memref<128x128xf32, #tpu.memory_space<vmem>> -> memref<120x128xf32, #tpu.memory_space<vmem>>
      tpu.wait_dma2 semaphore(%run_scoped3A : memref<!tpu.dma_semaphore, #tpu.memory_space<semaphore_mem>>) src(%dma_wait3A_63 : memref<120x128xf32, #tpu.memory_space<vmem>>) dst(%dma_wait3A_60 : memref<120x128xf32, #tpu.memory_space<vmem_shared>>)
      tpu.yield
    }) : () -> ()
    %barrier3A = arith.constant 0 : index
    tpu.barrier barrier_id(%barrier3A)
    %scan3A_19 = arith.constant 0 : i32
    %scan3A_20 = arith.constant 0 : i32
    %scan3A_21 = arith.constant 5 : i32
    %scan3A_22 = arith.addi %scan3A_20, %scan3A_21 : i32
    %scan3A_23 = arith.constant 1 : i32
    scf.for %scan3A_46 = %scan3A_20 to %scan3A_22 step %scan3A_23  : i32 {
      %mul3A_47 = arith.constant 160 : i32
      %mul3A_48 = arith.muli %add3A, %mul3A_47 : i32
      %mul3A_49 = arith.constant 32 : i32
      %mul3A_50 = arith.muli %scan3A_46, %mul3A_49 : i32
      %add3A_51 = arith.addi %mul3A_48, %mul3A_50 : i32
      "tpu.region"() ({
        %run_scoped3A = tpu.sem_alloc : memref<!tpu.dma_semaphore, #tpu.memory_space<semaphore_mem>>
        %dma_start3A = arith.constant 0 : i32
        %dma_start3A_64 = tpu.memref_slice %arg3[%add3A_51, %dma_start3A] : memref<5120x128xi32, #tpu.memory_space<hbm>> -> memref<32x128xi32, #tpu.memory_space<hbm>>
        %dma_start3A_65 = arith.constant 0 : i32
        %dma_start3A_66 = tpu.memref_slice %arg3[%add3A_51, %dma_start3A_65] : memref<5120x128xi32, #tpu.memory_space<hbm>> -> memref<32x128xi32, #tpu.memory_space<hbm>>
        tpu.enqueue_dma source(%dma_start3A_66 : memref<32x128xi32, #tpu.memory_space<hbm>>) target(%arg8 : memref<32x128xi32, #tpu.memory_space<vmem>>) target_semaphore(%run_scoped3A : memref<!tpu.dma_semaphore, #tpu.memory_space<semaphore_mem>>)
        %dma_wait3A = arith.constant 0 : i32
        %dma_wait3A_67 = tpu.memref_slice %arg3[%add3A_51, %dma_wait3A] : memref<5120x128xi32, #tpu.memory_space<hbm>> -> memref<32x128xi32, #tpu.memory_space<hbm>>
        %dma_wait3A_68 = arith.constant 0 : i32
        %dma_wait3A_69 = tpu.memref_slice %arg3[%add3A_51, %dma_wait3A_68] : memref<5120x128xi32, #tpu.memory_space<hbm>> -> memref<32x128xi32, #tpu.memory_space<hbm>>
        tpu.wait_dma2 semaphore(%run_scoped3A : memref<!tpu.dma_semaphore, #tpu.memory_space<semaphore_mem>>) src(%dma_wait3A_69 : memref<32x128xi32, #tpu.memory_space<hbm>>) dst(%arg8 : memref<32x128xi32, #tpu.memory_space<vmem>>)
        tpu.yield
      }) : () -> ()
      "tpu.region"() ({
        %run_scoped3A = tpu.sem_alloc : memref<!tpu.dma_semaphore, #tpu.memory_space<semaphore_mem>>
        %dma_start3A = arith.constant 0 : i32
        %dma_start3A_64 = tpu.memref_slice %arg4[%add3A_51, %dma_start3A] : memref<5120x128xi32, #tpu.memory_space<hbm>> -> memref<32x128xi32, #tpu.memory_space<hbm>>
        %dma_start3A_65 = arith.constant 0 : i32
        %dma_start3A_66 = tpu.memref_slice %arg4[%add3A_51, %dma_start3A_65] : memref<5120x128xi32, #tpu.memory_space<hbm>> -> memref<32x128xi32, #tpu.memory_space<hbm>>
        tpu.enqueue_dma source(%dma_start3A_66 : memref<32x128xi32, #tpu.memory_space<hbm>>) target(%arg9 : memref<32x128xi32, #tpu.memory_space<vmem>>) target_semaphore(%run_scoped3A : memref<!tpu.dma_semaphore, #tpu.memory_space<semaphore_mem>>)
        %dma_wait3A = arith.constant 0 : i32
        %dma_wait3A_67 = tpu.memref_slice %arg4[%add3A_51, %dma_wait3A] : memref<5120x128xi32, #tpu.memory_space<hbm>> -> memref<32x128xi32, #tpu.memory_space<hbm>>
        %dma_wait3A_68 = arith.constant 0 : i32
        %dma_wait3A_69 = tpu.memref_slice %arg4[%add3A_51, %dma_wait3A_68] : memref<5120x128xi32, #tpu.memory_space<hbm>> -> memref<32x128xi32, #tpu.memory_space<hbm>>
        tpu.wait_dma2 semaphore(%run_scoped3A : memref<!tpu.dma_semaphore, #tpu.memory_space<semaphore_mem>>) src(%dma_wait3A_69 : memref<32x128xi32, #tpu.memory_space<hbm>>) dst(%arg9 : memref<32x128xi32, #tpu.memory_space<vmem>>)
        tpu.yield
      }) : () -> ()
      "tpu.region"() ({
        %run_scoped3A = tpu.sem_alloc : memref<!tpu.dma_semaphore, #tpu.memory_space<semaphore_mem>>
        %dma_start3A = arith.constant 0 : i32
        %dma_start3A_64 = tpu.memref_slice %arg5[%add3A_51, %dma_start3A] : memref<5120x128xi32, #tpu.memory_space<hbm>> -> memref<32x128xi32, #tpu.memory_space<hbm>>
        %dma_start3A_65 = arith.constant 0 : i32
        %dma_start3A_66 = tpu.memref_slice %arg5[%add3A_51, %dma_start3A_65] : memref<5120x128xi32, #tpu.memory_space<hbm>> -> memref<32x128xi32, #tpu.memory_space<hbm>>
        tpu.enqueue_dma source(%dma_start3A_66 : memref<32x128xi32, #tpu.memory_space<hbm>>) target(%arg10 : memref<32x128xi32, #tpu.memory_space<vmem>>) target_semaphore(%run_scoped3A : memref<!tpu.dma_semaphore, #tpu.memory_space<semaphore_mem>>)
        %dma_wait3A = arith.constant 0 : i32
        %dma_wait3A_67 = tpu.memref_slice %arg5[%add3A_51, %dma_wait3A] : memref<5120x128xi32, #tpu.memory_space<hbm>> -> memref<32x128xi32, #tpu.memory_space<hbm>>
        %dma_wait3A_68 = arith.constant 0 : i32
        %dma_wait3A_69 = tpu.memref_slice %arg5[%add3A_51, %dma_wait3A_68] : memref<5120x128xi32, #tpu.memory_space<hbm>> -> memref<32x128xi32, #tpu.memory_space<hbm>>
        tpu.wait_dma2 semaphore(%run_scoped3A : memref<!tpu.dma_semaphore, #tpu.memory_space<semaphore_mem>>) src(%dma_wait3A_69 : memref<32x128xi32, #tpu.memory_space<hbm>>) dst(%arg10 : memref<32x128xi32, #tpu.memory_space<vmem>>)
        tpu.yield
      }) : () -> ()
      %scan3A_52 = arith.constant 0 : i32
      %scan3A_53 = arith.constant 0 : i32
      %scan3A_54 = arith.constant 32 : i32
      %scan3A_55 = arith.addi %scan3A_53, %scan3A_54 : i32
      %scan3A_56 = arith.constant 1 : i32
      scf.for %scan3A_64 = %scan3A_53 to %scan3A_55 step %scan3A_56  : i32 {
        %get3A = arith.index_cast %scan3A_64 : i32 to index
        %get3A_65 = arith.constant 0 : index
        %get3A_66 = tpu.vector_load %arg9[%get3A, %get3A_65] {strides = array<i32>} : memref<32x128xi32, #tpu.memory_space<vmem>>, vector<1x16xi32>,
        %get3A_67 = vector.shape_cast %get3A_66 : vector<1x16xi32> to vector<16xi32>
        %get3A_68 = arith.index_cast %scan3A_64 : i32 to index
        %get3A_69 = arith.constant 0 : index
        %get3A_70 = tpu.vector_load %arg8[%get3A_68, %get3A_69] {strides = array<i32>} : memref<32x128xi32, #tpu.memory_space<vmem>>, vector<1x16xi32>,
        %get3A_71 = vector.shape_cast %get3A_70 : vector<1x16xi32> to vector<16xi32>
        %ge3A = arith.constant 1 : i32
        %ge3A_72 = vector.broadcast %ge3A : i32 to vector<16xi32>
        %ge3A_73 = arith.cmpi sge, %get3A_67, %ge3A_72 : vector<16xi32>
        %le3A = arith.constant 4 : i32
        %le3A_74 = vector.broadcast %le3A : i32 to vector<16xi32>
        %le3A_75 = arith.cmpi sle, %get3A_67, %le3A_74 : vector<16xi32>
        %and3A = arith.andi %ge3A_73, %le3A_75 : vector<16xi1>
        %jit3A = arith.constant 0 : i32
        %broadcast_in_dim3A_76 = vector.broadcast %jit3A : i32 to vector<16xi32>
        %select_n3A = arith.select %and3A, %get3A_67, %broadcast_in_dim3A_76 : vector<16xi1>, vector<16xi32>
        %mul3A_77 = arith.constant 10000 : i32
        %mul3A_78 = vector.broadcast %mul3A_77 : i32 to vector<16xi32>
        %mul3A_79 = arith.muli %select_n3A, %mul3A_78 : vector<16xi32>
        %add3A_80 = arith.addi %mul3A_79, %get3A_71 : vector<16xi32>
        %swap3A = arith.index_cast %scan3A_64 : i32 to index
        %swap3A_81 = arith.constant 0 : index
        %swap3A_82 = tpu.vector_load %arg9[%swap3A, %swap3A_81] {strides = array<i32>} : memref<32x128xi32, #tpu.memory_space<vmem>>, vector<1x16xi32>,
        %swap3A_83 = vector.shape_cast %swap3A_82 : vector<1x16xi32> to vector<16xi32>
        %swap3A_84 = vector.shape_cast %add3A_80 : vector<16xi32> to vector<1x16xi32>
        tpu.vector_store %arg9[%swap3A, %swap3A_81], %swap3A_84 {strides = array<i32>} : memref<32x128xi32, #tpu.memory_space<vmem>>, vector<1x16xi32>,
        %get3A_85 = arith.index_cast %scan3A_64 : i32 to index
        %get3A_86 = arith.constant 16 : index
        %get3A_87 = tpu.vector_load %arg9[%get3A_85, %get3A_86] {strides = array<i32>} : memref<32x128xi32, #tpu.memory_space<vmem>>, vector<1x16xi32>,
        %get3A_88 = vector.shape_cast %get3A_87 : vector<1x16xi32> to vector<16xi32>
        %get3A_89 = arith.index_cast %scan3A_64 : i32 to index
        %get3A_90 = arith.constant 16 : index
        %get3A_91 = tpu.vector_load %arg8[%get3A_89, %get3A_90] {strides = array<i32>} : memref<32x128xi32, #tpu.memory_space<vmem>>, vector<1x16xi32>,
        %get3A_92 = vector.shape_cast %get3A_91 : vector<1x16xi32> to vector<16xi32>
        %ge3A_93 = arith.constant 1 : i32
        %ge3A_94 = vector.broadcast %ge3A_93 : i32 to vector<16xi32>
        %ge3A_95 = arith.cmpi sge, %get3A_88, %ge3A_94 : vector<16xi32>
        %le3A_96 = arith.constant 4 : i32
        %le3A_97 = vector.broadcast %le3A_96 : i32 to vector<16xi32>
        %le3A_98 = arith.cmpi sle, %get3A_88, %le3A_97 : vector<16xi32>
        %and3A_99 = arith.andi %ge3A_95, %le3A_98 : vector<16xi1>
        %jit3A_100 = arith.constant 0 : i32
        %broadcast_in_dim3A_101 = vector.broadcast %jit3A_100 : i32 to vector<16xi32>
        %select_n3A_102 = arith.select %and3A_99, %get3A_88, %broadcast_in_dim3A_101 : vector<16xi1>, vector<16xi32>
        %mul3A_103 = arith.constant 10000 : i32
        %mul3A_104 = vector.broadcast %mul3A_103 : i32 to vector<16xi32>
        %mul3A_105 = arith.muli %select_n3A_102, %mul3A_104 : vector<16xi32>
        %add3A_106 = arith.addi %mul3A_105, %get3A_92 : vector<16xi32>
        %swap3A_107 = arith.index_cast %scan3A_64 : i32 to index
        %swap3A_108 = arith.constant 16 : index
        %swap3A_109 = tpu.vector_load %arg9[%swap3A_107, %swap3A_108] {strides = array<i32>} : memref<32x128xi32, #tpu.memory_space<vmem>>, vector<1x16xi32>,
        %swap3A_110 = vector.shape_cast %swap3A_109 : vector<1x16xi32> to vector<16xi32>
        %swap3A_111 = vector.shape_cast %add3A_106 : vector<16xi32> to vector<1x16xi32>
        tpu.vector_store %arg9[%swap3A_107, %swap3A_108], %swap3A_111 {strides = array<i32>} : memref<32x128xi32, #tpu.memory_space<vmem>>, vector<1x16xi32>,
        %get3A_112 = arith.index_cast %scan3A_64 : i32 to index
        %get3A_113 = arith.constant 32 : index
        %get3A_114 = tpu.vector_load %arg9[%get3A_112, %get3A_113] {strides = array<i32>} : memref<32x128xi32, #tpu.memory_space<vmem>>, vector<1x16xi32>,
        %get3A_115 = vector.shape_cast %get3A_114 : vector<1x16xi32> to vector<16xi32>
        %get3A_116 = arith.index_cast %scan3A_64 : i32 to index
        %get3A_117 = arith.constant 32 : index
        %get3A_118 = tpu.vector_load %arg8[%get3A_116, %get3A_117] {strides = array<i32>} : memref<32x128xi32, #tpu.memory_space<vmem>>, vector<1x16xi32>,
        %get3A_119 = vector.shape_cast %get3A_118 : vector<1x16xi32> to vector<16xi32>
        %ge3A_120 = arith.constant 1 : i32
        %ge3A_121 = vector.broadcast %ge3A_120 : i32 to vector<16xi32>
        %ge3A_122 = arith.cmpi sge, %get3A_115, %ge3A_121 : vector<16xi32>
        %le3A_123 = arith.constant 4 : i32
        %le3A_124 = vector.broadcast %le3A_123 : i32 to vector<16xi32>
        %le3A_125 = arith.cmpi sle, %get3A_115, %le3A_124 : vector<16xi32>
        %and3A_126 = arith.andi %ge3A_122, %le3A_125 : vector<16xi1>
        %jit3A_127 = arith.constant 0 : i32
        %broadcast_in_dim3A_128 = vector.broadcast %jit3A_127 : i32 to vector<16xi32>
        %select_n3A_129 = arith.select %and3A_126, %get3A_115, %broadcast_in_dim3A_128 : vector<16xi1>, vector<16xi32>
        %mul3A_130 = arith.constant 10000 : i32
        %mul3A_131 = vector.broadcast %mul3A_130 : i32 to vector<16xi32>
        %mul3A_132 = arith.muli %select_n3A_129, %mul3A_131 : vector<16xi32>
        %add3A_133 = arith.addi %mul3A_132, %get3A_119 : vector<16xi32>
        %swap3A_134 = arith.index_cast %scan3A_64 : i32 to index
        %swap3A_135 = arith.constant 32 : index
        %swap3A_136 = tpu.vector_load %arg9[%swap3A_134, %swap3A_135] {strides = array<i32>} : memref<32x128xi32, #tpu.memory_space<vmem>>, vector<1x16xi32>,
        %swap3A_137 = vector.shape_cast %swap3A_136 : vector<1x16xi32> to vector<16xi32>
        %swap3A_138 = vector.shape_cast %add3A_133 : vector<16xi32> to vector<1x16xi32>
        tpu.vector_store %arg9[%swap3A_134, %swap3A_135], %swap3A_138 {strides = array<i32>} : memref<32x128xi32, #tpu.memory_space<vmem>>, vector<1x16xi32>,
        %get3A_139 = arith.index_cast %scan3A_64 : i32 to index
        %get3A_140 = arith.constant 48 : index
        %get3A_141 = tpu.vector_load %arg9[%get3A_139, %get3A_140] {strides = array<i32>} : memref<32x128xi32, #tpu.memory_space<vmem>>, vector<1x16xi32>,
        %get3A_142 = vector.shape_cast %get3A_141 : vector<1x16xi32> to vector<16xi32>
        %get3A_143 = arith.index_cast %scan3A_64 : i32 to index
        %get3A_144 = arith.constant 48 : index
        %get3A_145 = tpu.vector_load %arg8[%get3A_143, %get3A_144] {strides = array<i32>} : memref<32x128xi32, #tpu.memory_space<vmem>>, vector<1x16xi32>,
        %get3A_146 = vector.shape_cast %get3A_145 : vector<1x16xi32> to vector<16xi32>
        %ge3A_147 = arith.constant 1 : i32
        %ge3A_148 = vector.broadcast %ge3A_147 : i32 to vector<16xi32>
        %ge3A_149 = arith.cmpi sge, %get3A_142, %ge3A_148 : vector<16xi32>
        %le3A_150 = arith.constant 4 : i32
        %le3A_151 = vector.broadcast %le3A_150 : i32 to vector<16xi32>
        %le3A_152 = arith.cmpi sle, %get3A_142, %le3A_151 : vector<16xi32>
        %and3A_153 = arith.andi %ge3A_149, %le3A_152 : vector<16xi1>
        %jit3A_154 = arith.constant 0 : i32
        %broadcast_in_dim3A_155 = vector.broadcast %jit3A_154 : i32 to vector<16xi32>
        %select_n3A_156 = arith.select %and3A_153, %get3A_142, %broadcast_in_dim3A_155 : vector<16xi1>, vector<16xi32>
        %mul3A_157 = arith.constant 10000 : i32
        %mul3A_158 = vector.broadcast %mul3A_157 : i32 to vector<16xi32>
        %mul3A_159 = arith.muli %select_n3A_156, %mul3A_158 : vector<16xi32>
        %add3A_160 = arith.addi %mul3A_159, %get3A_146 : vector<16xi32>
        %swap3A_161 = arith.index_cast %scan3A_64 : i32 to index
        %swap3A_162 = arith.constant 48 : index
        %swap3A_163 = tpu.vector_load %arg9[%swap3A_161, %swap3A_162] {strides = array<i32>} : memref<32x128xi32, #tpu.memory_space<vmem>>, vector<1x16xi32>,
        %swap3A_164 = vector.shape_cast %swap3A_163 : vector<1x16xi32> to vector<16xi32>
        %swap3A_165 = vector.shape_cast %add3A_160 : vector<16xi32> to vector<1x16xi32>
        tpu.vector_store %arg9[%swap3A_161, %swap3A_162], %swap3A_165 {strides = array<i32>} : memref<32x128xi32, #tpu.memory_space<vmem>>, vector<1x16xi32>,
        %get3A_166 = arith.index_cast %scan3A_64 : i32 to index
        %get3A_167 = arith.constant 64 : index
        %get3A_168 = tpu.vector_load %arg9[%get3A_166, %get3A_167] {strides = array<i32>} : memref<32x128xi32, #tpu.memory_space<vmem>>, vector<1x16xi32>,
        %get3A_169 = vector.shape_cast %get3A_168 : vector<1x16xi32> to vector<16xi32>
        %get3A_170 = arith.index_cast %scan3A_64 : i32 to index
        %get3A_171 = arith.constant 64 : index
        %get3A_172 = tpu.vector_load %arg8[%get3A_170, %get3A_171] {strides = array<i32>} : memref<32x128xi32, #tpu.memory_space<vmem>>, vector<1x16xi32>,
        %get3A_173 = vector.shape_cast %get3A_172 : vector<1x16xi32> to vector<16xi32>
        %ge3A_174 = arith.constant 1 : i32
        %ge3A_175 = vector.broadcast %ge3A_174 : i32 to vector<16xi32>
        %ge3A_176 = arith.cmpi sge, %get3A_169, %ge3A_175 : vector<16xi32>
        %le3A_177 = arith.constant 4 : i32
        %le3A_178 = vector.broadcast %le3A_177 : i32 to vector<16xi32>
        %le3A_179 = arith.cmpi sle, %get3A_169, %le3A_178 : vector<16xi32>
        %and3A_180 = arith.andi %ge3A_176, %le3A_179 : vector<16xi1>
        %jit3A_181 = arith.constant 0 : i32
        %broadcast_in_dim3A_182 = vector.broadcast %jit3A_181 : i32 to vector<16xi32>
        %select_n3A_183 = arith.select %and3A_180, %get3A_169, %broadcast_in_dim3A_182 : vector<16xi1>, vector<16xi32>
        %mul3A_184 = arith.constant 10000 : i32
        %mul3A_185 = vector.broadcast %mul3A_184 : i32 to vector<16xi32>
        %mul3A_186 = arith.muli %select_n3A_183, %mul3A_185 : vector<16xi32>
        %add3A_187 = arith.addi %mul3A_186, %get3A_173 : vector<16xi32>
        %swap3A_188 = arith.index_cast %scan3A_64 : i32 to index
        %swap3A_189 = arith.constant 64 : index
        %swap3A_190 = tpu.vector_load %arg9[%swap3A_188, %swap3A_189] {strides = array<i32>} : memref<32x128xi32, #tpu.memory_space<vmem>>, vector<1x16xi32>,
        %swap3A_191 = vector.shape_cast %swap3A_190 : vector<1x16xi32> to vector<16xi32>
        %swap3A_192 = vector.shape_cast %add3A_187 : vector<16xi32> to vector<1x16xi32>
        tpu.vector_store %arg9[%swap3A_188, %swap3A_189], %swap3A_192 {strides = array<i32>} : memref<32x128xi32, #tpu.memory_space<vmem>>, vector<1x16xi32>,
        %get3A_193 = arith.index_cast %scan3A_64 : i32 to index
        %get3A_194 = arith.constant 80 : index
        %get3A_195 = tpu.vector_load %arg9[%get3A_193, %get3A_194] {strides = array<i32>} : memref<32x128xi32, #tpu.memory_space<vmem>>, vector<1x16xi32>,
        %get3A_196 = vector.shape_cast %get3A_195 : vector<1x16xi32> to vector<16xi32>
        %get3A_197 = arith.index_cast %scan3A_64 : i32 to index
        %get3A_198 = arith.constant 80 : index
        %get3A_199 = tpu.vector_load %arg8[%get3A_197, %get3A_198] {strides = array<i32>} : memref<32x128xi32, #tpu.memory_space<vmem>>, vector<1x16xi32>,
        %get3A_200 = vector.shape_cast %get3A_199 : vector<1x16xi32> to vector<16xi32>
        %ge3A_201 = arith.constant 1 : i32
        %ge3A_202 = vector.broadcast %ge3A_201 : i32 to vector<16xi32>
        %ge3A_203 = arith.cmpi sge, %get3A_196, %ge3A_202 : vector<16xi32>
        %le3A_204 = arith.constant 4 : i32
        %le3A_205 = vector.broadcast %le3A_204 : i32 to vector<16xi32>
        %le3A_206 = arith.cmpi sle, %get3A_196, %le3A_205 : vector<16xi32>
        %and3A_207 = arith.andi %ge3A_203, %le3A_206 : vector<16xi1>
        %jit3A_208 = arith.constant 0 : i32
        %broadcast_in_dim3A_209 = vector.broadcast %jit3A_208 : i32 to vector<16xi32>
        %select_n3A_210 = arith.select %and3A_207, %get3A_196, %broadcast_in_dim3A_209 : vector<16xi1>, vector<16xi32>
        %mul3A_211 = arith.constant 10000 : i32
        %mul3A_212 = vector.broadcast %mul3A_211 : i32 to vector<16xi32>
        %mul3A_213 = arith.muli %select_n3A_210, %mul3A_212 : vector<16xi32>
        %add3A_214 = arith.addi %mul3A_213, %get3A_200 : vector<16xi32>
        %swap3A_215 = arith.index_cast %scan3A_64 : i32 to index
        %swap3A_216 = arith.constant 80 : index
        %swap3A_217 = tpu.vector_load %arg9[%swap3A_215, %swap3A_216] {strides = array<i32>} : memref<32x128xi32, #tpu.memory_space<vmem>>, vector<1x16xi32>,
        %swap3A_218 = vector.shape_cast %swap3A_217 : vector<1x16xi32> to vector<16xi32>
        %swap3A_219 = vector.shape_cast %add3A_214 : vector<16xi32> to vector<1x16xi32>
        tpu.vector_store %arg9[%swap3A_215, %swap3A_216], %swap3A_219 {strides = array<i32>} : memref<32x128xi32, #tpu.memory_space<vmem>>, vector<1x16xi32>,
        %get3A_220 = arith.index_cast %scan3A_64 : i32 to index
        %get3A_221 = arith.constant 96 : index
        %get3A_222 = tpu.vector_load %arg9[%get3A_220, %get3A_221] {strides = array<i32>} : memref<32x128xi32, #tpu.memory_space<vmem>>, vector<1x16xi32>,
        %get3A_223 = vector.shape_cast %get3A_222 : vector<1x16xi32> to vector<16xi32>
        %get3A_224 = arith.index_cast %scan3A_64 : i32 to index
        %get3A_225 = arith.constant 96 : index
        %get3A_226 = tpu.vector_load %arg8[%get3A_224, %get3A_225] {strides = array<i32>} : memref<32x128xi32, #tpu.memory_space<vmem>>, vector<1x16xi32>,
        %get3A_227 = vector.shape_cast %get3A_226 : vector<1x16xi32> to vector<16xi32>
        %ge3A_228 = arith.constant 1 : i32
        %ge3A_229 = vector.broadcast %ge3A_228 : i32 to vector<16xi32>
        %ge3A_230 = arith.cmpi sge, %get3A_223, %ge3A_229 : vector<16xi32>
        %le3A_231 = arith.constant 4 : i32
        %le3A_232 = vector.broadcast %le3A_231 : i32 to vector<16xi32>
        %le3A_233 = arith.cmpi sle, %get3A_223, %le3A_232 : vector<16xi32>
        %and3A_234 = arith.andi %ge3A_230, %le3A_233 : vector<16xi1>
        %jit3A_235 = arith.constant 0 : i32
        %broadcast_in_dim3A_236 = vector.broadcast %jit3A_235 : i32 to vector<16xi32>
        %select_n3A_237 = arith.select %and3A_234, %get3A_223, %broadcast_in_dim3A_236 : vector<16xi1>, vector<16xi32>
        %mul3A_238 = arith.constant 10000 : i32
        %mul3A_239 = vector.broadcast %mul3A_238 : i32 to vector<16xi32>
        %mul3A_240 = arith.muli %select_n3A_237, %mul3A_239 : vector<16xi32>
        %add3A_241 = arith.addi %mul3A_240, %get3A_227 : vector<16xi32>
        %swap3A_242 = arith.index_cast %scan3A_64 : i32 to index
        %swap3A_243 = arith.constant 96 : index
        %swap3A_244 = tpu.vector_load %arg9[%swap3A_242, %swap3A_243] {strides = array<i32>} : memref<32x128xi32, #tpu.memory_space<vmem>>, vector<1x16xi32>,
        %swap3A_245 = vector.shape_cast %swap3A_244 : vector<1x16xi32> to vector<16xi32>
        %swap3A_246 = vector.shape_cast %add3A_241 : vector<16xi32> to vector<1x16xi32>
        tpu.vector_store %arg9[%swap3A_242, %swap3A_243], %swap3A_246 {strides = array<i32>} : memref<32x128xi32, #tpu.memory_space<vmem>>, vector<1x16xi32>,
        %get3A_247 = arith.index_cast %scan3A_64 : i32 to index
        %get3A_248 = arith.constant 112 : index
        %get3A_249 = tpu.vector_load %arg9[%get3A_247, %get3A_248] {strides = array<i32>} : memref<32x128xi32, #tpu.memory_space<vmem>>, vector<1x16xi32>,
        %get3A_250 = vector.shape_cast %get3A_249 : vector<1x16xi32> to vector<16xi32>
        %get3A_251 = arith.index_cast %scan3A_64 : i32 to index
        %get3A_252 = arith.constant 112 : index
        %get3A_253 = tpu.vector_load %arg8[%get3A_251, %get3A_252] {strides = array<i32>} : memref<32x128xi32, #tpu.memory_space<vmem>>, vector<1x16xi32>,
        %get3A_254 = vector.shape_cast %get3A_253 : vector<1x16xi32> to vector<16xi32>
        %ge3A_255 = arith.constant 1 : i32
        %ge3A_256 = vector.broadcast %ge3A_255 : i32 to vector<16xi32>
        %ge3A_257 = arith.cmpi sge, %get3A_250, %ge3A_256 : vector<16xi32>
        %le3A_258 = arith.constant 4 : i32
        %le3A_259 = vector.broadcast %le3A_258 : i32 to vector<16xi32>
        %le3A_260 = arith.cmpi sle, %get3A_250, %le3A_259 : vector<16xi32>
        %and3A_261 = arith.andi %ge3A_257, %le3A_260 : vector<16xi1>
        %jit3A_262 = arith.constant 0 : i32
        %broadcast_in_dim3A_263 = vector.broadcast %jit3A_262 : i32 to vector<16xi32>
        %select_n3A_264 = arith.select %and3A_261, %get3A_250, %broadcast_in_dim3A_263 : vector<16xi1>, vector<16xi32>
        %mul3A_265 = arith.constant 10000 : i32
        %mul3A_266 = vector.broadcast %mul3A_265 : i32 to vector<16xi32>
        %mul3A_267 = arith.muli %select_n3A_264, %mul3A_266 : vector<16xi32>
        %add3A_268 = arith.addi %mul3A_267, %get3A_254 : vector<16xi32>
        %swap3A_269 = arith.index_cast %scan3A_64 : i32 to index
        %swap3A_270 = arith.constant 112 : index
        %swap3A_271 = tpu.vector_load %arg9[%swap3A_269, %swap3A_270] {strides = array<i32>} : memref<32x128xi32, #tpu.memory_space<vmem>>, vector<1x16xi32>,
        %swap3A_272 = vector.shape_cast %swap3A_271 : vector<1x16xi32> to vector<16xi32>
        %swap3A_273 = vector.shape_cast %add3A_268 : vector<16xi32> to vector<1x16xi32>
        tpu.vector_store %arg9[%swap3A_269, %swap3A_270], %swap3A_273 {strides = array<i32>} : memref<32x128xi32, #tpu.memory_space<vmem>>, vector<1x16xi32>,
      }
      %scan3A_57 = arith.constant 32 : i32
      %scan3A_58 = arith.constant 0 : i32
      %scan3A_59 = arith.constant 0 : i32
      %scan3A_60 = arith.constant 32 : i32
      %scan3A_61 = arith.addi %scan3A_59, %scan3A_60 : i32
      %scan3A_62 = arith.constant 1 : i32
      scf.for %scan3A_64 = %scan3A_59 to %scan3A_61 step %scan3A_62  : i32 {
        %dma_start3A = arith.constant 0 : i32
        %dma_start3A_65 = tpu.memref_slice %arg9[%scan3A_64, %dma_start3A] : memref<32x128xi32, #tpu.memory_space<vmem>> -> memref<1x128xi32, #tpu.memory_space<vmem>>
        %dma_start3A_66 = tpu.memref_squeeze %dma_start3A_65 : memref<1x128xi32, #tpu.memory_space<vmem>> -> memref<128xi32, #tpu.memory_space<vmem>>
        %dma_start3A_67 = arith.constant 0 : i32
        %dma_start3A_68 = arith.constant 0 : i32
        %dma_start3A_69 = tpu.memref_slice %arg2[%dma_start3A_67, %dma_start3A_68] : memref<50000x128xf32, #tpu.memory_space<hbm>> -> memref<50000x128xf32, #tpu.memory_space<hbm>>
        tpu.enqueue_indirect_dma source(%dma_start3A_69 : memref<50000x128xf32, #tpu.memory_space<hbm>>) target(%arg11 : memref<128x128xf32, #tpu.memory_space<vmem>>) offsets(%dma_start3A_66 : memref<128xi32, #tpu.memory_space<vmem>>) semaphore(%arg12 : memref<!tpu.dma_semaphore, #tpu.memory_space<semaphore_mem>>)
        %dma_wait3A = arith.constant 0 : i32
        %dma_wait3A_70 = tpu.memref_slice %arg9[%scan3A_64, %dma_wait3A] : memref<32x128xi32, #tpu.memory_space<vmem>> -> memref<1x128xi32, #tpu.memory_space<vmem>>
        %dma_wait3A_71 = tpu.memref_squeeze %dma_wait3A_70 : memref<1x128xi32, #tpu.memory_space<vmem>> -> memref<128xi32, #tpu.memory_space<vmem>>
        %dma_wait3A_72 = arith.constant 0 : i32
        %dma_wait3A_73 = arith.constant 0 : i32
        %dma_wait3A_74 = tpu.memref_slice %arg2[%dma_wait3A_72, %dma_wait3A_73] : memref<50000x128xf32, #tpu.memory_space<hbm>> -> memref<50000x128xf32, #tpu.memory_space<hbm>>
        tpu.wait_indirect_dma semaphore(%arg12 : memref<!tpu.dma_semaphore, #tpu.memory_space<semaphore_mem>>) src(%dma_wait3A_74 : memref<50000x128xf32, #tpu.memory_space<hbm>>) dst(%arg11 : memref<128x128xf32, #tpu.memory_space<vmem>>)
        "tpu.region"() ({
          %run_scoped3A = tpu.sem_alloc : memref<!tpu.dma_semaphore, #tpu.memory_space<semaphore_mem>>
          %dma_start3A_75 = arith.constant 0 : i32
          %dma_start3A_76 = tpu.memref_slice %arg10[%scan3A_64, %dma_start3A_75] : memref<32x128xi32, #tpu.memory_space<vmem>> -> memref<1x128xi32, #tpu.memory_space<vmem>>
          %dma_start3A_77 = tpu.memref_squeeze %dma_start3A_76 : memref<1x128xi32, #tpu.memory_space<vmem>> -> memref<128xi32, #tpu.memory_space<vmem>>
          %dma_start3A_78 = arith.constant 0 : i32
          %dma_start3A_79 = arith.constant 0 : i32
          %dma_start3A_80 = tpu.memref_slice %arg7[%dma_start3A_78, %dma_start3A_79] : memref<10112x128xf32, #tpu.memory_space<vmem_shared>> -> memref<10112x128xf32, #tpu.memory_space<vmem_shared>>
          tpu.enqueue_indirect_dma source(%arg11 : memref<128x128xf32, #tpu.memory_space<vmem>>) target(%dma_start3A_80 : memref<10112x128xf32, #tpu.memory_space<vmem_shared>>) offsets(%dma_start3A_77 : memref<128xi32, #tpu.memory_space<vmem>>) semaphore(%run_scoped3A : memref<!tpu.dma_semaphore, #tpu.memory_space<semaphore_mem>>) {add = true}
          %dma_wait3A_81 = arith.constant 0 : i32
          %dma_wait3A_82 = tpu.memref_slice %arg10[%scan3A_64, %dma_wait3A_81] : memref<32x128xi32, #tpu.memory_space<vmem>> -> memref<1x128xi32, #tpu.memory_space<vmem>>
          %dma_wait3A_83 = tpu.memref_squeeze %dma_wait3A_82 : memref<1x128xi32, #tpu.memory_space<vmem>> -> memref<128xi32, #tpu.memory_space<vmem>>
          %dma_wait3A_84 = arith.constant 0 : i32
          %dma_wait3A_85 = arith.constant 0 : i32
          %dma_wait3A_86 = tpu.memref_slice %arg7[%dma_wait3A_84, %dma_wait3A_85] : memref<10112x128xf32, #tpu.memory_space<vmem_shared>> -> memref<10112x128xf32, #tpu.memory_space<vmem_shared>>
          tpu.wait_indirect_dma semaphore(%run_scoped3A : memref<!tpu.dma_semaphore, #tpu.memory_space<semaphore_mem>>) src(%arg11 : memref<128x128xf32, #tpu.memory_space<vmem>>) dst(%dma_wait3A_86 : memref<10112x128xf32, #tpu.memory_space<vmem_shared>>)
          tpu.yield
        }) : () -> ()
      }
      %scan3A_63 = arith.constant 32 : i32
    }
    %scan3A_24 = arith.constant 5 : i32
    %barrier3A_25 = arith.constant 0 : index
    tpu.barrier barrier_id(%barrier3A_25)
    %add3A_26 = arith.constant 0 : i32
    %add3A_27 = arith.addi %mul3A_8, %add3A_26 : i32
    "tpu.region"() ({
      %run_scoped3A = tpu.sem_alloc : memref<!tpu.dma_semaphore, #tpu.memory_space<semaphore_mem>>
      %dma_start3A = arith.constant 0 : i32
      %dma_start3A_46 = tpu.memref_slice %arg7[%add3A_27, %dma_start3A] : memref<10112x128xf32, #tpu.memory_space<vmem_shared>> -> memref<128x128xf32, #tpu.memory_space<vmem_shared>>
      %dma_start3A_47 = arith.constant 0 : i32
      %dma_start3A_48 = tpu.memref_slice %arg7[%add3A_27, %dma_start3A_47] : memref<10112x128xf32, #tpu.memory_space<vmem_shared>> -> memref<128x128xf32, #tpu.memory_space<vmem_shared>>
      tpu.enqueue_dma source(%dma_start3A_48 : memref<128x128xf32, #tpu.memory_space<vmem_shared>>) target(%arg11 : memref<128x128xf32, #tpu.memory_space<vmem>>) target_semaphore(%run_scoped3A : memref<!tpu.dma_semaphore, #tpu.memory_space<semaphore_mem>>)
      %dma_wait3A = arith.constant 0 : i32
      %dma_wait3A_49 = tpu.memref_slice %arg7[%add3A_27, %dma_wait3A] : memref<10112x128xf32, #tpu.memory_space<vmem_shared>> -> memref<128x128xf32, #tpu.memory_space<vmem_shared>>
      %dma_wait3A_50 = arith.constant 0 : i32
      %dma_wait3A_51 = tpu.memref_slice %arg7[%add3A_27, %dma_wait3A_50] : memref<10112x128xf32, #tpu.memory_space<vmem_shared>> -> memref<128x128xf32, #tpu.memory_space<vmem_shared>>
      tpu.wait_dma2 semaphore(%run_scoped3A : memref<!tpu.dma_semaphore, #tpu.memory_space<semaphore_mem>>) src(%dma_wait3A_51 : memref<128x128xf32, #tpu.memory_space<vmem_shared>>) dst(%arg11 : memref<128x128xf32, #tpu.memory_space<vmem>>)
      tpu.yield
    }) : () -> ()
    %add3A_28 = arith.constant 0 : i32
    %add3A_29 = arith.addi %mul3A_8, %add3A_28 : i32
    "tpu.region"() ({
      %run_scoped3A = tpu.sem_alloc : memref<!tpu.dma_semaphore, #tpu.memory_space<semaphore_mem>>
      %dma_start3A = arith.constant 0 : i32
      %dma_start3A_46 = tpu.memref_slice %arg6[%arg0, %add3A_29, %dma_start3A] : memref<2x10112x128xf32, #tpu.memory_space<hbm>> -> memref<1x128x128xf32, #tpu.memory_space<hbm>>
      %dma_start3A_47 = tpu.memref_squeeze %dma_start3A_46 : memref<1x128x128xf32, #tpu.memory_space<hbm>> -> memref<128x128xf32, #tpu.memory_space<hbm>>
      %dma_start3A_48 = arith.constant 0 : i32
      %dma_start3A_49 = tpu.memref_slice %arg6[%arg0, %add3A_29, %dma_start3A_48] : memref<2x10112x128xf32, #tpu.memory_space<hbm>> -> memref<1x128x128xf32, #tpu.memory_space<hbm>>
      %dma_start3A_50 = tpu.memref_squeeze %dma_start3A_49 : memref<1x128x128xf32, #tpu.memory_space<hbm>> -> memref<128x128xf32, #tpu.memory_space<hbm>>
      tpu.enqueue_dma source(%arg11 : memref<128x128xf32, #tpu.memory_space<vmem>>) target(%dma_start3A_50 : memref<128x128xf32, #tpu.memory_space<hbm>>) target_semaphore(%run_scoped3A : memref<!tpu.dma_semaphore, #tpu.memory_space<semaphore_mem>>)
      %dma_wait3A = arith.constant 0 : i32
      %dma_wait3A_51 = tpu.memref_slice %arg6[%arg0, %add3A_29, %dma_wait3A] : memref<2x10112x128xf32, #tpu.memory_space<hbm>> -> memref<1x128x128xf32, #tpu.memory_space<hbm>>
      %dma_wait3A_52 = tpu.memref_squeeze %dma_wait3A_51 : memref<1x128x128xf32, #tpu.memory_space<hbm>> -> memref<128x128xf32, #tpu.memory_space<hbm>>
      %dma_wait3A_53 = arith.constant 0 : i32
      %dma_wait3A_54 = tpu.memref_slice %arg6[%arg0, %add3A_29, %dma_wait3A_53] : memref<2x10112x128xf32, #tpu.memory_space<hbm>> -> memref<1x128x128xf32, #tpu.memory_space<hbm>>
      %dma_wait3A_55 = tpu.memref_squeeze %dma_wait3A_54 : memref<1x128x128xf32, #tpu.memory_space<hbm>> -> memref<128x128xf32, #tpu.memory_space<hbm>>
      tpu.wait_dma2 semaphore(%run_scoped3A : memref<!tpu.dma_semaphore, #tpu.memory_space<semaphore_mem>>) src(%arg11 : memref<128x128xf32, #tpu.memory_space<vmem>>) dst(%dma_wait3A_55 : memref<128x128xf32, #tpu.memory_space<hbm>>)
      tpu.yield
    }) : () -> ()
    %add3A_30 = arith.constant 128 : i32
    %add3A_31 = arith.addi %mul3A_8, %add3A_30 : i32
    "tpu.region"() ({
      %run_scoped3A = tpu.sem_alloc : memref<!tpu.dma_semaphore, #tpu.memory_space<semaphore_mem>>
      %dma_start3A = arith.constant 0 : i32
      %dma_start3A_46 = tpu.memref_slice %arg7[%add3A_31, %dma_start3A] : memref<10112x128xf32, #tpu.memory_space<vmem_shared>> -> memref<128x128xf32, #tpu.memory_space<vmem_shared>>
      %dma_start3A_47 = arith.constant 0 : i32
      %dma_start3A_48 = tpu.memref_slice %arg7[%add3A_31, %dma_start3A_47] : memref<10112x128xf32, #tpu.memory_space<vmem_shared>> -> memref<128x128xf32, #tpu.memory_space<vmem_shared>>
      tpu.enqueue_dma source(%dma_start3A_48 : memref<128x128xf32, #tpu.memory_space<vmem_shared>>) target(%arg11 : memref<128x128xf32, #tpu.memory_space<vmem>>) target_semaphore(%run_scoped3A : memref<!tpu.dma_semaphore, #tpu.memory_space<semaphore_mem>>)
      %dma_wait3A = arith.constant 0 : i32
      %dma_wait3A_49 = tpu.memref_slice %arg7[%add3A_31, %dma_wait3A] : memref<10112x128xf32, #tpu.memory_space<vmem_shared>> -> memref<128x128xf32, #tpu.memory_space<vmem_shared>>
      %dma_wait3A_50 = arith.constant 0 : i32
      %dma_wait3A_51 = tpu.memref_slice %arg7[%add3A_31, %dma_wait3A_50] : memref<10112x128xf32, #tpu.memory_space<vmem_shared>> -> memref<128x128xf32, #tpu.memory_space<vmem_shared>>
      tpu.wait_dma2 semaphore(%run_scoped3A : memref<!tpu.dma_semaphore, #tpu.memory_space<semaphore_mem>>) src(%dma_wait3A_51 : memref<128x128xf32, #tpu.memory_space<vmem_shared>>) dst(%arg11 : memref<128x128xf32, #tpu.memory_space<vmem>>)
      tpu.yield
    }) : () -> ()
    %add3A_32 = arith.constant 128 : i32
    %add3A_33 = arith.addi %mul3A_8, %add3A_32 : i32
    "tpu.region"() ({
      %run_scoped3A = tpu.sem_alloc : memref<!tpu.dma_semaphore, #tpu.memory_space<semaphore_mem>>
      %dma_start3A = arith.constant 0 : i32
      %dma_start3A_46 = tpu.memref_slice %arg6[%arg0, %add3A_33, %dma_start3A] : memref<2x10112x128xf32, #tpu.memory_space<hbm>> -> memref<1x128x128xf32, #tpu.memory_space<hbm>>
      %dma_start3A_47 = tpu.memref_squeeze %dma_start3A_46 : memref<1x128x128xf32, #tpu.memory_space<hbm>> -> memref<128x128xf32, #tpu.memory_space<hbm>>
      %dma_start3A_48 = arith.constant 0 : i32
      %dma_start3A_49 = tpu.memref_slice %arg6[%arg0, %add3A_33, %dma_start3A_48] : memref<2x10112x128xf32, #tpu.memory_space<hbm>> -> memref<1x128x128xf32, #tpu.memory_space<hbm>>
      %dma_start3A_50 = tpu.memref_squeeze %dma_start3A_49 : memref<1x128x128xf32, #tpu.memory_space<hbm>> -> memref<128x128xf32, #tpu.memory_space<hbm>>
      tpu.enqueue_dma source(%arg11 : memref<128x128xf32, #tpu.memory_space<vmem>>) target(%dma_start3A_50 : memref<128x128xf32, #tpu.memory_space<hbm>>) target_semaphore(%run_scoped3A : memref<!tpu.dma_semaphore, #tpu.memory_space<semaphore_mem>>)
      %dma_wait3A = arith.constant 0 : i32
      %dma_wait3A_51 = tpu.memref_slice %arg6[%arg0, %add3A_33, %dma_wait3A] : memref<2x10112x128xf32, #tpu.memory_space<hbm>> -> memref<1x128x128xf32, #tpu.memory_space<hbm>>
      %dma_wait3A_52 = tpu.memref_squeeze %dma_wait3A_51 : memref<1x128x128xf32, #tpu.memory_space<hbm>> -> memref<128x128xf32, #tpu.memory_space<hbm>>
      %dma_wait3A_53 = arith.constant 0 : i32
      %dma_wait3A_54 = tpu.memref_slice %arg6[%arg0, %add3A_33, %dma_wait3A_53] : memref<2x10112x128xf32, #tpu.memory_space<hbm>> -> memref<1x128x128xf32, #tpu.memory_space<hbm>>
      %dma_wait3A_55 = tpu.memref_squeeze %dma_wait3A_54 : memref<1x128x128xf32, #tpu.memory_space<hbm>> -> memref<128x128xf32, #tpu.memory_space<hbm>>
      tpu.wait_dma2 semaphore(%run_scoped3A : memref<!tpu.dma_semaphore, #tpu.memory_space<semaphore_mem>>) src(%arg11 : memref<128x128xf32, #tpu.memory_space<vmem>>) dst(%dma_wait3A_55 : memref<128x128xf32, #tpu.memory_space<hbm>>)
      tpu.yield
    }) : () -> ()
    %add3A_34 = arith.constant 256 : i32
    %add3A_35 = arith.addi %mul3A_8, %add3A_34 : i32
    "tpu.region"() ({
      %run_scoped3A = tpu.sem_alloc : memref<!tpu.dma_semaphore, #tpu.memory_space<semaphore_mem>>
      %dma_start3A = arith.constant 0 : i32
      %dma_start3A_46 = tpu.memref_slice %arg7[%add3A_35, %dma_start3A] : memref<10112x128xf32, #tpu.memory_space<vmem_shared>> -> memref<128x128xf32, #tpu.memory_space<vmem_shared>>
      %dma_start3A_47 = arith.constant 0 : i32
      %dma_start3A_48 = tpu.memref_slice %arg7[%add3A_35, %dma_start3A_47] : memref<10112x128xf32, #tpu.memory_space<vmem_shared>> -> memref<128x128xf32, #tpu.memory_space<vmem_shared>>
      tpu.enqueue_dma source(%dma_start3A_48 : memref<128x128xf32, #tpu.memory_space<vmem_shared>>) target(%arg11 : memref<128x128xf32, #tpu.memory_space<vmem>>) target_semaphore(%run_scoped3A : memref<!tpu.dma_semaphore, #tpu.memory_space<semaphore_mem>>)
      %dma_wait3A = arith.constant 0 : i32
      %dma_wait3A_49 = tpu.memref_slice %arg7[%add3A_35, %dma_wait3A] : memref<10112x128xf32, #tpu.memory_space<vmem_shared>> -> memref<128x128xf32, #tpu.memory_space<vmem_shared>>
      %dma_wait3A_50 = arith.constant 0 : i32
      %dma_wait3A_51 = tpu.memref_slice %arg7[%add3A_35, %dma_wait3A_50] : memref<10112x128xf32, #tpu.memory_space<vmem_shared>> -> memref<128x128xf32, #tpu.memory_space<vmem_shared>>
      tpu.wait_dma2 semaphore(%run_scoped3A : memref<!tpu.dma_semaphore, #tpu.memory_space<semaphore_mem>>) src(%dma_wait3A_51 : memref<128x128xf32, #tpu.memory_space<vmem_shared>>) dst(%arg11 : memref<128x128xf32, #tpu.memory_space<vmem>>)
      tpu.yield
    }) : () -> ()
    %add3A_36 = arith.constant 256 : i32
    %add3A_37 = arith.addi %mul3A_8, %add3A_36 : i32
    "tpu.region"() ({
      %run_scoped3A = tpu.sem_alloc : memref<!tpu.dma_semaphore, #tpu.memory_space<semaphore_mem>>
      %dma_start3A = arith.constant 0 : i32
      %dma_start3A_46 = tpu.memref_slice %arg6[%arg0, %add3A_37, %dma_start3A] : memref<2x10112x128xf32, #tpu.memory_space<hbm>> -> memref<1x128x128xf32, #tpu.memory_space<hbm>>
      %dma_start3A_47 = tpu.memref_squeeze %dma_start3A_46 : memref<1x128x128xf32, #tpu.memory_space<hbm>> -> memref<128x128xf32, #tpu.memory_space<hbm>>
      %dma_start3A_48 = arith.constant 0 : i32
      %dma_start3A_49 = tpu.memref_slice %arg6[%arg0, %add3A_37, %dma_start3A_48] : memref<2x10112x128xf32, #tpu.memory_space<hbm>> -> memref<1x128x128xf32, #tpu.memory_space<hbm>>
      %dma_start3A_50 = tpu.memref_squeeze %dma_start3A_49 : memref<1x128x128xf32, #tpu.memory_space<hbm>> -> memref<128x128xf32, #tpu.memory_space<hbm>>
      tpu.enqueue_dma source(%arg11 : memref<128x128xf32, #tpu.memory_space<vmem>>) target(%dma_start3A_50 : memref<128x128xf32, #tpu.memory_space<hbm>>) target_semaphore(%run_scoped3A : memref<!tpu.dma_semaphore, #tpu.memory_space<semaphore_mem>>)
      %dma_wait3A = arith.constant 0 : i32
      %dma_wait3A_51 = tpu.memref_slice %arg6[%arg0, %add3A_37, %dma_wait3A] : memref<2x10112x128xf32, #tpu.memory_space<hbm>> -> memref<1x128x128xf32, #tpu.memory_space<hbm>>
      %dma_wait3A_52 = tpu.memref_squeeze %dma_wait3A_51 : memref<1x128x128xf32, #tpu.memory_space<hbm>> -> memref<128x128xf32, #tpu.memory_space<hbm>>
      %dma_wait3A_53 = arith.constant 0 : i32
      %dma_wait3A_54 = tpu.memref_slice %arg6[%arg0, %add3A_37, %dma_wait3A_53] : memref<2x10112x128xf32, #tpu.memory_space<hbm>> -> memref<1x128x128xf32, #tpu.memory_space<hbm>>
      %dma_wait3A_55 = tpu.memref_squeeze %dma_wait3A_54 : memref<1x128x128xf32, #tpu.memory_space<hbm>> -> memref<128x128xf32, #tpu.memory_space<hbm>>
      tpu.wait_dma2 semaphore(%run_scoped3A : memref<!tpu.dma_semaphore, #tpu.memory_space<semaphore_mem>>) src(%arg11 : memref<128x128xf32, #tpu.memory_space<vmem>>) dst(%dma_wait3A_55 : memref<128x128xf32, #tpu.memory_space<hbm>>)
      tpu.yield
    }) : () -> ()
    %add3A_38 = arith.constant 384 : i32
    %add3A_39 = arith.addi %mul3A_8, %add3A_38 : i32
    "tpu.region"() ({
      %run_scoped3A = tpu.sem_alloc : memref<!tpu.dma_semaphore, #tpu.memory_space<semaphore_mem>>
      %dma_start3A = arith.constant 0 : i32
      %dma_start3A_46 = tpu.memref_slice %arg7[%add3A_39, %dma_start3A] : memref<10112x128xf32, #tpu.memory_space<vmem_shared>> -> memref<128x128xf32, #tpu.memory_space<vmem_shared>>
      %dma_start3A_47 = arith.constant 0 : i32
      %dma_start3A_48 = tpu.memref_slice %arg7[%add3A_39, %dma_start3A_47] : memref<10112x128xf32, #tpu.memory_space<vmem_shared>> -> memref<128x128xf32, #tpu.memory_space<vmem_shared>>
      tpu.enqueue_dma source(%dma_start3A_48 : memref<128x128xf32, #tpu.memory_space<vmem_shared>>) target(%arg11 : memref<128x128xf32, #tpu.memory_space<vmem>>) target_semaphore(%run_scoped3A : memref<!tpu.dma_semaphore, #tpu.memory_space<semaphore_mem>>)
      %dma_wait3A = arith.constant 0 : i32
      %dma_wait3A_49 = tpu.memref_slice %arg7[%add3A_39, %dma_wait3A] : memref<10112x128xf32, #tpu.memory_space<vmem_shared>> -> memref<128x128xf32, #tpu.memory_space<vmem_shared>>
      %dma_wait3A_50 = arith.constant 0 : i32
      %dma_wait3A_51 = tpu.memref_slice %arg7[%add3A_39, %dma_wait3A_50] : memref<10112x128xf32, #tpu.memory_space<vmem_shared>> -> memref<128x128xf32, #tpu.memory_space<vmem_shared>>
      tpu.wait_dma2 semaphore(%run_scoped3A : memref<!tpu.dma_semaphore, #tpu.memory_space<semaphore_mem>>) src(%dma_wait3A_51 : memref<128x128xf32, #tpu.memory_space<vmem_shared>>) dst(%arg11 : memref<128x128xf32, #tpu.memory_space<vmem>>)
      tpu.yield
    }) : () -> ()
    %add3A_40 = arith.constant 384 : i32
    %add3A_41 = arith.addi %mul3A_8, %add3A_40 : i32
    "tpu.region"() ({
      %run_scoped3A = tpu.sem_alloc : memref<!tpu.dma_semaphore, #tpu.memory_space<semaphore_mem>>
      %dma_start3A = arith.constant 0 : i32
      %dma_start3A_46 = tpu.memref_slice %arg6[%arg0, %add3A_41, %dma_start3A] : memref<2x10112x128xf32, #tpu.memory_space<hbm>> -> memref<1x128x128xf32, #tpu.memory_space<hbm>>
      %dma_start3A_47 = tpu.memref_squeeze %dma_start3A_46 : memref<1x128x128xf32, #tpu.memory_space<hbm>> -> memref<128x128xf32, #tpu.memory_space<hbm>>
      %dma_start3A_48 = arith.constant 0 : i32
      %dma_start3A_49 = tpu.memref_slice %arg6[%arg0, %add3A_41, %dma_start3A_48] : memref<2x10112x128xf32, #tpu.memory_space<hbm>> -> memref<1x128x128xf32, #tpu.memory_space<hbm>>
      %dma_start3A_50 = tpu.memref_squeeze %dma_start3A_49 : memref<1x128x128xf32, #tpu.memory_space<hbm>> -> memref<128x128xf32, #tpu.memory_space<hbm>>
      tpu.enqueue_dma source(%arg11 : memref<128x128xf32, #tpu.memory_space<vmem>>) target(%dma_start3A_50 : memref<128x128xf32, #tpu.memory_space<hbm>>) target_semaphore(%run_scoped3A : memref<!tpu.dma_semaphore, #tpu.memory_space<semaphore_mem>>)
      %dma_wait3A = arith.constant 0 : i32
      %dma_wait3A_51 = tpu.memref_slice %arg6[%arg0, %add3A_41, %dma_wait3A] : memref<2x10112x128xf32, #tpu.memory_space<hbm>> -> memref<1x128x128xf32, #tpu.memory_space<hbm>>
      %dma_wait3A_52 = tpu.memref_squeeze %dma_wait3A_51 : memref<1x128x128xf32, #tpu.memory_space<hbm>> -> memref<128x128xf32, #tpu.memory_space<hbm>>
      %dma_wait3A_53 = arith.constant 0 : i32
      %dma_wait3A_54 = tpu.memref_slice %arg6[%arg0, %add3A_41, %dma_wait3A_53] : memref<2x10112x128xf32, #tpu.memory_space<hbm>> -> memref<1x128x128xf32, #tpu.memory_space<hbm>>
      %dma_wait3A_55 = tpu.memref_squeeze %dma_wait3A_54 : memref<1x128x128xf32, #tpu.memory_space<hbm>> -> memref<128x128xf32, #tpu.memory_space<hbm>>
      tpu.wait_dma2 semaphore(%run_scoped3A : memref<!tpu.dma_semaphore, #tpu.memory_space<semaphore_mem>>) src(%arg11 : memref<128x128xf32, #tpu.memory_space<vmem>>) dst(%dma_wait3A_55 : memref<128x128xf32, #tpu.memory_space<hbm>>)
      tpu.yield
    }) : () -> ()
    %add3A_42 = arith.constant 512 : i32
    %add3A_43 = arith.addi %mul3A_8, %add3A_42 : i32
    "tpu.region"() ({
      %run_scoped3A = tpu.sem_alloc : memref<!tpu.dma_semaphore, #tpu.memory_space<semaphore_mem>>
      %dma_start3A = arith.constant 0 : i32
      %dma_start3A_46 = arith.constant 0 : i32
      %dma_start3A_47 = tpu.memref_slice %arg11[%dma_start3A, %dma_start3A_46] : memref<128x128xf32, #tpu.memory_space<vmem>> -> memref<120x128xf32, #tpu.memory_space<vmem>>
      %dma_start3A_48 = arith.constant 0 : i32
      %dma_start3A_49 = tpu.memref_slice %arg7[%add3A_43, %dma_start3A_48] : memref<10112x128xf32, #tpu.memory_space<vmem_shared>> -> memref<120x128xf32, #tpu.memory_space<vmem_shared>>
      %dma_start3A_50 = arith.constant 0 : i32
      %dma_start3A_51 = arith.constant 0 : i32
      %dma_start3A_52 = tpu.memref_slice %arg11[%dma_start3A_50, %dma_start3A_51] : memref<128x128xf32, #tpu.memory_space<vmem>> -> memref<120x128xf32, #tpu.memory_space<vmem>>
      %dma_start3A_53 = arith.constant 0 : i32
      %dma_start3A_54 = tpu.memref_slice %arg7[%add3A_43, %dma_start3A_53] : memref<10112x128xf32, #tpu.memory_space<vmem_shared>> -> memref<120x128xf32, #tpu.memory_space<vmem_shared>>
      tpu.enqueue_dma source(%dma_start3A_54 : memref<120x128xf32, #tpu.memory_space<vmem_shared>>) target(%dma_start3A_52 : memref<120x128xf32, #tpu.memory_space<vmem>>) target_semaphore(%run_scoped3A : memref<!tpu.dma_semaphore, #tpu.memory_space<semaphore_mem>>)
      %dma_wait3A = arith.constant 0 : i32
      %dma_wait3A_55 = arith.constant 0 : i32
      %dma_wait3A_56 = tpu.memref_slice %arg11[%dma_wait3A, %dma_wait3A_55] : memref<128x128xf32, #tpu.memory_space<vmem>> -> memref<120x128xf32, #tpu.memory_space<vmem>>
      %dma_wait3A_57 = arith.constant 0 : i32
      %dma_wait3A_58 = tpu.memref_slice %arg7[%add3A_43, %dma_wait3A_57] : memref<10112x128xf32, #tpu.memory_space<vmem_shared>> -> memref<120x128xf32, #tpu.memory_space<vmem_shared>>
      %dma_wait3A_59 = arith.constant 0 : i32
      %dma_wait3A_60 = arith.constant 0 : i32
      %dma_wait3A_61 = tpu.memref_slice %arg11[%dma_wait3A_59, %dma_wait3A_60] : memref<128x128xf32, #tpu.memory_space<vmem>> -> memref<120x128xf32, #tpu.memory_space<vmem>>
      %dma_wait3A_62 = arith.constant 0 : i32
      %dma_wait3A_63 = tpu.memref_slice %arg7[%add3A_43, %dma_wait3A_62] : memref<10112x128xf32, #tpu.memory_space<vmem_shared>> -> memref<120x128xf32, #tpu.memory_space<vmem_shared>>
      tpu.wait_dma2 semaphore(%run_scoped3A : memref<!tpu.dma_semaphore, #tpu.memory_space<semaphore_mem>>) src(%dma_wait3A_63 : memref<120x128xf32, #tpu.memory_space<vmem_shared>>) dst(%dma_wait3A_61 : memref<120x128xf32, #tpu.memory_space<vmem>>)
      tpu.yield
    }) : () -> ()
    %add3A_44 = arith.constant 512 : i32
    %add3A_45 = arith.addi %mul3A_8, %add3A_44 : i32
    "tpu.region"() ({
      %run_scoped3A = tpu.sem_alloc : memref<!tpu.dma_semaphore, #tpu.memory_space<semaphore_mem>>
      %dma_start3A = arith.constant 0 : i32
      %dma_start3A_46 = arith.constant 0 : i32
      %dma_start3A_47 = tpu.memref_slice %arg11[%dma_start3A, %dma_start3A_46] : memref<128x128xf32, #tpu.memory_space<vmem>> -> memref<120x128xf32, #tpu.memory_space<vmem>>
      %dma_start3A_48 = arith.constant 0 : i32
      %dma_start3A_49 = tpu.memref_slice %arg6[%arg0, %add3A_45, %dma_start3A_48] : memref<2x10112x128xf32, #tpu.memory_space<hbm>> -> memref<1x120x128xf32, #tpu.memory_space<hbm>>
      %dma_start3A_50 = tpu.memref_squeeze %dma_start3A_49 : memref<1x120x128xf32, #tpu.memory_space<hbm>> -> memref<120x128xf32, #tpu.memory_space<hbm>>
      %dma_start3A_51 = arith.constant 0 : i32
      %dma_start3A_52 = tpu.memref_slice %arg6[%arg0, %add3A_45, %dma_start3A_51] : memref<2x10112x128xf32, #tpu.memory_space<hbm>> -> memref<1x120x128xf32, #tpu.memory_space<hbm>>
      %dma_start3A_53 = tpu.memref_squeeze %dma_start3A_52 : memref<1x120x128xf32, #tpu.memory_space<hbm>> -> memref<120x128xf32, #tpu.memory_space<hbm>>
      %dma_start3A_54 = arith.constant 0 : i32
      %dma_start3A_55 = arith.constant 0 : i32
      %dma_start3A_56 = tpu.memref_slice %arg11[%dma_start3A_54, %dma_start3A_55] : memref<128x128xf32, #tpu.memory_space<vmem>> -> memref<120x128xf32, #tpu.memory_space<vmem>>
      tpu.enqueue_dma source(%dma_start3A_56 : memref<120x128xf32, #tpu.memory_space<vmem>>) target(%dma_start3A_53 : memref<120x128xf32, #tpu.memory_space<hbm>>) target_semaphore(%run_scoped3A : memref<!tpu.dma_semaphore, #tpu.memory_space<semaphore_mem>>)
      %dma_wait3A = arith.constant 0 : i32
      %dma_wait3A_57 = arith.constant 0 : i32
      %dma_wait3A_58 = tpu.memref_slice %arg11[%dma_wait3A, %dma_wait3A_57] : memref<128x128xf32, #tpu.memory_space<vmem>> -> memref<120x128xf32, #tpu.memory_space<vmem>>
      %dma_wait3A_59 = arith.constant 0 : i32
      %dma_wait3A_60 = tpu.memref_slice %arg6[%arg0, %add3A_45, %dma_wait3A_59] : memref<2x10112x128xf32, #tpu.memory_space<hbm>> -> memref<1x120x128xf32, #tpu.memory_space<hbm>>
      %dma_wait3A_61 = tpu.memref_squeeze %dma_wait3A_60 : memref<1x120x128xf32, #tpu.memory_space<hbm>> -> memref<120x128xf32, #tpu.memory_space<hbm>>
      %dma_wait3A_62 = arith.constant 0 : i32
      %dma_wait3A_63 = tpu.memref_slice %arg6[%arg0, %add3A_45, %dma_wait3A_62] : memref<2x10112x128xf32, #tpu.memory_space<hbm>> -> memref<1x120x128xf32, #tpu.memory_space<hbm>>
      %dma_wait3A_64 = tpu.memref_squeeze %dma_wait3A_63 : memref<1x120x128xf32, #tpu.memory_space<hbm>> -> memref<120x128xf32, #tpu.memory_space<hbm>>
      %dma_wait3A_65 = arith.constant 0 : i32
      %dma_wait3A_66 = arith.constant 0 : i32
      %dma_wait3A_67 = tpu.memref_slice %arg11[%dma_wait3A_65, %dma_wait3A_66] : memref<128x128xf32, #tpu.memory_space<vmem>> -> memref<120x128xf32, #tpu.memory_space<vmem>>
      tpu.wait_dma2 semaphore(%run_scoped3A : memref<!tpu.dma_semaphore, #tpu.memory_space<semaphore_mem>>) src(%dma_wait3A_67 : memref<120x128xf32, #tpu.memory_space<vmem>>) dst(%dma_wait3A_64 : memref<120x128xf32, #tpu.memory_space<hbm>>)
      tpu.yield
    }) : () -> ()
    return
  }
}

#map = affine_map<(d0, d1) -> (0, 0)>
#map1 = affine_map<(d0, d1) -> (0, 0, 0)>
module attributes {stable_mosaic.version = 14 : i64} {
  func.func @_sc_edge_body(%arg0: i32, %arg1: i32, %arg2: memref<50000x128xf32, #tpu.memory_space<hbm>>, %arg3: memref<5120x128xi32, #tpu.memory_space<hbm>>, %arg4: memref<5120x128xi32, #tpu.memory_space<hbm>>, %arg5: memref<5120x128xi32, #tpu.memory_space<hbm>>, %arg6: memref<2x10112x128xf32, #tpu.memory_space<hbm>>, %arg7: memref<10112x128xf32, #tpu.memory_space<vmem_shared>>, %arg8: memref<32x128xi32, #tpu.memory_space<vmem>>, %arg9: memref<32x128xi32, #tpu.memory_space<vmem>>, %arg10: memref<32x128xi32, #tpu.memory_space<vmem>>, %arg11: memref<128x128xf32, #tpu.memory_space<vmem>>, %arg12: memref<!tpu.dma_semaphore, #tpu.memory_space<semaphore_mem>>) attributes {dimension_semantics = [#tpu.dimension_semantics<core_parallel>, #tpu.dimension_semantics<subcore_parallel>], iteration_bounds = array<i64: 2, 16>, scalar_prefetch = 0 : i64, scratch_operands = 6 : i64, tpu.core_type = #tpu.core_type<sc_vector_subcore>, window_params = [{transform_indices = #map}, {transform_indices = #map}, {transform_indices = #map}, {transform_indices = #map}, {transform_indices = #map1}]} {
    %mul3A = arith.constant 16 : i32
    %mul3A_0 = arith.muli %arg0, %mul3A : i32
    %add3A = arith.addi %mul3A_0, %arg1 : i32
    %broadcast_in_dim3A = arith.constant 0.000000e+00 : f32
    %broadcast_in_dim3A_1 = vector.broadcast %broadcast_in_dim3A : f32 to vector<16xf32>
    %scan3A = arith.constant 0 : i32
    %scan3A_2 = arith.constant 0 : i32
    %scan3A_3 = arith.constant 128 : i32
    %scan3A_4 = arith.addi %scan3A_2, %scan3A_3 : i32
    %scan3A_5 = arith.constant 1 : i32
    scf.for %scan3A_46 = %scan3A_2 to %scan3A_4 step %scan3A_5  : i32 {
      %swap3A = arith.index_cast %scan3A_46 : i32 to index
      %swap3A_47 = arith.constant 0 : index
      %swap3A_48 = tpu.vector_load %arg11[%swap3A, %swap3A_47] {strides = array<i32>} : memref<128x128xf32, #tpu.memory_space<vmem>>, vector<1x16xf32>,
      %swap3A_49 = vector.shape_cast %swap3A_48 : vector<1x16xf32> to vector<16xf32>
      %swap3A_50 = vector.shape_cast %broadcast_in_dim3A_1 : vector<16xf32> to vector<1x16xf32>
      tpu.vector_store %arg11[%swap3A, %swap3A_47], %swap3A_50 {strides = array<i32>} : memref<128x128xf32, #tpu.memory_space<vmem>>, vector<1x16xf32>,
      %swap3A_51 = arith.index_cast %scan3A_46 : i32 to index
      %swap3A_52 = arith.constant 16 : index
      %swap3A_53 = tpu.vector_load %arg11[%swap3A_51, %swap3A_52] {strides = array<i32>} : memref<128x128xf32, #tpu.memory_space<vmem>>, vector<1x16xf32>,
      %swap3A_54 = vector.shape_cast %swap3A_53 : vector<1x16xf32> to vector<16xf32>
      %swap3A_55 = vector.shape_cast %broadcast_in_dim3A_1 : vector<16xf32> to vector<1x16xf32>
      tpu.vector_store %arg11[%swap3A_51, %swap3A_52], %swap3A_55 {strides = array<i32>} : memref<128x128xf32, #tpu.memory_space<vmem>>, vector<1x16xf32>,
      %swap3A_56 = arith.index_cast %scan3A_46 : i32 to index
      %swap3A_57 = arith.constant 32 : index
      %swap3A_58 = tpu.vector_load %arg11[%swap3A_56, %swap3A_57] {strides = array<i32>} : memref<128x128xf32, #tpu.memory_space<vmem>>, vector<1x16xf32>,
      %swap3A_59 = vector.shape_cast %swap3A_58 : vector<1x16xf32> to vector<16xf32>
      %swap3A_60 = vector.shape_cast %broadcast_in_dim3A_1 : vector<16xf32> to vector<1x16xf32>
      tpu.vector_store %arg11[%swap3A_56, %swap3A_57], %swap3A_60 {strides = array<i32>} : memref<128x128xf32, #tpu.memory_space<vmem>>, vector<1x16xf32>,
      %swap3A_61 = arith.index_cast %scan3A_46 : i32 to index
      %swap3A_62 = arith.constant 48 : index
      %swap3A_63 = tpu.vector_load %arg11[%swap3A_61, %swap3A_62] {strides = array<i32>} : memref<128x128xf32, #tpu.memory_space<vmem>>, vector<1x16xf32>,
      %swap3A_64 = vector.shape_cast %swap3A_63 : vector<1x16xf32> to vector<16xf32>
      %swap3A_65 = vector.shape_cast %broadcast_in_dim3A_1 : vector<16xf32> to vector<1x16xf32>
      tpu.vector_store %arg11[%swap3A_61, %swap3A_62], %swap3A_65 {strides = array<i32>} : memref<128x128xf32, #tpu.memory_space<vmem>>, vector<1x16xf32>,
      %swap3A_66 = arith.index_cast %scan3A_46 : i32 to index
      %swap3A_67 = arith.constant 64 : index
      %swap3A_68 = tpu.vector_load %arg11[%swap3A_66, %swap3A_67] {strides = array<i32>} : memref<128x128xf32, #tpu.memory_space<vmem>>, vector<1x16xf32>,
      %swap3A_69 = vector.shape_cast %swap3A_68 : vector<1x16xf32> to vector<16xf32>
      %swap3A_70 = vector.shape_cast %broadcast_in_dim3A_1 : vector<16xf32> to vector<1x16xf32>
      tpu.vector_store %arg11[%swap3A_66, %swap3A_67], %swap3A_70 {strides = array<i32>} : memref<128x128xf32, #tpu.memory_space<vmem>>, vector<1x16xf32>,
      %swap3A_71 = arith.index_cast %scan3A_46 : i32 to index
      %swap3A_72 = arith.constant 80 : index
      %swap3A_73 = tpu.vector_load %arg11[%swap3A_71, %swap3A_72] {strides = array<i32>} : memref<128x128xf32, #tpu.memory_space<vmem>>, vector<1x16xf32>,
      %swap3A_74 = vector.shape_cast %swap3A_73 : vector<1x16xf32> to vector<16xf32>
      %swap3A_75 = vector.shape_cast %broadcast_in_dim3A_1 : vector<16xf32> to vector<1x16xf32>
      tpu.vector_store %arg11[%swap3A_71, %swap3A_72], %swap3A_75 {strides = array<i32>} : memref<128x128xf32, #tpu.memory_space<vmem>>, vector<1x16xf32>,
      %swap3A_76 = arith.index_cast %scan3A_46 : i32 to index
      %swap3A_77 = arith.constant 96 : index
      %swap3A_78 = tpu.vector_load %arg11[%swap3A_76, %swap3A_77] {strides = array<i32>} : memref<128x128xf32, #tpu.memory_space<vmem>>, vector<1x16xf32>,
      %swap3A_79 = vector.shape_cast %swap3A_78 : vector<1x16xf32> to vector<16xf32>
      %swap3A_80 = vector.shape_cast %broadcast_in_dim3A_1 : vector<16xf32> to vector<1x16xf32>
      tpu.vector_store %arg11[%swap3A_76, %swap3A_77], %swap3A_80 {strides = array<i32>} : memref<128x128xf32, #tpu.memory_space<vmem>>, vector<1x16xf32>,
      %swap3A_81 = arith.index_cast %scan3A_46 : i32 to index
      %swap3A_82 = arith.constant 112 : index
      %swap3A_83 = tpu.vector_load %arg11[%swap3A_81, %swap3A_82] {strides = array<i32>} : memref<128x128xf32, #tpu.memory_space<vmem>>, vector<1x16xf32>,
      %swap3A_84 = vector.shape_cast %swap3A_83 : vector<1x16xf32> to vector<16xf32>
      %swap3A_85 = vector.shape_cast %broadcast_in_dim3A_1 : vector<16xf32> to vector<1x16xf32>
      tpu.vector_store %arg11[%swap3A_81, %swap3A_82], %swap3A_85 {strides = array<i32>} : memref<128x128xf32, #tpu.memory_space<vmem>>, vector<1x16xf32>,
    }
    %scan3A_6 = arith.constant 128 : i32
    %mul3A_7 = arith.constant 632 : i32
    %mul3A_8 = arith.muli %arg1, %mul3A_7 : i32
    %add3A_9 = arith.constant 0 : i32
    %add3A_10 = arith.addi %mul3A_8, %add3A_9 : i32
    "tpu.region"() ({
      %run_scoped3A = tpu.sem_alloc : memref<!tpu.dma_semaphore, #tpu.memory_space<semaphore_mem>>
      %dma_start3A = arith.constant 0 : i32
      %dma_start3A_46 = tpu.memref_slice %arg7[%add3A_10, %dma_start3A] : memref<10112x128xf32, #tpu.memory_space<vmem_shared>> -> memref<128x128xf32, #tpu.memory_space<vmem_shared>>
      %dma_start3A_47 = arith.constant 0 : i32
      %dma_start3A_48 = tpu.memref_slice %arg7[%add3A_10, %dma_start3A_47] : memref<10112x128xf32, #tpu.memory_space<vmem_shared>> -> memref<128x128xf32, #tpu.memory_space<vmem_shared>>
      tpu.enqueue_dma source(%arg11 : memref<128x128xf32, #tpu.memory_space<vmem>>) target(%dma_start3A_48 : memref<128x128xf32, #tpu.memory_space<vmem_shared>>) target_semaphore(%run_scoped3A : memref<!tpu.dma_semaphore, #tpu.memory_space<semaphore_mem>>)
      %dma_wait3A = arith.constant 0 : i32
      %dma_wait3A_49 = tpu.memref_slice %arg7[%add3A_10, %dma_wait3A] : memref<10112x128xf32, #tpu.memory_space<vmem_shared>> -> memref<128x128xf32, #tpu.memory_space<vmem_shared>>
      %dma_wait3A_50 = arith.constant 0 : i32
      %dma_wait3A_51 = tpu.memref_slice %arg7[%add3A_10, %dma_wait3A_50] : memref<10112x128xf32, #tpu.memory_space<vmem_shared>> -> memref<128x128xf32, #tpu.memory_space<vmem_shared>>
      tpu.wait_dma2 semaphore(%run_scoped3A : memref<!tpu.dma_semaphore, #tpu.memory_space<semaphore_mem>>) src(%arg11 : memref<128x128xf32, #tpu.memory_space<vmem>>) dst(%dma_wait3A_51 : memref<128x128xf32, #tpu.memory_space<vmem_shared>>)
      tpu.yield
    }) : () -> ()
    %add3A_11 = arith.constant 128 : i32
    %add3A_12 = arith.addi %mul3A_8, %add3A_11 : i32
    "tpu.region"() ({
      %run_scoped3A = tpu.sem_alloc : memref<!tpu.dma_semaphore, #tpu.memory_space<semaphore_mem>>
      %dma_start3A = arith.constant 0 : i32
      %dma_start3A_46 = tpu.memref_slice %arg7[%add3A_12, %dma_start3A] : memref<10112x128xf32, #tpu.memory_space<vmem_shared>> -> memref<128x128xf32, #tpu.memory_space<vmem_shared>>
      %dma_start3A_47 = arith.constant 0 : i32
      %dma_start3A_48 = tpu.memref_slice %arg7[%add3A_12, %dma_start3A_47] : memref<10112x128xf32, #tpu.memory_space<vmem_shared>> -> memref<128x128xf32, #tpu.memory_space<vmem_shared>>
      tpu.enqueue_dma source(%arg11 : memref<128x128xf32, #tpu.memory_space<vmem>>) target(%dma_start3A_48 : memref<128x128xf32, #tpu.memory_space<vmem_shared>>) target_semaphore(%run_scoped3A : memref<!tpu.dma_semaphore, #tpu.memory_space<semaphore_mem>>)
      %dma_wait3A = arith.constant 0 : i32
      %dma_wait3A_49 = tpu.memref_slice %arg7[%add3A_12, %dma_wait3A] : memref<10112x128xf32, #tpu.memory_space<vmem_shared>> -> memref<128x128xf32, #tpu.memory_space<vmem_shared>>
      %dma_wait3A_50 = arith.constant 0 : i32
      %dma_wait3A_51 = tpu.memref_slice %arg7[%add3A_12, %dma_wait3A_50] : memref<10112x128xf32, #tpu.memory_space<vmem_shared>> -> memref<128x128xf32, #tpu.memory_space<vmem_shared>>
      tpu.wait_dma2 semaphore(%run_scoped3A : memref<!tpu.dma_semaphore, #tpu.memory_space<semaphore_mem>>) src(%arg11 : memref<128x128xf32, #tpu.memory_space<vmem>>) dst(%dma_wait3A_51 : memref<128x128xf32, #tpu.memory_space<vmem_shared>>)
      tpu.yield
    }) : () -> ()
    %add3A_13 = arith.constant 256 : i32
    %add3A_14 = arith.addi %mul3A_8, %add3A_13 : i32
    "tpu.region"() ({
      %run_scoped3A = tpu.sem_alloc : memref<!tpu.dma_semaphore, #tpu.memory_space<semaphore_mem>>
      %dma_start3A = arith.constant 0 : i32
      %dma_start3A_46 = tpu.memref_slice %arg7[%add3A_14, %dma_start3A] : memref<10112x128xf32, #tpu.memory_space<vmem_shared>> -> memref<128x128xf32, #tpu.memory_space<vmem_shared>>
      %dma_start3A_47 = arith.constant 0 : i32
      %dma_start3A_48 = tpu.memref_slice %arg7[%add3A_14, %dma_start3A_47] : memref<10112x128xf32, #tpu.memory_space<vmem_shared>> -> memref<128x128xf32, #tpu.memory_space<vmem_shared>>
      tpu.enqueue_dma source(%arg11 : memref<128x128xf32, #tpu.memory_space<vmem>>) target(%dma_start3A_48 : memref<128x128xf32, #tpu.memory_space<vmem_shared>>) target_semaphore(%run_scoped3A : memref<!tpu.dma_semaphore, #tpu.memory_space<semaphore_mem>>)
      %dma_wait3A = arith.constant 0 : i32
      %dma_wait3A_49 = tpu.memref_slice %arg7[%add3A_14, %dma_wait3A] : memref<10112x128xf32, #tpu.memory_space<vmem_shared>> -> memref<128x128xf32, #tpu.memory_space<vmem_shared>>
      %dma_wait3A_50 = arith.constant 0 : i32
      %dma_wait3A_51 = tpu.memref_slice %arg7[%add3A_14, %dma_wait3A_50] : memref<10112x128xf32, #tpu.memory_space<vmem_shared>> -> memref<128x128xf32, #tpu.memory_space<vmem_shared>>
      tpu.wait_dma2 semaphore(%run_scoped3A : memref<!tpu.dma_semaphore, #tpu.memory_space<semaphore_mem>>) src(%arg11 : memref<128x128xf32, #tpu.memory_space<vmem>>) dst(%dma_wait3A_51 : memref<128x128xf32, #tpu.memory_space<vmem_shared>>)
      tpu.yield
    }) : () -> ()
    %add3A_15 = arith.constant 384 : i32
    %add3A_16 = arith.addi %mul3A_8, %add3A_15 : i32
    "tpu.region"() ({
      %run_scoped3A = tpu.sem_alloc : memref<!tpu.dma_semaphore, #tpu.memory_space<semaphore_mem>>
      %dma_start3A = arith.constant 0 : i32
      %dma_start3A_46 = tpu.memref_slice %arg7[%add3A_16, %dma_start3A] : memref<10112x128xf32, #tpu.memory_space<vmem_shared>> -> memref<128x128xf32, #tpu.memory_space<vmem_shared>>
      %dma_start3A_47 = arith.constant 0 : i32
      %dma_start3A_48 = tpu.memref_slice %arg7[%add3A_16, %dma_start3A_47] : memref<10112x128xf32, #tpu.memory_space<vmem_shared>> -> memref<128x128xf32, #tpu.memory_space<vmem_shared>>
      tpu.enqueue_dma source(%arg11 : memref<128x128xf32, #tpu.memory_space<vmem>>) target(%dma_start3A_48 : memref<128x128xf32, #tpu.memory_space<vmem_shared>>) target_semaphore(%run_scoped3A : memref<!tpu.dma_semaphore, #tpu.memory_space<semaphore_mem>>)
      %dma_wait3A = arith.constant 0 : i32
      %dma_wait3A_49 = tpu.memref_slice %arg7[%add3A_16, %dma_wait3A] : memref<10112x128xf32, #tpu.memory_space<vmem_shared>> -> memref<128x128xf32, #tpu.memory_space<vmem_shared>>
      %dma_wait3A_50 = arith.constant 0 : i32
      %dma_wait3A_51 = tpu.memref_slice %arg7[%add3A_16, %dma_wait3A_50] : memref<10112x128xf32, #tpu.memory_space<vmem_shared>> -> memref<128x128xf32, #tpu.memory_space<vmem_shared>>
      tpu.wait_dma2 semaphore(%run_scoped3A : memref<!tpu.dma_semaphore, #tpu.memory_space<semaphore_mem>>) src(%arg11 : memref<128x128xf32, #tpu.memory_space<vmem>>) dst(%dma_wait3A_51 : memref<128x128xf32, #tpu.memory_space<vmem_shared>>)
      tpu.yield
    }) : () -> ()
    %add3A_17 = arith.constant 512 : i32
    %add3A_18 = arith.addi %mul3A_8, %add3A_17 : i32
    "tpu.region"() ({
      %run_scoped3A = tpu.sem_alloc : memref<!tpu.dma_semaphore, #tpu.memory_space<semaphore_mem>>
      %dma_start3A = arith.constant 0 : i32
      %dma_start3A_46 = arith.constant 0 : i32
      %dma_start3A_47 = tpu.memref_slice %arg11[%dma_start3A, %dma_start3A_46] : memref<128x128xf32, #tpu.memory_space<vmem>> -> memref<120x128xf32, #tpu.memory_space<vmem>>
      %dma_start3A_48 = arith.constant 0 : i32
      %dma_start3A_49 = tpu.memref_slice %arg7[%add3A_18, %dma_start3A_48] : memref<10112x128xf32, #tpu.memory_space<vmem_shared>> -> memref<120x128xf32, #tpu.memory_space<vmem_shared>>
      %dma_start3A_50 = arith.constant 0 : i32
      %dma_start3A_51 = tpu.memref_slice %arg7[%add3A_18, %dma_start3A_50] : memref<10112x128xf32, #tpu.memory_space<vmem_shared>> -> memref<120x128xf32, #tpu.memory_space<vmem_shared>>
      %dma_start3A_52 = arith.constant 0 : i32
      %dma_start3A_53 = arith.constant 0 : i32
      %dma_start3A_54 = tpu.memref_slice %arg11[%dma_start3A_52, %dma_start3A_53] : memref<128x128xf32, #tpu.memory_space<vmem>> -> memref<120x128xf32, #tpu.memory_space<vmem>>
      tpu.enqueue_dma source(%dma_start3A_54 : memref<120x128xf32, #tpu.memory_space<vmem>>) target(%dma_start3A_51 : memref<120x128xf32, #tpu.memory_space<vmem_shared>>) target_semaphore(%run_scoped3A : memref<!tpu.dma_semaphore, #tpu.memory_space<semaphore_mem>>)
      %dma_wait3A = arith.constant 0 : i32
      %dma_wait3A_55 = arith.constant 0 : i32
      %dma_wait3A_56 = tpu.memref_slice %arg11[%dma_wait3A, %dma_wait3A_55] : memref<128x128xf32, #tpu.memory_space<vmem>> -> memref<120x128xf32, #tpu.memory_space<vmem>>
      %dma_wait3A_57 = arith.constant 0 : i32
      %dma_wait3A_58 = tpu.memref_slice %arg7[%add3A_18, %dma_wait3A_57] : memref<10112x128xf32, #tpu.memory_space<vmem_shared>> -> memref<120x128xf32, #tpu.memory_space<vmem_shared>>
      %dma_wait3A_59 = arith.constant 0 : i32
      %dma_wait3A_60 = tpu.memref_slice %arg7[%add3A_18, %dma_wait3A_59] : memref<10112x128xf32, #tpu.memory_space<vmem_shared>> -> memref<120x128xf32, #tpu.memory_space<vmem_shared>>
      %dma_wait3A_61 = arith.constant 0 : i32
      %dma_wait3A_62 = arith.constant 0 : i32
      %dma_wait3A_63 = tpu.memref_slice %arg11[%dma_wait3A_61, %dma_wait3A_62] : memref<128x128xf32, #tpu.memory_space<vmem>> -> memref<120x128xf32, #tpu.memory_space<vmem>>
      tpu.wait_dma2 semaphore(%run_scoped3A : memref<!tpu.dma_semaphore, #tpu.memory_space<semaphore_mem>>) src(%dma_wait3A_63 : memref<120x128xf32, #tpu.memory_space<vmem>>) dst(%dma_wait3A_60 : memref<120x128xf32, #tpu.memory_space<vmem_shared>>)
      tpu.yield
    }) : () -> ()
    %barrier3A = arith.constant 0 : index
    tpu.barrier barrier_id(%barrier3A)
    %scan3A_19 = arith.constant 0 : i32
    %scan3A_20 = arith.constant 0 : i32
    %scan3A_21 = arith.constant 5 : i32
    %scan3A_22 = arith.addi %scan3A_20, %scan3A_21 : i32
    %scan3A_23 = arith.constant 1 : i32
    scf.for %scan3A_46 = %scan3A_20 to %scan3A_22 step %scan3A_23  : i32 {
      %mul3A_47 = arith.constant 160 : i32
      %mul3A_48 = arith.muli %add3A, %mul3A_47 : i32
      %mul3A_49 = arith.constant 32 : i32
      %mul3A_50 = arith.muli %scan3A_46, %mul3A_49 : i32
      %add3A_51 = arith.addi %mul3A_48, %mul3A_50 : i32
      "tpu.region"() ({
        %run_scoped3A = tpu.sem_alloc : memref<!tpu.dma_semaphore, #tpu.memory_space<semaphore_mem>>
        %dma_start3A = arith.constant 0 : i32
        %dma_start3A_64 = tpu.memref_slice %arg3[%add3A_51, %dma_start3A] : memref<5120x128xi32, #tpu.memory_space<hbm>> -> memref<32x128xi32, #tpu.memory_space<hbm>>
        %dma_start3A_65 = arith.constant 0 : i32
        %dma_start3A_66 = tpu.memref_slice %arg3[%add3A_51, %dma_start3A_65] : memref<5120x128xi32, #tpu.memory_space<hbm>> -> memref<32x128xi32, #tpu.memory_space<hbm>>
        tpu.enqueue_dma source(%dma_start3A_66 : memref<32x128xi32, #tpu.memory_space<hbm>>) target(%arg8 : memref<32x128xi32, #tpu.memory_space<vmem>>) target_semaphore(%run_scoped3A : memref<!tpu.dma_semaphore, #tpu.memory_space<semaphore_mem>>)
        %dma_wait3A = arith.constant 0 : i32
        %dma_wait3A_67 = tpu.memref_slice %arg3[%add3A_51, %dma_wait3A] : memref<5120x128xi32, #tpu.memory_space<hbm>> -> memref<32x128xi32, #tpu.memory_space<hbm>>
        %dma_wait3A_68 = arith.constant 0 : i32
        %dma_wait3A_69 = tpu.memref_slice %arg3[%add3A_51, %dma_wait3A_68] : memref<5120x128xi32, #tpu.memory_space<hbm>> -> memref<32x128xi32, #tpu.memory_space<hbm>>
        tpu.wait_dma2 semaphore(%run_scoped3A : memref<!tpu.dma_semaphore, #tpu.memory_space<semaphore_mem>>) src(%dma_wait3A_69 : memref<32x128xi32, #tpu.memory_space<hbm>>) dst(%arg8 : memref<32x128xi32, #tpu.memory_space<vmem>>)
        tpu.yield
      }) : () -> ()
      "tpu.region"() ({
        %run_scoped3A = tpu.sem_alloc : memref<!tpu.dma_semaphore, #tpu.memory_space<semaphore_mem>>
        %dma_start3A = arith.constant 0 : i32
        %dma_start3A_64 = tpu.memref_slice %arg4[%add3A_51, %dma_start3A] : memref<5120x128xi32, #tpu.memory_space<hbm>> -> memref<32x128xi32, #tpu.memory_space<hbm>>
        %dma_start3A_65 = arith.constant 0 : i32
        %dma_start3A_66 = tpu.memref_slice %arg4[%add3A_51, %dma_start3A_65] : memref<5120x128xi32, #tpu.memory_space<hbm>> -> memref<32x128xi32, #tpu.memory_space<hbm>>
        tpu.enqueue_dma source(%dma_start3A_66 : memref<32x128xi32, #tpu.memory_space<hbm>>) target(%arg9 : memref<32x128xi32, #tpu.memory_space<vmem>>) target_semaphore(%run_scoped3A : memref<!tpu.dma_semaphore, #tpu.memory_space<semaphore_mem>>)
        %dma_wait3A = arith.constant 0 : i32
        %dma_wait3A_67 = tpu.memref_slice %arg4[%add3A_51, %dma_wait3A] : memref<5120x128xi32, #tpu.memory_space<hbm>> -> memref<32x128xi32, #tpu.memory_space<hbm>>
        %dma_wait3A_68 = arith.constant 0 : i32
        %dma_wait3A_69 = tpu.memref_slice %arg4[%add3A_51, %dma_wait3A_68] : memref<5120x128xi32, #tpu.memory_space<hbm>> -> memref<32x128xi32, #tpu.memory_space<hbm>>
        tpu.wait_dma2 semaphore(%run_scoped3A : memref<!tpu.dma_semaphore, #tpu.memory_space<semaphore_mem>>) src(%dma_wait3A_69 : memref<32x128xi32, #tpu.memory_space<hbm>>) dst(%arg9 : memref<32x128xi32, #tpu.memory_space<vmem>>)
        tpu.yield
      }) : () -> ()
      "tpu.region"() ({
        %run_scoped3A = tpu.sem_alloc : memref<!tpu.dma_semaphore, #tpu.memory_space<semaphore_mem>>
        %dma_start3A = arith.constant 0 : i32
        %dma_start3A_64 = tpu.memref_slice %arg5[%add3A_51, %dma_start3A] : memref<5120x128xi32, #tpu.memory_space<hbm>> -> memref<32x128xi32, #tpu.memory_space<hbm>>
        %dma_start3A_65 = arith.constant 0 : i32
        %dma_start3A_66 = tpu.memref_slice %arg5[%add3A_51, %dma_start3A_65] : memref<5120x128xi32, #tpu.memory_space<hbm>> -> memref<32x128xi32, #tpu.memory_space<hbm>>
        tpu.enqueue_dma source(%dma_start3A_66 : memref<32x128xi32, #tpu.memory_space<hbm>>) target(%arg10 : memref<32x128xi32, #tpu.memory_space<vmem>>) target_semaphore(%run_scoped3A : memref<!tpu.dma_semaphore, #tpu.memory_space<semaphore_mem>>)
        %dma_wait3A = arith.constant 0 : i32
        %dma_wait3A_67 = tpu.memref_slice %arg5[%add3A_51, %dma_wait3A] : memref<5120x128xi32, #tpu.memory_space<hbm>> -> memref<32x128xi32, #tpu.memory_space<hbm>>
        %dma_wait3A_68 = arith.constant 0 : i32
        %dma_wait3A_69 = tpu.memref_slice %arg5[%add3A_51, %dma_wait3A_68] : memref<5120x128xi32, #tpu.memory_space<hbm>> -> memref<32x128xi32, #tpu.memory_space<hbm>>
        tpu.wait_dma2 semaphore(%run_scoped3A : memref<!tpu.dma_semaphore, #tpu.memory_space<semaphore_mem>>) src(%dma_wait3A_69 : memref<32x128xi32, #tpu.memory_space<hbm>>) dst(%arg10 : memref<32x128xi32, #tpu.memory_space<vmem>>)
        tpu.yield
      }) : () -> ()
      %scan3A_52 = arith.constant 0 : i32
      %scan3A_53 = arith.constant 0 : i32
      %scan3A_54 = arith.constant 32 : i32
      %scan3A_55 = arith.addi %scan3A_53, %scan3A_54 : i32
      %scan3A_56 = arith.constant 1 : i32
      scf.for %scan3A_64 = %scan3A_53 to %scan3A_55 step %scan3A_56  : i32 {
        %get3A = arith.index_cast %scan3A_64 : i32 to index
        %get3A_65 = arith.constant 0 : index
        %get3A_66 = tpu.vector_load %arg9[%get3A, %get3A_65] {strides = array<i32>} : memref<32x128xi32, #tpu.memory_space<vmem>>, vector<1x16xi32>,
        %get3A_67 = vector.shape_cast %get3A_66 : vector<1x16xi32> to vector<16xi32>
        %get3A_68 = arith.index_cast %scan3A_64 : i32 to index
        %get3A_69 = arith.constant 0 : index
        %get3A_70 = tpu.vector_load %arg8[%get3A_68, %get3A_69] {strides = array<i32>} : memref<32x128xi32, #tpu.memory_space<vmem>>, vector<1x16xi32>,
        %get3A_71 = vector.shape_cast %get3A_70 : vector<1x16xi32> to vector<16xi32>
        %ge3A = arith.constant 1 : i32
        %ge3A_72 = vector.broadcast %ge3A : i32 to vector<16xi32>
        %ge3A_73 = arith.cmpi sge, %get3A_67, %ge3A_72 : vector<16xi32>
        %le3A = arith.constant 4 : i32
        %le3A_74 = vector.broadcast %le3A : i32 to vector<16xi32>
        %le3A_75 = arith.cmpi sle, %get3A_67, %le3A_74 : vector<16xi32>
        %and3A = arith.andi %ge3A_73, %le3A_75 : vector<16xi1>
        %jit3A = arith.constant 0 : i32
        %broadcast_in_dim3A_76 = vector.broadcast %jit3A : i32 to vector<16xi32>
        %select_n3A = arith.select %and3A, %get3A_67, %broadcast_in_dim3A_76 : vector<16xi1>, vector<16xi32>
        %mul3A_77 = arith.constant 10000 : i32
        %mul3A_78 = vector.broadcast %mul3A_77 : i32 to vector<16xi32>
        %mul3A_79 = arith.muli %select_n3A, %mul3A_78 : vector<16xi32>
        %add3A_80 = arith.addi %mul3A_79, %get3A_71 : vector<16xi32>
        %swap3A = arith.index_cast %scan3A_64 : i32 to index
        %swap3A_81 = arith.constant 0 : index
        %swap3A_82 = tpu.vector_load %arg9[%swap3A, %swap3A_81] {strides = array<i32>} : memref<32x128xi32, #tpu.memory_space<vmem>>, vector<1x16xi32>,
        %swap3A_83 = vector.shape_cast %swap3A_82 : vector<1x16xi32> to vector<16xi32>
        %swap3A_84 = vector.shape_cast %add3A_80 : vector<16xi32> to vector<1x16xi32>
        tpu.vector_store %arg9[%swap3A, %swap3A_81], %swap3A_84 {strides = array<i32>} : memref<32x128xi32, #tpu.memory_space<vmem>>, vector<1x16xi32>,
        %get3A_85 = arith.index_cast %scan3A_64 : i32 to index
        %get3A_86 = arith.constant 16 : index
        %get3A_87 = tpu.vector_load %arg9[%get3A_85, %get3A_86] {strides = array<i32>} : memref<32x128xi32, #tpu.memory_space<vmem>>, vector<1x16xi32>,
        %get3A_88 = vector.shape_cast %get3A_87 : vector<1x16xi32> to vector<16xi32>
        %get3A_89 = arith.index_cast %scan3A_64 : i32 to index
        %get3A_90 = arith.constant 16 : index
        %get3A_91 = tpu.vector_load %arg8[%get3A_89, %get3A_90] {strides = array<i32>} : memref<32x128xi32, #tpu.memory_space<vmem>>, vector<1x16xi32>,
        %get3A_92 = vector.shape_cast %get3A_91 : vector<1x16xi32> to vector<16xi32>
        %ge3A_93 = arith.constant 1 : i32
        %ge3A_94 = vector.broadcast %ge3A_93 : i32 to vector<16xi32>
        %ge3A_95 = arith.cmpi sge, %get3A_88, %ge3A_94 : vector<16xi32>
        %le3A_96 = arith.constant 4 : i32
        %le3A_97 = vector.broadcast %le3A_96 : i32 to vector<16xi32>
        %le3A_98 = arith.cmpi sle, %get3A_88, %le3A_97 : vector<16xi32>
        %and3A_99 = arith.andi %ge3A_95, %le3A_98 : vector<16xi1>
        %jit3A_100 = arith.constant 0 : i32
        %broadcast_in_dim3A_101 = vector.broadcast %jit3A_100 : i32 to vector<16xi32>
        %select_n3A_102 = arith.select %and3A_99, %get3A_88, %broadcast_in_dim3A_101 : vector<16xi1>, vector<16xi32>
        %mul3A_103 = arith.constant 10000 : i32
        %mul3A_104 = vector.broadcast %mul3A_103 : i32 to vector<16xi32>
        %mul3A_105 = arith.muli %select_n3A_102, %mul3A_104 : vector<16xi32>
        %add3A_106 = arith.addi %mul3A_105, %get3A_92 : vector<16xi32>
        %swap3A_107 = arith.index_cast %scan3A_64 : i32 to index
        %swap3A_108 = arith.constant 16 : index
        %swap3A_109 = tpu.vector_load %arg9[%swap3A_107, %swap3A_108] {strides = array<i32>} : memref<32x128xi32, #tpu.memory_space<vmem>>, vector<1x16xi32>,
        %swap3A_110 = vector.shape_cast %swap3A_109 : vector<1x16xi32> to vector<16xi32>
        %swap3A_111 = vector.shape_cast %add3A_106 : vector<16xi32> to vector<1x16xi32>
        tpu.vector_store %arg9[%swap3A_107, %swap3A_108], %swap3A_111 {strides = array<i32>} : memref<32x128xi32, #tpu.memory_space<vmem>>, vector<1x16xi32>,
        %get3A_112 = arith.index_cast %scan3A_64 : i32 to index
        %get3A_113 = arith.constant 32 : index
        %get3A_114 = tpu.vector_load %arg9[%get3A_112, %get3A_113] {strides = array<i32>} : memref<32x128xi32, #tpu.memory_space<vmem>>, vector<1x16xi32>,
        %get3A_115 = vector.shape_cast %get3A_114 : vector<1x16xi32> to vector<16xi32>
        %get3A_116 = arith.index_cast %scan3A_64 : i32 to index
        %get3A_117 = arith.constant 32 : index
        %get3A_118 = tpu.vector_load %arg8[%get3A_116, %get3A_117] {strides = array<i32>} : memref<32x128xi32, #tpu.memory_space<vmem>>, vector<1x16xi32>,
        %get3A_119 = vector.shape_cast %get3A_118 : vector<1x16xi32> to vector<16xi32>
        %ge3A_120 = arith.constant 1 : i32
        %ge3A_121 = vector.broadcast %ge3A_120 : i32 to vector<16xi32>
        %ge3A_122 = arith.cmpi sge, %get3A_115, %ge3A_121 : vector<16xi32>
        %le3A_123 = arith.constant 4 : i32
        %le3A_124 = vector.broadcast %le3A_123 : i32 to vector<16xi32>
        %le3A_125 = arith.cmpi sle, %get3A_115, %le3A_124 : vector<16xi32>
        %and3A_126 = arith.andi %ge3A_122, %le3A_125 : vector<16xi1>
        %jit3A_127 = arith.constant 0 : i32
        %broadcast_in_dim3A_128 = vector.broadcast %jit3A_127 : i32 to vector<16xi32>
        %select_n3A_129 = arith.select %and3A_126, %get3A_115, %broadcast_in_dim3A_128 : vector<16xi1>, vector<16xi32>
        %mul3A_130 = arith.constant 10000 : i32
        %mul3A_131 = vector.broadcast %mul3A_130 : i32 to vector<16xi32>
        %mul3A_132 = arith.muli %select_n3A_129, %mul3A_131 : vector<16xi32>
        %add3A_133 = arith.addi %mul3A_132, %get3A_119 : vector<16xi32>
        %swap3A_134 = arith.index_cast %scan3A_64 : i32 to index
        %swap3A_135 = arith.constant 32 : index
        %swap3A_136 = tpu.vector_load %arg9[%swap3A_134, %swap3A_135] {strides = array<i32>} : memref<32x128xi32, #tpu.memory_space<vmem>>, vector<1x16xi32>,
        %swap3A_137 = vector.shape_cast %swap3A_136 : vector<1x16xi32> to vector<16xi32>
        %swap3A_138 = vector.shape_cast %add3A_133 : vector<16xi32> to vector<1x16xi32>
        tpu.vector_store %arg9[%swap3A_134, %swap3A_135], %swap3A_138 {strides = array<i32>} : memref<32x128xi32, #tpu.memory_space<vmem>>, vector<1x16xi32>,
        %get3A_139 = arith.index_cast %scan3A_64 : i32 to index
        %get3A_140 = arith.constant 48 : index
        %get3A_141 = tpu.vector_load %arg9[%get3A_139, %get3A_140] {strides = array<i32>} : memref<32x128xi32, #tpu.memory_space<vmem>>, vector<1x16xi32>,
        %get3A_142 = vector.shape_cast %get3A_141 : vector<1x16xi32> to vector<16xi32>
        %get3A_143 = arith.index_cast %scan3A_64 : i32 to index
        %get3A_144 = arith.constant 48 : index
        %get3A_145 = tpu.vector_load %arg8[%get3A_143, %get3A_144] {strides = array<i32>} : memref<32x128xi32, #tpu.memory_space<vmem>>, vector<1x16xi32>,
        %get3A_146 = vector.shape_cast %get3A_145 : vector<1x16xi32> to vector<16xi32>
        %ge3A_147 = arith.constant 1 : i32
        %ge3A_148 = vector.broadcast %ge3A_147 : i32 to vector<16xi32>
        %ge3A_149 = arith.cmpi sge, %get3A_142, %ge3A_148 : vector<16xi32>
        %le3A_150 = arith.constant 4 : i32
        %le3A_151 = vector.broadcast %le3A_150 : i32 to vector<16xi32>
        %le3A_152 = arith.cmpi sle, %get3A_142, %le3A_151 : vector<16xi32>
        %and3A_153 = arith.andi %ge3A_149, %le3A_152 : vector<16xi1>
        %jit3A_154 = arith.constant 0 : i32
        %broadcast_in_dim3A_155 = vector.broadcast %jit3A_154 : i32 to vector<16xi32>
        %select_n3A_156 = arith.select %and3A_153, %get3A_142, %broadcast_in_dim3A_155 : vector<16xi1>, vector<16xi32>
        %mul3A_157 = arith.constant 10000 : i32
        %mul3A_158 = vector.broadcast %mul3A_157 : i32 to vector<16xi32>
        %mul3A_159 = arith.muli %select_n3A_156, %mul3A_158 : vector<16xi32>
        %add3A_160 = arith.addi %mul3A_159, %get3A_146 : vector<16xi32>
        %swap3A_161 = arith.index_cast %scan3A_64 : i32 to index
        %swap3A_162 = arith.constant 48 : index
        %swap3A_163 = tpu.vector_load %arg9[%swap3A_161, %swap3A_162] {strides = array<i32>} : memref<32x128xi32, #tpu.memory_space<vmem>>, vector<1x16xi32>,
        %swap3A_164 = vector.shape_cast %swap3A_163 : vector<1x16xi32> to vector<16xi32>
        %swap3A_165 = vector.shape_cast %add3A_160 : vector<16xi32> to vector<1x16xi32>
        tpu.vector_store %arg9[%swap3A_161, %swap3A_162], %swap3A_165 {strides = array<i32>} : memref<32x128xi32, #tpu.memory_space<vmem>>, vector<1x16xi32>,
        %get3A_166 = arith.index_cast %scan3A_64 : i32 to index
        %get3A_167 = arith.constant 64 : index
        %get3A_168 = tpu.vector_load %arg9[%get3A_166, %get3A_167] {strides = array<i32>} : memref<32x128xi32, #tpu.memory_space<vmem>>, vector<1x16xi32>,
        %get3A_169 = vector.shape_cast %get3A_168 : vector<1x16xi32> to vector<16xi32>
        %get3A_170 = arith.index_cast %scan3A_64 : i32 to index
        %get3A_171 = arith.constant 64 : index
        %get3A_172 = tpu.vector_load %arg8[%get3A_170, %get3A_171] {strides = array<i32>} : memref<32x128xi32, #tpu.memory_space<vmem>>, vector<1x16xi32>,
        %get3A_173 = vector.shape_cast %get3A_172 : vector<1x16xi32> to vector<16xi32>
        %ge3A_174 = arith.constant 1 : i32
        %ge3A_175 = vector.broadcast %ge3A_174 : i32 to vector<16xi32>
        %ge3A_176 = arith.cmpi sge, %get3A_169, %ge3A_175 : vector<16xi32>
        %le3A_177 = arith.constant 4 : i32
        %le3A_178 = vector.broadcast %le3A_177 : i32 to vector<16xi32>
        %le3A_179 = arith.cmpi sle, %get3A_169, %le3A_178 : vector<16xi32>
        %and3A_180 = arith.andi %ge3A_176, %le3A_179 : vector<16xi1>
        %jit3A_181 = arith.constant 0 : i32
        %broadcast_in_dim3A_182 = vector.broadcast %jit3A_181 : i32 to vector<16xi32>
        %select_n3A_183 = arith.select %and3A_180, %get3A_169, %broadcast_in_dim3A_182 : vector<16xi1>, vector<16xi32>
        %mul3A_184 = arith.constant 10000 : i32
        %mul3A_185 = vector.broadcast %mul3A_184 : i32 to vector<16xi32>
        %mul3A_186 = arith.muli %select_n3A_183, %mul3A_185 : vector<16xi32>
        %add3A_187 = arith.addi %mul3A_186, %get3A_173 : vector<16xi32>
        %swap3A_188 = arith.index_cast %scan3A_64 : i32 to index
        %swap3A_189 = arith.constant 64 : index
        %swap3A_190 = tpu.vector_load %arg9[%swap3A_188, %swap3A_189] {strides = array<i32>} : memref<32x128xi32, #tpu.memory_space<vmem>>, vector<1x16xi32>,
        %swap3A_191 = vector.shape_cast %swap3A_190 : vector<1x16xi32> to vector<16xi32>
        %swap3A_192 = vector.shape_cast %add3A_187 : vector<16xi32> to vector<1x16xi32>
        tpu.vector_store %arg9[%swap3A_188, %swap3A_189], %swap3A_192 {strides = array<i32>} : memref<32x128xi32, #tpu.memory_space<vmem>>, vector<1x16xi32>,
        %get3A_193 = arith.index_cast %scan3A_64 : i32 to index
        %get3A_194 = arith.constant 80 : index
        %get3A_195 = tpu.vector_load %arg9[%get3A_193, %get3A_194] {strides = array<i32>} : memref<32x128xi32, #tpu.memory_space<vmem>>, vector<1x16xi32>,
        %get3A_196 = vector.shape_cast %get3A_195 : vector<1x16xi32> to vector<16xi32>
        %get3A_197 = arith.index_cast %scan3A_64 : i32 to index
        %get3A_198 = arith.constant 80 : index
        %get3A_199 = tpu.vector_load %arg8[%get3A_197, %get3A_198] {strides = array<i32>} : memref<32x128xi32, #tpu.memory_space<vmem>>, vector<1x16xi32>,
        %get3A_200 = vector.shape_cast %get3A_199 : vector<1x16xi32> to vector<16xi32>
        %ge3A_201 = arith.constant 1 : i32
        %ge3A_202 = vector.broadcast %ge3A_201 : i32 to vector<16xi32>
        %ge3A_203 = arith.cmpi sge, %get3A_196, %ge3A_202 : vector<16xi32>
        %le3A_204 = arith.constant 4 : i32
        %le3A_205 = vector.broadcast %le3A_204 : i32 to vector<16xi32>
        %le3A_206 = arith.cmpi sle, %get3A_196, %le3A_205 : vector<16xi32>
        %and3A_207 = arith.andi %ge3A_203, %le3A_206 : vector<16xi1>
        %jit3A_208 = arith.constant 0 : i32
        %broadcast_in_dim3A_209 = vector.broadcast %jit3A_208 : i32 to vector<16xi32>
        %select_n3A_210 = arith.select %and3A_207, %get3A_196, %broadcast_in_dim3A_209 : vector<16xi1>, vector<16xi32>
        %mul3A_211 = arith.constant 10000 : i32
        %mul3A_212 = vector.broadcast %mul3A_211 : i32 to vector<16xi32>
        %mul3A_213 = arith.muli %select_n3A_210, %mul3A_212 : vector<16xi32>
        %add3A_214 = arith.addi %mul3A_213, %get3A_200 : vector<16xi32>
        %swap3A_215 = arith.index_cast %scan3A_64 : i32 to index
        %swap3A_216 = arith.constant 80 : index
        %swap3A_217 = tpu.vector_load %arg9[%swap3A_215, %swap3A_216] {strides = array<i32>} : memref<32x128xi32, #tpu.memory_space<vmem>>, vector<1x16xi32>,
        %swap3A_218 = vector.shape_cast %swap3A_217 : vector<1x16xi32> to vector<16xi32>
        %swap3A_219 = vector.shape_cast %add3A_214 : vector<16xi32> to vector<1x16xi32>
        tpu.vector_store %arg9[%swap3A_215, %swap3A_216], %swap3A_219 {strides = array<i32>} : memref<32x128xi32, #tpu.memory_space<vmem>>, vector<1x16xi32>,
        %get3A_220 = arith.index_cast %scan3A_64 : i32 to index
        %get3A_221 = arith.constant 96 : index
        %get3A_222 = tpu.vector_load %arg9[%get3A_220, %get3A_221] {strides = array<i32>} : memref<32x128xi32, #tpu.memory_space<vmem>>, vector<1x16xi32>,
        %get3A_223 = vector.shape_cast %get3A_222 : vector<1x16xi32> to vector<16xi32>
        %get3A_224 = arith.index_cast %scan3A_64 : i32 to index
        %get3A_225 = arith.constant 96 : index
        %get3A_226 = tpu.vector_load %arg8[%get3A_224, %get3A_225] {strides = array<i32>} : memref<32x128xi32, #tpu.memory_space<vmem>>, vector<1x16xi32>,
        %get3A_227 = vector.shape_cast %get3A_226 : vector<1x16xi32> to vector<16xi32>
        %ge3A_228 = arith.constant 1 : i32
        %ge3A_229 = vector.broadcast %ge3A_228 : i32 to vector<16xi32>
        %ge3A_230 = arith.cmpi sge, %get3A_223, %ge3A_229 : vector<16xi32>
        %le3A_231 = arith.constant 4 : i32
        %le3A_232 = vector.broadcast %le3A_231 : i32 to vector<16xi32>
        %le3A_233 = arith.cmpi sle, %get3A_223, %le3A_232 : vector<16xi32>
        %and3A_234 = arith.andi %ge3A_230, %le3A_233 : vector<16xi1>
        %jit3A_235 = arith.constant 0 : i32
        %broadcast_in_dim3A_236 = vector.broadcast %jit3A_235 : i32 to vector<16xi32>
        %select_n3A_237 = arith.select %and3A_234, %get3A_223, %broadcast_in_dim3A_236 : vector<16xi1>, vector<16xi32>
        %mul3A_238 = arith.constant 10000 : i32
        %mul3A_239 = vector.broadcast %mul3A_238 : i32 to vector<16xi32>
        %mul3A_240 = arith.muli %select_n3A_237, %mul3A_239 : vector<16xi32>
        %add3A_241 = arith.addi %mul3A_240, %get3A_227 : vector<16xi32>
        %swap3A_242 = arith.index_cast %scan3A_64 : i32 to index
        %swap3A_243 = arith.constant 96 : index
        %swap3A_244 = tpu.vector_load %arg9[%swap3A_242, %swap3A_243] {strides = array<i32>} : memref<32x128xi32, #tpu.memory_space<vmem>>, vector<1x16xi32>,
        %swap3A_245 = vector.shape_cast %swap3A_244 : vector<1x16xi32> to vector<16xi32>
        %swap3A_246 = vector.shape_cast %add3A_241 : vector<16xi32> to vector<1x16xi32>
        tpu.vector_store %arg9[%swap3A_242, %swap3A_243], %swap3A_246 {strides = array<i32>} : memref<32x128xi32, #tpu.memory_space<vmem>>, vector<1x16xi32>,
        %get3A_247 = arith.index_cast %scan3A_64 : i32 to index
        %get3A_248 = arith.constant 112 : index
        %get3A_249 = tpu.vector_load %arg9[%get3A_247, %get3A_248] {strides = array<i32>} : memref<32x128xi32, #tpu.memory_space<vmem>>, vector<1x16xi32>,
        %get3A_250 = vector.shape_cast %get3A_249 : vector<1x16xi32> to vector<16xi32>
        %get3A_251 = arith.index_cast %scan3A_64 : i32 to index
        %get3A_252 = arith.constant 112 : index
        %get3A_253 = tpu.vector_load %arg8[%get3A_251, %get3A_252] {strides = array<i32>} : memref<32x128xi32, #tpu.memory_space<vmem>>, vector<1x16xi32>,
        %get3A_254 = vector.shape_cast %get3A_253 : vector<1x16xi32> to vector<16xi32>
        %ge3A_255 = arith.constant 1 : i32
        %ge3A_256 = vector.broadcast %ge3A_255 : i32 to vector<16xi32>
        %ge3A_257 = arith.cmpi sge, %get3A_250, %ge3A_256 : vector<16xi32>
        %le3A_258 = arith.constant 4 : i32
        %le3A_259 = vector.broadcast %le3A_258 : i32 to vector<16xi32>
        %le3A_260 = arith.cmpi sle, %get3A_250, %le3A_259 : vector<16xi32>
        %and3A_261 = arith.andi %ge3A_257, %le3A_260 : vector<16xi1>
        %jit3A_262 = arith.constant 0 : i32
        %broadcast_in_dim3A_263 = vector.broadcast %jit3A_262 : i32 to vector<16xi32>
        %select_n3A_264 = arith.select %and3A_261, %get3A_250, %broadcast_in_dim3A_263 : vector<16xi1>, vector<16xi32>
        %mul3A_265 = arith.constant 10000 : i32
        %mul3A_266 = vector.broadcast %mul3A_265 : i32 to vector<16xi32>
        %mul3A_267 = arith.muli %select_n3A_264, %mul3A_266 : vector<16xi32>
        %add3A_268 = arith.addi %mul3A_267, %get3A_254 : vector<16xi32>
        %swap3A_269 = arith.index_cast %scan3A_64 : i32 to index
        %swap3A_270 = arith.constant 112 : index
        %swap3A_271 = tpu.vector_load %arg9[%swap3A_269, %swap3A_270] {strides = array<i32>} : memref<32x128xi32, #tpu.memory_space<vmem>>, vector<1x16xi32>,
        %swap3A_272 = vector.shape_cast %swap3A_271 : vector<1x16xi32> to vector<16xi32>
        %swap3A_273 = vector.shape_cast %add3A_268 : vector<16xi32> to vector<1x16xi32>
        tpu.vector_store %arg9[%swap3A_269, %swap3A_270], %swap3A_273 {strides = array<i32>} : memref<32x128xi32, #tpu.memory_space<vmem>>, vector<1x16xi32>,
      }
      %scan3A_57 = arith.constant 32 : i32
      %scan3A_58 = arith.constant 0 : i32
      %scan3A_59 = arith.constant 0 : i32
      %scan3A_60 = arith.constant 32 : i32
      %scan3A_61 = arith.addi %scan3A_59, %scan3A_60 : i32
      %scan3A_62 = arith.constant 1 : i32
      scf.for %scan3A_64 = %scan3A_59 to %scan3A_61 step %scan3A_62  : i32 {
        %dma_start3A = arith.constant 0 : i32
        %dma_start3A_65 = tpu.memref_slice %arg9[%scan3A_64, %dma_start3A] : memref<32x128xi32, #tpu.memory_space<vmem>> -> memref<1x128xi32, #tpu.memory_space<vmem>>
        %dma_start3A_66 = tpu.memref_squeeze %dma_start3A_65 : memref<1x128xi32, #tpu.memory_space<vmem>> -> memref<128xi32, #tpu.memory_space<vmem>>
        %dma_start3A_67 = arith.constant 0 : i32
        %dma_start3A_68 = arith.constant 0 : i32
        %dma_start3A_69 = tpu.memref_slice %arg2[%dma_start3A_67, %dma_start3A_68] : memref<50000x128xf32, #tpu.memory_space<hbm>> -> memref<50000x128xf32, #tpu.memory_space<hbm>>
        tpu.enqueue_indirect_dma source(%dma_start3A_69 : memref<50000x128xf32, #tpu.memory_space<hbm>>) target(%arg11 : memref<128x128xf32, #tpu.memory_space<vmem>>) offsets(%dma_start3A_66 : memref<128xi32, #tpu.memory_space<vmem>>) semaphore(%arg12 : memref<!tpu.dma_semaphore, #tpu.memory_space<semaphore_mem>>)
        %dma_wait3A = arith.constant 0 : i32
        %dma_wait3A_70 = tpu.memref_slice %arg9[%scan3A_64, %dma_wait3A] : memref<32x128xi32, #tpu.memory_space<vmem>> -> memref<1x128xi32, #tpu.memory_space<vmem>>
        %dma_wait3A_71 = tpu.memref_squeeze %dma_wait3A_70 : memref<1x128xi32, #tpu.memory_space<vmem>> -> memref<128xi32, #tpu.memory_space<vmem>>
        %dma_wait3A_72 = arith.constant 0 : i32
        %dma_wait3A_73 = arith.constant 0 : i32
        %dma_wait3A_74 = tpu.memref_slice %arg2[%dma_wait3A_72, %dma_wait3A_73] : memref<50000x128xf32, #tpu.memory_space<hbm>> -> memref<50000x128xf32, #tpu.memory_space<hbm>>
        tpu.wait_indirect_dma semaphore(%arg12 : memref<!tpu.dma_semaphore, #tpu.memory_space<semaphore_mem>>) src(%dma_wait3A_74 : memref<50000x128xf32, #tpu.memory_space<hbm>>) dst(%arg11 : memref<128x128xf32, #tpu.memory_space<vmem>>)
        "tpu.region"() ({
          %run_scoped3A = tpu.sem_alloc : memref<!tpu.dma_semaphore, #tpu.memory_space<semaphore_mem>>
          %dma_start3A_75 = arith.constant 0 : i32
          %dma_start3A_76 = tpu.memref_slice %arg10[%scan3A_64, %dma_start3A_75] : memref<32x128xi32, #tpu.memory_space<vmem>> -> memref<1x128xi32, #tpu.memory_space<vmem>>
          %dma_start3A_77 = tpu.memref_squeeze %dma_start3A_76 : memref<1x128xi32, #tpu.memory_space<vmem>> -> memref<128xi32, #tpu.memory_space<vmem>>
          %dma_start3A_78 = arith.constant 0 : i32
          %dma_start3A_79 = arith.constant 0 : i32
          %dma_start3A_80 = tpu.memref_slice %arg7[%dma_start3A_78, %dma_start3A_79] : memref<10112x128xf32, #tpu.memory_space<vmem_shared>> -> memref<10112x128xf32, #tpu.memory_space<vmem_shared>>
          tpu.enqueue_indirect_dma source(%arg11 : memref<128x128xf32, #tpu.memory_space<vmem>>) target(%dma_start3A_80 : memref<10112x128xf32, #tpu.memory_space<vmem_shared>>) offsets(%dma_start3A_77 : memref<128xi32, #tpu.memory_space<vmem>>) semaphore(%run_scoped3A : memref<!tpu.dma_semaphore, #tpu.memory_space<semaphore_mem>>) {add = true}
          %dma_wait3A_81 = arith.constant 0 : i32
          %dma_wait3A_82 = tpu.memref_slice %arg10[%scan3A_64, %dma_wait3A_81] : memref<32x128xi32, #tpu.memory_space<vmem>> -> memref<1x128xi32, #tpu.memory_space<vmem>>
          %dma_wait3A_83 = tpu.memref_squeeze %dma_wait3A_82 : memref<1x128xi32, #tpu.memory_space<vmem>> -> memref<128xi32, #tpu.memory_space<vmem>>
          %dma_wait3A_84 = arith.constant 0 : i32
          %dma_wait3A_85 = arith.constant 0 : i32
          %dma_wait3A_86 = tpu.memref_slice %arg7[%dma_wait3A_84, %dma_wait3A_85] : memref<10112x128xf32, #tpu.memory_space<vmem_shared>> -> memref<10112x128xf32, #tpu.memory_space<vmem_shared>>
          tpu.wait_indirect_dma semaphore(%run_scoped3A : memref<!tpu.dma_semaphore, #tpu.memory_space<semaphore_mem>>) src(%arg11 : memref<128x128xf32, #tpu.memory_space<vmem>>) dst(%dma_wait3A_86 : memref<10112x128xf32, #tpu.memory_space<vmem_shared>>)
          tpu.yield
        }) : () -> ()
      }
      %scan3A_63 = arith.constant 32 : i32
    }
    %scan3A_24 = arith.constant 5 : i32
    %barrier3A_25 = arith.constant 0 : index
    tpu.barrier barrier_id(%barrier3A_25)
    %add3A_26 = arith.constant 0 : i32
    %add3A_27 = arith.addi %mul3A_8, %add3A_26 : i32
    "tpu.region"() ({
      %run_scoped3A = tpu.sem_alloc : memref<!tpu.dma_semaphore, #tpu.memory_space<semaphore_mem>>
      %dma_start3A = arith.constant 0 : i32
      %dma_start3A_46 = tpu.memref_slice %arg7[%add3A_27, %dma_start3A] : memref<10112x128xf32, #tpu.memory_space<vmem_shared>> -> memref<128x128xf32, #tpu.memory_space<vmem_shared>>
      %dma_start3A_47 = arith.constant 0 : i32
      %dma_start3A_48 = tpu.memref_slice %arg7[%add3A_27, %dma_start3A_47] : memref<10112x128xf32, #tpu.memory_space<vmem_shared>> -> memref<128x128xf32, #tpu.memory_space<vmem_shared>>
      tpu.enqueue_dma source(%dma_start3A_48 : memref<128x128xf32, #tpu.memory_space<vmem_shared>>) target(%arg11 : memref<128x128xf32, #tpu.memory_space<vmem>>) target_semaphore(%run_scoped3A : memref<!tpu.dma_semaphore, #tpu.memory_space<semaphore_mem>>)
      %dma_wait3A = arith.constant 0 : i32
      %dma_wait3A_49 = tpu.memref_slice %arg7[%add3A_27, %dma_wait3A] : memref<10112x128xf32, #tpu.memory_space<vmem_shared>> -> memref<128x128xf32, #tpu.memory_space<vmem_shared>>
      %dma_wait3A_50 = arith.constant 0 : i32
      %dma_wait3A_51 = tpu.memref_slice %arg7[%add3A_27, %dma_wait3A_50] : memref<10112x128xf32, #tpu.memory_space<vmem_shared>> -> memref<128x128xf32, #tpu.memory_space<vmem_shared>>
      tpu.wait_dma2 semaphore(%run_scoped3A : memref<!tpu.dma_semaphore, #tpu.memory_space<semaphore_mem>>) src(%dma_wait3A_51 : memref<128x128xf32, #tpu.memory_space<vmem_shared>>) dst(%arg11 : memref<128x128xf32, #tpu.memory_space<vmem>>)
      tpu.yield
    }) : () -> ()
    %add3A_28 = arith.constant 0 : i32
    %add3A_29 = arith.addi %mul3A_8, %add3A_28 : i32
    "tpu.region"() ({
      %run_scoped3A = tpu.sem_alloc : memref<!tpu.dma_semaphore, #tpu.memory_space<semaphore_mem>>
      %dma_start3A = arith.constant 0 : i32
      %dma_start3A_46 = tpu.memref_slice %arg6[%arg0, %add3A_29, %dma_start3A] : memref<2x10112x128xf32, #tpu.memory_space<hbm>> -> memref<1x128x128xf32, #tpu.memory_space<hbm>>
      %dma_start3A_47 = tpu.memref_squeeze %dma_start3A_46 : memref<1x128x128xf32, #tpu.memory_space<hbm>> -> memref<128x128xf32, #tpu.memory_space<hbm>>
      %dma_start3A_48 = arith.constant 0 : i32
      %dma_start3A_49 = tpu.memref_slice %arg6[%arg0, %add3A_29, %dma_start3A_48] : memref<2x10112x128xf32, #tpu.memory_space<hbm>> -> memref<1x128x128xf32, #tpu.memory_space<hbm>>
      %dma_start3A_50 = tpu.memref_squeeze %dma_start3A_49 : memref<1x128x128xf32, #tpu.memory_space<hbm>> -> memref<128x128xf32, #tpu.memory_space<hbm>>
      tpu.enqueue_dma source(%arg11 : memref<128x128xf32, #tpu.memory_space<vmem>>) target(%dma_start3A_50 : memref<128x128xf32, #tpu.memory_space<hbm>>) target_semaphore(%run_scoped3A : memref<!tpu.dma_semaphore, #tpu.memory_space<semaphore_mem>>)
      %dma_wait3A = arith.constant 0 : i32
      %dma_wait3A_51 = tpu.memref_slice %arg6[%arg0, %add3A_29, %dma_wait3A] : memref<2x10112x128xf32, #tpu.memory_space<hbm>> -> memref<1x128x128xf32, #tpu.memory_space<hbm>>
      %dma_wait3A_52 = tpu.memref_squeeze %dma_wait3A_51 : memref<1x128x128xf32, #tpu.memory_space<hbm>> -> memref<128x128xf32, #tpu.memory_space<hbm>>
      %dma_wait3A_53 = arith.constant 0 : i32
      %dma_wait3A_54 = tpu.memref_slice %arg6[%arg0, %add3A_29, %dma_wait3A_53] : memref<2x10112x128xf32, #tpu.memory_space<hbm>> -> memref<1x128x128xf32, #tpu.memory_space<hbm>>
      %dma_wait3A_55 = tpu.memref_squeeze %dma_wait3A_54 : memref<1x128x128xf32, #tpu.memory_space<hbm>> -> memref<128x128xf32, #tpu.memory_space<hbm>>
      tpu.wait_dma2 semaphore(%run_scoped3A : memref<!tpu.dma_semaphore, #tpu.memory_space<semaphore_mem>>) src(%arg11 : memref<128x128xf32, #tpu.memory_space<vmem>>) dst(%dma_wait3A_55 : memref<128x128xf32, #tpu.memory_space<hbm>>)
      tpu.yield
    }) : () -> ()
    %add3A_30 = arith.constant 128 : i32
    %add3A_31 = arith.addi %mul3A_8, %add3A_30 : i32
    "tpu.region"() ({
      %run_scoped3A = tpu.sem_alloc : memref<!tpu.dma_semaphore, #tpu.memory_space<semaphore_mem>>
      %dma_start3A = arith.constant 0 : i32
      %dma_start3A_46 = tpu.memref_slice %arg7[%add3A_31, %dma_start3A] : memref<10112x128xf32, #tpu.memory_space<vmem_shared>> -> memref<128x128xf32, #tpu.memory_space<vmem_shared>>
      %dma_start3A_47 = arith.constant 0 : i32
      %dma_start3A_48 = tpu.memref_slice %arg7[%add3A_31, %dma_start3A_47] : memref<10112x128xf32, #tpu.memory_space<vmem_shared>> -> memref<128x128xf32, #tpu.memory_space<vmem_shared>>
      tpu.enqueue_dma source(%dma_start3A_48 : memref<128x128xf32, #tpu.memory_space<vmem_shared>>) target(%arg11 : memref<128x128xf32, #tpu.memory_space<vmem>>) target_semaphore(%run_scoped3A : memref<!tpu.dma_semaphore, #tpu.memory_space<semaphore_mem>>)
      %dma_wait3A = arith.constant 0 : i32
      %dma_wait3A_49 = tpu.memref_slice %arg7[%add3A_31, %dma_wait3A] : memref<10112x128xf32, #tpu.memory_space<vmem_shared>> -> memref<128x128xf32, #tpu.memory_space<vmem_shared>>
      %dma_wait3A_50 = arith.constant 0 : i32
      %dma_wait3A_51 = tpu.memref_slice %arg7[%add3A_31, %dma_wait3A_50] : memref<10112x128xf32, #tpu.memory_space<vmem_shared>> -> memref<128x128xf32, #tpu.memory_space<vmem_shared>>
      tpu.wait_dma2 semaphore(%run_scoped3A : memref<!tpu.dma_semaphore, #tpu.memory_space<semaphore_mem>>) src(%dma_wait3A_51 : memref<128x128xf32, #tpu.memory_space<vmem_shared>>) dst(%arg11 : memref<128x128xf32, #tpu.memory_space<vmem>>)
      tpu.yield
    }) : () -> ()
    %add3A_32 = arith.constant 128 : i32
    %add3A_33 = arith.addi %mul3A_8, %add3A_32 : i32
    "tpu.region"() ({
      %run_scoped3A = tpu.sem_alloc : memref<!tpu.dma_semaphore, #tpu.memory_space<semaphore_mem>>
      %dma_start3A = arith.constant 0 : i32
      %dma_start3A_46 = tpu.memref_slice %arg6[%arg0, %add3A_33, %dma_start3A] : memref<2x10112x128xf32, #tpu.memory_space<hbm>> -> memref<1x128x128xf32, #tpu.memory_space<hbm>>
      %dma_start3A_47 = tpu.memref_squeeze %dma_start3A_46 : memref<1x128x128xf32, #tpu.memory_space<hbm>> -> memref<128x128xf32, #tpu.memory_space<hbm>>
      %dma_start3A_48 = arith.constant 0 : i32
      %dma_start3A_49 = tpu.memref_slice %arg6[%arg0, %add3A_33, %dma_start3A_48] : memref<2x10112x128xf32, #tpu.memory_space<hbm>> -> memref<1x128x128xf32, #tpu.memory_space<hbm>>
      %dma_start3A_50 = tpu.memref_squeeze %dma_start3A_49 : memref<1x128x128xf32, #tpu.memory_space<hbm>> -> memref<128x128xf32, #tpu.memory_space<hbm>>
      tpu.enqueue_dma source(%arg11 : memref<128x128xf32, #tpu.memory_space<vmem>>) target(%dma_start3A_50 : memref<128x128xf32, #tpu.memory_space<hbm>>) target_semaphore(%run_scoped3A : memref<!tpu.dma_semaphore, #tpu.memory_space<semaphore_mem>>)
      %dma_wait3A = arith.constant 0 : i32
      %dma_wait3A_51 = tpu.memref_slice %arg6[%arg0, %add3A_33, %dma_wait3A] : memref<2x10112x128xf32, #tpu.memory_space<hbm>> -> memref<1x128x128xf32, #tpu.memory_space<hbm>>
      %dma_wait3A_52 = tpu.memref_squeeze %dma_wait3A_51 : memref<1x128x128xf32, #tpu.memory_space<hbm>> -> memref<128x128xf32, #tpu.memory_space<hbm>>
      %dma_wait3A_53 = arith.constant 0 : i32
      %dma_wait3A_54 = tpu.memref_slice %arg6[%arg0, %add3A_33, %dma_wait3A_53] : memref<2x10112x128xf32, #tpu.memory_space<hbm>> -> memref<1x128x128xf32, #tpu.memory_space<hbm>>
      %dma_wait3A_55 = tpu.memref_squeeze %dma_wait3A_54 : memref<1x128x128xf32, #tpu.memory_space<hbm>> -> memref<128x128xf32, #tpu.memory_space<hbm>>
      tpu.wait_dma2 semaphore(%run_scoped3A : memref<!tpu.dma_semaphore, #tpu.memory_space<semaphore_mem>>) src(%arg11 : memref<128x128xf32, #tpu.memory_space<vmem>>) dst(%dma_wait3A_55 : memref<128x128xf32, #tpu.memory_space<hbm>>)
      tpu.yield
    }) : () -> ()
    %add3A_34 = arith.constant 256 : i32
    %add3A_35 = arith.addi %mul3A_8, %add3A_34 : i32
    "tpu.region"() ({
      %run_scoped3A = tpu.sem_alloc : memref<!tpu.dma_semaphore, #tpu.memory_space<semaphore_mem>>
      %dma_start3A = arith.constant 0 : i32
      %dma_start3A_46 = tpu.memref_slice %arg7[%add3A_35, %dma_start3A] : memref<10112x128xf32, #tpu.memory_space<vmem_shared>> -> memref<128x128xf32, #tpu.memory_space<vmem_shared>>
      %dma_start3A_47 = arith.constant 0 : i32
      %dma_start3A_48 = tpu.memref_slice %arg7[%add3A_35, %dma_start3A_47] : memref<10112x128xf32, #tpu.memory_space<vmem_shared>> -> memref<128x128xf32, #tpu.memory_space<vmem_shared>>
      tpu.enqueue_dma source(%dma_start3A_48 : memref<128x128xf32, #tpu.memory_space<vmem_shared>>) target(%arg11 : memref<128x128xf32, #tpu.memory_space<vmem>>) target_semaphore(%run_scoped3A : memref<!tpu.dma_semaphore, #tpu.memory_space<semaphore_mem>>)
      %dma_wait3A = arith.constant 0 : i32
      %dma_wait3A_49 = tpu.memref_slice %arg7[%add3A_35, %dma_wait3A] : memref<10112x128xf32, #tpu.memory_space<vmem_shared>> -> memref<128x128xf32, #tpu.memory_space<vmem_shared>>
      %dma_wait3A_50 = arith.constant 0 : i32
      %dma_wait3A_51 = tpu.memref_slice %arg7[%add3A_35, %dma_wait3A_50] : memref<10112x128xf32, #tpu.memory_space<vmem_shared>> -> memref<128x128xf32, #tpu.memory_space<vmem_shared>>
      tpu.wait_dma2 semaphore(%run_scoped3A : memref<!tpu.dma_semaphore, #tpu.memory_space<semaphore_mem>>) src(%dma_wait3A_51 : memref<128x128xf32, #tpu.memory_space<vmem_shared>>) dst(%arg11 : memref<128x128xf32, #tpu.memory_space<vmem>>)
      tpu.yield
    }) : () -> ()
    %add3A_36 = arith.constant 256 : i32
    %add3A_37 = arith.addi %mul3A_8, %add3A_36 : i32
    "tpu.region"() ({
      %run_scoped3A = tpu.sem_alloc : memref<!tpu.dma_semaphore, #tpu.memory_space<semaphore_mem>>
      %dma_start3A = arith.constant 0 : i32
      %dma_start3A_46 = tpu.memref_slice %arg6[%arg0, %add3A_37, %dma_start3A] : memref<2x10112x128xf32, #tpu.memory_space<hbm>> -> memref<1x128x128xf32, #tpu.memory_space<hbm>>
      %dma_start3A_47 = tpu.memref_squeeze %dma_start3A_46 : memref<1x128x128xf32, #tpu.memory_space<hbm>> -> memref<128x128xf32, #tpu.memory_space<hbm>>
      %dma_start3A_48 = arith.constant 0 : i32
      %dma_start3A_49 = tpu.memref_slice %arg6[%arg0, %add3A_37, %dma_start3A_48] : memref<2x10112x128xf32, #tpu.memory_space<hbm>> -> memref<1x128x128xf32, #tpu.memory_space<hbm>>
      %dma_start3A_50 = tpu.memref_squeeze %dma_start3A_49 : memref<1x128x128xf32, #tpu.memory_space<hbm>> -> memref<128x128xf32, #tpu.memory_space<hbm>>
      tpu.enqueue_dma source(%arg11 : memref<128x128xf32, #tpu.memory_space<vmem>>) target(%dma_start3A_50 : memref<128x128xf32, #tpu.memory_space<hbm>>) target_semaphore(%run_scoped3A : memref<!tpu.dma_semaphore, #tpu.memory_space<semaphore_mem>>)
      %dma_wait3A = arith.constant 0 : i32
      %dma_wait3A_51 = tpu.memref_slice %arg6[%arg0, %add3A_37, %dma_wait3A] : memref<2x10112x128xf32, #tpu.memory_space<hbm>> -> memref<1x128x128xf32, #tpu.memory_space<hbm>>
      %dma_wait3A_52 = tpu.memref_squeeze %dma_wait3A_51 : memref<1x128x128xf32, #tpu.memory_space<hbm>> -> memref<128x128xf32, #tpu.memory_space<hbm>>
      %dma_wait3A_53 = arith.constant 0 : i32
      %dma_wait3A_54 = tpu.memref_slice %arg6[%arg0, %add3A_37, %dma_wait3A_53] : memref<2x10112x128xf32, #tpu.memory_space<hbm>> -> memref<1x128x128xf32, #tpu.memory_space<hbm>>
      %dma_wait3A_55 = tpu.memref_squeeze %dma_wait3A_54 : memref<1x128x128xf32, #tpu.memory_space<hbm>> -> memref<128x128xf32, #tpu.memory_space<hbm>>
      tpu.wait_dma2 semaphore(%run_scoped3A : memref<!tpu.dma_semaphore, #tpu.memory_space<semaphore_mem>>) src(%arg11 : memref<128x128xf32, #tpu.memory_space<vmem>>) dst(%dma_wait3A_55 : memref<128x128xf32, #tpu.memory_space<hbm>>)
      tpu.yield
    }) : () -> ()
    %add3A_38 = arith.constant 384 : i32
    %add3A_39 = arith.addi %mul3A_8, %add3A_38 : i32
    "tpu.region"() ({
      %run_scoped3A = tpu.sem_alloc : memref<!tpu.dma_semaphore, #tpu.memory_space<semaphore_mem>>
      %dma_start3A = arith.constant 0 : i32
      %dma_start3A_46 = tpu.memref_slice %arg7[%add3A_39, %dma_start3A] : memref<10112x128xf32, #tpu.memory_space<vmem_shared>> -> memref<128x128xf32, #tpu.memory_space<vmem_shared>>
      %dma_start3A_47 = arith.constant 0 : i32
      %dma_start3A_48 = tpu.memref_slice %arg7[%add3A_39, %dma_start3A_47] : memref<10112x128xf32, #tpu.memory_space<vmem_shared>> -> memref<128x128xf32, #tpu.memory_space<vmem_shared>>
      tpu.enqueue_dma source(%dma_start3A_48 : memref<128x128xf32, #tpu.memory_space<vmem_shared>>) target(%arg11 : memref<128x128xf32, #tpu.memory_space<vmem>>) target_semaphore(%run_scoped3A : memref<!tpu.dma_semaphore, #tpu.memory_space<semaphore_mem>>)
      %dma_wait3A = arith.constant 0 : i32
      %dma_wait3A_49 = tpu.memref_slice %arg7[%add3A_39, %dma_wait3A] : memref<10112x128xf32, #tpu.memory_space<vmem_shared>> -> memref<128x128xf32, #tpu.memory_space<vmem_shared>>
      %dma_wait3A_50 = arith.constant 0 : i32
      %dma_wait3A_51 = tpu.memref_slice %arg7[%add3A_39, %dma_wait3A_50] : memref<10112x128xf32, #tpu.memory_space<vmem_shared>> -> memref<128x128xf32, #tpu.memory_space<vmem_shared>>
      tpu.wait_dma2 semaphore(%run_scoped3A : memref<!tpu.dma_semaphore, #tpu.memory_space<semaphore_mem>>) src(%dma_wait3A_51 : memref<128x128xf32, #tpu.memory_space<vmem_shared>>) dst(%arg11 : memref<128x128xf32, #tpu.memory_space<vmem>>)
      tpu.yield
    }) : () -> ()
    %add3A_40 = arith.constant 384 : i32
    %add3A_41 = arith.addi %mul3A_8, %add3A_40 : i32
    "tpu.region"() ({
      %run_scoped3A = tpu.sem_alloc : memref<!tpu.dma_semaphore, #tpu.memory_space<semaphore_mem>>
      %dma_start3A = arith.constant 0 : i32
      %dma_start3A_46 = tpu.memref_slice %arg6[%arg0, %add3A_41, %dma_start3A] : memref<2x10112x128xf32, #tpu.memory_space<hbm>> -> memref<1x128x128xf32, #tpu.memory_space<hbm>>
      %dma_start3A_47 = tpu.memref_squeeze %dma_start3A_46 : memref<1x128x128xf32, #tpu.memory_space<hbm>> -> memref<128x128xf32, #tpu.memory_space<hbm>>
      %dma_start3A_48 = arith.constant 0 : i32
      %dma_start3A_49 = tpu.memref_slice %arg6[%arg0, %add3A_41, %dma_start3A_48] : memref<2x10112x128xf32, #tpu.memory_space<hbm>> -> memref<1x128x128xf32, #tpu.memory_space<hbm>>
      %dma_start3A_50 = tpu.memref_squeeze %dma_start3A_49 : memref<1x128x128xf32, #tpu.memory_space<hbm>> -> memref<128x128xf32, #tpu.memory_space<hbm>>
      tpu.enqueue_dma source(%arg11 : memref<128x128xf32, #tpu.memory_space<vmem>>) target(%dma_start3A_50 : memref<128x128xf32, #tpu.memory_space<hbm>>) target_semaphore(%run_scoped3A : memref<!tpu.dma_semaphore, #tpu.memory_space<semaphore_mem>>)
      %dma_wait3A = arith.constant 0 : i32
      %dma_wait3A_51 = tpu.memref_slice %arg6[%arg0, %add3A_41, %dma_wait3A] : memref<2x10112x128xf32, #tpu.memory_space<hbm>> -> memref<1x128x128xf32, #tpu.memory_space<hbm>>
      %dma_wait3A_52 = tpu.memref_squeeze %dma_wait3A_51 : memref<1x128x128xf32, #tpu.memory_space<hbm>> -> memref<128x128xf32, #tpu.memory_space<hbm>>
      %dma_wait3A_53 = arith.constant 0 : i32
      %dma_wait3A_54 = tpu.memref_slice %arg6[%arg0, %add3A_41, %dma_wait3A_53] : memref<2x10112x128xf32, #tpu.memory_space<hbm>> -> memref<1x128x128xf32, #tpu.memory_space<hbm>>
      %dma_wait3A_55 = tpu.memref_squeeze %dma_wait3A_54 : memref<1x128x128xf32, #tpu.memory_space<hbm>> -> memref<128x128xf32, #tpu.memory_space<hbm>>
      tpu.wait_dma2 semaphore(%run_scoped3A : memref<!tpu.dma_semaphore, #tpu.memory_space<semaphore_mem>>) src(%arg11 : memref<128x128xf32, #tpu.memory_space<vmem>>) dst(%dma_wait3A_55 : memref<128x128xf32, #tpu.memory_space<hbm>>)
      tpu.yield
    }) : () -> ()
    %add3A_42 = arith.constant 512 : i32
    %add3A_43 = arith.addi %mul3A_8, %add3A_42 : i32
    "tpu.region"() ({
      %run_scoped3A = tpu.sem_alloc : memref<!tpu.dma_semaphore, #tpu.memory_space<semaphore_mem>>
      %dma_start3A = arith.constant 0 : i32
      %dma_start3A_46 = arith.constant 0 : i32
      %dma_start3A_47 = tpu.memref_slice %arg11[%dma_start3A, %dma_start3A_46] : memref<128x128xf32, #tpu.memory_space<vmem>> -> memref<120x128xf32, #tpu.memory_space<vmem>>
      %dma_start3A_48 = arith.constant 0 : i32
      %dma_start3A_49 = tpu.memref_slice %arg7[%add3A_43, %dma_start3A_48] : memref<10112x128xf32, #tpu.memory_space<vmem_shared>> -> memref<120x128xf32, #tpu.memory_space<vmem_shared>>
      %dma_start3A_50 = arith.constant 0 : i32
      %dma_start3A_51 = arith.constant 0 : i32
      %dma_start3A_52 = tpu.memref_slice %arg11[%dma_start3A_50, %dma_start3A_51] : memref<128x128xf32, #tpu.memory_space<vmem>> -> memref<120x128xf32, #tpu.memory_space<vmem>>
      %dma_start3A_53 = arith.constant 0 : i32
      %dma_start3A_54 = tpu.memref_slice %arg7[%add3A_43, %dma_start3A_53] : memref<10112x128xf32, #tpu.memory_space<vmem_shared>> -> memref<120x128xf32, #tpu.memory_space<vmem_shared>>
      tpu.enqueue_dma source(%dma_start3A_54 : memref<120x128xf32, #tpu.memory_space<vmem_shared>>) target(%dma_start3A_52 : memref<120x128xf32, #tpu.memory_space<vmem>>) target_semaphore(%run_scoped3A : memref<!tpu.dma_semaphore, #tpu.memory_space<semaphore_mem>>)
      %dma_wait3A = arith.constant 0 : i32
      %dma_wait3A_55 = arith.constant 0 : i32
      %dma_wait3A_56 = tpu.memref_slice %arg11[%dma_wait3A, %dma_wait3A_55] : memref<128x128xf32, #tpu.memory_space<vmem>> -> memref<120x128xf32, #tpu.memory_space<vmem>>
      %dma_wait3A_57 = arith.constant 0 : i32
      %dma_wait3A_58 = tpu.memref_slice %arg7[%add3A_43, %dma_wait3A_57] : memref<10112x128xf32, #tpu.memory_space<vmem_shared>> -> memref<120x128xf32, #tpu.memory_space<vmem_shared>>
      %dma_wait3A_59 = arith.constant 0 : i32
      %dma_wait3A_60 = arith.constant 0 : i32
      %dma_wait3A_61 = tpu.memref_slice %arg11[%dma_wait3A_59, %dma_wait3A_60] : memref<128x128xf32, #tpu.memory_space<vmem>> -> memref<120x128xf32, #tpu.memory_space<vmem>>
      %dma_wait3A_62 = arith.constant 0 : i32
      %dma_wait3A_63 = tpu.memref_slice %arg7[%add3A_43, %dma_wait3A_62] : memref<10112x128xf32, #tpu.memory_space<vmem_shared>> -> memref<120x128xf32, #tpu.memory_space<vmem_shared>>
      tpu.wait_dma2 semaphore(%run_scoped3A : memref<!tpu.dma_semaphore, #tpu.memory_space<semaphore_mem>>) src(%dma_wait3A_63 : memref<120x128xf32, #tpu.memory_space<vmem_shared>>) dst(%dma_wait3A_61 : memref<120x128xf32, #tpu.memory_space<vmem>>)
      tpu.yield
    }) : () -> ()
    %add3A_44 = arith.constant 512 : i32
    %add3A_45 = arith.addi %mul3A_8, %add3A_44 : i32
    "tpu.region"() ({
      %run_scoped3A = tpu.sem_alloc : memref<!tpu.dma_semaphore, #tpu.memory_space<semaphore_mem>>
      %dma_start3A = arith.constant 0 : i32
      %dma_start3A_46 = arith.constant 0 : i32
      %dma_start3A_47 = tpu.memref_slice %arg11[%dma_start3A, %dma_start3A_46] : memref<128x128xf32, #tpu.memory_space<vmem>> -> memref<120x128xf32, #tpu.memory_space<vmem>>
      %dma_start3A_48 = arith.constant 0 : i32
      %dma_start3A_49 = tpu.memref_slice %arg6[%arg0, %add3A_45, %dma_start3A_48] : memref<2x10112x128xf32, #tpu.memory_space<hbm>> -> memref<1x120x128xf32, #tpu.memory_space<hbm>>
      %dma_start3A_50 = tpu.memref_squeeze %dma_start3A_49 : memref<1x120x128xf32, #tpu.memory_space<hbm>> -> memref<120x128xf32, #tpu.memory_space<hbm>>
      %dma_start3A_51 = arith.constant 0 : i32
      %dma_start3A_52 = tpu.memref_slice %arg6[%arg0, %add3A_45, %dma_start3A_51] : memref<2x10112x128xf32, #tpu.memory_space<hbm>> -> memref<1x120x128xf32, #tpu.memory_space<hbm>>
      %dma_start3A_53 = tpu.memref_squeeze %dma_start3A_52 : memref<1x120x128xf32, #tpu.memory_space<hbm>> -> memref<120x128xf32, #tpu.memory_space<hbm>>
      %dma_start3A_54 = arith.constant 0 : i32
      %dma_start3A_55 = arith.constant 0 : i32
      %dma_start3A_56 = tpu.memref_slice %arg11[%dma_start3A_54, %dma_start3A_55] : memref<128x128xf32, #tpu.memory_space<vmem>> -> memref<120x128xf32, #tpu.memory_space<vmem>>
      tpu.enqueue_dma source(%dma_start3A_56 : memref<120x128xf32, #tpu.memory_space<vmem>>) target(%dma_start3A_53 : memref<120x128xf32, #tpu.memory_space<hbm>>) target_semaphore(%run_scoped3A : memref<!tpu.dma_semaphore, #tpu.memory_space<semaphore_mem>>)
      %dma_wait3A = arith.constant 0 : i32
      %dma_wait3A_57 = arith.constant 0 : i32
      %dma_wait3A_58 = tpu.memref_slice %arg11[%dma_wait3A, %dma_wait3A_57] : memref<128x128xf32, #tpu.memory_space<vmem>> -> memref<120x128xf32, #tpu.memory_space<vmem>>
      %dma_wait3A_59 = arith.constant 0 : i32
      %dma_wait3A_60 = tpu.memref_slice %arg6[%arg0, %add3A_45, %dma_wait3A_59] : memref<2x10112x128xf32, #tpu.memory_space<hbm>> -> memref<1x120x128xf32, #tpu.memory_space<hbm>>
      %dma_wait3A_61 = tpu.memref_squeeze %dma_wait3A_60 : memref<1x120x128xf32, #tpu.memory_space<hbm>> -> memref<120x128xf32, #tpu.memory_space<hbm>>
      %dma_wait3A_62 = arith.constant 0 : i32
      %dma_wait3A_63 = tpu.memref_slice %arg6[%arg0, %add3A_45, %dma_wait3A_62] : memref<2x10112x128xf32, #tpu.memory_space<hbm>> -> memref<1x120x128xf32, #tpu.memory_space<hbm>>
      %dma_wait3A_64 = tpu.memref_squeeze %dma_wait3A_63 : memref<1x120x128xf32, #tpu.memory_space<hbm>> -> memref<120x128xf32, #tpu.memory_space<hbm>>
      %dma_wait3A_65 = arith.constant 0 : i32
      %dma_wait3A_66 = arith.constant 0 : i32
      %dma_wait3A_67 = tpu.memref_slice %arg11[%dma_wait3A_65, %dma_wait3A_66] : memref<128x128xf32, #tpu.memory_space<vmem>> -> memref<120x128xf32, #tpu.memory_space<vmem>>
      tpu.wait_dma2 semaphore(%run_scoped3A : memref<!tpu.dma_semaphore, #tpu.memory_space<semaphore_mem>>) src(%dma_wait3A_67 : memref<120x128xf32, #tpu.memory_space<vmem>>) dst(%dma_wait3A_64 : memref<120x128xf32, #tpu.memory_space<hbm>>)
      tpu.yield
    }) : () -> ()
    return
  }
}

#map = affine_map<(d0, d1) -> (0, 0)>
#map1 = affine_map<(d0, d1) -> (0, 0, 0)>
module attributes {stable_mosaic.version = 14 : i64} {
  func.func @_sc_edge_body(%arg0: i32, %arg1: i32, %arg2: memref<50000x128xf32, #tpu.memory_space<hbm>>, %arg3: memref<5120x128xi32, #tpu.memory_space<hbm>>, %arg4: memref<5120x128xi32, #tpu.memory_space<hbm>>, %arg5: memref<5120x128xi32, #tpu.memory_space<hbm>>, %arg6: memref<2x10112x128xf32, #tpu.memory_space<hbm>>, %arg7: memref<10112x128xf32, #tpu.memory_space<vmem_shared>>, %arg8: memref<32x128xi32, #tpu.memory_space<vmem>>, %arg9: memref<32x128xi32, #tpu.memory_space<vmem>>, %arg10: memref<32x128xi32, #tpu.memory_space<vmem>>, %arg11: memref<128x128xf32, #tpu.memory_space<vmem>>, %arg12: memref<!tpu.dma_semaphore, #tpu.memory_space<semaphore_mem>>) attributes {dimension_semantics = [#tpu.dimension_semantics<core_parallel>, #tpu.dimension_semantics<subcore_parallel>], iteration_bounds = array<i64: 2, 16>, scalar_prefetch = 0 : i64, scratch_operands = 6 : i64, tpu.core_type = #tpu.core_type<sc_vector_subcore>, window_params = [{transform_indices = #map}, {transform_indices = #map}, {transform_indices = #map}, {transform_indices = #map}, {transform_indices = #map1}]} {
    %mul3A = arith.constant 16 : i32
    %mul3A_0 = arith.muli %arg0, %mul3A : i32
    %add3A = arith.addi %mul3A_0, %arg1 : i32
    %broadcast_in_dim3A = arith.constant 0.000000e+00 : f32
    %broadcast_in_dim3A_1 = vector.broadcast %broadcast_in_dim3A : f32 to vector<16xf32>
    %scan3A = arith.constant 0 : i32
    %scan3A_2 = arith.constant 0 : i32
    %scan3A_3 = arith.constant 128 : i32
    %scan3A_4 = arith.addi %scan3A_2, %scan3A_3 : i32
    %scan3A_5 = arith.constant 1 : i32
    scf.for %scan3A_46 = %scan3A_2 to %scan3A_4 step %scan3A_5  : i32 {
      %swap3A = arith.index_cast %scan3A_46 : i32 to index
      %swap3A_47 = arith.constant 0 : index
      %swap3A_48 = tpu.vector_load %arg11[%swap3A, %swap3A_47] {strides = array<i32>} : memref<128x128xf32, #tpu.memory_space<vmem>>, vector<1x16xf32>,
      %swap3A_49 = vector.shape_cast %swap3A_48 : vector<1x16xf32> to vector<16xf32>
      %swap3A_50 = vector.shape_cast %broadcast_in_dim3A_1 : vector<16xf32> to vector<1x16xf32>
      tpu.vector_store %arg11[%swap3A, %swap3A_47], %swap3A_50 {strides = array<i32>} : memref<128x128xf32, #tpu.memory_space<vmem>>, vector<1x16xf32>,
      %swap3A_51 = arith.index_cast %scan3A_46 : i32 to index
      %swap3A_52 = arith.constant 16 : index
      %swap3A_53 = tpu.vector_load %arg11[%swap3A_51, %swap3A_52] {strides = array<i32>} : memref<128x128xf32, #tpu.memory_space<vmem>>, vector<1x16xf32>,
      %swap3A_54 = vector.shape_cast %swap3A_53 : vector<1x16xf32> to vector<16xf32>
      %swap3A_55 = vector.shape_cast %broadcast_in_dim3A_1 : vector<16xf32> to vector<1x16xf32>
      tpu.vector_store %arg11[%swap3A_51, %swap3A_52], %swap3A_55 {strides = array<i32>} : memref<128x128xf32, #tpu.memory_space<vmem>>, vector<1x16xf32>,
      %swap3A_56 = arith.index_cast %scan3A_46 : i32 to index
      %swap3A_57 = arith.constant 32 : index
      %swap3A_58 = tpu.vector_load %arg11[%swap3A_56, %swap3A_57] {strides = array<i32>} : memref<128x128xf32, #tpu.memory_space<vmem>>, vector<1x16xf32>,
      %swap3A_59 = vector.shape_cast %swap3A_58 : vector<1x16xf32> to vector<16xf32>
      %swap3A_60 = vector.shape_cast %broadcast_in_dim3A_1 : vector<16xf32> to vector<1x16xf32>
      tpu.vector_store %arg11[%swap3A_56, %swap3A_57], %swap3A_60 {strides = array<i32>} : memref<128x128xf32, #tpu.memory_space<vmem>>, vector<1x16xf32>,
      %swap3A_61 = arith.index_cast %scan3A_46 : i32 to index
      %swap3A_62 = arith.constant 48 : index
      %swap3A_63 = tpu.vector_load %arg11[%swap3A_61, %swap3A_62] {strides = array<i32>} : memref<128x128xf32, #tpu.memory_space<vmem>>, vector<1x16xf32>,
      %swap3A_64 = vector.shape_cast %swap3A_63 : vector<1x16xf32> to vector<16xf32>
      %swap3A_65 = vector.shape_cast %broadcast_in_dim3A_1 : vector<16xf32> to vector<1x16xf32>
      tpu.vector_store %arg11[%swap3A_61, %swap3A_62], %swap3A_65 {strides = array<i32>} : memref<128x128xf32, #tpu.memory_space<vmem>>, vector<1x16xf32>,
      %swap3A_66 = arith.index_cast %scan3A_46 : i32 to index
      %swap3A_67 = arith.constant 64 : index
      %swap3A_68 = tpu.vector_load %arg11[%swap3A_66, %swap3A_67] {strides = array<i32>} : memref<128x128xf32, #tpu.memory_space<vmem>>, vector<1x16xf32>,
      %swap3A_69 = vector.shape_cast %swap3A_68 : vector<1x16xf32> to vector<16xf32>
      %swap3A_70 = vector.shape_cast %broadcast_in_dim3A_1 : vector<16xf32> to vector<1x16xf32>
      tpu.vector_store %arg11[%swap3A_66, %swap3A_67], %swap3A_70 {strides = array<i32>} : memref<128x128xf32, #tpu.memory_space<vmem>>, vector<1x16xf32>,
      %swap3A_71 = arith.index_cast %scan3A_46 : i32 to index
      %swap3A_72 = arith.constant 80 : index
      %swap3A_73 = tpu.vector_load %arg11[%swap3A_71, %swap3A_72] {strides = array<i32>} : memref<128x128xf32, #tpu.memory_space<vmem>>, vector<1x16xf32>,
      %swap3A_74 = vector.shape_cast %swap3A_73 : vector<1x16xf32> to vector<16xf32>
      %swap3A_75 = vector.shape_cast %broadcast_in_dim3A_1 : vector<16xf32> to vector<1x16xf32>
      tpu.vector_store %arg11[%swap3A_71, %swap3A_72], %swap3A_75 {strides = array<i32>} : memref<128x128xf32, #tpu.memory_space<vmem>>, vector<1x16xf32>,
      %swap3A_76 = arith.index_cast %scan3A_46 : i32 to index
      %swap3A_77 = arith.constant 96 : index
      %swap3A_78 = tpu.vector_load %arg11[%swap3A_76, %swap3A_77] {strides = array<i32>} : memref<128x128xf32, #tpu.memory_space<vmem>>, vector<1x16xf32>,
      %swap3A_79 = vector.shape_cast %swap3A_78 : vector<1x16xf32> to vector<16xf32>
      %swap3A_80 = vector.shape_cast %broadcast_in_dim3A_1 : vector<16xf32> to vector<1x16xf32>
      tpu.vector_store %arg11[%swap3A_76, %swap3A_77], %swap3A_80 {strides = array<i32>} : memref<128x128xf32, #tpu.memory_space<vmem>>, vector<1x16xf32>,
      %swap3A_81 = arith.index_cast %scan3A_46 : i32 to index
      %swap3A_82 = arith.constant 112 : index
      %swap3A_83 = tpu.vector_load %arg11[%swap3A_81, %swap3A_82] {strides = array<i32>} : memref<128x128xf32, #tpu.memory_space<vmem>>, vector<1x16xf32>,
      %swap3A_84 = vector.shape_cast %swap3A_83 : vector<1x16xf32> to vector<16xf32>
      %swap3A_85 = vector.shape_cast %broadcast_in_dim3A_1 : vector<16xf32> to vector<1x16xf32>
      tpu.vector_store %arg11[%swap3A_81, %swap3A_82], %swap3A_85 {strides = array<i32>} : memref<128x128xf32, #tpu.memory_space<vmem>>, vector<1x16xf32>,
    }
    %scan3A_6 = arith.constant 128 : i32
    %mul3A_7 = arith.constant 632 : i32
    %mul3A_8 = arith.muli %arg1, %mul3A_7 : i32
    %add3A_9 = arith.constant 0 : i32
    %add3A_10 = arith.addi %mul3A_8, %add3A_9 : i32
    "tpu.region"() ({
      %run_scoped3A = tpu.sem_alloc : memref<!tpu.dma_semaphore, #tpu.memory_space<semaphore_mem>>
      %dma_start3A = arith.constant 0 : i32
      %dma_start3A_46 = tpu.memref_slice %arg7[%add3A_10, %dma_start3A] : memref<10112x128xf32, #tpu.memory_space<vmem_shared>> -> memref<128x128xf32, #tpu.memory_space<vmem_shared>>
      %dma_start3A_47 = arith.constant 0 : i32
      %dma_start3A_48 = tpu.memref_slice %arg7[%add3A_10, %dma_start3A_47] : memref<10112x128xf32, #tpu.memory_space<vmem_shared>> -> memref<128x128xf32, #tpu.memory_space<vmem_shared>>
      tpu.enqueue_dma source(%arg11 : memref<128x128xf32, #tpu.memory_space<vmem>>) target(%dma_start3A_48 : memref<128x128xf32, #tpu.memory_space<vmem_shared>>) target_semaphore(%run_scoped3A : memref<!tpu.dma_semaphore, #tpu.memory_space<semaphore_mem>>)
      %dma_wait3A = arith.constant 0 : i32
      %dma_wait3A_49 = tpu.memref_slice %arg7[%add3A_10, %dma_wait3A] : memref<10112x128xf32, #tpu.memory_space<vmem_shared>> -> memref<128x128xf32, #tpu.memory_space<vmem_shared>>
      %dma_wait3A_50 = arith.constant 0 : i32
      %dma_wait3A_51 = tpu.memref_slice %arg7[%add3A_10, %dma_wait3A_50] : memref<10112x128xf32, #tpu.memory_space<vmem_shared>> -> memref<128x128xf32, #tpu.memory_space<vmem_shared>>
      tpu.wait_dma2 semaphore(%run_scoped3A : memref<!tpu.dma_semaphore, #tpu.memory_space<semaphore_mem>>) src(%arg11 : memref<128x128xf32, #tpu.memory_space<vmem>>) dst(%dma_wait3A_51 : memref<128x128xf32, #tpu.memory_space<vmem_shared>>)
      tpu.yield
    }) : () -> ()
    %add3A_11 = arith.constant 128 : i32
    %add3A_12 = arith.addi %mul3A_8, %add3A_11 : i32
    "tpu.region"() ({
      %run_scoped3A = tpu.sem_alloc : memref<!tpu.dma_semaphore, #tpu.memory_space<semaphore_mem>>
      %dma_start3A = arith.constant 0 : i32
      %dma_start3A_46 = tpu.memref_slice %arg7[%add3A_12, %dma_start3A] : memref<10112x128xf32, #tpu.memory_space<vmem_shared>> -> memref<128x128xf32, #tpu.memory_space<vmem_shared>>
      %dma_start3A_47 = arith.constant 0 : i32
      %dma_start3A_48 = tpu.memref_slice %arg7[%add3A_12, %dma_start3A_47] : memref<10112x128xf32, #tpu.memory_space<vmem_shared>> -> memref<128x128xf32, #tpu.memory_space<vmem_shared>>
      tpu.enqueue_dma source(%arg11 : memref<128x128xf32, #tpu.memory_space<vmem>>) target(%dma_start3A_48 : memref<128x128xf32, #tpu.memory_space<vmem_shared>>) target_semaphore(%run_scoped3A : memref<!tpu.dma_semaphore, #tpu.memory_space<semaphore_mem>>)
      %dma_wait3A = arith.constant 0 : i32
      %dma_wait3A_49 = tpu.memref_slice %arg7[%add3A_12, %dma_wait3A] : memref<10112x128xf32, #tpu.memory_space<vmem_shared>> -> memref<128x128xf32, #tpu.memory_space<vmem_shared>>
      %dma_wait3A_50 = arith.constant 0 : i32
      %dma_wait3A_51 = tpu.memref_slice %arg7[%add3A_12, %dma_wait3A_50] : memref<10112x128xf32, #tpu.memory_space<vmem_shared>> -> memref<128x128xf32, #tpu.memory_space<vmem_shared>>
      tpu.wait_dma2 semaphore(%run_scoped3A : memref<!tpu.dma_semaphore, #tpu.memory_space<semaphore_mem>>) src(%arg11 : memref<128x128xf32, #tpu.memory_space<vmem>>) dst(%dma_wait3A_51 : memref<128x128xf32, #tpu.memory_space<vmem_shared>>)
      tpu.yield
    }) : () -> ()
    %add3A_13 = arith.constant 256 : i32
    %add3A_14 = arith.addi %mul3A_8, %add3A_13 : i32
    "tpu.region"() ({
      %run_scoped3A = tpu.sem_alloc : memref<!tpu.dma_semaphore, #tpu.memory_space<semaphore_mem>>
      %dma_start3A = arith.constant 0 : i32
      %dma_start3A_46 = tpu.memref_slice %arg7[%add3A_14, %dma_start3A] : memref<10112x128xf32, #tpu.memory_space<vmem_shared>> -> memref<128x128xf32, #tpu.memory_space<vmem_shared>>
      %dma_start3A_47 = arith.constant 0 : i32
      %dma_start3A_48 = tpu.memref_slice %arg7[%add3A_14, %dma_start3A_47] : memref<10112x128xf32, #tpu.memory_space<vmem_shared>> -> memref<128x128xf32, #tpu.memory_space<vmem_shared>>
      tpu.enqueue_dma source(%arg11 : memref<128x128xf32, #tpu.memory_space<vmem>>) target(%dma_start3A_48 : memref<128x128xf32, #tpu.memory_space<vmem_shared>>) target_semaphore(%run_scoped3A : memref<!tpu.dma_semaphore, #tpu.memory_space<semaphore_mem>>)
      %dma_wait3A = arith.constant 0 : i32
      %dma_wait3A_49 = tpu.memref_slice %arg7[%add3A_14, %dma_wait3A] : memref<10112x128xf32, #tpu.memory_space<vmem_shared>> -> memref<128x128xf32, #tpu.memory_space<vmem_shared>>
      %dma_wait3A_50 = arith.constant 0 : i32
      %dma_wait3A_51 = tpu.memref_slice %arg7[%add3A_14, %dma_wait3A_50] : memref<10112x128xf32, #tpu.memory_space<vmem_shared>> -> memref<128x128xf32, #tpu.memory_space<vmem_shared>>
      tpu.wait_dma2 semaphore(%run_scoped3A : memref<!tpu.dma_semaphore, #tpu.memory_space<semaphore_mem>>) src(%arg11 : memref<128x128xf32, #tpu.memory_space<vmem>>) dst(%dma_wait3A_51 : memref<128x128xf32, #tpu.memory_space<vmem_shared>>)
      tpu.yield
    }) : () -> ()
    %add3A_15 = arith.constant 384 : i32
    %add3A_16 = arith.addi %mul3A_8, %add3A_15 : i32
    "tpu.region"() ({
      %run_scoped3A = tpu.sem_alloc : memref<!tpu.dma_semaphore, #tpu.memory_space<semaphore_mem>>
      %dma_start3A = arith.constant 0 : i32
      %dma_start3A_46 = tpu.memref_slice %arg7[%add3A_16, %dma_start3A] : memref<10112x128xf32, #tpu.memory_space<vmem_shared>> -> memref<128x128xf32, #tpu.memory_space<vmem_shared>>
      %dma_start3A_47 = arith.constant 0 : i32
      %dma_start3A_48 = tpu.memref_slice %arg7[%add3A_16, %dma_start3A_47] : memref<10112x128xf32, #tpu.memory_space<vmem_shared>> -> memref<128x128xf32, #tpu.memory_space<vmem_shared>>
      tpu.enqueue_dma source(%arg11 : memref<128x128xf32, #tpu.memory_space<vmem>>) target(%dma_start3A_48 : memref<128x128xf32, #tpu.memory_space<vmem_shared>>) target_semaphore(%run_scoped3A : memref<!tpu.dma_semaphore, #tpu.memory_space<semaphore_mem>>)
      %dma_wait3A = arith.constant 0 : i32
      %dma_wait3A_49 = tpu.memref_slice %arg7[%add3A_16, %dma_wait3A] : memref<10112x128xf32, #tpu.memory_space<vmem_shared>> -> memref<128x128xf32, #tpu.memory_space<vmem_shared>>
      %dma_wait3A_50 = arith.constant 0 : i32
      %dma_wait3A_51 = tpu.memref_slice %arg7[%add3A_16, %dma_wait3A_50] : memref<10112x128xf32, #tpu.memory_space<vmem_shared>> -> memref<128x128xf32, #tpu.memory_space<vmem_shared>>
      tpu.wait_dma2 semaphore(%run_scoped3A : memref<!tpu.dma_semaphore, #tpu.memory_space<semaphore_mem>>) src(%arg11 : memref<128x128xf32, #tpu.memory_space<vmem>>) dst(%dma_wait3A_51 : memref<128x128xf32, #tpu.memory_space<vmem_shared>>)
      tpu.yield
    }) : () -> ()
    %add3A_17 = arith.constant 512 : i32
    %add3A_18 = arith.addi %mul3A_8, %add3A_17 : i32
    "tpu.region"() ({
      %run_scoped3A = tpu.sem_alloc : memref<!tpu.dma_semaphore, #tpu.memory_space<semaphore_mem>>
      %dma_start3A = arith.constant 0 : i32
      %dma_start3A_46 = arith.constant 0 : i32
      %dma_start3A_47 = tpu.memref_slice %arg11[%dma_start3A, %dma_start3A_46] : memref<128x128xf32, #tpu.memory_space<vmem>> -> memref<120x128xf32, #tpu.memory_space<vmem>>
      %dma_start3A_48 = arith.constant 0 : i32
      %dma_start3A_49 = tpu.memref_slice %arg7[%add3A_18, %dma_start3A_48] : memref<10112x128xf32, #tpu.memory_space<vmem_shared>> -> memref<120x128xf32, #tpu.memory_space<vmem_shared>>
      %dma_start3A_50 = arith.constant 0 : i32
      %dma_start3A_51 = tpu.memref_slice %arg7[%add3A_18, %dma_start3A_50] : memref<10112x128xf32, #tpu.memory_space<vmem_shared>> -> memref<120x128xf32, #tpu.memory_space<vmem_shared>>
      %dma_start3A_52 = arith.constant 0 : i32
      %dma_start3A_53 = arith.constant 0 : i32
      %dma_start3A_54 = tpu.memref_slice %arg11[%dma_start3A_52, %dma_start3A_53] : memref<128x128xf32, #tpu.memory_space<vmem>> -> memref<120x128xf32, #tpu.memory_space<vmem>>
      tpu.enqueue_dma source(%dma_start3A_54 : memref<120x128xf32, #tpu.memory_space<vmem>>) target(%dma_start3A_51 : memref<120x128xf32, #tpu.memory_space<vmem_shared>>) target_semaphore(%run_scoped3A : memref<!tpu.dma_semaphore, #tpu.memory_space<semaphore_mem>>)
      %dma_wait3A = arith.constant 0 : i32
      %dma_wait3A_55 = arith.constant 0 : i32
      %dma_wait3A_56 = tpu.memref_slice %arg11[%dma_wait3A, %dma_wait3A_55] : memref<128x128xf32, #tpu.memory_space<vmem>> -> memref<120x128xf32, #tpu.memory_space<vmem>>
      %dma_wait3A_57 = arith.constant 0 : i32
      %dma_wait3A_58 = tpu.memref_slice %arg7[%add3A_18, %dma_wait3A_57] : memref<10112x128xf32, #tpu.memory_space<vmem_shared>> -> memref<120x128xf32, #tpu.memory_space<vmem_shared>>
      %dma_wait3A_59 = arith.constant 0 : i32
      %dma_wait3A_60 = tpu.memref_slice %arg7[%add3A_18, %dma_wait3A_59] : memref<10112x128xf32, #tpu.memory_space<vmem_shared>> -> memref<120x128xf32, #tpu.memory_space<vmem_shared>>
      %dma_wait3A_61 = arith.constant 0 : i32
      %dma_wait3A_62 = arith.constant 0 : i32
      %dma_wait3A_63 = tpu.memref_slice %arg11[%dma_wait3A_61, %dma_wait3A_62] : memref<128x128xf32, #tpu.memory_space<vmem>> -> memref<120x128xf32, #tpu.memory_space<vmem>>
      tpu.wait_dma2 semaphore(%run_scoped3A : memref<!tpu.dma_semaphore, #tpu.memory_space<semaphore_mem>>) src(%dma_wait3A_63 : memref<120x128xf32, #tpu.memory_space<vmem>>) dst(%dma_wait3A_60 : memref<120x128xf32, #tpu.memory_space<vmem_shared>>)
      tpu.yield
    }) : () -> ()
    %barrier3A = arith.constant 0 : index
    tpu.barrier barrier_id(%barrier3A)
    %scan3A_19 = arith.constant 0 : i32
    %scan3A_20 = arith.constant 0 : i32
    %scan3A_21 = arith.constant 5 : i32
    %scan3A_22 = arith.addi %scan3A_20, %scan3A_21 : i32
    %scan3A_23 = arith.constant 1 : i32
    scf.for %scan3A_46 = %scan3A_20 to %scan3A_22 step %scan3A_23  : i32 {
      %mul3A_47 = arith.constant 160 : i32
      %mul3A_48 = arith.muli %add3A, %mul3A_47 : i32
      %mul3A_49 = arith.constant 32 : i32
      %mul3A_50 = arith.muli %scan3A_46, %mul3A_49 : i32
      %add3A_51 = arith.addi %mul3A_48, %mul3A_50 : i32
      "tpu.region"() ({
        %run_scoped3A = tpu.sem_alloc : memref<!tpu.dma_semaphore, #tpu.memory_space<semaphore_mem>>
        %dma_start3A = arith.constant 0 : i32
        %dma_start3A_64 = tpu.memref_slice %arg3[%add3A_51, %dma_start3A] : memref<5120x128xi32, #tpu.memory_space<hbm>> -> memref<32x128xi32, #tpu.memory_space<hbm>>
        %dma_start3A_65 = arith.constant 0 : i32
        %dma_start3A_66 = tpu.memref_slice %arg3[%add3A_51, %dma_start3A_65] : memref<5120x128xi32, #tpu.memory_space<hbm>> -> memref<32x128xi32, #tpu.memory_space<hbm>>
        tpu.enqueue_dma source(%dma_start3A_66 : memref<32x128xi32, #tpu.memory_space<hbm>>) target(%arg8 : memref<32x128xi32, #tpu.memory_space<vmem>>) target_semaphore(%run_scoped3A : memref<!tpu.dma_semaphore, #tpu.memory_space<semaphore_mem>>)
        %dma_wait3A = arith.constant 0 : i32
        %dma_wait3A_67 = tpu.memref_slice %arg3[%add3A_51, %dma_wait3A] : memref<5120x128xi32, #tpu.memory_space<hbm>> -> memref<32x128xi32, #tpu.memory_space<hbm>>
        %dma_wait3A_68 = arith.constant 0 : i32
        %dma_wait3A_69 = tpu.memref_slice %arg3[%add3A_51, %dma_wait3A_68] : memref<5120x128xi32, #tpu.memory_space<hbm>> -> memref<32x128xi32, #tpu.memory_space<hbm>>
        tpu.wait_dma2 semaphore(%run_scoped3A : memref<!tpu.dma_semaphore, #tpu.memory_space<semaphore_mem>>) src(%dma_wait3A_69 : memref<32x128xi32, #tpu.memory_space<hbm>>) dst(%arg8 : memref<32x128xi32, #tpu.memory_space<vmem>>)
        tpu.yield
      }) : () -> ()
      "tpu.region"() ({
        %run_scoped3A = tpu.sem_alloc : memref<!tpu.dma_semaphore, #tpu.memory_space<semaphore_mem>>
        %dma_start3A = arith.constant 0 : i32
        %dma_start3A_64 = tpu.memref_slice %arg4[%add3A_51, %dma_start3A] : memref<5120x128xi32, #tpu.memory_space<hbm>> -> memref<32x128xi32, #tpu.memory_space<hbm>>
        %dma_start3A_65 = arith.constant 0 : i32
        %dma_start3A_66 = tpu.memref_slice %arg4[%add3A_51, %dma_start3A_65] : memref<5120x128xi32, #tpu.memory_space<hbm>> -> memref<32x128xi32, #tpu.memory_space<hbm>>
        tpu.enqueue_dma source(%dma_start3A_66 : memref<32x128xi32, #tpu.memory_space<hbm>>) target(%arg9 : memref<32x128xi32, #tpu.memory_space<vmem>>) target_semaphore(%run_scoped3A : memref<!tpu.dma_semaphore, #tpu.memory_space<semaphore_mem>>)
        %dma_wait3A = arith.constant 0 : i32
        %dma_wait3A_67 = tpu.memref_slice %arg4[%add3A_51, %dma_wait3A] : memref<5120x128xi32, #tpu.memory_space<hbm>> -> memref<32x128xi32, #tpu.memory_space<hbm>>
        %dma_wait3A_68 = arith.constant 0 : i32
        %dma_wait3A_69 = tpu.memref_slice %arg4[%add3A_51, %dma_wait3A_68] : memref<5120x128xi32, #tpu.memory_space<hbm>> -> memref<32x128xi32, #tpu.memory_space<hbm>>
        tpu.wait_dma2 semaphore(%run_scoped3A : memref<!tpu.dma_semaphore, #tpu.memory_space<semaphore_mem>>) src(%dma_wait3A_69 : memref<32x128xi32, #tpu.memory_space<hbm>>) dst(%arg9 : memref<32x128xi32, #tpu.memory_space<vmem>>)
        tpu.yield
      }) : () -> ()
      "tpu.region"() ({
        %run_scoped3A = tpu.sem_alloc : memref<!tpu.dma_semaphore, #tpu.memory_space<semaphore_mem>>
        %dma_start3A = arith.constant 0 : i32
        %dma_start3A_64 = tpu.memref_slice %arg5[%add3A_51, %dma_start3A] : memref<5120x128xi32, #tpu.memory_space<hbm>> -> memref<32x128xi32, #tpu.memory_space<hbm>>
        %dma_start3A_65 = arith.constant 0 : i32
        %dma_start3A_66 = tpu.memref_slice %arg5[%add3A_51, %dma_start3A_65] : memref<5120x128xi32, #tpu.memory_space<hbm>> -> memref<32x128xi32, #tpu.memory_space<hbm>>
        tpu.enqueue_dma source(%dma_start3A_66 : memref<32x128xi32, #tpu.memory_space<hbm>>) target(%arg10 : memref<32x128xi32, #tpu.memory_space<vmem>>) target_semaphore(%run_scoped3A : memref<!tpu.dma_semaphore, #tpu.memory_space<semaphore_mem>>)
        %dma_wait3A = arith.constant 0 : i32
        %dma_wait3A_67 = tpu.memref_slice %arg5[%add3A_51, %dma_wait3A] : memref<5120x128xi32, #tpu.memory_space<hbm>> -> memref<32x128xi32, #tpu.memory_space<hbm>>
        %dma_wait3A_68 = arith.constant 0 : i32
        %dma_wait3A_69 = tpu.memref_slice %arg5[%add3A_51, %dma_wait3A_68] : memref<5120x128xi32, #tpu.memory_space<hbm>> -> memref<32x128xi32, #tpu.memory_space<hbm>>
        tpu.wait_dma2 semaphore(%run_scoped3A : memref<!tpu.dma_semaphore, #tpu.memory_space<semaphore_mem>>) src(%dma_wait3A_69 : memref<32x128xi32, #tpu.memory_space<hbm>>) dst(%arg10 : memref<32x128xi32, #tpu.memory_space<vmem>>)
        tpu.yield
      }) : () -> ()
      %scan3A_52 = arith.constant 0 : i32
      %scan3A_53 = arith.constant 0 : i32
      %scan3A_54 = arith.constant 32 : i32
      %scan3A_55 = arith.addi %scan3A_53, %scan3A_54 : i32
      %scan3A_56 = arith.constant 1 : i32
      scf.for %scan3A_64 = %scan3A_53 to %scan3A_55 step %scan3A_56  : i32 {
        %get3A = arith.index_cast %scan3A_64 : i32 to index
        %get3A_65 = arith.constant 0 : index
        %get3A_66 = tpu.vector_load %arg9[%get3A, %get3A_65] {strides = array<i32>} : memref<32x128xi32, #tpu.memory_space<vmem>>, vector<1x16xi32>,
        %get3A_67 = vector.shape_cast %get3A_66 : vector<1x16xi32> to vector<16xi32>
        %get3A_68 = arith.index_cast %scan3A_64 : i32 to index
        %get3A_69 = arith.constant 0 : index
        %get3A_70 = tpu.vector_load %arg8[%get3A_68, %get3A_69] {strides = array<i32>} : memref<32x128xi32, #tpu.memory_space<vmem>>, vector<1x16xi32>,
        %get3A_71 = vector.shape_cast %get3A_70 : vector<1x16xi32> to vector<16xi32>
        %ge3A = arith.constant 1 : i32
        %ge3A_72 = vector.broadcast %ge3A : i32 to vector<16xi32>
        %ge3A_73 = arith.cmpi sge, %get3A_67, %ge3A_72 : vector<16xi32>
        %le3A = arith.constant 4 : i32
        %le3A_74 = vector.broadcast %le3A : i32 to vector<16xi32>
        %le3A_75 = arith.cmpi sle, %get3A_67, %le3A_74 : vector<16xi32>
        %and3A = arith.andi %ge3A_73, %le3A_75 : vector<16xi1>
        %jit3A = arith.constant 0 : i32
        %broadcast_in_dim3A_76 = vector.broadcast %jit3A : i32 to vector<16xi32>
        %select_n3A = arith.select %and3A, %get3A_67, %broadcast_in_dim3A_76 : vector<16xi1>, vector<16xi32>
        %mul3A_77 = arith.constant 10000 : i32
        %mul3A_78 = vector.broadcast %mul3A_77 : i32 to vector<16xi32>
        %mul3A_79 = arith.muli %select_n3A, %mul3A_78 : vector<16xi32>
        %add3A_80 = arith.addi %mul3A_79, %get3A_71 : vector<16xi32>
        %swap3A = arith.index_cast %scan3A_64 : i32 to index
        %swap3A_81 = arith.constant 0 : index
        %swap3A_82 = tpu.vector_load %arg9[%swap3A, %swap3A_81] {strides = array<i32>} : memref<32x128xi32, #tpu.memory_space<vmem>>, vector<1x16xi32>,
        %swap3A_83 = vector.shape_cast %swap3A_82 : vector<1x16xi32> to vector<16xi32>
        %swap3A_84 = vector.shape_cast %add3A_80 : vector<16xi32> to vector<1x16xi32>
        tpu.vector_store %arg9[%swap3A, %swap3A_81], %swap3A_84 {strides = array<i32>} : memref<32x128xi32, #tpu.memory_space<vmem>>, vector<1x16xi32>,
        %get3A_85 = arith.index_cast %scan3A_64 : i32 to index
        %get3A_86 = arith.constant 16 : index
        %get3A_87 = tpu.vector_load %arg9[%get3A_85, %get3A_86] {strides = array<i32>} : memref<32x128xi32, #tpu.memory_space<vmem>>, vector<1x16xi32>,
        %get3A_88 = vector.shape_cast %get3A_87 : vector<1x16xi32> to vector<16xi32>
        %get3A_89 = arith.index_cast %scan3A_64 : i32 to index
        %get3A_90 = arith.constant 16 : index
        %get3A_91 = tpu.vector_load %arg8[%get3A_89, %get3A_90] {strides = array<i32>} : memref<32x128xi32, #tpu.memory_space<vmem>>, vector<1x16xi32>,
        %get3A_92 = vector.shape_cast %get3A_91 : vector<1x16xi32> to vector<16xi32>
        %ge3A_93 = arith.constant 1 : i32
        %ge3A_94 = vector.broadcast %ge3A_93 : i32 to vector<16xi32>
        %ge3A_95 = arith.cmpi sge, %get3A_88, %ge3A_94 : vector<16xi32>
        %le3A_96 = arith.constant 4 : i32
        %le3A_97 = vector.broadcast %le3A_96 : i32 to vector<16xi32>
        %le3A_98 = arith.cmpi sle, %get3A_88, %le3A_97 : vector<16xi32>
        %and3A_99 = arith.andi %ge3A_95, %le3A_98 : vector<16xi1>
        %jit3A_100 = arith.constant 0 : i32
        %broadcast_in_dim3A_101 = vector.broadcast %jit3A_100 : i32 to vector<16xi32>
        %select_n3A_102 = arith.select %and3A_99, %get3A_88, %broadcast_in_dim3A_101 : vector<16xi1>, vector<16xi32>
        %mul3A_103 = arith.constant 10000 : i32
        %mul3A_104 = vector.broadcast %mul3A_103 : i32 to vector<16xi32>
        %mul3A_105 = arith.muli %select_n3A_102, %mul3A_104 : vector<16xi32>
        %add3A_106 = arith.addi %mul3A_105, %get3A_92 : vector<16xi32>
        %swap3A_107 = arith.index_cast %scan3A_64 : i32 to index
        %swap3A_108 = arith.constant 16 : index
        %swap3A_109 = tpu.vector_load %arg9[%swap3A_107, %swap3A_108] {strides = array<i32>} : memref<32x128xi32, #tpu.memory_space<vmem>>, vector<1x16xi32>,
        %swap3A_110 = vector.shape_cast %swap3A_109 : vector<1x16xi32> to vector<16xi32>
        %swap3A_111 = vector.shape_cast %add3A_106 : vector<16xi32> to vector<1x16xi32>
        tpu.vector_store %arg9[%swap3A_107, %swap3A_108], %swap3A_111 {strides = array<i32>} : memref<32x128xi32, #tpu.memory_space<vmem>>, vector<1x16xi32>,
        %get3A_112 = arith.index_cast %scan3A_64 : i32 to index
        %get3A_113 = arith.constant 32 : index
        %get3A_114 = tpu.vector_load %arg9[%get3A_112, %get3A_113] {strides = array<i32>} : memref<32x128xi32, #tpu.memory_space<vmem>>, vector<1x16xi32>,
        %get3A_115 = vector.shape_cast %get3A_114 : vector<1x16xi32> to vector<16xi32>
        %get3A_116 = arith.index_cast %scan3A_64 : i32 to index
        %get3A_117 = arith.constant 32 : index
        %get3A_118 = tpu.vector_load %arg8[%get3A_116, %get3A_117] {strides = array<i32>} : memref<32x128xi32, #tpu.memory_space<vmem>>, vector<1x16xi32>,
        %get3A_119 = vector.shape_cast %get3A_118 : vector<1x16xi32> to vector<16xi32>
        %ge3A_120 = arith.constant 1 : i32
        %ge3A_121 = vector.broadcast %ge3A_120 : i32 to vector<16xi32>
        %ge3A_122 = arith.cmpi sge, %get3A_115, %ge3A_121 : vector<16xi32>
        %le3A_123 = arith.constant 4 : i32
        %le3A_124 = vector.broadcast %le3A_123 : i32 to vector<16xi32>
        %le3A_125 = arith.cmpi sle, %get3A_115, %le3A_124 : vector<16xi32>
        %and3A_126 = arith.andi %ge3A_122, %le3A_125 : vector<16xi1>
        %jit3A_127 = arith.constant 0 : i32
        %broadcast_in_dim3A_128 = vector.broadcast %jit3A_127 : i32 to vector<16xi32>
        %select_n3A_129 = arith.select %and3A_126, %get3A_115, %broadcast_in_dim3A_128 : vector<16xi1>, vector<16xi32>
        %mul3A_130 = arith.constant 10000 : i32
        %mul3A_131 = vector.broadcast %mul3A_130 : i32 to vector<16xi32>
        %mul3A_132 = arith.muli %select_n3A_129, %mul3A_131 : vector<16xi32>
        %add3A_133 = arith.addi %mul3A_132, %get3A_119 : vector<16xi32>
        %swap3A_134 = arith.index_cast %scan3A_64 : i32 to index
        %swap3A_135 = arith.constant 32 : index
        %swap3A_136 = tpu.vector_load %arg9[%swap3A_134, %swap3A_135] {strides = array<i32>} : memref<32x128xi32, #tpu.memory_space<vmem>>, vector<1x16xi32>,
        %swap3A_137 = vector.shape_cast %swap3A_136 : vector<1x16xi32> to vector<16xi32>
        %swap3A_138 = vector.shape_cast %add3A_133 : vector<16xi32> to vector<1x16xi32>
        tpu.vector_store %arg9[%swap3A_134, %swap3A_135], %swap3A_138 {strides = array<i32>} : memref<32x128xi32, #tpu.memory_space<vmem>>, vector<1x16xi32>,
        %get3A_139 = arith.index_cast %scan3A_64 : i32 to index
        %get3A_140 = arith.constant 48 : index
        %get3A_141 = tpu.vector_load %arg9[%get3A_139, %get3A_140] {strides = array<i32>} : memref<32x128xi32, #tpu.memory_space<vmem>>, vector<1x16xi32>,
        %get3A_142 = vector.shape_cast %get3A_141 : vector<1x16xi32> to vector<16xi32>
        %get3A_143 = arith.index_cast %scan3A_64 : i32 to index
        %get3A_144 = arith.constant 48 : index
        %get3A_145 = tpu.vector_load %arg8[%get3A_143, %get3A_144] {strides = array<i32>} : memref<32x128xi32, #tpu.memory_space<vmem>>, vector<1x16xi32>,
        %get3A_146 = vector.shape_cast %get3A_145 : vector<1x16xi32> to vector<16xi32>
        %ge3A_147 = arith.constant 1 : i32
        %ge3A_148 = vector.broadcast %ge3A_147 : i32 to vector<16xi32>
        %ge3A_149 = arith.cmpi sge, %get3A_142, %ge3A_148 : vector<16xi32>
        %le3A_150 = arith.constant 4 : i32
        %le3A_151 = vector.broadcast %le3A_150 : i32 to vector<16xi32>
        %le3A_152 = arith.cmpi sle, %get3A_142, %le3A_151 : vector<16xi32>
        %and3A_153 = arith.andi %ge3A_149, %le3A_152 : vector<16xi1>
        %jit3A_154 = arith.constant 0 : i32
        %broadcast_in_dim3A_155 = vector.broadcast %jit3A_154 : i32 to vector<16xi32>
        %select_n3A_156 = arith.select %and3A_153, %get3A_142, %broadcast_in_dim3A_155 : vector<16xi1>, vector<16xi32>
        %mul3A_157 = arith.constant 10000 : i32
        %mul3A_158 = vector.broadcast %mul3A_157 : i32 to vector<16xi32>
        %mul3A_159 = arith.muli %select_n3A_156, %mul3A_158 : vector<16xi32>
        %add3A_160 = arith.addi %mul3A_159, %get3A_146 : vector<16xi32>
        %swap3A_161 = arith.index_cast %scan3A_64 : i32 to index
        %swap3A_162 = arith.constant 48 : index
        %swap3A_163 = tpu.vector_load %arg9[%swap3A_161, %swap3A_162] {strides = array<i32>} : memref<32x128xi32, #tpu.memory_space<vmem>>, vector<1x16xi32>,
        %swap3A_164 = vector.shape_cast %swap3A_163 : vector<1x16xi32> to vector<16xi32>
        %swap3A_165 = vector.shape_cast %add3A_160 : vector<16xi32> to vector<1x16xi32>
        tpu.vector_store %arg9[%swap3A_161, %swap3A_162], %swap3A_165 {strides = array<i32>} : memref<32x128xi32, #tpu.memory_space<vmem>>, vector<1x16xi32>,
        %get3A_166 = arith.index_cast %scan3A_64 : i32 to index
        %get3A_167 = arith.constant 64 : index
        %get3A_168 = tpu.vector_load %arg9[%get3A_166, %get3A_167] {strides = array<i32>} : memref<32x128xi32, #tpu.memory_space<vmem>>, vector<1x16xi32>,
        %get3A_169 = vector.shape_cast %get3A_168 : vector<1x16xi32> to vector<16xi32>
        %get3A_170 = arith.index_cast %scan3A_64 : i32 to index
        %get3A_171 = arith.constant 64 : index
        %get3A_172 = tpu.vector_load %arg8[%get3A_170, %get3A_171] {strides = array<i32>} : memref<32x128xi32, #tpu.memory_space<vmem>>, vector<1x16xi32>,
        %get3A_173 = vector.shape_cast %get3A_172 : vector<1x16xi32> to vector<16xi32>
        %ge3A_174 = arith.constant 1 : i32
        %ge3A_175 = vector.broadcast %ge3A_174 : i32 to vector<16xi32>
        %ge3A_176 = arith.cmpi sge, %get3A_169, %ge3A_175 : vector<16xi32>
        %le3A_177 = arith.constant 4 : i32
        %le3A_178 = vector.broadcast %le3A_177 : i32 to vector<16xi32>
        %le3A_179 = arith.cmpi sle, %get3A_169, %le3A_178 : vector<16xi32>
        %and3A_180 = arith.andi %ge3A_176, %le3A_179 : vector<16xi1>
        %jit3A_181 = arith.constant 0 : i32
        %broadcast_in_dim3A_182 = vector.broadcast %jit3A_181 : i32 to vector<16xi32>
        %select_n3A_183 = arith.select %and3A_180, %get3A_169, %broadcast_in_dim3A_182 : vector<16xi1>, vector<16xi32>
        %mul3A_184 = arith.constant 10000 : i32
        %mul3A_185 = vector.broadcast %mul3A_184 : i32 to vector<16xi32>
        %mul3A_186 = arith.muli %select_n3A_183, %mul3A_185 : vector<16xi32>
        %add3A_187 = arith.addi %mul3A_186, %get3A_173 : vector<16xi32>
        %swap3A_188 = arith.index_cast %scan3A_64 : i32 to index
        %swap3A_189 = arith.constant 64 : index
        %swap3A_190 = tpu.vector_load %arg9[%swap3A_188, %swap3A_189] {strides = array<i32>} : memref<32x128xi32, #tpu.memory_space<vmem>>, vector<1x16xi32>,
        %swap3A_191 = vector.shape_cast %swap3A_190 : vector<1x16xi32> to vector<16xi32>
        %swap3A_192 = vector.shape_cast %add3A_187 : vector<16xi32> to vector<1x16xi32>
        tpu.vector_store %arg9[%swap3A_188, %swap3A_189], %swap3A_192 {strides = array<i32>} : memref<32x128xi32, #tpu.memory_space<vmem>>, vector<1x16xi32>,
        %get3A_193 = arith.index_cast %scan3A_64 : i32 to index
        %get3A_194 = arith.constant 80 : index
        %get3A_195 = tpu.vector_load %arg9[%get3A_193, %get3A_194] {strides = array<i32>} : memref<32x128xi32, #tpu.memory_space<vmem>>, vector<1x16xi32>,
        %get3A_196 = vector.shape_cast %get3A_195 : vector<1x16xi32> to vector<16xi32>
        %get3A_197 = arith.index_cast %scan3A_64 : i32 to index
        %get3A_198 = arith.constant 80 : index
        %get3A_199 = tpu.vector_load %arg8[%get3A_197, %get3A_198] {strides = array<i32>} : memref<32x128xi32, #tpu.memory_space<vmem>>, vector<1x16xi32>,
        %get3A_200 = vector.shape_cast %get3A_199 : vector<1x16xi32> to vector<16xi32>
        %ge3A_201 = arith.constant 1 : i32
        %ge3A_202 = vector.broadcast %ge3A_201 : i32 to vector<16xi32>
        %ge3A_203 = arith.cmpi sge, %get3A_196, %ge3A_202 : vector<16xi32>
        %le3A_204 = arith.constant 4 : i32
        %le3A_205 = vector.broadcast %le3A_204 : i32 to vector<16xi32>
        %le3A_206 = arith.cmpi sle, %get3A_196, %le3A_205 : vector<16xi32>
        %and3A_207 = arith.andi %ge3A_203, %le3A_206 : vector<16xi1>
        %jit3A_208 = arith.constant 0 : i32
        %broadcast_in_dim3A_209 = vector.broadcast %jit3A_208 : i32 to vector<16xi32>
        %select_n3A_210 = arith.select %and3A_207, %get3A_196, %broadcast_in_dim3A_209 : vector<16xi1>, vector<16xi32>
        %mul3A_211 = arith.constant 10000 : i32
        %mul3A_212 = vector.broadcast %mul3A_211 : i32 to vector<16xi32>
        %mul3A_213 = arith.muli %select_n3A_210, %mul3A_212 : vector<16xi32>
        %add3A_214 = arith.addi %mul3A_213, %get3A_200 : vector<16xi32>
        %swap3A_215 = arith.index_cast %scan3A_64 : i32 to index
        %swap3A_216 = arith.constant 80 : index
        %swap3A_217 = tpu.vector_load %arg9[%swap3A_215, %swap3A_216] {strides = array<i32>} : memref<32x128xi32, #tpu.memory_space<vmem>>, vector<1x16xi32>,
        %swap3A_218 = vector.shape_cast %swap3A_217 : vector<1x16xi32> to vector<16xi32>
        %swap3A_219 = vector.shape_cast %add3A_214 : vector<16xi32> to vector<1x16xi32>
        tpu.vector_store %arg9[%swap3A_215, %swap3A_216], %swap3A_219 {strides = array<i32>} : memref<32x128xi32, #tpu.memory_space<vmem>>, vector<1x16xi32>,
        %get3A_220 = arith.index_cast %scan3A_64 : i32 to index
        %get3A_221 = arith.constant 96 : index
        %get3A_222 = tpu.vector_load %arg9[%get3A_220, %get3A_221] {strides = array<i32>} : memref<32x128xi32, #tpu.memory_space<vmem>>, vector<1x16xi32>,
        %get3A_223 = vector.shape_cast %get3A_222 : vector<1x16xi32> to vector<16xi32>
        %get3A_224 = arith.index_cast %scan3A_64 : i32 to index
        %get3A_225 = arith.constant 96 : index
        %get3A_226 = tpu.vector_load %arg8[%get3A_224, %get3A_225] {strides = array<i32>} : memref<32x128xi32, #tpu.memory_space<vmem>>, vector<1x16xi32>,
        %get3A_227 = vector.shape_cast %get3A_226 : vector<1x16xi32> to vector<16xi32>
        %ge3A_228 = arith.constant 1 : i32
        %ge3A_229 = vector.broadcast %ge3A_228 : i32 to vector<16xi32>
        %ge3A_230 = arith.cmpi sge, %get3A_223, %ge3A_229 : vector<16xi32>
        %le3A_231 = arith.constant 4 : i32
        %le3A_232 = vector.broadcast %le3A_231 : i32 to vector<16xi32>
        %le3A_233 = arith.cmpi sle, %get3A_223, %le3A_232 : vector<16xi32>
        %and3A_234 = arith.andi %ge3A_230, %le3A_233 : vector<16xi1>
        %jit3A_235 = arith.constant 0 : i32
        %broadcast_in_dim3A_236 = vector.broadcast %jit3A_235 : i32 to vector<16xi32>
        %select_n3A_237 = arith.select %and3A_234, %get3A_223, %broadcast_in_dim3A_236 : vector<16xi1>, vector<16xi32>
        %mul3A_238 = arith.constant 10000 : i32
        %mul3A_239 = vector.broadcast %mul3A_238 : i32 to vector<16xi32>
        %mul3A_240 = arith.muli %select_n3A_237, %mul3A_239 : vector<16xi32>
        %add3A_241 = arith.addi %mul3A_240, %get3A_227 : vector<16xi32>
        %swap3A_242 = arith.index_cast %scan3A_64 : i32 to index
        %swap3A_243 = arith.constant 96 : index
        %swap3A_244 = tpu.vector_load %arg9[%swap3A_242, %swap3A_243] {strides = array<i32>} : memref<32x128xi32, #tpu.memory_space<vmem>>, vector<1x16xi32>,
        %swap3A_245 = vector.shape_cast %swap3A_244 : vector<1x16xi32> to vector<16xi32>
        %swap3A_246 = vector.shape_cast %add3A_241 : vector<16xi32> to vector<1x16xi32>
        tpu.vector_store %arg9[%swap3A_242, %swap3A_243], %swap3A_246 {strides = array<i32>} : memref<32x128xi32, #tpu.memory_space<vmem>>, vector<1x16xi32>,
        %get3A_247 = arith.index_cast %scan3A_64 : i32 to index
        %get3A_248 = arith.constant 112 : index
        %get3A_249 = tpu.vector_load %arg9[%get3A_247, %get3A_248] {strides = array<i32>} : memref<32x128xi32, #tpu.memory_space<vmem>>, vector<1x16xi32>,
        %get3A_250 = vector.shape_cast %get3A_249 : vector<1x16xi32> to vector<16xi32>
        %get3A_251 = arith.index_cast %scan3A_64 : i32 to index
        %get3A_252 = arith.constant 112 : index
        %get3A_253 = tpu.vector_load %arg8[%get3A_251, %get3A_252] {strides = array<i32>} : memref<32x128xi32, #tpu.memory_space<vmem>>, vector<1x16xi32>,
        %get3A_254 = vector.shape_cast %get3A_253 : vector<1x16xi32> to vector<16xi32>
        %ge3A_255 = arith.constant 1 : i32
        %ge3A_256 = vector.broadcast %ge3A_255 : i32 to vector<16xi32>
        %ge3A_257 = arith.cmpi sge, %get3A_250, %ge3A_256 : vector<16xi32>
        %le3A_258 = arith.constant 4 : i32
        %le3A_259 = vector.broadcast %le3A_258 : i32 to vector<16xi32>
        %le3A_260 = arith.cmpi sle, %get3A_250, %le3A_259 : vector<16xi32>
        %and3A_261 = arith.andi %ge3A_257, %le3A_260 : vector<16xi1>
        %jit3A_262 = arith.constant 0 : i32
        %broadcast_in_dim3A_263 = vector.broadcast %jit3A_262 : i32 to vector<16xi32>
        %select_n3A_264 = arith.select %and3A_261, %get3A_250, %broadcast_in_dim3A_263 : vector<16xi1>, vector<16xi32>
        %mul3A_265 = arith.constant 10000 : i32
        %mul3A_266 = vector.broadcast %mul3A_265 : i32 to vector<16xi32>
        %mul3A_267 = arith.muli %select_n3A_264, %mul3A_266 : vector<16xi32>
        %add3A_268 = arith.addi %mul3A_267, %get3A_254 : vector<16xi32>
        %swap3A_269 = arith.index_cast %scan3A_64 : i32 to index
        %swap3A_270 = arith.constant 112 : index
        %swap3A_271 = tpu.vector_load %arg9[%swap3A_269, %swap3A_270] {strides = array<i32>} : memref<32x128xi32, #tpu.memory_space<vmem>>, vector<1x16xi32>,
        %swap3A_272 = vector.shape_cast %swap3A_271 : vector<1x16xi32> to vector<16xi32>
        %swap3A_273 = vector.shape_cast %add3A_268 : vector<16xi32> to vector<1x16xi32>
        tpu.vector_store %arg9[%swap3A_269, %swap3A_270], %swap3A_273 {strides = array<i32>} : memref<32x128xi32, #tpu.memory_space<vmem>>, vector<1x16xi32>,
      }
      %scan3A_57 = arith.constant 32 : i32
      %scan3A_58 = arith.constant 0 : i32
      %scan3A_59 = arith.constant 0 : i32
      %scan3A_60 = arith.constant 32 : i32
      %scan3A_61 = arith.addi %scan3A_59, %scan3A_60 : i32
      %scan3A_62 = arith.constant 1 : i32
      scf.for %scan3A_64 = %scan3A_59 to %scan3A_61 step %scan3A_62  : i32 {
        %dma_start3A = arith.constant 0 : i32
        %dma_start3A_65 = tpu.memref_slice %arg9[%scan3A_64, %dma_start3A] : memref<32x128xi32, #tpu.memory_space<vmem>> -> memref<1x128xi32, #tpu.memory_space<vmem>>
        %dma_start3A_66 = tpu.memref_squeeze %dma_start3A_65 : memref<1x128xi32, #tpu.memory_space<vmem>> -> memref<128xi32, #tpu.memory_space<vmem>>
        %dma_start3A_67 = arith.constant 0 : i32
        %dma_start3A_68 = arith.constant 0 : i32
        %dma_start3A_69 = tpu.memref_slice %arg2[%dma_start3A_67, %dma_start3A_68] : memref<50000x128xf32, #tpu.memory_space<hbm>> -> memref<50000x128xf32, #tpu.memory_space<hbm>>
        tpu.enqueue_indirect_dma source(%dma_start3A_69 : memref<50000x128xf32, #tpu.memory_space<hbm>>) target(%arg11 : memref<128x128xf32, #tpu.memory_space<vmem>>) offsets(%dma_start3A_66 : memref<128xi32, #tpu.memory_space<vmem>>) semaphore(%arg12 : memref<!tpu.dma_semaphore, #tpu.memory_space<semaphore_mem>>)
        %dma_wait3A = arith.constant 0 : i32
        %dma_wait3A_70 = tpu.memref_slice %arg9[%scan3A_64, %dma_wait3A] : memref<32x128xi32, #tpu.memory_space<vmem>> -> memref<1x128xi32, #tpu.memory_space<vmem>>
        %dma_wait3A_71 = tpu.memref_squeeze %dma_wait3A_70 : memref<1x128xi32, #tpu.memory_space<vmem>> -> memref<128xi32, #tpu.memory_space<vmem>>
        %dma_wait3A_72 = arith.constant 0 : i32
        %dma_wait3A_73 = arith.constant 0 : i32
        %dma_wait3A_74 = tpu.memref_slice %arg2[%dma_wait3A_72, %dma_wait3A_73] : memref<50000x128xf32, #tpu.memory_space<hbm>> -> memref<50000x128xf32, #tpu.memory_space<hbm>>
        tpu.wait_indirect_dma semaphore(%arg12 : memref<!tpu.dma_semaphore, #tpu.memory_space<semaphore_mem>>) src(%dma_wait3A_74 : memref<50000x128xf32, #tpu.memory_space<hbm>>) dst(%arg11 : memref<128x128xf32, #tpu.memory_space<vmem>>)
        "tpu.region"() ({
          %run_scoped3A = tpu.sem_alloc : memref<!tpu.dma_semaphore, #tpu.memory_space<semaphore_mem>>
          %dma_start3A_75 = arith.constant 0 : i32
          %dma_start3A_76 = tpu.memref_slice %arg10[%scan3A_64, %dma_start3A_75] : memref<32x128xi32, #tpu.memory_space<vmem>> -> memref<1x128xi32, #tpu.memory_space<vmem>>
          %dma_start3A_77 = tpu.memref_squeeze %dma_start3A_76 : memref<1x128xi32, #tpu.memory_space<vmem>> -> memref<128xi32, #tpu.memory_space<vmem>>
          %dma_start3A_78 = arith.constant 0 : i32
          %dma_start3A_79 = arith.constant 0 : i32
          %dma_start3A_80 = tpu.memref_slice %arg7[%dma_start3A_78, %dma_start3A_79] : memref<10112x128xf32, #tpu.memory_space<vmem_shared>> -> memref<10112x128xf32, #tpu.memory_space<vmem_shared>>
          tpu.enqueue_indirect_dma source(%arg11 : memref<128x128xf32, #tpu.memory_space<vmem>>) target(%dma_start3A_80 : memref<10112x128xf32, #tpu.memory_space<vmem_shared>>) offsets(%dma_start3A_77 : memref<128xi32, #tpu.memory_space<vmem>>) semaphore(%run_scoped3A : memref<!tpu.dma_semaphore, #tpu.memory_space<semaphore_mem>>) {add = true}
          %dma_wait3A_81 = arith.constant 0 : i32
          %dma_wait3A_82 = tpu.memref_slice %arg10[%scan3A_64, %dma_wait3A_81] : memref<32x128xi32, #tpu.memory_space<vmem>> -> memref<1x128xi32, #tpu.memory_space<vmem>>
          %dma_wait3A_83 = tpu.memref_squeeze %dma_wait3A_82 : memref<1x128xi32, #tpu.memory_space<vmem>> -> memref<128xi32, #tpu.memory_space<vmem>>
          %dma_wait3A_84 = arith.constant 0 : i32
          %dma_wait3A_85 = arith.constant 0 : i32
          %dma_wait3A_86 = tpu.memref_slice %arg7[%dma_wait3A_84, %dma_wait3A_85] : memref<10112x128xf32, #tpu.memory_space<vmem_shared>> -> memref<10112x128xf32, #tpu.memory_space<vmem_shared>>
          tpu.wait_indirect_dma semaphore(%run_scoped3A : memref<!tpu.dma_semaphore, #tpu.memory_space<semaphore_mem>>) src(%arg11 : memref<128x128xf32, #tpu.memory_space<vmem>>) dst(%dma_wait3A_86 : memref<10112x128xf32, #tpu.memory_space<vmem_shared>>)
          tpu.yield
        }) : () -> ()
      }
      %scan3A_63 = arith.constant 32 : i32
    }
    %scan3A_24 = arith.constant 5 : i32
    %barrier3A_25 = arith.constant 0 : index
    tpu.barrier barrier_id(%barrier3A_25)
    %add3A_26 = arith.constant 0 : i32
    %add3A_27 = arith.addi %mul3A_8, %add3A_26 : i32
    "tpu.region"() ({
      %run_scoped3A = tpu.sem_alloc : memref<!tpu.dma_semaphore, #tpu.memory_space<semaphore_mem>>
      %dma_start3A = arith.constant 0 : i32
      %dma_start3A_46 = tpu.memref_slice %arg7[%add3A_27, %dma_start3A] : memref<10112x128xf32, #tpu.memory_space<vmem_shared>> -> memref<128x128xf32, #tpu.memory_space<vmem_shared>>
      %dma_start3A_47 = arith.constant 0 : i32
      %dma_start3A_48 = tpu.memref_slice %arg7[%add3A_27, %dma_start3A_47] : memref<10112x128xf32, #tpu.memory_space<vmem_shared>> -> memref<128x128xf32, #tpu.memory_space<vmem_shared>>
      tpu.enqueue_dma source(%dma_start3A_48 : memref<128x128xf32, #tpu.memory_space<vmem_shared>>) target(%arg11 : memref<128x128xf32, #tpu.memory_space<vmem>>) target_semaphore(%run_scoped3A : memref<!tpu.dma_semaphore, #tpu.memory_space<semaphore_mem>>)
      %dma_wait3A = arith.constant 0 : i32
      %dma_wait3A_49 = tpu.memref_slice %arg7[%add3A_27, %dma_wait3A] : memref<10112x128xf32, #tpu.memory_space<vmem_shared>> -> memref<128x128xf32, #tpu.memory_space<vmem_shared>>
      %dma_wait3A_50 = arith.constant 0 : i32
      %dma_wait3A_51 = tpu.memref_slice %arg7[%add3A_27, %dma_wait3A_50] : memref<10112x128xf32, #tpu.memory_space<vmem_shared>> -> memref<128x128xf32, #tpu.memory_space<vmem_shared>>
      tpu.wait_dma2 semaphore(%run_scoped3A : memref<!tpu.dma_semaphore, #tpu.memory_space<semaphore_mem>>) src(%dma_wait3A_51 : memref<128x128xf32, #tpu.memory_space<vmem_shared>>) dst(%arg11 : memref<128x128xf32, #tpu.memory_space<vmem>>)
      tpu.yield
    }) : () -> ()
    %add3A_28 = arith.constant 0 : i32
    %add3A_29 = arith.addi %mul3A_8, %add3A_28 : i32
    "tpu.region"() ({
      %run_scoped3A = tpu.sem_alloc : memref<!tpu.dma_semaphore, #tpu.memory_space<semaphore_mem>>
      %dma_start3A = arith.constant 0 : i32
      %dma_start3A_46 = tpu.memref_slice %arg6[%arg0, %add3A_29, %dma_start3A] : memref<2x10112x128xf32, #tpu.memory_space<hbm>> -> memref<1x128x128xf32, #tpu.memory_space<hbm>>
      %dma_start3A_47 = tpu.memref_squeeze %dma_start3A_46 : memref<1x128x128xf32, #tpu.memory_space<hbm>> -> memref<128x128xf32, #tpu.memory_space<hbm>>
      %dma_start3A_48 = arith.constant 0 : i32
      %dma_start3A_49 = tpu.memref_slice %arg6[%arg0, %add3A_29, %dma_start3A_48] : memref<2x10112x128xf32, #tpu.memory_space<hbm>> -> memref<1x128x128xf32, #tpu.memory_space<hbm>>
      %dma_start3A_50 = tpu.memref_squeeze %dma_start3A_49 : memref<1x128x128xf32, #tpu.memory_space<hbm>> -> memref<128x128xf32, #tpu.memory_space<hbm>>
      tpu.enqueue_dma source(%arg11 : memref<128x128xf32, #tpu.memory_space<vmem>>) target(%dma_start3A_50 : memref<128x128xf32, #tpu.memory_space<hbm>>) target_semaphore(%run_scoped3A : memref<!tpu.dma_semaphore, #tpu.memory_space<semaphore_mem>>)
      %dma_wait3A = arith.constant 0 : i32
      %dma_wait3A_51 = tpu.memref_slice %arg6[%arg0, %add3A_29, %dma_wait3A] : memref<2x10112x128xf32, #tpu.memory_space<hbm>> -> memref<1x128x128xf32, #tpu.memory_space<hbm>>
      %dma_wait3A_52 = tpu.memref_squeeze %dma_wait3A_51 : memref<1x128x128xf32, #tpu.memory_space<hbm>> -> memref<128x128xf32, #tpu.memory_space<hbm>>
      %dma_wait3A_53 = arith.constant 0 : i32
      %dma_wait3A_54 = tpu.memref_slice %arg6[%arg0, %add3A_29, %dma_wait3A_53] : memref<2x10112x128xf32, #tpu.memory_space<hbm>> -> memref<1x128x128xf32, #tpu.memory_space<hbm>>
      %dma_wait3A_55 = tpu.memref_squeeze %dma_wait3A_54 : memref<1x128x128xf32, #tpu.memory_space<hbm>> -> memref<128x128xf32, #tpu.memory_space<hbm>>
      tpu.wait_dma2 semaphore(%run_scoped3A : memref<!tpu.dma_semaphore, #tpu.memory_space<semaphore_mem>>) src(%arg11 : memref<128x128xf32, #tpu.memory_space<vmem>>) dst(%dma_wait3A_55 : memref<128x128xf32, #tpu.memory_space<hbm>>)
      tpu.yield
    }) : () -> ()
    %add3A_30 = arith.constant 128 : i32
    %add3A_31 = arith.addi %mul3A_8, %add3A_30 : i32
    "tpu.region"() ({
      %run_scoped3A = tpu.sem_alloc : memref<!tpu.dma_semaphore, #tpu.memory_space<semaphore_mem>>
      %dma_start3A = arith.constant 0 : i32
      %dma_start3A_46 = tpu.memref_slice %arg7[%add3A_31, %dma_start3A] : memref<10112x128xf32, #tpu.memory_space<vmem_shared>> -> memref<128x128xf32, #tpu.memory_space<vmem_shared>>
      %dma_start3A_47 = arith.constant 0 : i32
      %dma_start3A_48 = tpu.memref_slice %arg7[%add3A_31, %dma_start3A_47] : memref<10112x128xf32, #tpu.memory_space<vmem_shared>> -> memref<128x128xf32, #tpu.memory_space<vmem_shared>>
      tpu.enqueue_dma source(%dma_start3A_48 : memref<128x128xf32, #tpu.memory_space<vmem_shared>>) target(%arg11 : memref<128x128xf32, #tpu.memory_space<vmem>>) target_semaphore(%run_scoped3A : memref<!tpu.dma_semaphore, #tpu.memory_space<semaphore_mem>>)
      %dma_wait3A = arith.constant 0 : i32
      %dma_wait3A_49 = tpu.memref_slice %arg7[%add3A_31, %dma_wait3A] : memref<10112x128xf32, #tpu.memory_space<vmem_shared>> -> memref<128x128xf32, #tpu.memory_space<vmem_shared>>
      %dma_wait3A_50 = arith.constant 0 : i32
      %dma_wait3A_51 = tpu.memref_slice %arg7[%add3A_31, %dma_wait3A_50] : memref<10112x128xf32, #tpu.memory_space<vmem_shared>> -> memref<128x128xf32, #tpu.memory_space<vmem_shared>>
      tpu.wait_dma2 semaphore(%run_scoped3A : memref<!tpu.dma_semaphore, #tpu.memory_space<semaphore_mem>>) src(%dma_wait3A_51 : memref<128x128xf32, #tpu.memory_space<vmem_shared>>) dst(%arg11 : memref<128x128xf32, #tpu.memory_space<vmem>>)
      tpu.yield
    }) : () -> ()
    %add3A_32 = arith.constant 128 : i32
    %add3A_33 = arith.addi %mul3A_8, %add3A_32 : i32
    "tpu.region"() ({
      %run_scoped3A = tpu.sem_alloc : memref<!tpu.dma_semaphore, #tpu.memory_space<semaphore_mem>>
      %dma_start3A = arith.constant 0 : i32
      %dma_start3A_46 = tpu.memref_slice %arg6[%arg0, %add3A_33, %dma_start3A] : memref<2x10112x128xf32, #tpu.memory_space<hbm>> -> memref<1x128x128xf32, #tpu.memory_space<hbm>>
      %dma_start3A_47 = tpu.memref_squeeze %dma_start3A_46 : memref<1x128x128xf32, #tpu.memory_space<hbm>> -> memref<128x128xf32, #tpu.memory_space<hbm>>
      %dma_start3A_48 = arith.constant 0 : i32
      %dma_start3A_49 = tpu.memref_slice %arg6[%arg0, %add3A_33, %dma_start3A_48] : memref<2x10112x128xf32, #tpu.memory_space<hbm>> -> memref<1x128x128xf32, #tpu.memory_space<hbm>>
      %dma_start3A_50 = tpu.memref_squeeze %dma_start3A_49 : memref<1x128x128xf32, #tpu.memory_space<hbm>> -> memref<128x128xf32, #tpu.memory_space<hbm>>
      tpu.enqueue_dma source(%arg11 : memref<128x128xf32, #tpu.memory_space<vmem>>) target(%dma_start3A_50 : memref<128x128xf32, #tpu.memory_space<hbm>>) target_semaphore(%run_scoped3A : memref<!tpu.dma_semaphore, #tpu.memory_space<semaphore_mem>>)
      %dma_wait3A = arith.constant 0 : i32
      %dma_wait3A_51 = tpu.memref_slice %arg6[%arg0, %add3A_33, %dma_wait3A] : memref<2x10112x128xf32, #tpu.memory_space<hbm>> -> memref<1x128x128xf32, #tpu.memory_space<hbm>>
      %dma_wait3A_52 = tpu.memref_squeeze %dma_wait3A_51 : memref<1x128x128xf32, #tpu.memory_space<hbm>> -> memref<128x128xf32, #tpu.memory_space<hbm>>
      %dma_wait3A_53 = arith.constant 0 : i32
      %dma_wait3A_54 = tpu.memref_slice %arg6[%arg0, %add3A_33, %dma_wait3A_53] : memref<2x10112x128xf32, #tpu.memory_space<hbm>> -> memref<1x128x128xf32, #tpu.memory_space<hbm>>
      %dma_wait3A_55 = tpu.memref_squeeze %dma_wait3A_54 : memref<1x128x128xf32, #tpu.memory_space<hbm>> -> memref<128x128xf32, #tpu.memory_space<hbm>>
      tpu.wait_dma2 semaphore(%run_scoped3A : memref<!tpu.dma_semaphore, #tpu.memory_space<semaphore_mem>>) src(%arg11 : memref<128x128xf32, #tpu.memory_space<vmem>>) dst(%dma_wait3A_55 : memref<128x128xf32, #tpu.memory_space<hbm>>)
      tpu.yield
    }) : () -> ()
    %add3A_34 = arith.constant 256 : i32
    %add3A_35 = arith.addi %mul3A_8, %add3A_34 : i32
    "tpu.region"() ({
      %run_scoped3A = tpu.sem_alloc : memref<!tpu.dma_semaphore, #tpu.memory_space<semaphore_mem>>
      %dma_start3A = arith.constant 0 : i32
      %dma_start3A_46 = tpu.memref_slice %arg7[%add3A_35, %dma_start3A] : memref<10112x128xf32, #tpu.memory_space<vmem_shared>> -> memref<128x128xf32, #tpu.memory_space<vmem_shared>>
      %dma_start3A_47 = arith.constant 0 : i32
      %dma_start3A_48 = tpu.memref_slice %arg7[%add3A_35, %dma_start3A_47] : memref<10112x128xf32, #tpu.memory_space<vmem_shared>> -> memref<128x128xf32, #tpu.memory_space<vmem_shared>>
      tpu.enqueue_dma source(%dma_start3A_48 : memref<128x128xf32, #tpu.memory_space<vmem_shared>>) target(%arg11 : memref<128x128xf32, #tpu.memory_space<vmem>>) target_semaphore(%run_scoped3A : memref<!tpu.dma_semaphore, #tpu.memory_space<semaphore_mem>>)
      %dma_wait3A = arith.constant 0 : i32
      %dma_wait3A_49 = tpu.memref_slice %arg7[%add3A_35, %dma_wait3A] : memref<10112x128xf32, #tpu.memory_space<vmem_shared>> -> memref<128x128xf32, #tpu.memory_space<vmem_shared>>
      %dma_wait3A_50 = arith.constant 0 : i32
      %dma_wait3A_51 = tpu.memref_slice %arg7[%add3A_35, %dma_wait3A_50] : memref<10112x128xf32, #tpu.memory_space<vmem_shared>> -> memref<128x128xf32, #tpu.memory_space<vmem_shared>>
      tpu.wait_dma2 semaphore(%run_scoped3A : memref<!tpu.dma_semaphore, #tpu.memory_space<semaphore_mem>>) src(%dma_wait3A_51 : memref<128x128xf32, #tpu.memory_space<vmem_shared>>) dst(%arg11 : memref<128x128xf32, #tpu.memory_space<vmem>>)
      tpu.yield
    }) : () -> ()
    %add3A_36 = arith.constant 256 : i32
    %add3A_37 = arith.addi %mul3A_8, %add3A_36 : i32
    "tpu.region"() ({
      %run_scoped3A = tpu.sem_alloc : memref<!tpu.dma_semaphore, #tpu.memory_space<semaphore_mem>>
      %dma_start3A = arith.constant 0 : i32
      %dma_start3A_46 = tpu.memref_slice %arg6[%arg0, %add3A_37, %dma_start3A] : memref<2x10112x128xf32, #tpu.memory_space<hbm>> -> memref<1x128x128xf32, #tpu.memory_space<hbm>>
      %dma_start3A_47 = tpu.memref_squeeze %dma_start3A_46 : memref<1x128x128xf32, #tpu.memory_space<hbm>> -> memref<128x128xf32, #tpu.memory_space<hbm>>
      %dma_start3A_48 = arith.constant 0 : i32
      %dma_start3A_49 = tpu.memref_slice %arg6[%arg0, %add3A_37, %dma_start3A_48] : memref<2x10112x128xf32, #tpu.memory_space<hbm>> -> memref<1x128x128xf32, #tpu.memory_space<hbm>>
      %dma_start3A_50 = tpu.memref_squeeze %dma_start3A_49 : memref<1x128x128xf32, #tpu.memory_space<hbm>> -> memref<128x128xf32, #tpu.memory_space<hbm>>
      tpu.enqueue_dma source(%arg11 : memref<128x128xf32, #tpu.memory_space<vmem>>) target(%dma_start3A_50 : memref<128x128xf32, #tpu.memory_space<hbm>>) target_semaphore(%run_scoped3A : memref<!tpu.dma_semaphore, #tpu.memory_space<semaphore_mem>>)
      %dma_wait3A = arith.constant 0 : i32
      %dma_wait3A_51 = tpu.memref_slice %arg6[%arg0, %add3A_37, %dma_wait3A] : memref<2x10112x128xf32, #tpu.memory_space<hbm>> -> memref<1x128x128xf32, #tpu.memory_space<hbm>>
      %dma_wait3A_52 = tpu.memref_squeeze %dma_wait3A_51 : memref<1x128x128xf32, #tpu.memory_space<hbm>> -> memref<128x128xf32, #tpu.memory_space<hbm>>
      %dma_wait3A_53 = arith.constant 0 : i32
      %dma_wait3A_54 = tpu.memref_slice %arg6[%arg0, %add3A_37, %dma_wait3A_53] : memref<2x10112x128xf32, #tpu.memory_space<hbm>> -> memref<1x128x128xf32, #tpu.memory_space<hbm>>
      %dma_wait3A_55 = tpu.memref_squeeze %dma_wait3A_54 : memref<1x128x128xf32, #tpu.memory_space<hbm>> -> memref<128x128xf32, #tpu.memory_space<hbm>>
      tpu.wait_dma2 semaphore(%run_scoped3A : memref<!tpu.dma_semaphore, #tpu.memory_space<semaphore_mem>>) src(%arg11 : memref<128x128xf32, #tpu.memory_space<vmem>>) dst(%dma_wait3A_55 : memref<128x128xf32, #tpu.memory_space<hbm>>)
      tpu.yield
    }) : () -> ()
    %add3A_38 = arith.constant 384 : i32
    %add3A_39 = arith.addi %mul3A_8, %add3A_38 : i32
    "tpu.region"() ({
      %run_scoped3A = tpu.sem_alloc : memref<!tpu.dma_semaphore, #tpu.memory_space<semaphore_mem>>
      %dma_start3A = arith.constant 0 : i32
      %dma_start3A_46 = tpu.memref_slice %arg7[%add3A_39, %dma_start3A] : memref<10112x128xf32, #tpu.memory_space<vmem_shared>> -> memref<128x128xf32, #tpu.memory_space<vmem_shared>>
      %dma_start3A_47 = arith.constant 0 : i32
      %dma_start3A_48 = tpu.memref_slice %arg7[%add3A_39, %dma_start3A_47] : memref<10112x128xf32, #tpu.memory_space<vmem_shared>> -> memref<128x128xf32, #tpu.memory_space<vmem_shared>>
      tpu.enqueue_dma source(%dma_start3A_48 : memref<128x128xf32, #tpu.memory_space<vmem_shared>>) target(%arg11 : memref<128x128xf32, #tpu.memory_space<vmem>>) target_semaphore(%run_scoped3A : memref<!tpu.dma_semaphore, #tpu.memory_space<semaphore_mem>>)
      %dma_wait3A = arith.constant 0 : i32
      %dma_wait3A_49 = tpu.memref_slice %arg7[%add3A_39, %dma_wait3A] : memref<10112x128xf32, #tpu.memory_space<vmem_shared>> -> memref<128x128xf32, #tpu.memory_space<vmem_shared>>
      %dma_wait3A_50 = arith.constant 0 : i32
      %dma_wait3A_51 = tpu.memref_slice %arg7[%add3A_39, %dma_wait3A_50] : memref<10112x128xf32, #tpu.memory_space<vmem_shared>> -> memref<128x128xf32, #tpu.memory_space<vmem_shared>>
      tpu.wait_dma2 semaphore(%run_scoped3A : memref<!tpu.dma_semaphore, #tpu.memory_space<semaphore_mem>>) src(%dma_wait3A_51 : memref<128x128xf32, #tpu.memory_space<vmem_shared>>) dst(%arg11 : memref<128x128xf32, #tpu.memory_space<vmem>>)
      tpu.yield
    }) : () -> ()
    %add3A_40 = arith.constant 384 : i32
    %add3A_41 = arith.addi %mul3A_8, %add3A_40 : i32
    "tpu.region"() ({
      %run_scoped3A = tpu.sem_alloc : memref<!tpu.dma_semaphore, #tpu.memory_space<semaphore_mem>>
      %dma_start3A = arith.constant 0 : i32
      %dma_start3A_46 = tpu.memref_slice %arg6[%arg0, %add3A_41, %dma_start3A] : memref<2x10112x128xf32, #tpu.memory_space<hbm>> -> memref<1x128x128xf32, #tpu.memory_space<hbm>>
      %dma_start3A_47 = tpu.memref_squeeze %dma_start3A_46 : memref<1x128x128xf32, #tpu.memory_space<hbm>> -> memref<128x128xf32, #tpu.memory_space<hbm>>
      %dma_start3A_48 = arith.constant 0 : i32
      %dma_start3A_49 = tpu.memref_slice %arg6[%arg0, %add3A_41, %dma_start3A_48] : memref<2x10112x128xf32, #tpu.memory_space<hbm>> -> memref<1x128x128xf32, #tpu.memory_space<hbm>>
      %dma_start3A_50 = tpu.memref_squeeze %dma_start3A_49 : memref<1x128x128xf32, #tpu.memory_space<hbm>> -> memref<128x128xf32, #tpu.memory_space<hbm>>
      tpu.enqueue_dma source(%arg11 : memref<128x128xf32, #tpu.memory_space<vmem>>) target(%dma_start3A_50 : memref<128x128xf32, #tpu.memory_space<hbm>>) target_semaphore(%run_scoped3A : memref<!tpu.dma_semaphore, #tpu.memory_space<semaphore_mem>>)
      %dma_wait3A = arith.constant 0 : i32
      %dma_wait3A_51 = tpu.memref_slice %arg6[%arg0, %add3A_41, %dma_wait3A] : memref<2x10112x128xf32, #tpu.memory_space<hbm>> -> memref<1x128x128xf32, #tpu.memory_space<hbm>>
      %dma_wait3A_52 = tpu.memref_squeeze %dma_wait3A_51 : memref<1x128x128xf32, #tpu.memory_space<hbm>> -> memref<128x128xf32, #tpu.memory_space<hbm>>
      %dma_wait3A_53 = arith.constant 0 : i32
      %dma_wait3A_54 = tpu.memref_slice %arg6[%arg0, %add3A_41, %dma_wait3A_53] : memref<2x10112x128xf32, #tpu.memory_space<hbm>> -> memref<1x128x128xf32, #tpu.memory_space<hbm>>
      %dma_wait3A_55 = tpu.memref_squeeze %dma_wait3A_54 : memref<1x128x128xf32, #tpu.memory_space<hbm>> -> memref<128x128xf32, #tpu.memory_space<hbm>>
      tpu.wait_dma2 semaphore(%run_scoped3A : memref<!tpu.dma_semaphore, #tpu.memory_space<semaphore_mem>>) src(%arg11 : memref<128x128xf32, #tpu.memory_space<vmem>>) dst(%dma_wait3A_55 : memref<128x128xf32, #tpu.memory_space<hbm>>)
      tpu.yield
    }) : () -> ()
    %add3A_42 = arith.constant 512 : i32
    %add3A_43 = arith.addi %mul3A_8, %add3A_42 : i32
    "tpu.region"() ({
      %run_scoped3A = tpu.sem_alloc : memref<!tpu.dma_semaphore, #tpu.memory_space<semaphore_mem>>
      %dma_start3A = arith.constant 0 : i32
      %dma_start3A_46 = arith.constant 0 : i32
      %dma_start3A_47 = tpu.memref_slice %arg11[%dma_start3A, %dma_start3A_46] : memref<128x128xf32, #tpu.memory_space<vmem>> -> memref<120x128xf32, #tpu.memory_space<vmem>>
      %dma_start3A_48 = arith.constant 0 : i32
      %dma_start3A_49 = tpu.memref_slice %arg7[%add3A_43, %dma_start3A_48] : memref<10112x128xf32, #tpu.memory_space<vmem_shared>> -> memref<120x128xf32, #tpu.memory_space<vmem_shared>>
      %dma_start3A_50 = arith.constant 0 : i32
      %dma_start3A_51 = arith.constant 0 : i32
      %dma_start3A_52 = tpu.memref_slice %arg11[%dma_start3A_50, %dma_start3A_51] : memref<128x128xf32, #tpu.memory_space<vmem>> -> memref<120x128xf32, #tpu.memory_space<vmem>>
      %dma_start3A_53 = arith.constant 0 : i32
      %dma_start3A_54 = tpu.memref_slice %arg7[%add3A_43, %dma_start3A_53] : memref<10112x128xf32, #tpu.memory_space<vmem_shared>> -> memref<120x128xf32, #tpu.memory_space<vmem_shared>>
      tpu.enqueue_dma source(%dma_start3A_54 : memref<120x128xf32, #tpu.memory_space<vmem_shared>>) target(%dma_start3A_52 : memref<120x128xf32, #tpu.memory_space<vmem>>) target_semaphore(%run_scoped3A : memref<!tpu.dma_semaphore, #tpu.memory_space<semaphore_mem>>)
      %dma_wait3A = arith.constant 0 : i32
      %dma_wait3A_55 = arith.constant 0 : i32
      %dma_wait3A_56 = tpu.memref_slice %arg11[%dma_wait3A, %dma_wait3A_55] : memref<128x128xf32, #tpu.memory_space<vmem>> -> memref<120x128xf32, #tpu.memory_space<vmem>>
      %dma_wait3A_57 = arith.constant 0 : i32
      %dma_wait3A_58 = tpu.memref_slice %arg7[%add3A_43, %dma_wait3A_57] : memref<10112x128xf32, #tpu.memory_space<vmem_shared>> -> memref<120x128xf32, #tpu.memory_space<vmem_shared>>
      %dma_wait3A_59 = arith.constant 0 : i32
      %dma_wait3A_60 = arith.constant 0 : i32
      %dma_wait3A_61 = tpu.memref_slice %arg11[%dma_wait3A_59, %dma_wait3A_60] : memref<128x128xf32, #tpu.memory_space<vmem>> -> memref<120x128xf32, #tpu.memory_space<vmem>>
      %dma_wait3A_62 = arith.constant 0 : i32
      %dma_wait3A_63 = tpu.memref_slice %arg7[%add3A_43, %dma_wait3A_62] : memref<10112x128xf32, #tpu.memory_space<vmem_shared>> -> memref<120x128xf32, #tpu.memory_space<vmem_shared>>
      tpu.wait_dma2 semaphore(%run_scoped3A : memref<!tpu.dma_semaphore, #tpu.memory_space<semaphore_mem>>) src(%dma_wait3A_63 : memref<120x128xf32, #tpu.memory_space<vmem_shared>>) dst(%dma_wait3A_61 : memref<120x128xf32, #tpu.memory_space<vmem>>)
      tpu.yield
    }) : () -> ()
    %add3A_44 = arith.constant 512 : i32
    %add3A_45 = arith.addi %mul3A_8, %add3A_44 : i32
    "tpu.region"() ({
      %run_scoped3A = tpu.sem_alloc : memref<!tpu.dma_semaphore, #tpu.memory_space<semaphore_mem>>
      %dma_start3A = arith.constant 0 : i32
      %dma_start3A_46 = arith.constant 0 : i32
      %dma_start3A_47 = tpu.memref_slice %arg11[%dma_start3A, %dma_start3A_46] : memref<128x128xf32, #tpu.memory_space<vmem>> -> memref<120x128xf32, #tpu.memory_space<vmem>>
      %dma_start3A_48 = arith.constant 0 : i32
      %dma_start3A_49 = tpu.memref_slice %arg6[%arg0, %add3A_45, %dma_start3A_48] : memref<2x10112x128xf32, #tpu.memory_space<hbm>> -> memref<1x120x128xf32, #tpu.memory_space<hbm>>
      %dma_start3A_50 = tpu.memref_squeeze %dma_start3A_49 : memref<1x120x128xf32, #tpu.memory_space<hbm>> -> memref<120x128xf32, #tpu.memory_space<hbm>>
      %dma_start3A_51 = arith.constant 0 : i32
      %dma_start3A_52 = tpu.memref_slice %arg6[%arg0, %add3A_45, %dma_start3A_51] : memref<2x10112x128xf32, #tpu.memory_space<hbm>> -> memref<1x120x128xf32, #tpu.memory_space<hbm>>
      %dma_start3A_53 = tpu.memref_squeeze %dma_start3A_52 : memref<1x120x128xf32, #tpu.memory_space<hbm>> -> memref<120x128xf32, #tpu.memory_space<hbm>>
      %dma_start3A_54 = arith.constant 0 : i32
      %dma_start3A_55 = arith.constant 0 : i32
      %dma_start3A_56 = tpu.memref_slice %arg11[%dma_start3A_54, %dma_start3A_55] : memref<128x128xf32, #tpu.memory_space<vmem>> -> memref<120x128xf32, #tpu.memory_space<vmem>>
      tpu.enqueue_dma source(%dma_start3A_56 : memref<120x128xf32, #tpu.memory_space<vmem>>) target(%dma_start3A_53 : memref<120x128xf32, #tpu.memory_space<hbm>>) target_semaphore(%run_scoped3A : memref<!tpu.dma_semaphore, #tpu.memory_space<semaphore_mem>>)
      %dma_wait3A = arith.constant 0 : i32
      %dma_wait3A_57 = arith.constant 0 : i32
      %dma_wait3A_58 = tpu.memref_slice %arg11[%dma_wait3A, %dma_wait3A_57] : memref<128x128xf32, #tpu.memory_space<vmem>> -> memref<120x128xf32, #tpu.memory_space<vmem>>
      %dma_wait3A_59 = arith.constant 0 : i32
      %dma_wait3A_60 = tpu.memref_slice %arg6[%arg0, %add3A_45, %dma_wait3A_59] : memref<2x10112x128xf32, #tpu.memory_space<hbm>> -> memref<1x120x128xf32, #tpu.memory_space<hbm>>
      %dma_wait3A_61 = tpu.memref_squeeze %dma_wait3A_60 : memref<1x120x128xf32, #tpu.memory_space<hbm>> -> memref<120x128xf32, #tpu.memory_space<hbm>>
      %dma_wait3A_62 = arith.constant 0 : i32
      %dma_wait3A_63 = tpu.memref_slice %arg6[%arg0, %add3A_45, %dma_wait3A_62] : memref<2x10112x128xf32, #tpu.memory_space<hbm>> -> memref<1x120x128xf32, #tpu.memory_space<hbm>>
      %dma_wait3A_64 = tpu.memref_squeeze %dma_wait3A_63 : memref<1x120x128xf32, #tpu.memory_space<hbm>> -> memref<120x128xf32, #tpu.memory_space<hbm>>
      %dma_wait3A_65 = arith.constant 0 : i32
      %dma_wait3A_66 = arith.constant 0 : i32
      %dma_wait3A_67 = tpu.memref_slice %arg11[%dma_wait3A_65, %dma_wait3A_66] : memref<128x128xf32, #tpu.memory_space<vmem>> -> memref<120x128xf32, #tpu.memory_space<vmem>>
      tpu.wait_dma2 semaphore(%run_scoped3A : memref<!tpu.dma_semaphore, #tpu.memory_space<semaphore_mem>>) src(%dma_wait3A_67 : memref<120x128xf32, #tpu.memory_space<vmem>>) dst(%dma_wait3A_64 : memref<120x128xf32, #tpu.memory_space<hbm>>)
      tpu.yield
    }) : () -> ()
    return
  }
}

module attributes {stable_mosaic.version = 14 : i64} {
  func.func @_embed_body(%arg0: i32, %arg1: memref<1000x128xi32, #tpu.memory_space<vmem>>, %arg2: memref<1x128xi32, #tpu.memory_space<vmem>>, %arg3: memref<256x128xf32, #tpu.memory_space<vmem>>, %arg4: memref<128x128xf32, #tpu.memory_space<vmem>>, %arg5: memref<8x32xf32, #tpu.memory_space<vmem>>, %arg6: memref<32x128xf32, #tpu.memory_space<vmem>>, %arg7: memref<1x128xf32, #tpu.memory_space<vmem>>, %arg8: memref<1000x128xf32, #tpu.memory_space<vmem>>, %arg9: memref<1000x128xf32, #tpu.memory_space<vmem>>, %arg10: memref<5x1000x128xf32, #tpu.memory_space<vmem>>) attributes {dimension_semantics = [#tpu.dimension_semantics<arbitrary>], iteration_bounds = array<i64: 10>, scalar_prefetch = 0 : i64, scratch_operands = 0 : i64, tpu.core_type = #tpu.core_type<tc>, window_params = [{transform_indices = @transform_0, window_bounds = array<i64: 1000, 128>}, {pipeline_mode = #tpu.pipeline_mode<synchronous>, transform_indices = @transform_1, window_bounds = array<i64: 1, 128>}, {pipeline_mode = #tpu.pipeline_mode<synchronous>, transform_indices = @transform_2, window_bounds = array<i64: 256, 128>}, {pipeline_mode = #tpu.pipeline_mode<synchronous>, transform_indices = @transform_3, window_bounds = array<i64: 128, 128>}, {pipeline_mode = #tpu.pipeline_mode<synchronous>, transform_indices = @transform_4, window_bounds = array<i64: 8, 32>}, {pipeline_mode = #tpu.pipeline_mode<synchronous>, transform_indices = @transform_5, window_bounds = array<i64: 32, 128>}, {pipeline_mode = #tpu.pipeline_mode<synchronous>, transform_indices = @transform_6, window_bounds = array<i64: 1, 128>}, {transform_indices = @transform_7, window_bounds = array<i64: 1000, 128>}, {transform_indices = @transform_8, window_bounds = array<i64: 1000, 128>}, {transform_indices = @transform_9, window_bounds = array<i64: 5, 1000, 128>}]} {
    %get3A = arith.constant 0 : index
    %get3A_0 = arith.constant 0 : index
    %get3A_1 = vector.load %arg1[%get3A, %get3A_0] : memref<1000x128xi32, #tpu.memory_space<vmem>>, vector<1000x128xi32>
    %get3A_2 = arith.constant 0 : index
    %get3A_3 = arith.constant 0 : index
    %get3A_4 = vector.load %arg2[%get3A_2, %get3A_3] : memref<1x128xi32, #tpu.memory_space<vmem>>, vector<1x128xi32>
    %add3A = vector.broadcast %get3A_4 : vector<1x128xi32> to vector<1000x128xi32>
    %add3A_5 = arith.addi %get3A_1, %add3A : vector<1000x128xi32>
    %iota3A = tpu.iota {dimensions = array<i32: 1>} : vector<1000x256xi32>
    %broadcast_in_dim3A = arith.constant 0.000000e+00 : f32
    %broadcast_in_dim3A_6 = vector.broadcast %broadcast_in_dim3A : f32 to vector<1000x256xf32>
    %slice3A = vector.extract_strided_slice %add3A_5 {offsets = [0, 0], sizes = [1000, 1], strides = [1, 1]} : vector<1000x128xi32> to vector<1000x1xi32>
    %squeeze3A = vector.shape_cast %slice3A : vector<1000x1xi32> to vector<1000xi32>
    %broadcast_in_dim3A_7 = vector.shape_cast %squeeze3A : vector<1000xi32> to vector<1000x1xi32>
    %eq3A = vector.broadcast %broadcast_in_dim3A_7 : vector<1000x1xi32> to vector<1000x256xi32>
    %eq3A_8 = arith.cmpi eq, %eq3A, %iota3A : vector<1000x256xi32>
    %convert_element_type3A = arith.extui %eq3A_8 : vector<1000x256xi1> to vector<1000x256xi32>
    %convert_element_type3A_9 = arith.sitofp %convert_element_type3A : vector<1000x256xi32> to vector<1000x256xf32>
    %add3A_10 = arith.addf %broadcast_in_dim3A_6, %convert_element_type3A_9 : vector<1000x256xf32>
    %slice3A_11 = vector.extract_strided_slice %add3A_5 {offsets = [0, 1], sizes = [1000, 1], strides = [1, 1]} : vector<1000x128xi32> to vector<1000x1xi32>
    %squeeze3A_12 = vector.shape_cast %slice3A_11 : vector<1000x1xi32> to vector<1000xi32>
    %broadcast_in_dim3A_13 = vector.shape_cast %squeeze3A_12 : vector<1000xi32> to vector<1000x1xi32>
    %eq3A_14 = vector.broadcast %broadcast_in_dim3A_13 : vector<1000x1xi32> to vector<1000x256xi32>
    %eq3A_15 = arith.cmpi eq, %eq3A_14, %iota3A : vector<1000x256xi32>
    %convert_element_type3A_16 = arith.extui %eq3A_15 : vector<1000x256xi1> to vector<1000x256xi32>
    %convert_element_type3A_17 = arith.sitofp %convert_element_type3A_16 : vector<1000x256xi32> to vector<1000x256xf32>
    %add3A_18 = arith.addf %add3A_10, %convert_element_type3A_17 : vector<1000x256xf32>
    %slice3A_19 = vector.extract_strided_slice %add3A_5 {offsets = [0, 2], sizes = [1000, 1], strides = [1, 1]} : vector<1000x128xi32> to vector<1000x1xi32>
    %squeeze3A_20 = vector.shape_cast %slice3A_19 : vector<1000x1xi32> to vector<1000xi32>
    %broadcast_in_dim3A_21 = vector.shape_cast %squeeze3A_20 : vector<1000xi32> to vector<1000x1xi32>
    %eq3A_22 = vector.broadcast %broadcast_in_dim3A_21 : vector<1000x1xi32> to vector<1000x256xi32>
    %eq3A_23 = arith.cmpi eq, %eq3A_22, %iota3A : vector<1000x256xi32>
    %convert_element_type3A_24 = arith.extui %eq3A_23 : vector<1000x256xi1> to vector<1000x256xi32>
    %convert_element_type3A_25 = arith.sitofp %convert_element_type3A_24 : vector<1000x256xi32> to vector<1000x256xf32>
    %add3A_26 = arith.addf %add3A_18, %convert_element_type3A_25 : vector<1000x256xf32>
    %slice3A_27 = vector.extract_strided_slice %add3A_5 {offsets = [0, 3], sizes = [1000, 1], strides = [1, 1]} : vector<1000x128xi32> to vector<1000x1xi32>
    %squeeze3A_28 = vector.shape_cast %slice3A_27 : vector<1000x1xi32> to vector<1000xi32>
    %broadcast_in_dim3A_29 = vector.shape_cast %squeeze3A_28 : vector<1000xi32> to vector<1000x1xi32>
    %eq3A_30 = vector.broadcast %broadcast_in_dim3A_29 : vector<1000x1xi32> to vector<1000x256xi32>
    %eq3A_31 = arith.cmpi eq, %eq3A_30, %iota3A : vector<1000x256xi32>
    %convert_element_type3A_32 = arith.extui %eq3A_31 : vector<1000x256xi1> to vector<1000x256xi32>
    %convert_element_type3A_33 = arith.sitofp %convert_element_type3A_32 : vector<1000x256xi32> to vector<1000x256xf32>
    %add3A_34 = arith.addf %add3A_26, %convert_element_type3A_33 : vector<1000x256xf32>
    %slice3A_35 = vector.extract_strided_slice %add3A_5 {offsets = [0, 4], sizes = [1000, 1], strides = [1, 1]} : vector<1000x128xi32> to vector<1000x1xi32>
    %squeeze3A_36 = vector.shape_cast %slice3A_35 : vector<1000x1xi32> to vector<1000xi32>
    %broadcast_in_dim3A_37 = vector.shape_cast %squeeze3A_36 : vector<1000xi32> to vector<1000x1xi32>
    %eq3A_38 = vector.broadcast %broadcast_in_dim3A_37 : vector<1000x1xi32> to vector<1000x256xi32>
    %eq3A_39 = arith.cmpi eq, %eq3A_38, %iota3A : vector<1000x256xi32>
    %convert_element_type3A_40 = arith.extui %eq3A_39 : vector<1000x256xi1> to vector<1000x256xi32>
    %convert_element_type3A_41 = arith.sitofp %convert_element_type3A_40 : vector<1000x256xi32> to vector<1000x256xf32>
    %add3A_42 = arith.addf %add3A_34, %convert_element_type3A_41 : vector<1000x256xf32>
    %slice3A_43 = vector.extract_strided_slice %add3A_5 {offsets = [0, 5], sizes = [1000, 1], strides = [1, 1]} : vector<1000x128xi32> to vector<1000x1xi32>
    %squeeze3A_44 = vector.shape_cast %slice3A_43 : vector<1000x1xi32> to vector<1000xi32>
    %broadcast_in_dim3A_45 = vector.shape_cast %squeeze3A_44 : vector<1000xi32> to vector<1000x1xi32>
    %eq3A_46 = vector.broadcast %broadcast_in_dim3A_45 : vector<1000x1xi32> to vector<1000x256xi32>
    %eq3A_47 = arith.cmpi eq, %eq3A_46, %iota3A : vector<1000x256xi32>
    %convert_element_type3A_48 = arith.extui %eq3A_47 : vector<1000x256xi1> to vector<1000x256xi32>
    %convert_element_type3A_49 = arith.sitofp %convert_element_type3A_48 : vector<1000x256xi32> to vector<1000x256xf32>
    %add3A_50 = arith.addf %add3A_42, %convert_element_type3A_49 : vector<1000x256xf32>
    %slice3A_51 = vector.extract_strided_slice %add3A_5 {offsets = [0, 6], sizes = [1000, 1], strides = [1, 1]} : vector<1000x128xi32> to vector<1000x1xi32>
    %squeeze3A_52 = vector.shape_cast %slice3A_51 : vector<1000x1xi32> to vector<1000xi32>
    %broadcast_in_dim3A_53 = vector.shape_cast %squeeze3A_52 : vector<1000xi32> to vector<1000x1xi32>
    %eq3A_54 = vector.broadcast %broadcast_in_dim3A_53 : vector<1000x1xi32> to vector<1000x256xi32>
    %eq3A_55 = arith.cmpi eq, %eq3A_54, %iota3A : vector<1000x256xi32>
    %convert_element_type3A_56 = arith.extui %eq3A_55 : vector<1000x256xi1> to vector<1000x256xi32>
    %convert_element_type3A_57 = arith.sitofp %convert_element_type3A_56 : vector<1000x256xi32> to vector<1000x256xf32>
    %add3A_58 = arith.addf %add3A_50, %convert_element_type3A_57 : vector<1000x256xf32>
    %slice3A_59 = vector.extract_strided_slice %add3A_5 {offsets = [0, 7], sizes = [1000, 1], strides = [1, 1]} : vector<1000x128xi32> to vector<1000x1xi32>
    %squeeze3A_60 = vector.shape_cast %slice3A_59 : vector<1000x1xi32> to vector<1000xi32>
    %broadcast_in_dim3A_61 = vector.shape_cast %squeeze3A_60 : vector<1000xi32> to vector<1000x1xi32>
    %eq3A_62 = vector.broadcast %broadcast_in_dim3A_61 : vector<1000x1xi32> to vector<1000x256xi32>
    %eq3A_63 = arith.cmpi eq, %eq3A_62, %iota3A : vector<1000x256xi32>
    %convert_element_type3A_64 = arith.extui %eq3A_63 : vector<1000x256xi1> to vector<1000x256xi32>
    %convert_element_type3A_65 = arith.sitofp %convert_element_type3A_64 : vector<1000x256xi32> to vector<1000x256xf32>
    %add3A_66 = arith.addf %add3A_58, %convert_element_type3A_65 : vector<1000x256xf32>
    %slice3A_67 = vector.extract_strided_slice %add3A_5 {offsets = [0, 8], sizes = [1000, 1], strides = [1, 1]} : vector<1000x128xi32> to vector<1000x1xi32>
    %squeeze3A_68 = vector.shape_cast %slice3A_67 : vector<1000x1xi32> to vector<1000xi32>
    %broadcast_in_dim3A_69 = vector.shape_cast %squeeze3A_68 : vector<1000xi32> to vector<1000x1xi32>
    %eq3A_70 = vector.broadcast %broadcast_in_dim3A_69 : vector<1000x1xi32> to vector<1000x256xi32>
    %eq3A_71 = arith.cmpi eq, %eq3A_70, %iota3A : vector<1000x256xi32>
    %convert_element_type3A_72 = arith.extui %eq3A_71 : vector<1000x256xi1> to vector<1000x256xi32>
    %convert_element_type3A_73 = arith.sitofp %convert_element_type3A_72 : vector<1000x256xi32> to vector<1000x256xf32>
    %add3A_74 = arith.addf %add3A_66, %convert_element_type3A_73 : vector<1000x256xf32>
    %slice3A_75 = vector.extract_strided_slice %add3A_5 {offsets = [0, 9], sizes = [1000, 1], strides = [1, 1]} : vector<1000x128xi32> to vector<1000x1xi32>
    %squeeze3A_76 = vector.shape_cast %slice3A_75 : vector<1000x1xi32> to vector<1000xi32>
    %broadcast_in_dim3A_77 = vector.shape_cast %squeeze3A_76 : vector<1000xi32> to vector<1000x1xi32>
    %eq3A_78 = vector.broadcast %broadcast_in_dim3A_77 : vector<1000x1xi32> to vector<1000x256xi32>
    %eq3A_79 = arith.cmpi eq, %eq3A_78, %iota3A : vector<1000x256xi32>
    %convert_element_type3A_80 = arith.extui %eq3A_79 : vector<1000x256xi1> to vector<1000x256xi32>
    %convert_element_type3A_81 = arith.sitofp %convert_element_type3A_80 : vector<1000x256xi32> to vector<1000x256xf32>
    %add3A_82 = arith.addf %add3A_74, %convert_element_type3A_81 : vector<1000x256xf32>
    %slice3A_83 = vector.extract_strided_slice %add3A_5 {offsets = [0, 10], sizes = [1000, 1], strides = [1, 1]} : vector<1000x128xi32> to vector<1000x1xi32>
    %squeeze3A_84 = vector.shape_cast %slice3A_83 : vector<1000x1xi32> to vector<1000xi32>
    %broadcast_in_dim3A_85 = vector.shape_cast %squeeze3A_84 : vector<1000xi32> to vector<1000x1xi32>
    %eq3A_86 = vector.broadcast %broadcast_in_dim3A_85 : vector<1000x1xi32> to vector<1000x256xi32>
    %eq3A_87 = arith.cmpi eq, %eq3A_86, %iota3A : vector<1000x256xi32>
    %convert_element_type3A_88 = arith.extui %eq3A_87 : vector<1000x256xi1> to vector<1000x256xi32>
    %convert_element_type3A_89 = arith.sitofp %convert_element_type3A_88 : vector<1000x256xi32> to vector<1000x256xf32>
    %add3A_90 = arith.addf %add3A_82, %convert_element_type3A_89 : vector<1000x256xf32>
    %slice3A_91 = vector.extract_strided_slice %add3A_5 {offsets = [0, 11], sizes = [1000, 1], strides = [1, 1]} : vector<1000x128xi32> to vector<1000x1xi32>
    %squeeze3A_92 = vector.shape_cast %slice3A_91 : vector<1000x1xi32> to vector<1000xi32>
    %broadcast_in_dim3A_93 = vector.shape_cast %squeeze3A_92 : vector<1000xi32> to vector<1000x1xi32>
    %eq3A_94 = vector.broadcast %broadcast_in_dim3A_93 : vector<1000x1xi32> to vector<1000x256xi32>
    %eq3A_95 = arith.cmpi eq, %eq3A_94, %iota3A : vector<1000x256xi32>
    %convert_element_type3A_96 = arith.extui %eq3A_95 : vector<1000x256xi1> to vector<1000x256xi32>
    %convert_element_type3A_97 = arith.sitofp %convert_element_type3A_96 : vector<1000x256xi32> to vector<1000x256xf32>
    %add3A_98 = arith.addf %add3A_90, %convert_element_type3A_97 : vector<1000x256xf32>
    %slice3A_99 = vector.extract_strided_slice %add3A_5 {offsets = [0, 12], sizes = [1000, 1], strides = [1, 1]} : vector<1000x128xi32> to vector<1000x1xi32>
    %squeeze3A_100 = vector.shape_cast %slice3A_99 : vector<1000x1xi32> to vector<1000xi32>
    %broadcast_in_dim3A_101 = vector.shape_cast %squeeze3A_100 : vector<1000xi32> to vector<1000x1xi32>
    %eq3A_102 = vector.broadcast %broadcast_in_dim3A_101 : vector<1000x1xi32> to vector<1000x256xi32>
    %eq3A_103 = arith.cmpi eq, %eq3A_102, %iota3A : vector<1000x256xi32>
    %convert_element_type3A_104 = arith.extui %eq3A_103 : vector<1000x256xi1> to vector<1000x256xi32>
    %convert_element_type3A_105 = arith.sitofp %convert_element_type3A_104 : vector<1000x256xi32> to vector<1000x256xf32>
    %add3A_106 = arith.addf %add3A_98, %convert_element_type3A_105 : vector<1000x256xf32>
    %slice3A_107 = vector.extract_strided_slice %add3A_5 {offsets = [0, 13], sizes = [1000, 1], strides = [1, 1]} : vector<1000x128xi32> to vector<1000x1xi32>
    %squeeze3A_108 = vector.shape_cast %slice3A_107 : vector<1000x1xi32> to vector<1000xi32>
    %broadcast_in_dim3A_109 = vector.shape_cast %squeeze3A_108 : vector<1000xi32> to vector<1000x1xi32>
    %eq3A_110 = vector.broadcast %broadcast_in_dim3A_109 : vector<1000x1xi32> to vector<1000x256xi32>
    %eq3A_111 = arith.cmpi eq, %eq3A_110, %iota3A : vector<1000x256xi32>
    %convert_element_type3A_112 = arith.extui %eq3A_111 : vector<1000x256xi1> to vector<1000x256xi32>
    %convert_element_type3A_113 = arith.sitofp %convert_element_type3A_112 : vector<1000x256xi32> to vector<1000x256xf32>
    %add3A_114 = arith.addf %add3A_106, %convert_element_type3A_113 : vector<1000x256xf32>
    %slice3A_115 = vector.extract_strided_slice %add3A_5 {offsets = [0, 14], sizes = [1000, 1], strides = [1, 1]} : vector<1000x128xi32> to vector<1000x1xi32>
    %squeeze3A_116 = vector.shape_cast %slice3A_115 : vector<1000x1xi32> to vector<1000xi32>
    %broadcast_in_dim3A_117 = vector.shape_cast %squeeze3A_116 : vector<1000xi32> to vector<1000x1xi32>
    %eq3A_118 = vector.broadcast %broadcast_in_dim3A_117 : vector<1000x1xi32> to vector<1000x256xi32>
    %eq3A_119 = arith.cmpi eq, %eq3A_118, %iota3A : vector<1000x256xi32>
    %convert_element_type3A_120 = arith.extui %eq3A_119 : vector<1000x256xi1> to vector<1000x256xi32>
    %convert_element_type3A_121 = arith.sitofp %convert_element_type3A_120 : vector<1000x256xi32> to vector<1000x256xf32>
    %add3A_122 = arith.addf %add3A_114, %convert_element_type3A_121 : vector<1000x256xf32>
    %slice3A_123 = vector.extract_strided_slice %add3A_5 {offsets = [0, 15], sizes = [1000, 1], strides = [1, 1]} : vector<1000x128xi32> to vector<1000x1xi32>
    %squeeze3A_124 = vector.shape_cast %slice3A_123 : vector<1000x1xi32> to vector<1000xi32>
    %broadcast_in_dim3A_125 = vector.shape_cast %squeeze3A_124 : vector<1000xi32> to vector<1000x1xi32>
    %eq3A_126 = vector.broadcast %broadcast_in_dim3A_125 : vector<1000x1xi32> to vector<1000x256xi32>
    %eq3A_127 = arith.cmpi eq, %eq3A_126, %iota3A : vector<1000x256xi32>
    %convert_element_type3A_128 = arith.extui %eq3A_127 : vector<1000x256xi1> to vector<1000x256xi32>
    %convert_element_type3A_129 = arith.sitofp %convert_element_type3A_128 : vector<1000x256xi32> to vector<1000x256xf32>
    %add3A_130 = arith.addf %add3A_122, %convert_element_type3A_129 : vector<1000x256xf32>
    %slice3A_131 = vector.extract_strided_slice %add3A_5 {offsets = [0, 16], sizes = [1000, 1], strides = [1, 1]} : vector<1000x128xi32> to vector<1000x1xi32>
    %squeeze3A_132 = vector.shape_cast %slice3A_131 : vector<1000x1xi32> to vector<1000xi32>
    %broadcast_in_dim3A_133 = vector.shape_cast %squeeze3A_132 : vector<1000xi32> to vector<1000x1xi32>
    %eq3A_134 = vector.broadcast %broadcast_in_dim3A_133 : vector<1000x1xi32> to vector<1000x256xi32>
    %eq3A_135 = arith.cmpi eq, %eq3A_134, %iota3A : vector<1000x256xi32>
    %convert_element_type3A_136 = arith.extui %eq3A_135 : vector<1000x256xi1> to vector<1000x256xi32>
    %convert_element_type3A_137 = arith.sitofp %convert_element_type3A_136 : vector<1000x256xi32> to vector<1000x256xf32>
    %add3A_138 = arith.addf %add3A_130, %convert_element_type3A_137 : vector<1000x256xf32>
    %slice3A_139 = vector.extract_strided_slice %add3A_5 {offsets = [0, 17], sizes = [1000, 1], strides = [1, 1]} : vector<1000x128xi32> to vector<1000x1xi32>
    %squeeze3A_140 = vector.shape_cast %slice3A_139 : vector<1000x1xi32> to vector<1000xi32>
    %broadcast_in_dim3A_141 = vector.shape_cast %squeeze3A_140 : vector<1000xi32> to vector<1000x1xi32>
    %eq3A_142 = vector.broadcast %broadcast_in_dim3A_141 : vector<1000x1xi32> to vector<1000x256xi32>
    %eq3A_143 = arith.cmpi eq, %eq3A_142, %iota3A : vector<1000x256xi32>
    %convert_element_type3A_144 = arith.extui %eq3A_143 : vector<1000x256xi1> to vector<1000x256xi32>
    %convert_element_type3A_145 = arith.sitofp %convert_element_type3A_144 : vector<1000x256xi32> to vector<1000x256xf32>
    %add3A_146 = arith.addf %add3A_138, %convert_element_type3A_145 : vector<1000x256xf32>
    %slice3A_147 = vector.extract_strided_slice %add3A_5 {offsets = [0, 18], sizes = [1000, 1], strides = [1, 1]} : vector<1000x128xi32> to vector<1000x1xi32>
    %squeeze3A_148 = vector.shape_cast %slice3A_147 : vector<1000x1xi32> to vector<1000xi32>
    %broadcast_in_dim3A_149 = vector.shape_cast %squeeze3A_148 : vector<1000xi32> to vector<1000x1xi32>
    %eq3A_150 = vector.broadcast %broadcast_in_dim3A_149 : vector<1000x1xi32> to vector<1000x256xi32>
    %eq3A_151 = arith.cmpi eq, %eq3A_150, %iota3A : vector<1000x256xi32>
    %convert_element_type3A_152 = arith.extui %eq3A_151 : vector<1000x256xi1> to vector<1000x256xi32>
    %convert_element_type3A_153 = arith.sitofp %convert_element_type3A_152 : vector<1000x256xi32> to vector<1000x256xf32>
    %add3A_154 = arith.addf %add3A_146, %convert_element_type3A_153 : vector<1000x256xf32>
    %slice3A_155 = vector.extract_strided_slice %add3A_5 {offsets = [0, 19], sizes = [1000, 1], strides = [1, 1]} : vector<1000x128xi32> to vector<1000x1xi32>
    %squeeze3A_156 = vector.shape_cast %slice3A_155 : vector<1000x1xi32> to vector<1000xi32>
    %broadcast_in_dim3A_157 = vector.shape_cast %squeeze3A_156 : vector<1000xi32> to vector<1000x1xi32>
    %eq3A_158 = vector.broadcast %broadcast_in_dim3A_157 : vector<1000x1xi32> to vector<1000x256xi32>
    %eq3A_159 = arith.cmpi eq, %eq3A_158, %iota3A : vector<1000x256xi32>
    %convert_element_type3A_160 = arith.extui %eq3A_159 : vector<1000x256xi1> to vector<1000x256xi32>
    %convert_element_type3A_161 = arith.sitofp %convert_element_type3A_160 : vector<1000x256xi32> to vector<1000x256xf32>
    %add3A_162 = arith.addf %add3A_154, %convert_element_type3A_161 : vector<1000x256xf32>
    %slice3A_163 = vector.extract_strided_slice %add3A_5 {offsets = [0, 20], sizes = [1000, 1], strides = [1, 1]} : vector<1000x128xi32> to vector<1000x1xi32>
    %squeeze3A_164 = vector.shape_cast %slice3A_163 : vector<1000x1xi32> to vector<1000xi32>
    %broadcast_in_dim3A_165 = vector.shape_cast %squeeze3A_164 : vector<1000xi32> to vector<1000x1xi32>
    %eq3A_166 = vector.broadcast %broadcast_in_dim3A_165 : vector<1000x1xi32> to vector<1000x256xi32>
    %eq3A_167 = arith.cmpi eq, %eq3A_166, %iota3A : vector<1000x256xi32>
    %convert_element_type3A_168 = arith.extui %eq3A_167 : vector<1000x256xi1> to vector<1000x256xi32>
    %convert_element_type3A_169 = arith.sitofp %convert_element_type3A_168 : vector<1000x256xi32> to vector<1000x256xf32>
    %add3A_170 = arith.addf %add3A_162, %convert_element_type3A_169 : vector<1000x256xf32>
    %slice3A_171 = vector.extract_strided_slice %add3A_5 {offsets = [0, 21], sizes = [1000, 1], strides = [1, 1]} : vector<1000x128xi32> to vector<1000x1xi32>
    %squeeze3A_172 = vector.shape_cast %slice3A_171 : vector<1000x1xi32> to vector<1000xi32>
    %broadcast_in_dim3A_173 = vector.shape_cast %squeeze3A_172 : vector<1000xi32> to vector<1000x1xi32>
    %eq3A_174 = vector.broadcast %broadcast_in_dim3A_173 : vector<1000x1xi32> to vector<1000x256xi32>
    %eq3A_175 = arith.cmpi eq, %eq3A_174, %iota3A : vector<1000x256xi32>
    %convert_element_type3A_176 = arith.extui %eq3A_175 : vector<1000x256xi1> to vector<1000x256xi32>
    %convert_element_type3A_177 = arith.sitofp %convert_element_type3A_176 : vector<1000x256xi32> to vector<1000x256xf32>
    %add3A_178 = arith.addf %add3A_170, %convert_element_type3A_177 : vector<1000x256xf32>
    %slice3A_179 = vector.extract_strided_slice %add3A_5 {offsets = [0, 22], sizes = [1000, 1], strides = [1, 1]} : vector<1000x128xi32> to vector<1000x1xi32>
    %squeeze3A_180 = vector.shape_cast %slice3A_179 : vector<1000x1xi32> to vector<1000xi32>
    %broadcast_in_dim3A_181 = vector.shape_cast %squeeze3A_180 : vector<1000xi32> to vector<1000x1xi32>
    %eq3A_182 = vector.broadcast %broadcast_in_dim3A_181 : vector<1000x1xi32> to vector<1000x256xi32>
    %eq3A_183 = arith.cmpi eq, %eq3A_182, %iota3A : vector<1000x256xi32>
    %convert_element_type3A_184 = arith.extui %eq3A_183 : vector<1000x256xi1> to vector<1000x256xi32>
    %convert_element_type3A_185 = arith.sitofp %convert_element_type3A_184 : vector<1000x256xi32> to vector<1000x256xf32>
    %add3A_186 = arith.addf %add3A_178, %convert_element_type3A_185 : vector<1000x256xf32>
    %slice3A_187 = vector.extract_strided_slice %add3A_5 {offsets = [0, 23], sizes = [1000, 1], strides = [1, 1]} : vector<1000x128xi32> to vector<1000x1xi32>
    %squeeze3A_188 = vector.shape_cast %slice3A_187 : vector<1000x1xi32> to vector<1000xi32>
    %broadcast_in_dim3A_189 = vector.shape_cast %squeeze3A_188 : vector<1000xi32> to vector<1000x1xi32>
    %eq3A_190 = vector.broadcast %broadcast_in_dim3A_189 : vector<1000x1xi32> to vector<1000x256xi32>
    %eq3A_191 = arith.cmpi eq, %eq3A_190, %iota3A : vector<1000x256xi32>
    %convert_element_type3A_192 = arith.extui %eq3A_191 : vector<1000x256xi1> to vector<1000x256xi32>
    %convert_element_type3A_193 = arith.sitofp %convert_element_type3A_192 : vector<1000x256xi32> to vector<1000x256xf32>
    %add3A_194 = arith.addf %add3A_186, %convert_element_type3A_193 : vector<1000x256xf32>
    %slice3A_195 = vector.extract_strided_slice %add3A_5 {offsets = [0, 24], sizes = [1000, 1], strides = [1, 1]} : vector<1000x128xi32> to vector<1000x1xi32>
    %squeeze3A_196 = vector.shape_cast %slice3A_195 : vector<1000x1xi32> to vector<1000xi32>
    %broadcast_in_dim3A_197 = vector.shape_cast %squeeze3A_196 : vector<1000xi32> to vector<1000x1xi32>
    %eq3A_198 = vector.broadcast %broadcast_in_dim3A_197 : vector<1000x1xi32> to vector<1000x256xi32>
    %eq3A_199 = arith.cmpi eq, %eq3A_198, %iota3A : vector<1000x256xi32>
    %convert_element_type3A_200 = arith.extui %eq3A_199 : vector<1000x256xi1> to vector<1000x256xi32>
    %convert_element_type3A_201 = arith.sitofp %convert_element_type3A_200 : vector<1000x256xi32> to vector<1000x256xf32>
    %add3A_202 = arith.addf %add3A_194, %convert_element_type3A_201 : vector<1000x256xf32>
    %slice3A_203 = vector.extract_strided_slice %add3A_5 {offsets = [0, 25], sizes = [1000, 1], strides = [1, 1]} : vector<1000x128xi32> to vector<1000x1xi32>
    %squeeze3A_204 = vector.shape_cast %slice3A_203 : vector<1000x1xi32> to vector<1000xi32>
    %broadcast_in_dim3A_205 = vector.shape_cast %squeeze3A_204 : vector<1000xi32> to vector<1000x1xi32>
    %eq3A_206 = vector.broadcast %broadcast_in_dim3A_205 : vector<1000x1xi32> to vector<1000x256xi32>
    %eq3A_207 = arith.cmpi eq, %eq3A_206, %iota3A : vector<1000x256xi32>
    %convert_element_type3A_208 = arith.extui %eq3A_207 : vector<1000x256xi1> to vector<1000x256xi32>
    %convert_element_type3A_209 = arith.sitofp %convert_element_type3A_208 : vector<1000x256xi32> to vector<1000x256xf32>
    %add3A_210 = arith.addf %add3A_202, %convert_element_type3A_209 : vector<1000x256xf32>
    %slice3A_211 = vector.extract_strided_slice %add3A_5 {offsets = [0, 26], sizes = [1000, 1], strides = [1, 1]} : vector<1000x128xi32> to vector<1000x1xi32>
    %squeeze3A_212 = vector.shape_cast %slice3A_211 : vector<1000x1xi32> to vector<1000xi32>
    %broadcast_in_dim3A_213 = vector.shape_cast %squeeze3A_212 : vector<1000xi32> to vector<1000x1xi32>
    %eq3A_214 = vector.broadcast %broadcast_in_dim3A_213 : vector<1000x1xi32> to vector<1000x256xi32>
    %eq3A_215 = arith.cmpi eq, %eq3A_214, %iota3A : vector<1000x256xi32>
    %convert_element_type3A_216 = arith.extui %eq3A_215 : vector<1000x256xi1> to vector<1000x256xi32>
    %convert_element_type3A_217 = arith.sitofp %convert_element_type3A_216 : vector<1000x256xi32> to vector<1000x256xf32>
    %add3A_218 = arith.addf %add3A_210, %convert_element_type3A_217 : vector<1000x256xf32>
    %get3A_219 = arith.constant 0 : index
    %get3A_220 = arith.constant 0 : index
    %get3A_221 = vector.load %arg3[%get3A_219, %get3A_220] : memref<256x128xf32, #tpu.memory_space<vmem>>, vector<256x128xf32>
    %dot_general3A = arith.constant dense<0.000000e+00> : vector<1000x128xf32>
    %dot_general3A_222 = tpu.matmul %add3A_218, %get3A_221, %dot_general3A {dimension_numbers = #tpu.dot_dimension_numbers<[1], [0], [0], [1], [0, 0, 1, 1], [], []>, precision = #tpu.contract_precision<fp32>, transpose_lhs_hint = false} : vector<1000x256xf32>, vector<256x128xf32>, vector<1000x128xf32> -> vector<1000x128xf32>
    %swap3A = arith.constant 0 : index
    %swap3A_223 = arith.constant 0 : index
    %swap3A_224 = vector.load %arg8[%swap3A, %swap3A_223] : memref<1000x128xf32, #tpu.memory_space<vmem>>, vector<1000x128xf32>
    tpu.vector_store %arg8[%swap3A, %swap3A_223], %dot_general3A_222 {strides = array<i32>} : memref<1000x128xf32, #tpu.memory_space<vmem>>, vector<1000x128xf32>,
    %get3A_225 = arith.constant 0 : index
    %get3A_226 = arith.constant 0 : index
    %get3A_227 = vector.load %arg4[%get3A_225, %get3A_226] : memref<128x128xf32, #tpu.memory_space<vmem>>, vector<128x128xf32>
    %dot_general3A_228 = arith.constant dense<0.000000e+00> : vector<1000x128xf32>
    %dot_general3A_229 = tpu.matmul %dot_general3A_222, %get3A_227, %dot_general3A_228 {dimension_numbers = #tpu.dot_dimension_numbers<[1], [0], [0], [1], [0, 0, 1, 1], [], []>, transpose_lhs_hint = false} : vector<1000x128xf32>, vector<128x128xf32>, vector<1000x128xf32> -> vector<1000x128xf32>
    %swap3A_230 = arith.constant 0 : index
    %swap3A_231 = arith.constant 0 : index
    %swap3A_232 = vector.load %arg9[%swap3A_230, %swap3A_231] : memref<1000x128xf32, #tpu.memory_space<vmem>>, vector<1000x128xf32>
    tpu.vector_store %arg9[%swap3A_230, %swap3A_231], %dot_general3A_229 {strides = array<i32>} : memref<1000x128xf32, #tpu.memory_space<vmem>>, vector<1000x128xf32>,
    %get3A_233 = arith.constant 0 : index
    %get3A_234 = arith.constant 0 : index
    %get3A_235 = vector.load %arg5[%get3A_233, %get3A_234] : memref<8x32xf32, #tpu.memory_space<vmem>>, vector<8x32xf32>
    %get3A_236 = arith.constant 0 : index
    %get3A_237 = arith.constant 0 : index
    %get3A_238 = vector.load %arg6[%get3A_236, %get3A_237] : memref<32x128xf32, #tpu.memory_space<vmem>>, vector<32x128xf32>
    %dot_general3A_239 = arith.constant dense<0.000000e+00> : vector<8x128xf32>
    %dot_general3A_240 = tpu.matmul %get3A_235, %get3A_238, %dot_general3A_239 {dimension_numbers = #tpu.dot_dimension_numbers<[1], [0], [0], [1], [0, 0, 1, 1], [], []>, transpose_lhs_hint = false} : vector<8x32xf32>, vector<32x128xf32>, vector<8x128xf32> -> vector<8x128xf32>
    %get3A_241 = arith.constant 0 : index
    %get3A_242 = arith.constant 0 : index
    %get3A_243 = vector.load %arg7[%get3A_241, %get3A_242] : memref<1x128xf32, #tpu.memory_space<vmem>>, vector<1x128xf32>
    %add3A_244 = vector.broadcast %get3A_243 : vector<1x128xf32> to vector<8x128xf32>
    %add3A_245 = arith.addf %dot_general3A_240, %add3A_244 : vector<8x128xf32>
    %slice3A_246 = vector.extract_strided_slice %add3A_245 {offsets = [0, 0], sizes = [1, 128], strides = [1, 1]} : vector<8x128xf32> to vector<1x128xf32>
    %squeeze3A_247 = vector.shape_cast %slice3A_246 : vector<1x128xf32> to vector<128xf32>
    %broadcast_in_dim3A_248 = vector.shape_cast %squeeze3A_247 : vector<128xf32> to vector<1x128xf32>
    %add3A_249 = vector.broadcast %broadcast_in_dim3A_248 : vector<1x128xf32> to vector<1000x128xf32>
    %add3A_250 = arith.addf %dot_general3A_222, %add3A_249 : vector<1000x128xf32>
    %max3A = arith.constant 0.000000e+00 : f32
    %max3A_251 = vector.broadcast %max3A : f32 to vector<1000x128xf32>
    %max3A_252 = arith.maximumf %add3A_250, %max3A_251 : vector<1000x128xf32>
    %swap3A_253 = arith.constant 0 : index
    %swap3A_254 = arith.constant 0 : index
    %swap3A_255 = arith.constant 0 : index
    %swap3A_256 = vector.load %arg10[%swap3A_253, %swap3A_254, %swap3A_255] : memref<5x1000x128xf32, #tpu.memory_space<vmem>>, vector<1x1000x128xf32>
    %swap3A_257 = vector.shape_cast %swap3A_256 : vector<1x1000x128xf32> to vector<1000x128xf32>
    %swap3A_258 = vector.shape_cast %max3A_252 : vector<1000x128xf32> to vector<1x1000x128xf32>
    tpu.vector_store %arg10[%swap3A_253, %swap3A_254, %swap3A_255], %swap3A_258 {strides = array<i32>} : memref<5x1000x128xf32, #tpu.memory_space<vmem>>, vector<1x1000x128xf32>,
    %slice3A_259 = vector.extract_strided_slice %add3A_245 {offsets = [1, 0], sizes = [1, 128], strides = [1, 1]} : vector<8x128xf32> to vector<1x128xf32>
    %squeeze3A_260 = vector.shape_cast %slice3A_259 : vector<1x128xf32> to vector<128xf32>
    %broadcast_in_dim3A_261 = vector.shape_cast %squeeze3A_260 : vector<128xf32> to vector<1x128xf32>
    %add3A_262 = vector.broadcast %broadcast_in_dim3A_261 : vector<1x128xf32> to vector<1000x128xf32>
    %add3A_263 = arith.addf %dot_general3A_222, %add3A_262 : vector<1000x128xf32>
    %max3A_264 = arith.constant 0.000000e+00 : f32
    %max3A_265 = vector.broadcast %max3A_264 : f32 to vector<1000x128xf32>
    %max3A_266 = arith.maximumf %add3A_263, %max3A_265 : vector<1000x128xf32>
    %swap3A_267 = arith.constant 1 : index
    %swap3A_268 = arith.constant 0 : index
    %swap3A_269 = arith.constant 0 : index
    %swap3A_270 = vector.load %arg10[%swap3A_267, %swap3A_268, %swap3A_269] : memref<5x1000x128xf32, #tpu.memory_space<vmem>>, vector<1x1000x128xf32>
    %swap3A_271 = vector.shape_cast %swap3A_270 : vector<1x1000x128xf32> to vector<1000x128xf32>
    %swap3A_272 = vector.shape_cast %max3A_266 : vector<1000x128xf32> to vector<1x1000x128xf32>
    tpu.vector_store %arg10[%swap3A_267, %swap3A_268, %swap3A_269], %swap3A_272 {strides = array<i32>} : memref<5x1000x128xf32, #tpu.memory_space<vmem>>, vector<1x1000x128xf32>,
    %slice3A_273 = vector.extract_strided_slice %add3A_245 {offsets = [2, 0], sizes = [1, 128], strides = [1, 1]} : vector<8x128xf32> to vector<1x128xf32>
    %squeeze3A_274 = vector.shape_cast %slice3A_273 : vector<1x128xf32> to vector<128xf32>
    %broadcast_in_dim3A_275 = vector.shape_cast %squeeze3A_274 : vector<128xf32> to vector<1x128xf32>
    %add3A_276 = vector.broadcast %broadcast_in_dim3A_275 : vector<1x128xf32> to vector<1000x128xf32>
    %add3A_277 = arith.addf %dot_general3A_222, %add3A_276 : vector<1000x128xf32>
    %max3A_278 = arith.constant 0.000000e+00 : f32
    %max3A_279 = vector.broadcast %max3A_278 : f32 to vector<1000x128xf32>
    %max3A_280 = arith.maximumf %add3A_277, %max3A_279 : vector<1000x128xf32>
    %swap3A_281 = arith.constant 2 : index
    %swap3A_282 = arith.constant 0 : index
    %swap3A_283 = arith.constant 0 : index
    %swap3A_284 = vector.load %arg10[%swap3A_281, %swap3A_282, %swap3A_283] : memref<5x1000x128xf32, #tpu.memory_space<vmem>>, vector<1x1000x128xf32>
    %swap3A_285 = vector.shape_cast %swap3A_284 : vector<1x1000x128xf32> to vector<1000x128xf32>
    %swap3A_286 = vector.shape_cast %max3A_280 : vector<1000x128xf32> to vector<1x1000x128xf32>
    tpu.vector_store %arg10[%swap3A_281, %swap3A_282, %swap3A_283], %swap3A_286 {strides = array<i32>} : memref<5x1000x128xf32, #tpu.memory_space<vmem>>, vector<1x1000x128xf32>,
    %slice3A_287 = vector.extract_strided_slice %add3A_245 {offsets = [3, 0], sizes = [1, 128], strides = [1, 1]} : vector<8x128xf32> to vector<1x128xf32>
    %squeeze3A_288 = vector.shape_cast %slice3A_287 : vector<1x128xf32> to vector<128xf32>
    %broadcast_in_dim3A_289 = vector.shape_cast %squeeze3A_288 : vector<128xf32> to vector<1x128xf32>
    %add3A_290 = vector.broadcast %broadcast_in_dim3A_289 : vector<1x128xf32> to vector<1000x128xf32>
    %add3A_291 = arith.addf %dot_general3A_222, %add3A_290 : vector<1000x128xf32>
    %max3A_292 = arith.constant 0.000000e+00 : f32
    %max3A_293 = vector.broadcast %max3A_292 : f32 to vector<1000x128xf32>
    %max3A_294 = arith.maximumf %add3A_291, %max3A_293 : vector<1000x128xf32>
    %swap3A_295 = arith.constant 3 : index
    %swap3A_296 = arith.constant 0 : index
    %swap3A_297 = arith.constant 0 : index
    %swap3A_298 = vector.load %arg10[%swap3A_295, %swap3A_296, %swap3A_297] : memref<5x1000x128xf32, #tpu.memory_space<vmem>>, vector<1x1000x128xf32>
    %swap3A_299 = vector.shape_cast %swap3A_298 : vector<1x1000x128xf32> to vector<1000x128xf32>
    %swap3A_300 = vector.shape_cast %max3A_294 : vector<1000x128xf32> to vector<1x1000x128xf32>
    tpu.vector_store %arg10[%swap3A_295, %swap3A_296, %swap3A_297], %swap3A_300 {strides = array<i32>} : memref<5x1000x128xf32, #tpu.memory_space<vmem>>, vector<1x1000x128xf32>,
    %slice3A_301 = vector.extract_strided_slice %add3A_245 {offsets = [4, 0], sizes = [1, 128], strides = [1, 1]} : vector<8x128xf32> to vector<1x128xf32>
    %squeeze3A_302 = vector.shape_cast %slice3A_301 : vector<1x128xf32> to vector<128xf32>
    %broadcast_in_dim3A_303 = vector.shape_cast %squeeze3A_302 : vector<128xf32> to vector<1x128xf32>
    %add3A_304 = vector.broadcast %broadcast_in_dim3A_303 : vector<1x128xf32> to vector<1000x128xf32>
    %add3A_305 = arith.addf %dot_general3A_222, %add3A_304 : vector<1000x128xf32>
    %max3A_306 = arith.constant 0.000000e+00 : f32
    %max3A_307 = vector.broadcast %max3A_306 : f32 to vector<1000x128xf32>
    %max3A_308 = arith.maximumf %add3A_305, %max3A_307 : vector<1000x128xf32>
    %swap3A_309 = arith.constant 4 : index
    %swap3A_310 = arith.constant 0 : index
    %swap3A_311 = arith.constant 0 : index
    %swap3A_312 = vector.load %arg10[%swap3A_309, %swap3A_310, %swap3A_311] : memref<5x1000x128xf32, #tpu.memory_space<vmem>>, vector<1x1000x128xf32>
    %swap3A_313 = vector.shape_cast %swap3A_312 : vector<1x1000x128xf32> to vector<1000x128xf32>
    %swap3A_314 = vector.shape_cast %max3A_308 : vector<1000x128xf32> to vector<1x1000x128xf32>
    tpu.vector_store %arg10[%swap3A_309, %swap3A_310, %swap3A_311], %swap3A_314 {strides = array<i32>} : memref<5x1000x128xf32, #tpu.memory_space<vmem>>, vector<1x1000x128xf32>,
    return
  }
  func.func @transform_0(%arg0: i32) -> (i32, i32) {
    %c0_i32 = arith.constant 0 : i32
    %c0_i32_0 = arith.constant 0 : i32
    return %arg0, %c0_i32 : i32, i32
  }
  func.func @transform_1(%arg0: i32) -> (i32, i32) {
    %c0_i32 = arith.constant 0 : i32
    %c0_i32_0 = arith.constant 0 : i32
    %c0_i32_1 = arith.constant 0 : i32
    return %c0_i32, %c0_i32_0 : i32, i32
  }
  func.func @transform_2(%arg0: i32) -> (i32, i32) {
    %c0_i32 = arith.constant 0 : i32
    %c0_i32_0 = arith.constant 0 : i32
    %c0_i32_1 = arith.constant 0 : i32
    return %c0_i32, %c0_i32_0 : i32, i32
  }
  func.func @transform_3(%arg0: i32) -> (i32, i32) {
    %c0_i32 = arith.constant 0 : i32
    %c0_i32_0 = arith.constant 0 : i32
    %c0_i32_1 = arith.constant 0 : i32
    return %c0_i32, %c0_i32_0 : i32, i32
  }
  func.func @transform_4(%arg0: i32) -> (i32, i32) {
    %c0_i32 = arith.constant 0 : i32
    %c0_i32_0 = arith.constant 0 : i32
    %c0_i32_1 = arith.constant 0 : i32
    return %c0_i32, %c0_i32_0 : i32, i32
  }
  func.func @transform_5(%arg0: i32) -> (i32, i32) {
    %c0_i32 = arith.constant 0 : i32
    %c0_i32_0 = arith.constant 0 : i32
    %c0_i32_1 = arith.constant 0 : i32
    return %c0_i32, %c0_i32_0 : i32, i32
  }
  func.func @transform_6(%arg0: i32) -> (i32, i32) {
    %c0_i32 = arith.constant 0 : i32
    %c0_i32_0 = arith.constant 0 : i32
    %c0_i32_1 = arith.constant 0 : i32
    return %c0_i32, %c0_i32_0 : i32, i32
  }
  func.func @transform_7(%arg0: i32) -> (i32, i32) {
    %c0_i32 = arith.constant 0 : i32
    %c0_i32_0 = arith.constant 0 : i32
    return %arg0, %c0_i32 : i32, i32
  }
  func.func @transform_8(%arg0: i32) -> (i32, i32) {
    %c0_i32 = arith.constant 0 : i32
    %c0_i32_0 = arith.constant 0 : i32
    return %arg0, %c0_i32 : i32, i32
  }
  func.func @transform_9(%arg0: i32) -> (i32, i32, i32) {
    %c0_i32 = arith.constant 0 : i32
    %c0_i32_0 = arith.constant 0 : i32
    %c0_i32_1 = arith.constant 0 : i32
    return %c0_i32, %arg0, %c0_i32_0 : i32, i32, i32
  }
}

module attributes {stable_mosaic.version = 14 : i64} {
  func.func @_node_body(%arg0: i32, %arg1: memref<1000x128xf32, #tpu.memory_space<vmem>>, %arg2: memref<2x1000x128xf32, #tpu.memory_space<vmem>>, %arg3: memref<1000x128xf32, #tpu.memory_space<vmem>>, %arg4: memref<128x128xf32, #tpu.memory_space<vmem>>, %arg5: memref<1x128xf32, #tpu.memory_space<vmem>>, %arg6: memref<128x128xf32, #tpu.memory_space<vmem>>, %arg7: memref<1x128xf32, #tpu.memory_space<vmem>>, %arg8: memref<1x128xf32, #tpu.memory_space<vmem>>, %arg9: memref<1x128xf32, #tpu.memory_space<vmem>>, %arg10: memref<8x32xf32, #tpu.memory_space<vmem>>, %arg11: memref<32x128xf32, #tpu.memory_space<vmem>>, %arg12: memref<1x128xf32, #tpu.memory_space<vmem>>, %arg13: memref<1000x128xf32, #tpu.memory_space<vmem>>, %arg14: memref<5x1000x128xf32, #tpu.memory_space<vmem>>) attributes {dimension_semantics = [#tpu.dimension_semantics<arbitrary>], iteration_bounds = array<i64: 10>, scalar_prefetch = 0 : i64, scratch_operands = 0 : i64, tpu.core_type = #tpu.core_type<tc>, window_params = [{transform_indices = @transform_0, window_bounds = array<i64: 1000, 128>}, {transform_indices = @transform_1, window_bounds = array<i64: 2, 1000, 128>}, {transform_indices = @transform_2, window_bounds = array<i64: 1000, 128>}, {pipeline_mode = #tpu.pipeline_mode<synchronous>, transform_indices = @transform_3, window_bounds = array<i64: 128, 128>}, {pipeline_mode = #tpu.pipeline_mode<synchronous>, transform_indices = @transform_4, window_bounds = array<i64: 1, 128>}, {pipeline_mode = #tpu.pipeline_mode<synchronous>, transform_indices = @transform_5, window_bounds = array<i64: 128, 128>}, {pipeline_mode = #tpu.pipeline_mode<synchronous>, transform_indices = @transform_6, window_bounds = array<i64: 1, 128>}, {pipeline_mode = #tpu.pipeline_mode<synchronous>, transform_indices = @transform_7, window_bounds = array<i64: 1, 128>}, {pipeline_mode = #tpu.pipeline_mode<synchronous>, transform_indices = @transform_8, window_bounds = array<i64: 1, 128>}, {pipeline_mode = #tpu.pipeline_mode<synchronous>, transform_indices = @transform_9, window_bounds = array<i64: 8, 32>}, {pipeline_mode = #tpu.pipeline_mode<synchronous>, transform_indices = @transform_10, window_bounds = array<i64: 32, 128>}, {pipeline_mode = #tpu.pipeline_mode<synchronous>, transform_indices = @transform_11, window_bounds = array<i64: 1, 128>}, {transform_indices = @transform_12, window_bounds = array<i64: 1000, 128>}, {transform_indices = @transform_13, window_bounds = array<i64: 5, 1000, 128>}]} {
    %get3A = arith.constant 0 : index
    %get3A_0 = arith.constant 0 : index
    %get3A_1 = vector.load %arg1[%get3A, %get3A_0] : memref<1000x128xf32, #tpu.memory_space<vmem>>, vector<1000x128xf32>
    %get3A_2 = arith.constant 0 : index
    %get3A_3 = arith.constant 0 : index
    %get3A_4 = arith.constant 0 : index
    %get3A_5 = vector.load %arg2[%get3A_2, %get3A_3, %get3A_4] : memref<2x1000x128xf32, #tpu.memory_space<vmem>>, vector<1x1000x128xf32>
    %get3A_6 = vector.shape_cast %get3A_5 : vector<1x1000x128xf32> to vector<1000x128xf32>
    %get3A_7 = arith.constant 1 : index
    %get3A_8 = arith.constant 0 : index
    %get3A_9 = arith.constant 0 : index
    %get3A_10 = vector.load %arg2[%get3A_7, %get3A_8, %get3A_9] : memref<2x1000x128xf32, #tpu.memory_space<vmem>>, vector<1x1000x128xf32>
    %get3A_11 = vector.shape_cast %get3A_10 : vector<1x1000x128xf32> to vector<1000x128xf32>
    %add3A = arith.addf %get3A_6, %get3A_11 : vector<1000x128xf32>
    %add3A_12 = arith.addf %get3A_1, %add3A : vector<1000x128xf32>
    %get3A_13 = arith.constant 0 : index
    %get3A_14 = arith.constant 0 : index
    %get3A_15 = vector.load %arg4[%get3A_13, %get3A_14] : memref<128x128xf32, #tpu.memory_space<vmem>>, vector<128x128xf32>
    %dot_general3A = arith.constant dense<0.000000e+00> : vector<1000x128xf32>
    %dot_general3A_16 = tpu.matmul %add3A_12, %get3A_15, %dot_general3A {dimension_numbers = #tpu.dot_dimension_numbers<[1], [0], [0], [1], [0, 0, 1, 1], [], []>, transpose_lhs_hint = false} : vector<1000x128xf32>, vector<128x128xf32>, vector<1000x128xf32> -> vector<1000x128xf32>
    %get3A_17 = arith.constant 0 : index
    %get3A_18 = arith.constant 0 : index
    %get3A_19 = vector.load %arg5[%get3A_17, %get3A_18] : memref<1x128xf32, #tpu.memory_space<vmem>>, vector<1x128xf32>
    %add3A_20 = vector.broadcast %get3A_19 : vector<1x128xf32> to vector<1000x128xf32>
    %add3A_21 = arith.addf %dot_general3A_16, %add3A_20 : vector<1000x128xf32>
    %max3A = arith.constant 0.000000e+00 : f32
    %max3A_22 = vector.broadcast %max3A : f32 to vector<1000x128xf32>
    %max3A_23 = arith.maximumf %add3A_21, %max3A_22 : vector<1000x128xf32>
    %get3A_24 = arith.constant 0 : index
    %get3A_25 = arith.constant 0 : index
    %get3A_26 = vector.load %arg6[%get3A_24, %get3A_25] : memref<128x128xf32, #tpu.memory_space<vmem>>, vector<128x128xf32>
    %dot_general3A_27 = arith.constant dense<0.000000e+00> : vector<1000x128xf32>
    %dot_general3A_28 = tpu.matmul %max3A_23, %get3A_26, %dot_general3A_27 {dimension_numbers = #tpu.dot_dimension_numbers<[1], [0], [0], [1], [0, 0, 1, 1], [], []>, transpose_lhs_hint = false} : vector<1000x128xf32>, vector<128x128xf32>, vector<1000x128xf32> -> vector<1000x128xf32>
    %get3A_29 = arith.constant 0 : index
    %get3A_30 = arith.constant 0 : index
    %get3A_31 = vector.load %arg7[%get3A_29, %get3A_30] : memref<1x128xf32, #tpu.memory_space<vmem>>, vector<1x128xf32>
    %add3A_32 = vector.broadcast %get3A_31 : vector<1x128xf32> to vector<1000x128xf32>
    %add3A_33 = arith.addf %dot_general3A_28, %add3A_32 : vector<1000x128xf32>
    %max3A_34 = arith.constant 0.000000e+00 : f32
    %max3A_35 = vector.broadcast %max3A_34 : f32 to vector<1000x128xf32>
    %max3A_36 = arith.maximumf %add3A_33, %max3A_35 : vector<1000x128xf32>
    %get3A_37 = arith.constant 0 : index
    %get3A_38 = arith.constant 0 : index
    %get3A_39 = vector.load %arg3[%get3A_37, %get3A_38] : memref<1000x128xf32, #tpu.memory_space<vmem>>, vector<1000x128xf32>
    %add3A_40 = arith.addf %max3A_36, %get3A_39 : vector<1000x128xf32>
    %reduce_sum3A = arith.constant dense<0.000000e+00> : vector<1000xf32>
    %reduce_sum3A_41 = vector.multi_reduction <add>, %add3A_40, %reduce_sum3A [1] : vector<1000x128xf32> to vector<1000xf32>
    %broadcast_in_dim3A = vector.shape_cast %reduce_sum3A_41 : vector<1000xf32> to vector<1000x1xf32>
    %div3A = arith.constant 1.280000e+02 : f32
    %div3A_42 = vector.broadcast %div3A : f32 to vector<1000x1xf32>
    %div3A_43 = arith.divf %broadcast_in_dim3A, %div3A_42 : vector<1000x1xf32>
    %sub3A = vector.broadcast %div3A_43 : vector<1000x1xf32> to vector<1000x128xf32>
    %sub3A_44 = arith.subf %add3A_40, %sub3A : vector<1000x128xf32>
    %mul3A = arith.mulf %sub3A_44, %sub3A_44 : vector<1000x128xf32>
    %reduce_sum3A_45 = arith.constant dense<0.000000e+00> : vector<1000xf32>
    %reduce_sum3A_46 = vector.multi_reduction <add>, %mul3A, %reduce_sum3A_45 [1] : vector<1000x128xf32> to vector<1000xf32>
    %broadcast_in_dim3A_47 = vector.shape_cast %reduce_sum3A_46 : vector<1000xf32> to vector<1000x1xf32>
    %div3A_48 = arith.constant 1.280000e+02 : f32
    %div3A_49 = vector.broadcast %div3A_48 : f32 to vector<1000x1xf32>
    %div3A_50 = arith.divf %broadcast_in_dim3A_47, %div3A_49 : vector<1000x1xf32>
    %add3A_51 = arith.constant 9.99999974E-6 : f32
    %add3A_52 = vector.broadcast %add3A_51 : f32 to vector<1000x1xf32>
    %add3A_53 = arith.addf %div3A_50, %add3A_52 : vector<1000x1xf32>
    %sqrt3A = math.sqrt %add3A_53 : vector<1000x1xf32>
    %div3A_54 = vector.broadcast %sqrt3A : vector<1000x1xf32> to vector<1000x128xf32>
    %div3A_55 = arith.divf %sub3A_44, %div3A_54 : vector<1000x128xf32>
    %get3A_56 = arith.constant 0 : index
    %get3A_57 = arith.constant 0 : index
    %get3A_58 = vector.load %arg8[%get3A_56, %get3A_57] : memref<1x128xf32, #tpu.memory_space<vmem>>, vector<1x128xf32>
    %mul3A_59 = vector.broadcast %get3A_58 : vector<1x128xf32> to vector<1000x128xf32>
    %mul3A_60 = arith.mulf %div3A_55, %mul3A_59 : vector<1000x128xf32>
    %get3A_61 = arith.constant 0 : index
    %get3A_62 = arith.constant 0 : index
    %get3A_63 = vector.load %arg9[%get3A_61, %get3A_62] : memref<1x128xf32, #tpu.memory_space<vmem>>, vector<1x128xf32>
    %add3A_64 = vector.broadcast %get3A_63 : vector<1x128xf32> to vector<1000x128xf32>
    %add3A_65 = arith.addf %mul3A_60, %add3A_64 : vector<1000x128xf32>
    %swap3A = arith.constant 0 : index
    %swap3A_66 = arith.constant 0 : index
    %swap3A_67 = vector.load %arg13[%swap3A, %swap3A_66] : memref<1000x128xf32, #tpu.memory_space<vmem>>, vector<1000x128xf32>
    tpu.vector_store %arg13[%swap3A, %swap3A_66], %add3A_65 {strides = array<i32>} : memref<1000x128xf32, #tpu.memory_space<vmem>>, vector<1000x128xf32>,
    %get3A_68 = arith.constant 0 : index
    %get3A_69 = arith.constant 0 : index
    %get3A_70 = vector.load %arg10[%get3A_68, %get3A_69] : memref<8x32xf32, #tpu.memory_space<vmem>>, vector<8x32xf32>
    %get3A_71 = arith.constant 0 : index
    %get3A_72 = arith.constant 0 : index
    %get3A_73 = vector.load %arg11[%get3A_71, %get3A_72] : memref<32x128xf32, #tpu.memory_space<vmem>>, vector<32x128xf32>
    %dot_general3A_74 = arith.constant dense<0.000000e+00> : vector<8x128xf32>
    %dot_general3A_75 = tpu.matmul %get3A_70, %get3A_73, %dot_general3A_74 {dimension_numbers = #tpu.dot_dimension_numbers<[1], [0], [0], [1], [0, 0, 1, 1], [], []>, transpose_lhs_hint = false} : vector<8x32xf32>, vector<32x128xf32>, vector<8x128xf32> -> vector<8x128xf32>
    %get3A_76 = arith.constant 0 : index
    %get3A_77 = arith.constant 0 : index
    %get3A_78 = vector.load %arg12[%get3A_76, %get3A_77] : memref<1x128xf32, #tpu.memory_space<vmem>>, vector<1x128xf32>
    %add3A_79 = vector.broadcast %get3A_78 : vector<1x128xf32> to vector<8x128xf32>
    %add3A_80 = arith.addf %dot_general3A_75, %add3A_79 : vector<8x128xf32>
    %slice3A = vector.extract_strided_slice %add3A_80 {offsets = [0, 0], sizes = [1, 128], strides = [1, 1]} : vector<8x128xf32> to vector<1x128xf32>
    %squeeze3A = vector.shape_cast %slice3A : vector<1x128xf32> to vector<128xf32>
    %broadcast_in_dim3A_81 = vector.shape_cast %squeeze3A : vector<128xf32> to vector<1x128xf32>
    %add3A_82 = vector.broadcast %broadcast_in_dim3A_81 : vector<1x128xf32> to vector<1000x128xf32>
    %add3A_83 = arith.addf %add3A_65, %add3A_82 : vector<1000x128xf32>
    %max3A_84 = arith.constant 0.000000e+00 : f32
    %max3A_85 = vector.broadcast %max3A_84 : f32 to vector<1000x128xf32>
    %max3A_86 = arith.maximumf %add3A_83, %max3A_85 : vector<1000x128xf32>
    %swap3A_87 = arith.constant 0 : index
    %swap3A_88 = arith.constant 0 : index
    %swap3A_89 = arith.constant 0 : index
    %swap3A_90 = vector.load %arg14[%swap3A_87, %swap3A_88, %swap3A_89] : memref<5x1000x128xf32, #tpu.memory_space<vmem>>, vector<1x1000x128xf32>
    %swap3A_91 = vector.shape_cast %swap3A_90 : vector<1x1000x128xf32> to vector<1000x128xf32>
    %swap3A_92 = vector.shape_cast %max3A_86 : vector<1000x128xf32> to vector<1x1000x128xf32>
    tpu.vector_store %arg14[%swap3A_87, %swap3A_88, %swap3A_89], %swap3A_92 {strides = array<i32>} : memref<5x1000x128xf32, #tpu.memory_space<vmem>>, vector<1x1000x128xf32>,
    %slice3A_93 = vector.extract_strided_slice %add3A_80 {offsets = [1, 0], sizes = [1, 128], strides = [1, 1]} : vector<8x128xf32> to vector<1x128xf32>
    %squeeze3A_94 = vector.shape_cast %slice3A_93 : vector<1x128xf32> to vector<128xf32>
    %broadcast_in_dim3A_95 = vector.shape_cast %squeeze3A_94 : vector<128xf32> to vector<1x128xf32>
    %add3A_96 = vector.broadcast %broadcast_in_dim3A_95 : vector<1x128xf32> to vector<1000x128xf32>
    %add3A_97 = arith.addf %add3A_65, %add3A_96 : vector<1000x128xf32>
    %max3A_98 = arith.constant 0.000000e+00 : f32
    %max3A_99 = vector.broadcast %max3A_98 : f32 to vector<1000x128xf32>
    %max3A_100 = arith.maximumf %add3A_97, %max3A_99 : vector<1000x128xf32>
    %swap3A_101 = arith.constant 1 : index
    %swap3A_102 = arith.constant 0 : index
    %swap3A_103 = arith.constant 0 : index
    %swap3A_104 = vector.load %arg14[%swap3A_101, %swap3A_102, %swap3A_103] : memref<5x1000x128xf32, #tpu.memory_space<vmem>>, vector<1x1000x128xf32>
    %swap3A_105 = vector.shape_cast %swap3A_104 : vector<1x1000x128xf32> to vector<1000x128xf32>
    %swap3A_106 = vector.shape_cast %max3A_100 : vector<1000x128xf32> to vector<1x1000x128xf32>
    tpu.vector_store %arg14[%swap3A_101, %swap3A_102, %swap3A_103], %swap3A_106 {strides = array<i32>} : memref<5x1000x128xf32, #tpu.memory_space<vmem>>, vector<1x1000x128xf32>,
    %slice3A_107 = vector.extract_strided_slice %add3A_80 {offsets = [2, 0], sizes = [1, 128], strides = [1, 1]} : vector<8x128xf32> to vector<1x128xf32>
    %squeeze3A_108 = vector.shape_cast %slice3A_107 : vector<1x128xf32> to vector<128xf32>
    %broadcast_in_dim3A_109 = vector.shape_cast %squeeze3A_108 : vector<128xf32> to vector<1x128xf32>
    %add3A_110 = vector.broadcast %broadcast_in_dim3A_109 : vector<1x128xf32> to vector<1000x128xf32>
    %add3A_111 = arith.addf %add3A_65, %add3A_110 : vector<1000x128xf32>
    %max3A_112 = arith.constant 0.000000e+00 : f32
    %max3A_113 = vector.broadcast %max3A_112 : f32 to vector<1000x128xf32>
    %max3A_114 = arith.maximumf %add3A_111, %max3A_113 : vector<1000x128xf32>
    %swap3A_115 = arith.constant 2 : index
    %swap3A_116 = arith.constant 0 : index
    %swap3A_117 = arith.constant 0 : index
    %swap3A_118 = vector.load %arg14[%swap3A_115, %swap3A_116, %swap3A_117] : memref<5x1000x128xf32, #tpu.memory_space<vmem>>, vector<1x1000x128xf32>
    %swap3A_119 = vector.shape_cast %swap3A_118 : vector<1x1000x128xf32> to vector<1000x128xf32>
    %swap3A_120 = vector.shape_cast %max3A_114 : vector<1000x128xf32> to vector<1x1000x128xf32>
    tpu.vector_store %arg14[%swap3A_115, %swap3A_116, %swap3A_117], %swap3A_120 {strides = array<i32>} : memref<5x1000x128xf32, #tpu.memory_space<vmem>>, vector<1x1000x128xf32>,
    %slice3A_121 = vector.extract_strided_slice %add3A_80 {offsets = [3, 0], sizes = [1, 128], strides = [1, 1]} : vector<8x128xf32> to vector<1x128xf32>
    %squeeze3A_122 = vector.shape_cast %slice3A_121 : vector<1x128xf32> to vector<128xf32>
    %broadcast_in_dim3A_123 = vector.shape_cast %squeeze3A_122 : vector<128xf32> to vector<1x128xf32>
    %add3A_124 = vector.broadcast %broadcast_in_dim3A_123 : vector<1x128xf32> to vector<1000x128xf32>
    %add3A_125 = arith.addf %add3A_65, %add3A_124 : vector<1000x128xf32>
    %max3A_126 = arith.constant 0.000000e+00 : f32
    %max3A_127 = vector.broadcast %max3A_126 : f32 to vector<1000x128xf32>
    %max3A_128 = arith.maximumf %add3A_125, %max3A_127 : vector<1000x128xf32>
    %swap3A_129 = arith.constant 3 : index
    %swap3A_130 = arith.constant 0 : index
    %swap3A_131 = arith.constant 0 : index
    %swap3A_132 = vector.load %arg14[%swap3A_129, %swap3A_130, %swap3A_131] : memref<5x1000x128xf32, #tpu.memory_space<vmem>>, vector<1x1000x128xf32>
    %swap3A_133 = vector.shape_cast %swap3A_132 : vector<1x1000x128xf32> to vector<1000x128xf32>
    %swap3A_134 = vector.shape_cast %max3A_128 : vector<1000x128xf32> to vector<1x1000x128xf32>
    tpu.vector_store %arg14[%swap3A_129, %swap3A_130, %swap3A_131], %swap3A_134 {strides = array<i32>} : memref<5x1000x128xf32, #tpu.memory_space<vmem>>, vector<1x1000x128xf32>,
    %slice3A_135 = vector.extract_strided_slice %add3A_80 {offsets = [4, 0], sizes = [1, 128], strides = [1, 1]} : vector<8x128xf32> to vector<1x128xf32>
    %squeeze3A_136 = vector.shape_cast %slice3A_135 : vector<1x128xf32> to vector<128xf32>
    %broadcast_in_dim3A_137 = vector.shape_cast %squeeze3A_136 : vector<128xf32> to vector<1x128xf32>
    %add3A_138 = vector.broadcast %broadcast_in_dim3A_137 : vector<1x128xf32> to vector<1000x128xf32>
    %add3A_139 = arith.addf %add3A_65, %add3A_138 : vector<1000x128xf32>
    %max3A_140 = arith.constant 0.000000e+00 : f32
    %max3A_141 = vector.broadcast %max3A_140 : f32 to vector<1000x128xf32>
    %max3A_142 = arith.maximumf %add3A_139, %max3A_141 : vector<1000x128xf32>
    %swap3A_143 = arith.constant 4 : index
    %swap3A_144 = arith.constant 0 : index
    %swap3A_145 = arith.constant 0 : index
    %swap3A_146 = vector.load %arg14[%swap3A_143, %swap3A_144, %swap3A_145] : memref<5x1000x128xf32, #tpu.memory_space<vmem>>, vector<1x1000x128xf32>
    %swap3A_147 = vector.shape_cast %swap3A_146 : vector<1x1000x128xf32> to vector<1000x128xf32>
    %swap3A_148 = vector.shape_cast %max3A_142 : vector<1000x128xf32> to vector<1x1000x128xf32>
    tpu.vector_store %arg14[%swap3A_143, %swap3A_144, %swap3A_145], %swap3A_148 {strides = array<i32>} : memref<5x1000x128xf32, #tpu.memory_space<vmem>>, vector<1x1000x128xf32>,
    return
  }
  func.func @transform_0(%arg0: i32) -> (i32, i32) {
    %c0_i32 = arith.constant 0 : i32
    %c0_i32_0 = arith.constant 0 : i32
    return %arg0, %c0_i32 : i32, i32
  }
  func.func @transform_1(%arg0: i32) -> (i32, i32, i32) {
    %c0_i32 = arith.constant 0 : i32
    %c0_i32_0 = arith.constant 0 : i32
    %c0_i32_1 = arith.constant 0 : i32
    return %c0_i32, %arg0, %c0_i32_0 : i32, i32, i32
  }
  func.func @transform_2(%arg0: i32) -> (i32, i32) {
    %c0_i32 = arith.constant 0 : i32
    %c0_i32_0 = arith.constant 0 : i32
    return %arg0, %c0_i32 : i32, i32
  }
  func.func @transform_3(%arg0: i32) -> (i32, i32) {
    %c0_i32 = arith.constant 0 : i32
    %c0_i32_0 = arith.constant 0 : i32
    %c0_i32_1 = arith.constant 0 : i32
    return %c0_i32, %c0_i32_0 : i32, i32
  }
  func.func @transform_4(%arg0: i32) -> (i32, i32) {
    %c0_i32 = arith.constant 0 : i32
    %c0_i32_0 = arith.constant 0 : i32
    %c0_i32_1 = arith.constant 0 : i32
    return %c0_i32, %c0_i32_0 : i32, i32
  }
  func.func @transform_5(%arg0: i32) -> (i32, i32) {
    %c0_i32 = arith.constant 0 : i32
    %c0_i32_0 = arith.constant 0 : i32
    %c0_i32_1 = arith.constant 0 : i32
    return %c0_i32, %c0_i32_0 : i32, i32
  }
  func.func @transform_6(%arg0: i32) -> (i32, i32) {
    %c0_i32 = arith.constant 0 : i32
    %c0_i32_0 = arith.constant 0 : i32
    %c0_i32_1 = arith.constant 0 : i32
    return %c0_i32, %c0_i32_0 : i32, i32
  }
  func.func @transform_7(%arg0: i32) -> (i32, i32) {
    %c0_i32 = arith.constant 0 : i32
    %c0_i32_0 = arith.constant 0 : i32
    %c0_i32_1 = arith.constant 0 : i32
    return %c0_i32, %c0_i32_0 : i32, i32
  }
  func.func @transform_8(%arg0: i32) -> (i32, i32) {
    %c0_i32 = arith.constant 0 : i32
    %c0_i32_0 = arith.constant 0 : i32
    %c0_i32_1 = arith.constant 0 : i32
    return %c0_i32, %c0_i32_0 : i32, i32
  }
  func.func @transform_9(%arg0: i32) -> (i32, i32) {
    %c0_i32 = arith.constant 0 : i32
    %c0_i32_0 = arith.constant 0 : i32
    %c0_i32_1 = arith.constant 0 : i32
    return %c0_i32, %c0_i32_0 : i32, i32
  }
  func.func @transform_10(%arg0: i32) -> (i32, i32) {
    %c0_i32 = arith.constant 0 : i32
    %c0_i32_0 = arith.constant 0 : i32
    %c0_i32_1 = arith.constant 0 : i32
    return %c0_i32, %c0_i32_0 : i32, i32
  }
  func.func @transform_11(%arg0: i32) -> (i32, i32) {
    %c0_i32 = arith.constant 0 : i32
    %c0_i32_0 = arith.constant 0 : i32
    %c0_i32_1 = arith.constant 0 : i32
    return %c0_i32, %c0_i32_0 : i32, i32
  }
  func.func @transform_12(%arg0: i32) -> (i32, i32) {
    %c0_i32 = arith.constant 0 : i32
    %c0_i32_0 = arith.constant 0 : i32
    return %arg0, %c0_i32 : i32, i32
  }
  func.func @transform_13(%arg0: i32) -> (i32, i32, i32) {
    %c0_i32 = arith.constant 0 : i32
    %c0_i32_0 = arith.constant 0 : i32
    %c0_i32_1 = arith.constant 0 : i32
    return %c0_i32, %arg0, %c0_i32_0 : i32, i32, i32
  }
}

module attributes {stable_mosaic.version = 14 : i64} {
  func.func @_node_body(%arg0: i32, %arg1: memref<1000x128xf32, #tpu.memory_space<vmem>>, %arg2: memref<2x1000x128xf32, #tpu.memory_space<vmem>>, %arg3: memref<128x128xf32, #tpu.memory_space<vmem>>, %arg4: memref<1x128xf32, #tpu.memory_space<vmem>>, %arg5: memref<128x128xf32, #tpu.memory_space<vmem>>, %arg6: memref<1x128xf32, #tpu.memory_space<vmem>>, %arg7: memref<1x128xf32, #tpu.memory_space<vmem>>, %arg8: memref<1x128xf32, #tpu.memory_space<vmem>>, %arg9: memref<8x32xf32, #tpu.memory_space<vmem>>, %arg10: memref<32x128xf32, #tpu.memory_space<vmem>>, %arg11: memref<1x128xf32, #tpu.memory_space<vmem>>, %arg12: memref<1000x128xf32, #tpu.memory_space<vmem>>, %arg13: memref<5x1000x128xf32, #tpu.memory_space<vmem>>) attributes {dimension_semantics = [#tpu.dimension_semantics<arbitrary>], iteration_bounds = array<i64: 10>, scalar_prefetch = 0 : i64, scratch_operands = 0 : i64, tpu.core_type = #tpu.core_type<tc>, window_params = [{transform_indices = @transform_0, window_bounds = array<i64: 1000, 128>}, {transform_indices = @transform_1, window_bounds = array<i64: 2, 1000, 128>}, {pipeline_mode = #tpu.pipeline_mode<synchronous>, transform_indices = @transform_2, window_bounds = array<i64: 128, 128>}, {pipeline_mode = #tpu.pipeline_mode<synchronous>, transform_indices = @transform_3, window_bounds = array<i64: 1, 128>}, {pipeline_mode = #tpu.pipeline_mode<synchronous>, transform_indices = @transform_4, window_bounds = array<i64: 128, 128>}, {pipeline_mode = #tpu.pipeline_mode<synchronous>, transform_indices = @transform_5, window_bounds = array<i64: 1, 128>}, {pipeline_mode = #tpu.pipeline_mode<synchronous>, transform_indices = @transform_6, window_bounds = array<i64: 1, 128>}, {pipeline_mode = #tpu.pipeline_mode<synchronous>, transform_indices = @transform_7, window_bounds = array<i64: 1, 128>}, {pipeline_mode = #tpu.pipeline_mode<synchronous>, transform_indices = @transform_8, window_bounds = array<i64: 8, 32>}, {pipeline_mode = #tpu.pipeline_mode<synchronous>, transform_indices = @transform_9, window_bounds = array<i64: 32, 128>}, {pipeline_mode = #tpu.pipeline_mode<synchronous>, transform_indices = @transform_10, window_bounds = array<i64: 1, 128>}, {transform_indices = @transform_11, window_bounds = array<i64: 1000, 128>}, {transform_indices = @transform_12, window_bounds = array<i64: 5, 1000, 128>}]} {
    %get3A = arith.constant 0 : index
    %get3A_0 = arith.constant 0 : index
    %get3A_1 = vector.load %arg1[%get3A, %get3A_0] : memref<1000x128xf32, #tpu.memory_space<vmem>>, vector<1000x128xf32>
    %get3A_2 = arith.constant 0 : index
    %get3A_3 = arith.constant 0 : index
    %get3A_4 = arith.constant 0 : index
    %get3A_5 = vector.load %arg2[%get3A_2, %get3A_3, %get3A_4] : memref<2x1000x128xf32, #tpu.memory_space<vmem>>, vector<1x1000x128xf32>
    %get3A_6 = vector.shape_cast %get3A_5 : vector<1x1000x128xf32> to vector<1000x128xf32>
    %get3A_7 = arith.constant 1 : index
    %get3A_8 = arith.constant 0 : index
    %get3A_9 = arith.constant 0 : index
    %get3A_10 = vector.load %arg2[%get3A_7, %get3A_8, %get3A_9] : memref<2x1000x128xf32, #tpu.memory_space<vmem>>, vector<1x1000x128xf32>
    %get3A_11 = vector.shape_cast %get3A_10 : vector<1x1000x128xf32> to vector<1000x128xf32>
    %add3A = arith.addf %get3A_6, %get3A_11 : vector<1000x128xf32>
    %add3A_12 = arith.addf %get3A_1, %add3A : vector<1000x128xf32>
    %get3A_13 = arith.constant 0 : index
    %get3A_14 = arith.constant 0 : index
    %get3A_15 = vector.load %arg3[%get3A_13, %get3A_14] : memref<128x128xf32, #tpu.memory_space<vmem>>, vector<128x128xf32>
    %dot_general3A = arith.constant dense<0.000000e+00> : vector<1000x128xf32>
    %dot_general3A_16 = tpu.matmul %add3A_12, %get3A_15, %dot_general3A {dimension_numbers = #tpu.dot_dimension_numbers<[1], [0], [0], [1], [0, 0, 1, 1], [], []>, transpose_lhs_hint = false} : vector<1000x128xf32>, vector<128x128xf32>, vector<1000x128xf32> -> vector<1000x128xf32>
    %get3A_17 = arith.constant 0 : index
    %get3A_18 = arith.constant 0 : index
    %get3A_19 = vector.load %arg4[%get3A_17, %get3A_18] : memref<1x128xf32, #tpu.memory_space<vmem>>, vector<1x128xf32>
    %add3A_20 = vector.broadcast %get3A_19 : vector<1x128xf32> to vector<1000x128xf32>
    %add3A_21 = arith.addf %dot_general3A_16, %add3A_20 : vector<1000x128xf32>
    %max3A = arith.constant 0.000000e+00 : f32
    %max3A_22 = vector.broadcast %max3A : f32 to vector<1000x128xf32>
    %max3A_23 = arith.maximumf %add3A_21, %max3A_22 : vector<1000x128xf32>
    %get3A_24 = arith.constant 0 : index
    %get3A_25 = arith.constant 0 : index
    %get3A_26 = vector.load %arg5[%get3A_24, %get3A_25] : memref<128x128xf32, #tpu.memory_space<vmem>>, vector<128x128xf32>
    %dot_general3A_27 = arith.constant dense<0.000000e+00> : vector<1000x128xf32>
    %dot_general3A_28 = tpu.matmul %max3A_23, %get3A_26, %dot_general3A_27 {dimension_numbers = #tpu.dot_dimension_numbers<[1], [0], [0], [1], [0, 0, 1, 1], [], []>, transpose_lhs_hint = false} : vector<1000x128xf32>, vector<128x128xf32>, vector<1000x128xf32> -> vector<1000x128xf32>
    %get3A_29 = arith.constant 0 : index
    %get3A_30 = arith.constant 0 : index
    %get3A_31 = vector.load %arg6[%get3A_29, %get3A_30] : memref<1x128xf32, #tpu.memory_space<vmem>>, vector<1x128xf32>
    %add3A_32 = vector.broadcast %get3A_31 : vector<1x128xf32> to vector<1000x128xf32>
    %add3A_33 = arith.addf %dot_general3A_28, %add3A_32 : vector<1000x128xf32>
    %max3A_34 = arith.constant 0.000000e+00 : f32
    %max3A_35 = vector.broadcast %max3A_34 : f32 to vector<1000x128xf32>
    %max3A_36 = arith.maximumf %add3A_33, %max3A_35 : vector<1000x128xf32>
    %add3A_37 = arith.addf %max3A_36, %get3A_1 : vector<1000x128xf32>
    %reduce_sum3A = arith.constant dense<0.000000e+00> : vector<1000xf32>
    %reduce_sum3A_38 = vector.multi_reduction <add>, %add3A_37, %reduce_sum3A [1] : vector<1000x128xf32> to vector<1000xf32>
    %broadcast_in_dim3A = vector.shape_cast %reduce_sum3A_38 : vector<1000xf32> to vector<1000x1xf32>
    %div3A = arith.constant 1.280000e+02 : f32
    %div3A_39 = vector.broadcast %div3A : f32 to vector<1000x1xf32>
    %div3A_40 = arith.divf %broadcast_in_dim3A, %div3A_39 : vector<1000x1xf32>
    %sub3A = vector.broadcast %div3A_40 : vector<1000x1xf32> to vector<1000x128xf32>
    %sub3A_41 = arith.subf %add3A_37, %sub3A : vector<1000x128xf32>
    %mul3A = arith.mulf %sub3A_41, %sub3A_41 : vector<1000x128xf32>
    %reduce_sum3A_42 = arith.constant dense<0.000000e+00> : vector<1000xf32>
    %reduce_sum3A_43 = vector.multi_reduction <add>, %mul3A, %reduce_sum3A_42 [1] : vector<1000x128xf32> to vector<1000xf32>
    %broadcast_in_dim3A_44 = vector.shape_cast %reduce_sum3A_43 : vector<1000xf32> to vector<1000x1xf32>
    %div3A_45 = arith.constant 1.280000e+02 : f32
    %div3A_46 = vector.broadcast %div3A_45 : f32 to vector<1000x1xf32>
    %div3A_47 = arith.divf %broadcast_in_dim3A_44, %div3A_46 : vector<1000x1xf32>
    %add3A_48 = arith.constant 9.99999974E-6 : f32
    %add3A_49 = vector.broadcast %add3A_48 : f32 to vector<1000x1xf32>
    %add3A_50 = arith.addf %div3A_47, %add3A_49 : vector<1000x1xf32>
    %sqrt3A = math.sqrt %add3A_50 : vector<1000x1xf32>
    %div3A_51 = vector.broadcast %sqrt3A : vector<1000x1xf32> to vector<1000x128xf32>
    %div3A_52 = arith.divf %sub3A_41, %div3A_51 : vector<1000x128xf32>
    %get3A_53 = arith.constant 0 : index
    %get3A_54 = arith.constant 0 : index
    %get3A_55 = vector.load %arg7[%get3A_53, %get3A_54] : memref<1x128xf32, #tpu.memory_space<vmem>>, vector<1x128xf32>
    %mul3A_56 = vector.broadcast %get3A_55 : vector<1x128xf32> to vector<1000x128xf32>
    %mul3A_57 = arith.mulf %div3A_52, %mul3A_56 : vector<1000x128xf32>
    %get3A_58 = arith.constant 0 : index
    %get3A_59 = arith.constant 0 : index
    %get3A_60 = vector.load %arg8[%get3A_58, %get3A_59] : memref<1x128xf32, #tpu.memory_space<vmem>>, vector<1x128xf32>
    %add3A_61 = vector.broadcast %get3A_60 : vector<1x128xf32> to vector<1000x128xf32>
    %add3A_62 = arith.addf %mul3A_57, %add3A_61 : vector<1000x128xf32>
    %swap3A = arith.constant 0 : index
    %swap3A_63 = arith.constant 0 : index
    %swap3A_64 = vector.load %arg12[%swap3A, %swap3A_63] : memref<1000x128xf32, #tpu.memory_space<vmem>>, vector<1000x128xf32>
    tpu.vector_store %arg12[%swap3A, %swap3A_63], %add3A_62 {strides = array<i32>} : memref<1000x128xf32, #tpu.memory_space<vmem>>, vector<1000x128xf32>,
    %get3A_65 = arith.constant 0 : index
    %get3A_66 = arith.constant 0 : index
    %get3A_67 = vector.load %arg9[%get3A_65, %get3A_66] : memref<8x32xf32, #tpu.memory_space<vmem>>, vector<8x32xf32>
    %get3A_68 = arith.constant 0 : index
    %get3A_69 = arith.constant 0 : index
    %get3A_70 = vector.load %arg10[%get3A_68, %get3A_69] : memref<32x128xf32, #tpu.memory_space<vmem>>, vector<32x128xf32>
    %dot_general3A_71 = arith.constant dense<0.000000e+00> : vector<8x128xf32>
    %dot_general3A_72 = tpu.matmul %get3A_67, %get3A_70, %dot_general3A_71 {dimension_numbers = #tpu.dot_dimension_numbers<[1], [0], [0], [1], [0, 0, 1, 1], [], []>, transpose_lhs_hint = false} : vector<8x32xf32>, vector<32x128xf32>, vector<8x128xf32> -> vector<8x128xf32>
    %get3A_73 = arith.constant 0 : index
    %get3A_74 = arith.constant 0 : index
    %get3A_75 = vector.load %arg11[%get3A_73, %get3A_74] : memref<1x128xf32, #tpu.memory_space<vmem>>, vector<1x128xf32>
    %add3A_76 = vector.broadcast %get3A_75 : vector<1x128xf32> to vector<8x128xf32>
    %add3A_77 = arith.addf %dot_general3A_72, %add3A_76 : vector<8x128xf32>
    %slice3A = vector.extract_strided_slice %add3A_77 {offsets = [0, 0], sizes = [1, 128], strides = [1, 1]} : vector<8x128xf32> to vector<1x128xf32>
    %squeeze3A = vector.shape_cast %slice3A : vector<1x128xf32> to vector<128xf32>
    %broadcast_in_dim3A_78 = vector.shape_cast %squeeze3A : vector<128xf32> to vector<1x128xf32>
    %add3A_79 = vector.broadcast %broadcast_in_dim3A_78 : vector<1x128xf32> to vector<1000x128xf32>
    %add3A_80 = arith.addf %add3A_62, %add3A_79 : vector<1000x128xf32>
    %max3A_81 = arith.constant 0.000000e+00 : f32
    %max3A_82 = vector.broadcast %max3A_81 : f32 to vector<1000x128xf32>
    %max3A_83 = arith.maximumf %add3A_80, %max3A_82 : vector<1000x128xf32>
    %swap3A_84 = arith.constant 0 : index
    %swap3A_85 = arith.constant 0 : index
    %swap3A_86 = arith.constant 0 : index
    %swap3A_87 = vector.load %arg13[%swap3A_84, %swap3A_85, %swap3A_86] : memref<5x1000x128xf32, #tpu.memory_space<vmem>>, vector<1x1000x128xf32>
    %swap3A_88 = vector.shape_cast %swap3A_87 : vector<1x1000x128xf32> to vector<1000x128xf32>
    %swap3A_89 = vector.shape_cast %max3A_83 : vector<1000x128xf32> to vector<1x1000x128xf32>
    tpu.vector_store %arg13[%swap3A_84, %swap3A_85, %swap3A_86], %swap3A_89 {strides = array<i32>} : memref<5x1000x128xf32, #tpu.memory_space<vmem>>, vector<1x1000x128xf32>,
    %slice3A_90 = vector.extract_strided_slice %add3A_77 {offsets = [1, 0], sizes = [1, 128], strides = [1, 1]} : vector<8x128xf32> to vector<1x128xf32>
    %squeeze3A_91 = vector.shape_cast %slice3A_90 : vector<1x128xf32> to vector<128xf32>
    %broadcast_in_dim3A_92 = vector.shape_cast %squeeze3A_91 : vector<128xf32> to vector<1x128xf32>
    %add3A_93 = vector.broadcast %broadcast_in_dim3A_92 : vector<1x128xf32> to vector<1000x128xf32>
    %add3A_94 = arith.addf %add3A_62, %add3A_93 : vector<1000x128xf32>
    %max3A_95 = arith.constant 0.000000e+00 : f32
    %max3A_96 = vector.broadcast %max3A_95 : f32 to vector<1000x128xf32>
    %max3A_97 = arith.maximumf %add3A_94, %max3A_96 : vector<1000x128xf32>
    %swap3A_98 = arith.constant 1 : index
    %swap3A_99 = arith.constant 0 : index
    %swap3A_100 = arith.constant 0 : index
    %swap3A_101 = vector.load %arg13[%swap3A_98, %swap3A_99, %swap3A_100] : memref<5x1000x128xf32, #tpu.memory_space<vmem>>, vector<1x1000x128xf32>
    %swap3A_102 = vector.shape_cast %swap3A_101 : vector<1x1000x128xf32> to vector<1000x128xf32>
    %swap3A_103 = vector.shape_cast %max3A_97 : vector<1000x128xf32> to vector<1x1000x128xf32>
    tpu.vector_store %arg13[%swap3A_98, %swap3A_99, %swap3A_100], %swap3A_103 {strides = array<i32>} : memref<5x1000x128xf32, #tpu.memory_space<vmem>>, vector<1x1000x128xf32>,
    %slice3A_104 = vector.extract_strided_slice %add3A_77 {offsets = [2, 0], sizes = [1, 128], strides = [1, 1]} : vector<8x128xf32> to vector<1x128xf32>
    %squeeze3A_105 = vector.shape_cast %slice3A_104 : vector<1x128xf32> to vector<128xf32>
    %broadcast_in_dim3A_106 = vector.shape_cast %squeeze3A_105 : vector<128xf32> to vector<1x128xf32>
    %add3A_107 = vector.broadcast %broadcast_in_dim3A_106 : vector<1x128xf32> to vector<1000x128xf32>
    %add3A_108 = arith.addf %add3A_62, %add3A_107 : vector<1000x128xf32>
    %max3A_109 = arith.constant 0.000000e+00 : f32
    %max3A_110 = vector.broadcast %max3A_109 : f32 to vector<1000x128xf32>
    %max3A_111 = arith.maximumf %add3A_108, %max3A_110 : vector<1000x128xf32>
    %swap3A_112 = arith.constant 2 : index
    %swap3A_113 = arith.constant 0 : index
    %swap3A_114 = arith.constant 0 : index
    %swap3A_115 = vector.load %arg13[%swap3A_112, %swap3A_113, %swap3A_114] : memref<5x1000x128xf32, #tpu.memory_space<vmem>>, vector<1x1000x128xf32>
    %swap3A_116 = vector.shape_cast %swap3A_115 : vector<1x1000x128xf32> to vector<1000x128xf32>
    %swap3A_117 = vector.shape_cast %max3A_111 : vector<1000x128xf32> to vector<1x1000x128xf32>
    tpu.vector_store %arg13[%swap3A_112, %swap3A_113, %swap3A_114], %swap3A_117 {strides = array<i32>} : memref<5x1000x128xf32, #tpu.memory_space<vmem>>, vector<1x1000x128xf32>,
    %slice3A_118 = vector.extract_strided_slice %add3A_77 {offsets = [3, 0], sizes = [1, 128], strides = [1, 1]} : vector<8x128xf32> to vector<1x128xf32>
    %squeeze3A_119 = vector.shape_cast %slice3A_118 : vector<1x128xf32> to vector<128xf32>
    %broadcast_in_dim3A_120 = vector.shape_cast %squeeze3A_119 : vector<128xf32> to vector<1x128xf32>
    %add3A_121 = vector.broadcast %broadcast_in_dim3A_120 : vector<1x128xf32> to vector<1000x128xf32>
    %add3A_122 = arith.addf %add3A_62, %add3A_121 : vector<1000x128xf32>
    %max3A_123 = arith.constant 0.000000e+00 : f32
    %max3A_124 = vector.broadcast %max3A_123 : f32 to vector<1000x128xf32>
    %max3A_125 = arith.maximumf %add3A_122, %max3A_124 : vector<1000x128xf32>
    %swap3A_126 = arith.constant 3 : index
    %swap3A_127 = arith.constant 0 : index
    %swap3A_128 = arith.constant 0 : index
    %swap3A_129 = vector.load %arg13[%swap3A_126, %swap3A_127, %swap3A_128] : memref<5x1000x128xf32, #tpu.memory_space<vmem>>, vector<1x1000x128xf32>
    %swap3A_130 = vector.shape_cast %swap3A_129 : vector<1x1000x128xf32> to vector<1000x128xf32>
    %swap3A_131 = vector.shape_cast %max3A_125 : vector<1000x128xf32> to vector<1x1000x128xf32>
    tpu.vector_store %arg13[%swap3A_126, %swap3A_127, %swap3A_128], %swap3A_131 {strides = array<i32>} : memref<5x1000x128xf32, #tpu.memory_space<vmem>>, vector<1x1000x128xf32>,
    %slice3A_132 = vector.extract_strided_slice %add3A_77 {offsets = [4, 0], sizes = [1, 128], strides = [1, 1]} : vector<8x128xf32> to vector<1x128xf32>
    %squeeze3A_133 = vector.shape_cast %slice3A_132 : vector<1x128xf32> to vector<128xf32>
    %broadcast_in_dim3A_134 = vector.shape_cast %squeeze3A_133 : vector<128xf32> to vector<1x128xf32>
    %add3A_135 = vector.broadcast %broadcast_in_dim3A_134 : vector<1x128xf32> to vector<1000x128xf32>
    %add3A_136 = arith.addf %add3A_62, %add3A_135 : vector<1000x128xf32>
    %max3A_137 = arith.constant 0.000000e+00 : f32
    %max3A_138 = vector.broadcast %max3A_137 : f32 to vector<1000x128xf32>
    %max3A_139 = arith.maximumf %add3A_136, %max3A_138 : vector<1000x128xf32>
    %swap3A_140 = arith.constant 4 : index
    %swap3A_141 = arith.constant 0 : index
    %swap3A_142 = arith.constant 0 : index
    %swap3A_143 = vector.load %arg13[%swap3A_140, %swap3A_141, %swap3A_142] : memref<5x1000x128xf32, #tpu.memory_space<vmem>>, vector<1x1000x128xf32>
    %swap3A_144 = vector.shape_cast %swap3A_143 : vector<1x1000x128xf32> to vector<1000x128xf32>
    %swap3A_145 = vector.shape_cast %max3A_139 : vector<1000x128xf32> to vector<1x1000x128xf32>
    tpu.vector_store %arg13[%swap3A_140, %swap3A_141, %swap3A_142], %swap3A_145 {strides = array<i32>} : memref<5x1000x128xf32, #tpu.memory_space<vmem>>, vector<1x1000x128xf32>,
    return
  }
  func.func @transform_0(%arg0: i32) -> (i32, i32) {
    %c0_i32 = arith.constant 0 : i32
    %c0_i32_0 = arith.constant 0 : i32
    return %arg0, %c0_i32 : i32, i32
  }
  func.func @transform_1(%arg0: i32) -> (i32, i32, i32) {
    %c0_i32 = arith.constant 0 : i32
    %c0_i32_0 = arith.constant 0 : i32
    %c0_i32_1 = arith.constant 0 : i32
    return %c0_i32, %arg0, %c0_i32_0 : i32, i32, i32
  }
  func.func @transform_2(%arg0: i32) -> (i32, i32) {
    %c0_i32 = arith.constant 0 : i32
    %c0_i32_0 = arith.constant 0 : i32
    %c0_i32_1 = arith.constant 0 : i32
    return %c0_i32, %c0_i32_0 : i32, i32
  }
  func.func @transform_3(%arg0: i32) -> (i32, i32) {
    %c0_i32 = arith.constant 0 : i32
    %c0_i32_0 = arith.constant 0 : i32
    %c0_i32_1 = arith.constant 0 : i32
    return %c0_i32, %c0_i32_0 : i32, i32
  }
  func.func @transform_4(%arg0: i32) -> (i32, i32) {
    %c0_i32 = arith.constant 0 : i32
    %c0_i32_0 = arith.constant 0 : i32
    %c0_i32_1 = arith.constant 0 : i32
    return %c0_i32, %c0_i32_0 : i32, i32
  }
  func.func @transform_5(%arg0: i32) -> (i32, i32) {
    %c0_i32 = arith.constant 0 : i32
    %c0_i32_0 = arith.constant 0 : i32
    %c0_i32_1 = arith.constant 0 : i32
    return %c0_i32, %c0_i32_0 : i32, i32
  }
  func.func @transform_6(%arg0: i32) -> (i32, i32) {
    %c0_i32 = arith.constant 0 : i32
    %c0_i32_0 = arith.constant 0 : i32
    %c0_i32_1 = arith.constant 0 : i32
    return %c0_i32, %c0_i32_0 : i32, i32
  }
  func.func @transform_7(%arg0: i32) -> (i32, i32) {
    %c0_i32 = arith.constant 0 : i32
    %c0_i32_0 = arith.constant 0 : i32
    %c0_i32_1 = arith.constant 0 : i32
    return %c0_i32, %c0_i32_0 : i32, i32
  }
  func.func @transform_8(%arg0: i32) -> (i32, i32) {
    %c0_i32 = arith.constant 0 : i32
    %c0_i32_0 = arith.constant 0 : i32
    %c0_i32_1 = arith.constant 0 : i32
    return %c0_i32, %c0_i32_0 : i32, i32
  }
  func.func @transform_9(%arg0: i32) -> (i32, i32) {
    %c0_i32 = arith.constant 0 : i32
    %c0_i32_0 = arith.constant 0 : i32
    %c0_i32_1 = arith.constant 0 : i32
    return %c0_i32, %c0_i32_0 : i32, i32
  }
  func.func @transform_10(%arg0: i32) -> (i32, i32) {
    %c0_i32 = arith.constant 0 : i32
    %c0_i32_0 = arith.constant 0 : i32
    %c0_i32_1 = arith.constant 0 : i32
    return %c0_i32, %c0_i32_0 : i32, i32
  }
  func.func @transform_11(%arg0: i32) -> (i32, i32) {
    %c0_i32 = arith.constant 0 : i32
    %c0_i32_0 = arith.constant 0 : i32
    return %arg0, %c0_i32 : i32, i32
  }
  func.func @transform_12(%arg0: i32) -> (i32, i32, i32) {
    %c0_i32 = arith.constant 0 : i32
    %c0_i32_0 = arith.constant 0 : i32
    %c0_i32_1 = arith.constant 0 : i32
    return %c0_i32, %arg0, %c0_i32_0 : i32, i32, i32
  }
}

module attributes {stable_mosaic.version = 14 : i64} {
  func.func @_node_body(%arg0: i32, %arg1: memref<1000x128xf32, #tpu.memory_space<vmem>>, %arg2: memref<2x1000x128xf32, #tpu.memory_space<vmem>>, %arg3: memref<128x128xf32, #tpu.memory_space<vmem>>, %arg4: memref<1x128xf32, #tpu.memory_space<vmem>>, %arg5: memref<128x128xf32, #tpu.memory_space<vmem>>, %arg6: memref<1x128xf32, #tpu.memory_space<vmem>>, %arg7: memref<1x128xf32, #tpu.memory_space<vmem>>, %arg8: memref<1x128xf32, #tpu.memory_space<vmem>>, %arg9: memref<1000x128xf32, #tpu.memory_space<vmem>>) attributes {dimension_semantics = [#tpu.dimension_semantics<arbitrary>], iteration_bounds = array<i64: 10>, scalar_prefetch = 0 : i64, scratch_operands = 0 : i64, tpu.core_type = #tpu.core_type<tc>, window_params = [{transform_indices = @transform_0, window_bounds = array<i64: 1000, 128>}, {transform_indices = @transform_1, window_bounds = array<i64: 2, 1000, 128>}, {pipeline_mode = #tpu.pipeline_mode<synchronous>, transform_indices = @transform_2, window_bounds = array<i64: 128, 128>}, {pipeline_mode = #tpu.pipeline_mode<synchronous>, transform_indices = @transform_3, window_bounds = array<i64: 1, 128>}, {pipeline_mode = #tpu.pipeline_mode<synchronous>, transform_indices = @transform_4, window_bounds = array<i64: 128, 128>}, {pipeline_mode = #tpu.pipeline_mode<synchronous>, transform_indices = @transform_5, window_bounds = array<i64: 1, 128>}, {pipeline_mode = #tpu.pipeline_mode<synchronous>, transform_indices = @transform_6, window_bounds = array<i64: 1, 128>}, {pipeline_mode = #tpu.pipeline_mode<synchronous>, transform_indices = @transform_7, window_bounds = array<i64: 1, 128>}, {transform_indices = @transform_8, window_bounds = array<i64: 1000, 128>}]} {
    %get3A = arith.constant 0 : index
    %get3A_0 = arith.constant 0 : index
    %get3A_1 = vector.load %arg1[%get3A, %get3A_0] : memref<1000x128xf32, #tpu.memory_space<vmem>>, vector<1000x128xf32>
    %get3A_2 = arith.constant 0 : index
    %get3A_3 = arith.constant 0 : index
    %get3A_4 = arith.constant 0 : index
    %get3A_5 = vector.load %arg2[%get3A_2, %get3A_3, %get3A_4] : memref<2x1000x128xf32, #tpu.memory_space<vmem>>, vector<1x1000x128xf32>
    %get3A_6 = vector.shape_cast %get3A_5 : vector<1x1000x128xf32> to vector<1000x128xf32>
    %get3A_7 = arith.constant 1 : index
    %get3A_8 = arith.constant 0 : index
    %get3A_9 = arith.constant 0 : index
    %get3A_10 = vector.load %arg2[%get3A_7, %get3A_8, %get3A_9] : memref<2x1000x128xf32, #tpu.memory_space<vmem>>, vector<1x1000x128xf32>
    %get3A_11 = vector.shape_cast %get3A_10 : vector<1x1000x128xf32> to vector<1000x128xf32>
    %add3A = arith.addf %get3A_6, %get3A_11 : vector<1000x128xf32>
    %add3A_12 = arith.addf %get3A_1, %add3A : vector<1000x128xf32>
    %get3A_13 = arith.constant 0 : index
    %get3A_14 = arith.constant 0 : index
    %get3A_15 = vector.load %arg3[%get3A_13, %get3A_14] : memref<128x128xf32, #tpu.memory_space<vmem>>, vector<128x128xf32>
    %dot_general3A = arith.constant dense<0.000000e+00> : vector<1000x128xf32>
    %dot_general3A_16 = tpu.matmul %add3A_12, %get3A_15, %dot_general3A {dimension_numbers = #tpu.dot_dimension_numbers<[1], [0], [0], [1], [0, 0, 1, 1], [], []>, transpose_lhs_hint = false} : vector<1000x128xf32>, vector<128x128xf32>, vector<1000x128xf32> -> vector<1000x128xf32>
    %get3A_17 = arith.constant 0 : index
    %get3A_18 = arith.constant 0 : index
    %get3A_19 = vector.load %arg4[%get3A_17, %get3A_18] : memref<1x128xf32, #tpu.memory_space<vmem>>, vector<1x128xf32>
    %add3A_20 = vector.broadcast %get3A_19 : vector<1x128xf32> to vector<1000x128xf32>
    %add3A_21 = arith.addf %dot_general3A_16, %add3A_20 : vector<1000x128xf32>
    %max3A = arith.constant 0.000000e+00 : f32
    %max3A_22 = vector.broadcast %max3A : f32 to vector<1000x128xf32>
    %max3A_23 = arith.maximumf %add3A_21, %max3A_22 : vector<1000x128xf32>
    %get3A_24 = arith.constant 0 : index
    %get3A_25 = arith.constant 0 : index
    %get3A_26 = vector.load %arg5[%get3A_24, %get3A_25] : memref<128x128xf32, #tpu.memory_space<vmem>>, vector<128x128xf32>
    %dot_general3A_27 = arith.constant dense<0.000000e+00> : vector<1000x128xf32>
    %dot_general3A_28 = tpu.matmul %max3A_23, %get3A_26, %dot_general3A_27 {dimension_numbers = #tpu.dot_dimension_numbers<[1], [0], [0], [1], [0, 0, 1, 1], [], []>, transpose_lhs_hint = false} : vector<1000x128xf32>, vector<128x128xf32>, vector<1000x128xf32> -> vector<1000x128xf32>
    %get3A_29 = arith.constant 0 : index
    %get3A_30 = arith.constant 0 : index
    %get3A_31 = vector.load %arg6[%get3A_29, %get3A_30] : memref<1x128xf32, #tpu.memory_space<vmem>>, vector<1x128xf32>
    %add3A_32 = vector.broadcast %get3A_31 : vector<1x128xf32> to vector<1000x128xf32>
    %add3A_33 = arith.addf %dot_general3A_28, %add3A_32 : vector<1000x128xf32>
    %max3A_34 = arith.constant 0.000000e+00 : f32
    %max3A_35 = vector.broadcast %max3A_34 : f32 to vector<1000x128xf32>
    %max3A_36 = arith.maximumf %add3A_33, %max3A_35 : vector<1000x128xf32>
    %add3A_37 = arith.addf %max3A_36, %get3A_1 : vector<1000x128xf32>
    %reduce_sum3A = arith.constant dense<0.000000e+00> : vector<1000xf32>
    %reduce_sum3A_38 = vector.multi_reduction <add>, %add3A_37, %reduce_sum3A [1] : vector<1000x128xf32> to vector<1000xf32>
    %broadcast_in_dim3A = vector.shape_cast %reduce_sum3A_38 : vector<1000xf32> to vector<1000x1xf32>
    %div3A = arith.constant 1.280000e+02 : f32
    %div3A_39 = vector.broadcast %div3A : f32 to vector<1000x1xf32>
    %div3A_40 = arith.divf %broadcast_in_dim3A, %div3A_39 : vector<1000x1xf32>
    %sub3A = vector.broadcast %div3A_40 : vector<1000x1xf32> to vector<1000x128xf32>
    %sub3A_41 = arith.subf %add3A_37, %sub3A : vector<1000x128xf32>
    %mul3A = arith.mulf %sub3A_41, %sub3A_41 : vector<1000x128xf32>
    %reduce_sum3A_42 = arith.constant dense<0.000000e+00> : vector<1000xf32>
    %reduce_sum3A_43 = vector.multi_reduction <add>, %mul3A, %reduce_sum3A_42 [1] : vector<1000x128xf32> to vector<1000xf32>
    %broadcast_in_dim3A_44 = vector.shape_cast %reduce_sum3A_43 : vector<1000xf32> to vector<1000x1xf32>
    %div3A_45 = arith.constant 1.280000e+02 : f32
    %div3A_46 = vector.broadcast %div3A_45 : f32 to vector<1000x1xf32>
    %div3A_47 = arith.divf %broadcast_in_dim3A_44, %div3A_46 : vector<1000x1xf32>
    %add3A_48 = arith.constant 9.99999974E-6 : f32
    %add3A_49 = vector.broadcast %add3A_48 : f32 to vector<1000x1xf32>
    %add3A_50 = arith.addf %div3A_47, %add3A_49 : vector<1000x1xf32>
    %sqrt3A = math.sqrt %add3A_50 : vector<1000x1xf32>
    %div3A_51 = vector.broadcast %sqrt3A : vector<1000x1xf32> to vector<1000x128xf32>
    %div3A_52 = arith.divf %sub3A_41, %div3A_51 : vector<1000x128xf32>
    %get3A_53 = arith.constant 0 : index
    %get3A_54 = arith.constant 0 : index
    %get3A_55 = vector.load %arg7[%get3A_53, %get3A_54] : memref<1x128xf32, #tpu.memory_space<vmem>>, vector<1x128xf32>
    %mul3A_56 = vector.broadcast %get3A_55 : vector<1x128xf32> to vector<1000x128xf32>
    %mul3A_57 = arith.mulf %div3A_52, %mul3A_56 : vector<1000x128xf32>
    %get3A_58 = arith.constant 0 : index
    %get3A_59 = arith.constant 0 : index
    %get3A_60 = vector.load %arg8[%get3A_58, %get3A_59] : memref<1x128xf32, #tpu.memory_space<vmem>>, vector<1x128xf32>
    %add3A_61 = vector.broadcast %get3A_60 : vector<1x128xf32> to vector<1000x128xf32>
    %add3A_62 = arith.addf %mul3A_57, %add3A_61 : vector<1000x128xf32>
    %swap3A = arith.constant 0 : index
    %swap3A_63 = arith.constant 0 : index
    %swap3A_64 = vector.load %arg9[%swap3A, %swap3A_63] : memref<1000x128xf32, #tpu.memory_space<vmem>>, vector<1000x128xf32>
    tpu.vector_store %arg9[%swap3A, %swap3A_63], %add3A_62 {strides = array<i32>} : memref<1000x128xf32, #tpu.memory_space<vmem>>, vector<1000x128xf32>,
    return
  }
  func.func @transform_0(%arg0: i32) -> (i32, i32) {
    %c0_i32 = arith.constant 0 : i32
    %c0_i32_0 = arith.constant 0 : i32
    return %arg0, %c0_i32 : i32, i32
  }
  func.func @transform_1(%arg0: i32) -> (i32, i32, i32) {
    %c0_i32 = arith.constant 0 : i32
    %c0_i32_0 = arith.constant 0 : i32
    %c0_i32_1 = arith.constant 0 : i32
    return %c0_i32, %arg0, %c0_i32_0 : i32, i32, i32
  }
  func.func @transform_2(%arg0: i32) -> (i32, i32) {
    %c0_i32 = arith.constant 0 : i32
    %c0_i32_0 = arith.constant 0 : i32
    %c0_i32_1 = arith.constant 0 : i32
    return %c0_i32, %c0_i32_0 : i32, i32
  }
  func.func @transform_3(%arg0: i32) -> (i32, i32) {
    %c0_i32 = arith.constant 0 : i32
    %c0_i32_0 = arith.constant 0 : i32
    %c0_i32_1 = arith.constant 0 : i32
    return %c0_i32, %c0_i32_0 : i32, i32
  }
  func.func @transform_4(%arg0: i32) -> (i32, i32) {
    %c0_i32 = arith.constant 0 : i32
    %c0_i32_0 = arith.constant 0 : i32
    %c0_i32_1 = arith.constant 0 : i32
    return %c0_i32, %c0_i32_0 : i32, i32
  }
  func.func @transform_5(%arg0: i32) -> (i32, i32) {
    %c0_i32 = arith.constant 0 : i32
    %c0_i32_0 = arith.constant 0 : i32
    %c0_i32_1 = arith.constant 0 : i32
    return %c0_i32, %c0_i32_0 : i32, i32
  }
  func.func @transform_6(%arg0: i32) -> (i32, i32) {
    %c0_i32 = arith.constant 0 : i32
    %c0_i32_0 = arith.constant 0 : i32
    %c0_i32_1 = arith.constant 0 : i32
    return %c0_i32, %c0_i32_0 : i32, i32
  }
  func.func @transform_7(%arg0: i32) -> (i32, i32) {
    %c0_i32 = arith.constant 0 : i32
    %c0_i32_0 = arith.constant 0 : i32
    %c0_i32_1 = arith.constant 0 : i32
    return %c0_i32, %c0_i32_0 : i32, i32
  }
  func.func @transform_8(%arg0: i32) -> (i32, i32) {
    %c0_i32 = arith.constant 0 : i32
    %c0_i32_0 = arith.constant 0 : i32
    return %arg0, %c0_i32 : i32, i32
  }
}

module attributes {stable_mosaic.version = 14 : i64} {
  func.func @_final_body(%arg0: i32, %arg1: memref<400x128xf32, #tpu.memory_space<vmem>>, %arg2: memref<400x128xf32, #tpu.memory_space<vmem>>, %arg3: memref<400x128xf32, #tpu.memory_space<vmem>>, %arg4: memref<400x128xf32, #tpu.memory_space<vmem>>, %arg5: memref<128x256xf32, #tpu.memory_space<vmem>>, %arg6: memref<128x256xf32, #tpu.memory_space<vmem>>, %arg7: memref<128x256xf32, #tpu.memory_space<vmem>>, %arg8: memref<128x256xf32, #tpu.memory_space<vmem>>, %arg9: memref<1x256xf32, #tpu.memory_space<vmem>>, %arg10: memref<256x128xf32, #tpu.memory_space<vmem>>, %arg11: memref<1x128xf32, #tpu.memory_space<vmem>>, %arg12: memref<128x128xf32, #tpu.memory_space<vmem>>, %arg13: memref<1x128xf32, #tpu.memory_space<vmem>>, %arg14: memref<1x128xf32, #tpu.memory_space<vmem>>, %arg15: memref<1x128xf32, #tpu.memory_space<vmem>>, %arg16: memref<1x128xf32, #tpu.memory_space<vmem>>, %arg17: memref<128x4096xf32, #tpu.memory_space<vmem>>, %arg18: memref<4096x128xf32, #tpu.memory_space<vmem>>, %arg19: memref<400x128xf32, #tpu.memory_space<vmem>>) attributes {dimension_semantics = [#tpu.dimension_semantics<arbitrary>], iteration_bounds = array<i64: 25>, scalar_prefetch = 0 : i64, scratch_operands = 0 : i64, tpu.core_type = #tpu.core_type<tc>, window_params = [{transform_indices = @transform_0, window_bounds = array<i64: 400, 128>}, {transform_indices = @transform_1, window_bounds = array<i64: 400, 128>}, {transform_indices = @transform_2, window_bounds = array<i64: 400, 128>}, {transform_indices = @transform_3, window_bounds = array<i64: 400, 128>}, {pipeline_mode = #tpu.pipeline_mode<synchronous>, transform_indices = @transform_4, window_bounds = array<i64: 128, 256>}, {pipeline_mode = #tpu.pipeline_mode<synchronous>, transform_indices = @transform_5, window_bounds = array<i64: 128, 256>}, {pipeline_mode = #tpu.pipeline_mode<synchronous>, transform_indices = @transform_6, window_bounds = array<i64: 128, 256>}, {pipeline_mode = #tpu.pipeline_mode<synchronous>, transform_indices = @transform_7, window_bounds = array<i64: 128, 256>}, {pipeline_mode = #tpu.pipeline_mode<synchronous>, transform_indices = @transform_8, window_bounds = array<i64: 1, 256>}, {pipeline_mode = #tpu.pipeline_mode<synchronous>, transform_indices = @transform_9, window_bounds = array<i64: 256, 128>}, {pipeline_mode = #tpu.pipeline_mode<synchronous>, transform_indices = @transform_10, window_bounds = array<i64: 1, 128>}, {pipeline_mode = #tpu.pipeline_mode<synchronous>, transform_indices = @transform_11, window_bounds = array<i64: 128, 128>}, {pipeline_mode = #tpu.pipeline_mode<synchronous>, transform_indices = @transform_12, window_bounds = array<i64: 1, 128>}, {pipeline_mode = #tpu.pipeline_mode<synchronous>, transform_indices = @transform_13, window_bounds = array<i64: 1, 128>}, {pipeline_mode = #tpu.pipeline_mode<synchronous>, transform_indices = @transform_14, window_bounds = array<i64: 1, 128>}, {pipeline_mode = #tpu.pipeline_mode<synchronous>, transform_indices = @transform_15, window_bounds = array<i64: 1, 128>}, {pipeline_mode = #tpu.pipeline_mode<synchronous>, transform_indices = @transform_16, window_bounds = array<i64: 128, 4096>}, {pipeline_mode = #tpu.pipeline_mode<synchronous>, transform_indices = @transform_17, window_bounds = array<i64: 4096, 128>}, {transform_indices = @transform_18, window_bounds = array<i64: 400, 128>}]} {
    %get3A = arith.constant 0 : index
    %get3A_0 = arith.constant 0 : index
    %get3A_1 = vector.load %arg1[%get3A, %get3A_0] : memref<400x128xf32, #tpu.memory_space<vmem>>, vector<400x128xf32>
    %get3A_2 = arith.constant 0 : index
    %get3A_3 = arith.constant 0 : index
    %get3A_4 = vector.load %arg5[%get3A_2, %get3A_3] : memref<128x256xf32, #tpu.memory_space<vmem>>, vector<128x256xf32>
    %dot_general3A = arith.constant dense<0.000000e+00> : vector<400x256xf32>
    %dot_general3A_5 = tpu.matmul %get3A_1, %get3A_4, %dot_general3A {dimension_numbers = #tpu.dot_dimension_numbers<[1], [0], [0], [1], [0, 0, 1, 1], [], []>, transpose_lhs_hint = false} : vector<400x128xf32>, vector<128x256xf32>, vector<400x256xf32> -> vector<400x256xf32>
    %get3A_6 = arith.constant 0 : index
    %get3A_7 = arith.constant 0 : index
    %get3A_8 = vector.load %arg2[%get3A_6, %get3A_7] : memref<400x128xf32, #tpu.memory_space<vmem>>, vector<400x128xf32>
    %get3A_9 = arith.constant 0 : index
    %get3A_10 = arith.constant 0 : index
    %get3A_11 = vector.load %arg6[%get3A_9, %get3A_10] : memref<128x256xf32, #tpu.memory_space<vmem>>, vector<128x256xf32>
    %dot_general3A_12 = arith.constant dense<0.000000e+00> : vector<400x256xf32>
    %dot_general3A_13 = tpu.matmul %get3A_8, %get3A_11, %dot_general3A_12 {dimension_numbers = #tpu.dot_dimension_numbers<[1], [0], [0], [1], [0, 0, 1, 1], [], []>, transpose_lhs_hint = false} : vector<400x128xf32>, vector<128x256xf32>, vector<400x256xf32> -> vector<400x256xf32>
    %add3A = arith.addf %dot_general3A_5, %dot_general3A_13 : vector<400x256xf32>
    %get3A_14 = arith.constant 0 : index
    %get3A_15 = arith.constant 0 : index
    %get3A_16 = vector.load %arg3[%get3A_14, %get3A_15] : memref<400x128xf32, #tpu.memory_space<vmem>>, vector<400x128xf32>
    %get3A_17 = arith.constant 0 : index
    %get3A_18 = arith.constant 0 : index
    %get3A_19 = vector.load %arg7[%get3A_17, %get3A_18] : memref<128x256xf32, #tpu.memory_space<vmem>>, vector<128x256xf32>
    %dot_general3A_20 = arith.constant dense<0.000000e+00> : vector<400x256xf32>
    %dot_general3A_21 = tpu.matmul %get3A_16, %get3A_19, %dot_general3A_20 {dimension_numbers = #tpu.dot_dimension_numbers<[1], [0], [0], [1], [0, 0, 1, 1], [], []>, transpose_lhs_hint = false} : vector<400x128xf32>, vector<128x256xf32>, vector<400x256xf32> -> vector<400x256xf32>
    %add3A_22 = arith.addf %add3A, %dot_general3A_21 : vector<400x256xf32>
    %get3A_23 = arith.constant 0 : index
    %get3A_24 = arith.constant 0 : index
    %get3A_25 = vector.load %arg4[%get3A_23, %get3A_24] : memref<400x128xf32, #tpu.memory_space<vmem>>, vector<400x128xf32>
    %get3A_26 = arith.constant 0 : index
    %get3A_27 = arith.constant 0 : index
    %get3A_28 = vector.load %arg8[%get3A_26, %get3A_27] : memref<128x256xf32, #tpu.memory_space<vmem>>, vector<128x256xf32>
    %dot_general3A_29 = arith.constant dense<0.000000e+00> : vector<400x256xf32>
    %dot_general3A_30 = tpu.matmul %get3A_25, %get3A_28, %dot_general3A_29 {dimension_numbers = #tpu.dot_dimension_numbers<[1], [0], [0], [1], [0, 0, 1, 1], [], []>, transpose_lhs_hint = false} : vector<400x128xf32>, vector<128x256xf32>, vector<400x256xf32> -> vector<400x256xf32>
    %add3A_31 = arith.addf %add3A_22, %dot_general3A_30 : vector<400x256xf32>
    %get3A_32 = arith.constant 0 : index
    %get3A_33 = arith.constant 0 : index
    %get3A_34 = vector.load %arg9[%get3A_32, %get3A_33] : memref<1x256xf32, #tpu.memory_space<vmem>>, vector<1x256xf32>
    %add3A_35 = vector.broadcast %get3A_34 : vector<1x256xf32> to vector<400x256xf32>
    %add3A_36 = arith.addf %add3A_31, %add3A_35 : vector<400x256xf32>
    %max3A = arith.constant 0.000000e+00 : f32
    %max3A_37 = vector.broadcast %max3A : f32 to vector<400x256xf32>
    %max3A_38 = arith.maximumf %add3A_36, %max3A_37 : vector<400x256xf32>
    %get3A_39 = arith.constant 0 : index
    %get3A_40 = arith.constant 0 : index
    %get3A_41 = vector.load %arg10[%get3A_39, %get3A_40] : memref<256x128xf32, #tpu.memory_space<vmem>>, vector<256x128xf32>
    %dot_general3A_42 = arith.constant dense<0.000000e+00> : vector<400x128xf32>
    %dot_general3A_43 = tpu.matmul %max3A_38, %get3A_41, %dot_general3A_42 {dimension_numbers = #tpu.dot_dimension_numbers<[1], [0], [0], [1], [0, 0, 1, 1], [], []>, transpose_lhs_hint = false} : vector<400x256xf32>, vector<256x128xf32>, vector<400x128xf32> -> vector<400x128xf32>
    %get3A_44 = arith.constant 0 : index
    %get3A_45 = arith.constant 0 : index
    %get3A_46 = vector.load %arg11[%get3A_44, %get3A_45] : memref<1x128xf32, #tpu.memory_space<vmem>>, vector<1x128xf32>
    %add3A_47 = vector.broadcast %get3A_46 : vector<1x128xf32> to vector<400x128xf32>
    %add3A_48 = arith.addf %dot_general3A_43, %add3A_47 : vector<400x128xf32>
    %max3A_49 = arith.constant 0.000000e+00 : f32
    %max3A_50 = vector.broadcast %max3A_49 : f32 to vector<400x128xf32>
    %max3A_51 = arith.maximumf %add3A_48, %max3A_50 : vector<400x128xf32>
    %get3A_52 = arith.constant 0 : index
    %get3A_53 = arith.constant 0 : index
    %get3A_54 = vector.load %arg12[%get3A_52, %get3A_53] : memref<128x128xf32, #tpu.memory_space<vmem>>, vector<128x128xf32>
    %dot_general3A_55 = arith.constant dense<0.000000e+00> : vector<400x128xf32>
    %dot_general3A_56 = tpu.matmul %max3A_51, %get3A_54, %dot_general3A_55 {dimension_numbers = #tpu.dot_dimension_numbers<[1], [0], [0], [1], [0, 0, 1, 1], [], []>, transpose_lhs_hint = false} : vector<400x128xf32>, vector<128x128xf32>, vector<400x128xf32> -> vector<400x128xf32>
    %get3A_57 = arith.constant 0 : index
    %get3A_58 = arith.constant 0 : index
    %get3A_59 = vector.load %arg13[%get3A_57, %get3A_58] : memref<1x128xf32, #tpu.memory_space<vmem>>, vector<1x128xf32>
    %add3A_60 = vector.broadcast %get3A_59 : vector<1x128xf32> to vector<400x128xf32>
    %add3A_61 = arith.addf %dot_general3A_56, %add3A_60 : vector<400x128xf32>
    %reduce_sum3A = arith.constant dense<0.000000e+00> : vector<400xf32>
    %reduce_sum3A_62 = vector.multi_reduction <add>, %add3A_61, %reduce_sum3A [1] : vector<400x128xf32> to vector<400xf32>
    %broadcast_in_dim3A = vector.shape_cast %reduce_sum3A_62 : vector<400xf32> to vector<400x1xf32>
    %div3A = arith.constant 1.200000e+02 : f32
    %div3A_63 = vector.broadcast %div3A : f32 to vector<400x1xf32>
    %div3A_64 = arith.divf %broadcast_in_dim3A, %div3A_63 : vector<400x1xf32>
    %sub3A = vector.broadcast %div3A_64 : vector<400x1xf32> to vector<400x128xf32>
    %sub3A_65 = arith.subf %add3A_61, %sub3A : vector<400x128xf32>
    %get3A_66 = arith.constant 0 : index
    %get3A_67 = arith.constant 0 : index
    %get3A_68 = vector.load %arg16[%get3A_66, %get3A_67] : memref<1x128xf32, #tpu.memory_space<vmem>>, vector<1x128xf32>
    %mul3A = vector.broadcast %get3A_68 : vector<1x128xf32> to vector<400x128xf32>
    %mul3A_69 = arith.mulf %sub3A_65, %mul3A : vector<400x128xf32>
    %mul3A_70 = arith.mulf %mul3A_69, %mul3A_69 : vector<400x128xf32>
    %reduce_sum3A_71 = arith.constant dense<0.000000e+00> : vector<400xf32>
    %reduce_sum3A_72 = vector.multi_reduction <add>, %mul3A_70, %reduce_sum3A_71 [1] : vector<400x128xf32> to vector<400xf32>
    %broadcast_in_dim3A_73 = vector.shape_cast %reduce_sum3A_72 : vector<400xf32> to vector<400x1xf32>
    %div3A_74 = arith.constant 1.200000e+02 : f32
    %div3A_75 = vector.broadcast %div3A_74 : f32 to vector<400x1xf32>
    %div3A_76 = arith.divf %broadcast_in_dim3A_73, %div3A_75 : vector<400x1xf32>
    %add3A_77 = arith.constant 9.99999974E-6 : f32
    %add3A_78 = vector.broadcast %add3A_77 : f32 to vector<400x1xf32>
    %add3A_79 = arith.addf %div3A_76, %add3A_78 : vector<400x1xf32>
    %sqrt3A = math.sqrt %add3A_79 : vector<400x1xf32>
    %div3A_80 = vector.broadcast %sqrt3A : vector<400x1xf32> to vector<400x128xf32>
    %div3A_81 = arith.divf %mul3A_69, %div3A_80 : vector<400x128xf32>
    %get3A_82 = arith.constant 0 : index
    %get3A_83 = arith.constant 0 : index
    %get3A_84 = vector.load %arg14[%get3A_82, %get3A_83] : memref<1x128xf32, #tpu.memory_space<vmem>>, vector<1x128xf32>
    %mul3A_85 = vector.broadcast %get3A_84 : vector<1x128xf32> to vector<400x128xf32>
    %mul3A_86 = arith.mulf %div3A_81, %mul3A_85 : vector<400x128xf32>
    %get3A_87 = arith.constant 0 : index
    %get3A_88 = arith.constant 0 : index
    %get3A_89 = vector.load %arg15[%get3A_87, %get3A_88] : memref<1x128xf32, #tpu.memory_space<vmem>>, vector<1x128xf32>
    %add3A_90 = vector.broadcast %get3A_89 : vector<1x128xf32> to vector<400x128xf32>
    %add3A_91 = arith.addf %mul3A_86, %add3A_90 : vector<400x128xf32>
    %mul3A_92 = arith.mulf %add3A_91, %add3A_91 : vector<400x128xf32>
    %reduce_sum3A_93 = arith.constant dense<0.000000e+00> : vector<400xf32>
    %reduce_sum3A_94 = vector.multi_reduction <add>, %mul3A_92, %reduce_sum3A_93 [1] : vector<400x128xf32> to vector<400xf32>
    %broadcast_in_dim3A_95 = vector.shape_cast %reduce_sum3A_94 : vector<400xf32> to vector<400x1xf32>
    %get3A_96 = arith.constant 0 : index
    %get3A_97 = arith.constant 0 : index
    %get3A_98 = vector.load %arg17[%get3A_96, %get3A_97] : memref<128x4096xf32, #tpu.memory_space<vmem>>, vector<128x4096xf32>
    %dot_general3A_99 = arith.constant dense<0.000000e+00> : vector<400x4096xf32>
    %dot_general3A_100 = tpu.matmul %add3A_91, %get3A_98, %dot_general3A_99 {dimension_numbers = #tpu.dot_dimension_numbers<[1], [0], [0], [1], [0, 0, 1, 1], [], []>, transpose_lhs_hint = false} : vector<400x128xf32>, vector<128x4096xf32>, vector<400x4096xf32> -> vector<400x4096xf32>
    %get3A_101 = arith.constant 0 : index
    %get3A_102 = arith.constant 0 : index
    %get3A_103 = vector.load %arg17[%get3A_101, %get3A_102] : memref<128x4096xf32, #tpu.memory_space<vmem>>, vector<128x4096xf32>
    %get3A_104 = arith.constant 0 : index
    %get3A_105 = arith.constant 0 : index
    %get3A_106 = vector.load %arg17[%get3A_104, %get3A_105] : memref<128x4096xf32, #tpu.memory_space<vmem>>, vector<128x4096xf32>
    %mul3A_107 = arith.mulf %get3A_103, %get3A_106 : vector<128x4096xf32>
    %reduce_sum3A_108 = arith.constant dense<0.000000e+00> : vector<4096xf32>
    %reduce_sum3A_109 = vector.multi_reduction <add>, %mul3A_107, %reduce_sum3A_108 [0] : vector<128x4096xf32> to vector<4096xf32>
    %broadcast_in_dim3A_110 = vector.shape_cast %reduce_sum3A_109 : vector<4096xf32> to vector<1x4096xf32>
    %mul3A_111 = arith.constant 2.000000e+00 : f32
    %mul3A_112 = vector.broadcast %mul3A_111 : f32 to vector<400x4096xf32>
    %mul3A_113 = arith.mulf %mul3A_112, %dot_general3A_100 : vector<400x4096xf32>
    %sub3A_114 = vector.broadcast %broadcast_in_dim3A_95 : vector<400x1xf32> to vector<400x4096xf32>
    %sub3A_115 = arith.subf %sub3A_114, %mul3A_113 : vector<400x4096xf32>
    %add3A_116 = vector.broadcast %broadcast_in_dim3A_110 : vector<1x4096xf32> to vector<400x4096xf32>
    %add3A_117 = arith.addf %sub3A_115, %add3A_116 : vector<400x4096xf32>
    %reduce_min3A = arith.constant dense<0x7F800000> : vector<400xf32>
    %reduce_min3A_118 = vector.multi_reduction <minimumf>, %add3A_117, %reduce_min3A [1] : vector<400x4096xf32> to vector<400xf32>
    %broadcast_in_dim3A_119 = vector.shape_cast %reduce_min3A_118 : vector<400xf32> to vector<400x1xf32>
    %iota3A = tpu.iota {dimensions = array<i32: 1>} : vector<400x4096xi32>
    %eq3A = vector.broadcast %broadcast_in_dim3A_119 : vector<400x1xf32> to vector<400x4096xf32>
    %eq3A_120 = arith.cmpf oeq, %add3A_117, %eq3A : vector<400x4096xf32>
    %jit3A = arith.constant 4096 : i32
    %broadcast_in_dim3A_121 = vector.broadcast %jit3A : i32 to vector<400x4096xi32>
    %select_n3A = arith.select %eq3A_120, %iota3A, %broadcast_in_dim3A_121 : vector<400x4096xi1>, vector<400x4096xi32>
    %reduce_min3A_122 = arith.constant dense<2147483647> : vector<400xi32>
    %reduce_min3A_123 = vector.multi_reduction <minsi>, %select_n3A, %reduce_min3A_122 [1] : vector<400x4096xi32> to vector<400xi32>
    %broadcast_in_dim3A_124 = vector.shape_cast %reduce_min3A_123 : vector<400xi32> to vector<400x1xi32>
    %eq3A_125 = vector.broadcast %broadcast_in_dim3A_124 : vector<400x1xi32> to vector<400x4096xi32>
    %eq3A_126 = arith.cmpi eq, %iota3A, %eq3A_125 : vector<400x4096xi32>
    %convert_element_type3A = arith.extui %eq3A_126 : vector<400x4096xi1> to vector<400x4096xi32>
    %convert_element_type3A_127 = arith.sitofp %convert_element_type3A : vector<400x4096xi32> to vector<400x4096xf32>
    %get3A_128 = arith.constant 0 : index
    %get3A_129 = arith.constant 0 : index
    %get3A_130 = vector.load %arg18[%get3A_128, %get3A_129] : memref<4096x128xf32, #tpu.memory_space<vmem>>, vector<4096x128xf32>
    %dot_general3A_131 = arith.constant dense<0.000000e+00> : vector<400x128xf32>
    %dot_general3A_132 = tpu.matmul %convert_element_type3A_127, %get3A_130, %dot_general3A_131 {dimension_numbers = #tpu.dot_dimension_numbers<[1], [0], [0], [1], [0, 0, 1, 1], [], []>, precision = #tpu.contract_precision<fp32>, transpose_lhs_hint = false} : vector<400x4096xf32>, vector<4096x128xf32>, vector<400x128xf32> -> vector<400x128xf32>
    %swap3A = arith.constant 0 : index
    %swap3A_133 = arith.constant 0 : index
    %swap3A_134 = vector.load %arg19[%swap3A, %swap3A_133] : memref<400x128xf32, #tpu.memory_space<vmem>>, vector<400x128xf32>
    tpu.vector_store %arg19[%swap3A, %swap3A_133], %dot_general3A_132 {strides = array<i32>} : memref<400x128xf32, #tpu.memory_space<vmem>>, vector<400x128xf32>,
    return
  }
  func.func @transform_0(%arg0: i32) -> (i32, i32) {
    %c0_i32 = arith.constant 0 : i32
    %c0_i32_0 = arith.constant 0 : i32
    return %arg0, %c0_i32 : i32, i32
  }
  func.func @transform_1(%arg0: i32) -> (i32, i32) {
    %c0_i32 = arith.constant 0 : i32
    %c0_i32_0 = arith.constant 0 : i32
    return %arg0, %c0_i32 : i32, i32
  }
  func.func @transform_2(%arg0: i32) -> (i32, i32) {
    %c0_i32 = arith.constant 0 : i32
    %c0_i32_0 = arith.constant 0 : i32
    return %arg0, %c0_i32 : i32, i32
  }
  func.func @transform_3(%arg0: i32) -> (i32, i32) {
    %c0_i32 = arith.constant 0 : i32
    %c0_i32_0 = arith.constant 0 : i32
    return %arg0, %c0_i32 : i32, i32
  }
  func.func @transform_4(%arg0: i32) -> (i32, i32) {
    %c0_i32 = arith.constant 0 : i32
    %c0_i32_0 = arith.constant 0 : i32
    %c0_i32_1 = arith.constant 0 : i32
    return %c0_i32, %c0_i32_0 : i32, i32
  }
  func.func @transform_5(%arg0: i32) -> (i32, i32) {
    %c0_i32 = arith.constant 0 : i32
    %c0_i32_0 = arith.constant 0 : i32
    %c0_i32_1 = arith.constant 0 : i32
    return %c0_i32, %c0_i32_0 : i32, i32
  }
  func.func @transform_6(%arg0: i32) -> (i32, i32) {
    %c0_i32 = arith.constant 0 : i32
    %c0_i32_0 = arith.constant 0 : i32
    %c0_i32_1 = arith.constant 0 : i32
    return %c0_i32, %c0_i32_0 : i32, i32
  }
  func.func @transform_7(%arg0: i32) -> (i32, i32) {
    %c0_i32 = arith.constant 0 : i32
    %c0_i32_0 = arith.constant 0 : i32
    %c0_i32_1 = arith.constant 0 : i32
    return %c0_i32, %c0_i32_0 : i32, i32
  }
  func.func @transform_8(%arg0: i32) -> (i32, i32) {
    %c0_i32 = arith.constant 0 : i32
    %c0_i32_0 = arith.constant 0 : i32
    %c0_i32_1 = arith.constant 0 : i32
    return %c0_i32, %c0_i32_0 : i32, i32
  }
  func.func @transform_9(%arg0: i32) -> (i32, i32) {
    %c0_i32 = arith.constant 0 : i32
    %c0_i32_0 = arith.constant 0 : i32
    %c0_i32_1 = arith.constant 0 : i32
    return %c0_i32, %c0_i32_0 : i32, i32
  }
  func.func @transform_10(%arg0: i32) -> (i32, i32) {
    %c0_i32 = arith.constant 0 : i32
    %c0_i32_0 = arith.constant 0 : i32
    %c0_i32_1 = arith.constant 0 : i32
    return %c0_i32, %c0_i32_0 : i32, i32
  }
  func.func @transform_11(%arg0: i32) -> (i32, i32) {
    %c0_i32 = arith.constant 0 : i32
    %c0_i32_0 = arith.constant 0 : i32
    %c0_i32_1 = arith.constant 0 : i32
    return %c0_i32, %c0_i32_0 : i32, i32
  }
  func.func @transform_12(%arg0: i32) -> (i32, i32) {
    %c0_i32 = arith.constant 0 : i32
    %c0_i32_0 = arith.constant 0 : i32
    %c0_i32_1 = arith.constant 0 : i32
    return %c0_i32, %c0_i32_0 : i32, i32
  }
  func.func @transform_13(%arg0: i32) -> (i32, i32) {
    %c0_i32 = arith.constant 0 : i32
    %c0_i32_0 = arith.constant 0 : i32
    %c0_i32_1 = arith.constant 0 : i32
    return %c0_i32, %c0_i32_0 : i32, i32
  }
  func.func @transform_14(%arg0: i32) -> (i32, i32) {
    %c0_i32 = arith.constant 0 : i32
    %c0_i32_0 = arith.constant 0 : i32
    %c0_i32_1 = arith.constant 0 : i32
    return %c0_i32, %c0_i32_0 : i32, i32
  }
  func.func @transform_15(%arg0: i32) -> (i32, i32) {
    %c0_i32 = arith.constant 0 : i32
    %c0_i32_0 = arith.constant 0 : i32
    %c0_i32_1 = arith.constant 0 : i32
    return %c0_i32, %c0_i32_0 : i32, i32
  }
  func.func @transform_16(%arg0: i32) -> (i32, i32) {
    %c0_i32 = arith.constant 0 : i32
    %c0_i32_0 = arith.constant 0 : i32
    %c0_i32_1 = arith.constant 0 : i32
    return %c0_i32, %c0_i32_0 : i32, i32
  }
  func.func @transform_17(%arg0: i32) -> (i32, i32) {
    %c0_i32 = arith.constant 0 : i32
    %c0_i32_0 = arith.constant 0 : i32
    %c0_i32_1 = arith.constant 0 : i32
    return %c0_i32, %c0_i32_0 : i32, i32
  }
  func.func @transform_18(%arg0: i32) -> (i32, i32) {
    %c0_i32 = arith.constant 0 : i32
    %c0_i32_0 = arith.constant 0 : i32
    return %arg0, %c0_i32 : i32, i32
  }
}

</mosaic_0001>

<sc_bundles>
// kernel: gather_offload_async_start.1
scs
__scs_entry_jumppad:
0x0: {  	(pc) =	sbr.rel $0x88, $3  }
0x1: {  	(tag) =	ssettag $0x0;
	lr =	simm.s32 $0x1  }
0x2: {  	[smem:$0x3F6F] =	sst lr;
	_ =	strace $0xD0000000  }
0x3: {  	_ = 	snop  }
0x4: {  	_ = 	snop  }
0x5: {  	_ = 	snop  }
0x6: {  	_ = 	snop  }
0x7: {  	_ = 	snop  }
__scs_overlays_trampoline_lowered:
0x8: {  	[smem:$0x3F7E] =	sst s0  }
0x9: {  	[smem:$0x3F7F] =	sst s1  }
0xa: {  	[smem:$0x3F80] =	sst s2  }
0xb: {  	[smem:$0x3F81] =	sst s3  }
0xc: {  	[smem:$0x3F82] =	sst s4  }
0xd: {  	[smem:$0x3F83] =	sst s5  }
0xe: {  	[smem:$0x3F84] =	sst s6  }
0xf: {  	[smem:$0x3F85] =	sst s7  }
0x10: {  	[smem:$0x3F86] =	sst s8  }
0x11: {  	[smem:$0x3F87] =	sst s9;
	s0 =	simm.s32 @!p0 $0x0  }
0x12: {  	s1 =	sld [smem:$0x3F6D];
	s0 =	simm.s32 @p0 $0x1  }
0x13: {  	[smem:$0x3F88] =	sst s0;
	s0 =	simm.s32 @!p1 $0x0  }
0x14: {  	s2 =	sld [smem:$0x3F6C];
	s0 =	simm.s32 @p1 $0x1  }
0x15: {  	[smem:$0x3F89] =	sst s0;
	s0 =	simm.s32 @!p2 $0x0  }
0x16: {  	s3 =	sld [smem:$0x3FDB];
	s0 =	simm.s32 @p2 $0x1  }
0x17: {  	s4 =	simm.s32 $0x1BF5;
	[smem:$0x3F8B] =	sst s0  }
0x18: {  	s0 =	sld [smem:$0x3F6E];
	_ =	swait.ge [sflag:s4], $0x0  }
0x19: {  	s7 =	sld [smem:$0x3F6F]  }
0x1a: {  	s8 =	sadd.s32 $0xFFFFE003, lr  }
0x1b: {  	s9 =	sadd.s32 $0xFFFFFEF7, lr;
	s5 =	simm.s32 $0xFFFFFFFF;
	p2 =	slt.u32 s8, $0xFFFFF086  }
0x1c: {  	p1 =	slt.u32 s9, $0xF7A;
	s5 =	simm.s32 @!p2 $0x0  }
0x1d: {  	s5 =	simm.s32 @p1 $0x1;
	p0 =	seq.s32 s7, s2  }
0x1e: {  	s7 =	smul.u32 @!p0 $0xF7A, s2;
	p2 =	seq.s32 @!p0 s5, $0x0  }
0x1f: {  	s9 =	smul.u32 $0xF7A, s1;
	s8 =	simm.s32 @!p0 $0x1BF5;
	p2 =	por !p2, p0  }
0x20: {  	[sflag:s8] =	ssyncset.s32 @!p0 $0xFFFFF086;
	s6 =	sadd.s32 @!p0 s3, s7;
	s7 =	simm.s32 @!p0 $0x108  }
0x21: {  	s3 =	sadd.s32 s3, s9;
	s6 =	sadd.s32 @!p0 $0x88, s6;
	s7 =	simm.s32 @p2 $0x1082  }
0x22: {  	[simem:s7], [sflag:s8] =	dma.local @!p0 [hbm:s6], $0xF7A  }
0x23: {  	s9 =	sor.u32 $0xD0000000, s2;
	s6 =	simm.s32 $0x108;
	_ =	swait.ge @!p0 [sflag:s8], $0x0  }
0x24: {  	s3 =	sadd.s32 $0x88, s3;
	s6 =	simm.s32 @!p1 $0x1082;
	[sflag:s4] =	ssyncset.s32 $0xFFFFF086  }
0x25: {  	[simem:s6], [sflag:s4] =	dma.local [hbm:s3], $0xF7A  }
0x26: {  	[smem:$0x3F6F] =	sst s1;
	(tag) =	ssettag s2;
	_ =	strace s9  }
0x27: {  	s1 =	sld [smem:$0x3F7F]  }
0x28: {  	s2 =	sld [smem:$0x3F80]  }
0x29: {  	s4 =	sld [smem:$0x3F82]  }
0x2a: {  	p0 =	seq.s32 s5, $0x0;
	s5 =	sld [smem:$0x3F83]  }
0x2b: {  	s6 =	sld [smem:$0x3F84]  }
0x2c: {  	s7 =	sld [smem:$0x3F85]  }
0x2d: {  	s3 =	simm.s32 $0x108;
	s8 =	sld [smem:$0x3F86]  }
0x2e: {  	s3 =	simm.s32 @!p0 $0x1082;
	s9 =	sld [smem:$0x3F87]  }
0x2f: {  	lr =	sadd.s32 s0, s3;
	s0 =	sld [smem:$0x3F7E]  }
0x30: {  	s3 =	sld [smem:$0x3F81]  }
0x31: {  	[smem:$0x3F8A] =	sst s10  }
0x32: {  	s10 =	sld [smem:$0x3F88];
	_ =	sdelay $0x3  }
0x33: {  	p0 =	seq.s32 s10, $0x1;
	s10 =	sld [smem:$0x3F8A];
	_ =	sdelay $0x3  }
0x34: {  	[smem:$0x3F8A] =	sst s10  }
0x35: {  	s10 =	sld [smem:$0x3F89];
	_ =	sdelay $0x3  }
0x36: {  	p1 =	seq.s32 s10, $0x1;
	s10 =	sld [smem:$0x3F8A];
	_ =	sdelay $0x3  }
0x37: {  	[smem:$0x3F8A] =	sst s10  }
0x38: {  	s10 =	sld [smem:$0x3F8B]  }
0x39: {  	_ = 	snop;
	(pc) =	sbr.ind lr, $3  }
0x3a: {  	_ = 	snop  }
0x3b: {  	_ = 	snop  }
0x3c: {  	p2 =	seq.s32 s10, $0x1;
	s10 =	sld [smem:$0x3F8A]  }
0x3d: {  	_ =	shalt  }
0x3e: {  	_ =	shalt  }
0x3f: {  	_ =	shalt  }
0x40: {  	_ =	shalt  }
0x41: {  	_ =	shalt  }
0x42: {  	_ =	shalt  }
0x43: {  	_ =	shalt  }
0x44: {  	_ =	shalt  }
0x45: {  	_ =	shalt  }
0x46: {  	_ =	shalt  }
0x47: {  	_ =	shalt  }
0x48: {  	_ =	shalt  }
0x49: {  	_ =	shalt  }
0x4a: {  	_ =	shalt  }
0x4b: {  	_ =	shalt  }
0x4c: {  	_ =	shalt  }
0x4d: {  	_ =	shalt  }
0x4e: {  	_ =	shalt  }
0x4f: {  	_ =	shalt  }
0x50: {  	_ =	shalt  }
0x51: {  	_ =	shalt  }
0x52: {  	_ =	shalt  }
0x53: {  	_ =	shalt  }
0x54: {  	_ =	shalt  }
0x55: {  	_ =	shalt  }
0x56: {  	_ =	shalt  }
0x57: {  	_ =	shalt  }
0x58: {  	_ =	shalt  }
0x59: {  	_ =	shalt  }
0x5a: {  	_ =	shalt  }
0x5b: {  	_ =	shalt  }
0x5c: {  	_ =	shalt  }
0x5d: {  	_ =	shalt  }
0x5e: {  	_ =	shalt  }
0x5f: {  	_ =	shalt  }
0x60: {  	_ =	shalt  }
0x61: {  	_ =	shalt  }
0x62: {  	_ =	shalt  }
0x63: {  	_ =	shalt  }
0x64: {  	_ =	shalt  }
0x65: {  	_ =	shalt  }
0x66: {  	_ =	shalt  }
0x67: {  	_ =	shalt  }
0x68: {  	_ =	shalt  }
0x69: {  	_ =	shalt  }
0x6a: {  	_ =	shalt  }
0x6b: {  	_ =	shalt  }
0x6c: {  	_ =	shalt  }
0x6d: {  	_ =	shalt  }
0x6e: {  	_ =	shalt  }
0x6f: {  	_ =	shalt  }
0x70: {  	_ =	shalt  }
0x71: {  	_ =	shalt  }
0x72: {  	_ =	shalt  }
0x73: {  	_ =	shalt  }
0x74: {  	_ =	shalt  }
0x75: {  	_ =	shalt  }
0x76: {  	_ =	shalt  }
0x77: {  	_ =	shalt  }
0x78: {  	_ =	shalt  }
0x79: {  	_ =	shalt  }
0x7a: {  	_ =	shalt  }
0x7b: {  	_ =	shalt  }
0x7c: {  	_ =	shalt  }
0x7d: {  	_ =	shalt  }
0x7e: {  	_ =	shalt  }
0x7f: {  	_ =	shalt  }
0x80: {  	_ =	shalt  }
0x81: {  	_ =	shalt  }
0x82: {  	_ =	shalt  }
0x83: {  	_ =	shalt  }
0x84: {  	_ =	shalt  }
0x85: {  	_ =	shalt  }
0x86: {  	_ =	shalt  }
0x87: {  	_ =	shalt  }
.Lfunc_end0:
.L_simem_size_0:
called_computation.1_lowered:
.L_overlay_start_0:
0x88: {  	s2 =	sld [smem:$0x3FD9]  }
0x89: {  	s3 =	sld [smem:$0x3FFE];
	_ =	sdelay $0x1  }
0x8a: {  	s1 =	srdreg.scid  }
0x8b: {  	s0 =	sand.u32 $0x1, s1  }
0x8c: {  	s16 =	sshll.u32 s0, $0xA;
	s2 =	sadd.s32 s3, s2  }
0x8d: {  	s2 =	sadd.s32 s2, s16  }
0x8e: {  	[smem:$0x3F96] =	sst s2  }
0x8f: {  	_ = 	snop  }
0x90: {  	(tm) =	ssettm $0x1  }
0x91: {  	s17 =	sld [smem:$0x3FFB];
	_ =	sdelay $0x3  }
0x92: {  	_ =	strace s17  }
0x93: {  	s2 =	sld [smem:$0x3FFC];
	_ =	sdelay $0x3  }
0x94: {  	_ =	strace s2  }
0x95: {  	s2 =	sld [smem:$0x3FFD];
	_ =	sdelay $0x3  }
0x96: {  	_ =	strace s2  }
0x97: {  	_ =	strace $0x8FFFFFFF  }
0x98: {  	s18 =	sld [smem:$0x3FDB];
	_ =	sdelay $0x1  }
0x99: {  	s19 =	simm.s32 $_scs_section_size  }
0x9a: {  	s4 =	simm.s32 $_size__tile_overlayer_lowered;
	s5 =	simm.s32 $_tile_overlayer_lowered  }
0x9b: {  	s22 =	simm.s32 $0x1BFF;
	s21 =	sshll.u32 s5, $0x1;
	s2 =	sadd.s32 s19, s18  }
0x9c: {  	s6 =	simm.s32 $0x0;
	s20 =	sshll.u32 s4, $0x1;
	s4 =	sadd.s32 s21, s2  }
0x9d: {  	[timem:s6], [sflag:s22] =	dma.local [hbm:s4], s20  }
0x9e: {  	_ =	swait.ge [sflag:s22], s20  }
0x9f: {  	s3 =	ssub.s32 $0x0, s20;
	[sflag:s22] =	ssyncset.done $0x0  }
0xa0: {  	[sflag:s22] =	ssyncadd.s32 s3;
	_ =	sdelay $0x1  }
0xa1: {  	s23 =	simm.s32 $0x1B8B  }
0xa2: {  	_ =	swait.ge [sflag:s23], $0x1  }
0xa3: {  	[sflag:s23] =	ssyncset.done $0x0  }
0xa4: {  	s25 =	simm.s32 $0x1B8E;
	s24 =	sld [smem:$0x3FFE];
	[sflag:s23] =	ssyncadd.s32 $0xFFFFFFFF  }
0xa5: {  	s26 =	simm.s32 $execute0_lowered;
	[smem:$0x3FD2] =	sst s25  }
0xa6: {  	s4 =	sshll.u32 s26, $0x1;
	_ =	strace $0x80000046;
	[dreg:$0x1] =	wrdreg $0xFFFFFFFF  }
0xa7: {  	s28 =	simm.s32 $_size_execute0_lowered;
	s2 =	sadd.s32 s2, s4;
	[dreg:$0x0] =	wrdreg $0x0  }
0xa8: {  	s4 =	sshll.u32 s28, $0x1;
	[dreg:$0x2] =	wrdreg s2  }
0xa9: {  	[dreg:$0x3] =	wrdreg s4  }
0xaa: {  	[dreg:$0x4] =	wrdreg $0xC0  }
0xab: {  	_ =	task [dreg:s6], $0x5FFFF  }
0xac: {  	[dreg:$0x1] =	wrdreg $0xFFFFFFFF  }
0xad: {  	[dreg:$0x0] =	wrdreg $0x60  }
0xae: {  	[dreg:$0x2] =	wrdreg s24  }
0xaf: {  	[dreg:$0x3] =	wrdreg $0xA  }
0xb0: {  	_ =	task.clear_ibuf [dreg:s6], $0x4FFFF;
	_ =	strace $0x90000046  }
0xb1: {  	s29 =	simm.s32 $0xA;
	_ =	strace $0x80000048  }
0xb2: {  	_ =	swait.ge [sflag:s29], $0x1  }
0xb3: {  	[sflag:s29] =	ssyncadd.s32 $0xFFFFFFFF  }
0xb4: {  	_ =	strace $0x90000048  }
0xb5: {  	_ =	sfence  }
0xb6: {  	s30 =	sld [smem:$0x0];
	_ =	sdelay $0x2  }
0xb7: {  	s31 =	sshll.u32 s1, $0xD;
	s1 =	sshrl.u32 s1, $0x2  }
0xb8: {  	s3 =	sand.u32 $0x4000, s31;
	s1 =	sadd.s32 s1, s30  }
0xb9: {  	s0 =	sor.u32 s3, s0;
	s1 =	sshll.u32 s1, $0x11  }
0xba: {  	s0 =	sor.u32 s1, s0  }
0xbb: {  	s0 =	sadd.s32 $0x8F2B, s0  }
0xbc: {  	[sflag:s0] =	ssyncadd.remote.s32 $0x1  }
0xbd: {  	_ =	sfence.sel $0xFFFF  }
0xbe: {  	[dreg:$0x0] =	wrdreg $0xFFFFFFFF;
	(pc) =	sbr.abs _section_cstart, $3  }
0xbf: {  	[dreg:$0x1] =	wrdreg $0xFFFFFFFF  }
0xc0: {  	_ =	task.clear_ibuf [dreg:s6], $0x2FFFF;
	_ =	strace $0x9FFFFFFF  }
0xc1: {  	(tm) =	ssettm $0x7FFFFFFF  }
tec
execute0_lowered:
.L_overlay_start_1:
0x0: {  	(tag) =	ssettag $0x1  }
0x1: {  	s0 =	srdreg.scid;
	s5 =	rddreg [dreg:$0x0]  }
0x2: {  	s1 =	stileid.u32;
	s6 =	simm.s32 $0x1;
	s9 =	simm.s32 $0x1  }
0x3: {  	s10 =	simm.s32 $0x3;
	s13 =	simm.s32 $0x0;
	s2 =	sshll.u32 s0, $0xE  }
0x4: {  	s12 =	simm.s32 $0x0;
	s3 =	sshll.u32 s1, $0xF;
	s2 =	sand.u32 $0x4000, s2  }
0x5: {  	s0 =	rddreg [dreg:$0x1];
	_ =	strace $0x80000047;
	s2 =	sor.u32 s3, s2  }
0x6: {  	s4 =	sadd.s32 $0x17800, s5;
	[sflag:s6] =	ssyncpa.u1 $0x0;
	s8 =	ssub.s32 $0xA0000, s2  }
.Ltmp0:
0x7: {  	s3 =	sadd.s32 $0x3800, s5;
	s7 =	sand.u32 $0x7C000, s8;
	(pc) =	sbr.rel .LBB2_1-.Ltmp0, $4  }
0x8: {  	s5 =	sadd.s32 $0x67A00, s5;
	s11 =	smov.u32 s2;
	p0 =	sne.s32 s7, $0x0  }
0x9: {  	s8 =	sshrl.u32 s8, $0x13;
	s7 =	simm.s32 $0x2;
	s9 =	simm.s32 @!p0 $0x0  }
0xa: {  	[sflag:s7] =	ssyncpa.u1 $0x0;
	p0 =	por $0x0, $0x0;
	s8 =	sadd.s32 s9, s8  }
0xb: {  	vm0 =	vmmov $0xffff;
	[sflag:s10] =	ssyncpa.u1 $0x0;
	s10 =	simm.s32 $0x0;
	s9 =	sadd.s32 $0x1, s8  }
.LBB2_4:
0xc: {  	v2 =	vnsel vm1, $0x0, v2  }
0xd: {  	vm1 =	vgt.s32 v0, $0x0;
	v2 =	vmin.u32 v2, $0x9FFFF  }
0xe: {  	v0 =	vnsel vm1, $0x0, v0  }
0xf: {  	v0 =	vmin.u32 v0, $0x9FFFF  }
0x10: {  	[tilespmem:s15], [sflag:$0x1] =	stream.indirect_vreg.gather [hbm4b:s3+s10], $0x1, v1, vm0, $0x4038;
	[tilespmem:$0x10000] =	vst v63  }
0x11: {  	(ifvalue) =	ssetifvalue $0x7FFFFFFF  }
0x12: {  	[tilespmem:s16], [sflag:$0x1] =	stream.indirect_vreg.gather [hbm4b:s3+s10], $0x1, v2, vm0, $0x4038;
	[tilespmem:$0x10000] =	vst v63  }
0x13: {  	s29 =	sadd.s32 $0x10, s16;
	(ifvalue) =	ssetifvalue $0x7FFFFFFF  }
0x14: {  	[tilespmem:s29], [sflag:$0x1] =	stream.indirect_vreg.gather [hbm4b:s3+s10], $0x1, v0, vm0, $0x4038;
	[tilespmem:$0x10000] =	vst v63  }
0x15: {  	_ =	swait.ge [sflag:s6], $0x4000  }
0x16: {  	s30 =	sshrl.u32 s13, $0x3;
	[sflag:s6] =	ssyncset.done $0x0  }
0x17: {  	s31 =	sand.u32 $0x7, s13;
	s15 =	sadd.s32 s5, s30;
	[sflag:s6] =	ssyncadd.s32 $0xFFFFC000  }
0x18: {  	[hbm4b:s15+s31] =	stream.linear.scatter [tilespmem:s14], [sflag:$0x3], $0x4000, $0x38;
	[tilespmem:$0x10000] =	vst v63  }
.LBB2_5:
0x19: {  	s15 =	sadd.s32 $0x80000, s11  }
0x1a: {  	p2 =	sgt.s32 s15, $0x9FFFF  }
0x1b: {  	s15 =	smov.u32 @p2 s2;
	p2 =	sne.s32 s12, s9  }
.Ltmp1:
0x1c: {  	p1 =	slt.u32 s12, $0x2;
	(pc) =	sbr.rel @!p2 .LBB2_6-.Ltmp1, $4  }
0x1d: {  	s14 =	simm.s32 @!p1 $0x3  }
0x1e: {  	s16 =	sadd.s32 $0x1, s12;
	_ =	swait.ge @!p1 [sflag:s14], $0x4000  }
0x1f: {  	s13 =	smov.u32 s11;
	p0 =	por !p0, !p0;
	[sflag:s14] =	ssyncset.done @!p1 $0x0  }
0x20: {  	s12 =	smov.u32 s16;
	s11 =	smov.u32 s15;
	[sflag:s14] =	ssyncadd.s32 @!p1 $0xFFFFC000  }
.LBB2_1:
0x21: {  	p1 =	sge.u32 s12, s8  }
0x22: {  	s14 =	sxor.u32 @!p1 $0xFFFFFFFF, s12  }
0x23: {  	s31 =	sadd.s32 $0xFFFFFFFF, s12;
	s15 =	sshrl.u32 @!p1 s11, $0x3;
	s14 =	sshll.u32 @!p1 s14, $0xE  }
0x24: {  	s16 =	sand.u32 @!p1 $0x7, s11;
	s15 =	sadd.s32 @!p1 s4, s15;
	s14 =	sand.u32 @!p1 $0x4000, s14  }
0x25: {  	[tilespmem:s14], [sflag:$0x2] =	stream.linear.gather @!p1 [hbm4b:s15+s16], $0x4000, $0x38;
	[tilespmem:$0x10000] =	vst v63  }
0x26: {  	p1 =	sge.u32 s31, s8  }
.Ltmp2:
0x27: {  	_ = 	snop;
	(pc) =	sbr.rel @p1 .LBB2_5-.Ltmp2, $1  }
0x28: {  	_ =	sdelay $0x3  }
0x29: {  	s14 =	simm.s32 $0x1  }
0x2a: {  	_ =	swait.ge [sflag:s7], $0x4000;
	s14 =	simm.s32 @!p0 $0x0  }
0x2b: {  	[sflag:s7] =	ssyncset.done $0x0;
	s14 =	sshll.u32 s14, $0xE  }
0x2c: {  	[sflag:s7] =	ssyncadd.s32 $0xFFFFC000;
	(ifvalue) =	ssetifvalue $0x7FFFFFFF;
	v0 =	vld.msk [tilespmem:s14+$0x0 ss:$0x1], $0xffff;
	_ =	sdelay $0x4  }
0x2d: {  	s15 =	sadd.s32 $0x10, s14;
	vm1 =	vgt.s32 v0, $0x0  }
0x2e: {  	v2 =	vld.msk [tilespmem:s15+$0x0 ss:$0x1], $0xffff;
	v1 =	vnsel vm1, $0x0, v0  }
0x2f: {  	v1 =	vmin.u32 v1, $0x9FFFF;
	_ =	sdelay $0x1  }
0x30: {  	s16 =	sshll.u32 s12, $0xE;
	s18 =	simm.s32 $0x20  }
0x31: {  	s16 =	sand.u32 $0x4000, s16;
	s17 =	sadd.s32 $0x10, s15;
	s15 =	sor.u32 $0x8000, s14  }
0x32: {  	s14 =	sor.u32 $0x8000, s16;
	s16 =	sadd.s32 $0x10, s15;
	v0 =	vld.msk [tilespmem:s17+$0x0 ss:$0x1], $0xffff;
	vm1 =	vgt.s32 v2, $0x0;
	(ifvalue) =	ssetifvalue $0x7FFFFFFF  }
.LBB2_3:
0x33: {  	[tilespmem:s15], [sflag:$0x1] =	stream.indirect_vreg.gather [hbm4b:s3+s10], $0x1, v1, vm0, $0x4038;
	[tilespmem:$0x10000] =	vst v63  }
0x34: {  	s18 =	sadd.s32 $0x10, s18  }
0x35: {  	v2 =	vnsel vm1, $0x0, v2;
	p1 =	slt.u32 s18, $0x3FF0  }
.Ltmp3:
0x36: {  	s15 =	smov.u32 s16;
	v1 =	vmin.u32 v2, $0x9FFFF;
	(pc) =	sbr.rel @p1 .LBB2_3-.Ltmp3, $3  }
0x37: {  	_ =	sdelay $0x1  }
0x38: {  	s17 =	sadd.s32 $0x10, s17  }
0x39: {  	vm1 =	vgt.s32 v0, $0x0;
	s16 =	sadd.s32 $0x10, s16;
	v2 =	vmov v0;
	(ifvalue) =	ssetifvalue $0x7FFFFFFF;
	v0 =	vld.msk [tilespmem:s17+$0x0 ss:$0x1], $0xffff  }
.Ltmp4:
0x3a: {  	_ = 	snop;
	(pc) =	sbr.rel .LBB2_4-.Ltmp4, $1  }
0x3b: {  	_ =	sdelay $0x3  }
.LBB2_6:
0x3c: {  	_ =	sfence.sel $0x180000  }
0x3d: {  	s2 =	simm.s32 $0x2;
	[bflag:$0x0] =	sbarrier.arrive $0xFFFF  }
0x3e: {  	s30 =	simm.s32 $0x3;
	[sflag:s2] =	ssyncpa.u1 $0x1  }
0x3f: {  	s31 =	simm.s32 $0x1;
	[sflag:s30] =	ssyncpa.u1 $0x1  }
0x40: {  	[sflag:s31] =	ssyncpa.u1 $0x1  }
0x41: {  	p0 =	sne.s32 s1, $0x0;
	_ =	strace $0x90000047  }
0x42: {  	s0 =	sadd.s32 @!p0 $0x100000, s0;
	[bflag:$0x2] =	sbarrier.arrive $0xFFFF  }
0x43: {  	[sflag:s0] =	ssyncadd.tile.s32 @!p0 $0x1;
	_ =	shalt  }
.Lfunc_end2:
_tile_overlayer_lowered:
.L_overlay_start_2:
0x44: {  	(tag) =	ssettag $0x2  }
0x45: {  	s0 =	rddreg [dreg:$0x0];
	s2 =	stileid.u32  }
0x46: {  	s1 =	rddreg [dreg:$0x1];
	p0 =	sne.s32 s2, $0x0  }
0x47: {  	s3 =	rddreg [dreg:$0x2];
	[bflag:$0x3] =	sbarrier.arrive $0xFFFF;
	s2 =	simm.s32 @!p0 $0x1C01  }
0x48: {  	[timem:s3], [sflag:s2] =	dma.local @!p0 [hbm:s0], s1  }
0x49: {  	s0 =	simm.s32 @!p0 $0x1  }
0x4a: {  	_ =	swait.ge @!p0 [sflag:s0], s1  }
0x4b: {  	s1 =	ssub.s32 @!p0 $0x0, s1;
	[sflag:s0] =	ssyncset.done @!p0 $0x0  }
0x4c: {  	[sflag:s0] =	ssyncadd.s32 @!p0 s1  }
0x4d: {  	[bflag:$0x3] =	sbarrier.arrive $0xFFFF  }
0x4e: {  	_ =	shalt  }

// kernel: gather_offload_async_start.2
scs
__scs_entry_jumppad:
0x0: {  	(pc) =	sbr.rel $0x88, $3  }
0x1: {  	(tag) =	ssettag $0x0;
	lr =	simm.s32 $0x1  }
0x2: {  	[smem:$0x3F6F] =	sst lr;
	_ =	strace $0xD0000000  }
0x3: {  	_ = 	snop  }
0x4: {  	_ = 	snop  }
0x5: {  	_ = 	snop  }
0x6: {  	_ = 	snop  }
0x7: {  	_ = 	snop  }
__scs_overlays_trampoline_lowered:
0x8: {  	[smem:$0x3F7E] =	sst s0  }
0x9: {  	[smem:$0x3F7F] =	sst s1  }
0xa: {  	[smem:$0x3F80] =	sst s2  }
0xb: {  	[smem:$0x3F81] =	sst s3  }
0xc: {  	[smem:$0x3F82] =	sst s4  }
0xd: {  	[smem:$0x3F83] =	sst s5  }
0xe: {  	[smem:$0x3F84] =	sst s6  }
0xf: {  	[smem:$0x3F85] =	sst s7  }
0x10: {  	[smem:$0x3F86] =	sst s8  }
0x11: {  	[smem:$0x3F87] =	sst s9;
	s0 =	simm.s32 @!p0 $0x0  }
0x12: {  	s1 =	sld [smem:$0x3F6D];
	s0 =	simm.s32 @p0 $0x1  }
0x13: {  	[smem:$0x3F88] =	sst s0;
	s0 =	simm.s32 @!p1 $0x0  }
0x14: {  	s2 =	sld [smem:$0x3F6C];
	s0 =	simm.s32 @p1 $0x1  }
0x15: {  	[smem:$0x3F89] =	sst s0;
	s0 =	simm.s32 @!p2 $0x0  }
0x16: {  	s3 =	sld [smem:$0x3FDB];
	s0 =	simm.s32 @p2 $0x1  }
0x17: {  	s4 =	simm.s32 $0x1BF5;
	[smem:$0x3F8B] =	sst s0  }
0x18: {  	s0 =	sld [smem:$0x3F6E];
	_ =	swait.ge [sflag:s4], $0x0  }
0x19: {  	s7 =	sld [smem:$0x3F6F]  }
0x1a: {  	s8 =	sadd.s32 $0xFFFFE003, lr  }
0x1b: {  	s9 =	sadd.s32 $0xFFFFFEF7, lr;
	s5 =	simm.s32 $0xFFFFFFFF;
	p2 =	slt.u32 s8, $0xFFFFF086  }
0x1c: {  	p1 =	slt.u32 s9, $0xF7A;
	s5 =	simm.s32 @!p2 $0x0  }
0x1d: {  	s5 =	simm.s32 @p1 $0x1;
	p0 =	seq.s32 s7, s2  }
0x1e: {  	s7 =	smul.u32 @!p0 $0xF7A, s2;
	p2 =	seq.s32 @!p0 s5, $0x0  }
0x1f: {  	s9 =	smul.u32 $0xF7A, s1;
	s8 =	simm.s32 @!p0 $0x1BF5;
	p2 =	por !p2, p0  }
0x20: {  	[sflag:s8] =	ssyncset.s32 @!p0 $0xFFFFF086;
	s6 =	sadd.s32 @!p0 s3, s7;
	s7 =	simm.s32 @!p0 $0x108  }
0x21: {  	s3 =	sadd.s32 s3, s9;
	s6 =	sadd.s32 @!p0 $0x88, s6;
	s7 =	simm.s32 @p2 $0x1082  }
0x22: {  	[simem:s7], [sflag:s8] =	dma.local @!p0 [hbm:s6], $0xF7A  }
0x23: {  	s9 =	sor.u32 $0xD0000000, s2;
	s6 =	simm.s32 $0x108;
	_ =	swait.ge @!p0 [sflag:s8], $0x0  }
0x24: {  	s3 =	sadd.s32 $0x88, s3;
	s6 =	simm.s32 @!p1 $0x1082;
	[sflag:s4] =	ssyncset.s32 $0xFFFFF086  }
0x25: {  	[simem:s6], [sflag:s4] =	dma.local [hbm:s3], $0xF7A  }
0x26: {  	[smem:$0x3F6F] =	sst s1;
	(tag) =	ssettag s2;
	_ =	strace s9  }
0x27: {  	s1 =	sld [smem:$0x3F7F]  }
0x28: {  	s2 =	sld [smem:$0x3F80]  }
0x29: {  	s4 =	sld [smem:$0x3F82]  }
0x2a: {  	p0 =	seq.s32 s5, $0x0;
	s5 =	sld [smem:$0x3F83]  }
0x2b: {  	s6 =	sld [smem:$0x3F84]  }
0x2c: {  	s7 =	sld [smem:$0x3F85]  }
0x2d: {  	s3 =	simm.s32 $0x108;
	s8 =	sld [smem:$0x3F86]  }
0x2e: {  	s3 =	simm.s32 @!p0 $0x1082;
	s9 =	sld [smem:$0x3F87]  }
0x2f: {  	lr =	sadd.s32 s0, s3;
	s0 =	sld [smem:$0x3F7E]  }
0x30: {  	s3 =	sld [smem:$0x3F81]  }
0x31: {  	[smem:$0x3F8A] =	sst s10  }
0x32: {  	s10 =	sld [smem:$0x3F88];
	_ =	sdelay $0x3  }
0x33: {  	p0 =	seq.s32 s10, $0x1;
	s10 =	sld [smem:$0x3F8A];
	_ =	sdelay $0x3  }
0x34: {  	[smem:$0x3F8A] =	sst s10  }
0x35: {  	s10 =	sld [smem:$0x3F89];
	_ =	sdelay $0x3  }
0x36: {  	p1 =	seq.s32 s10, $0x1;
	s10 =	sld [smem:$0x3F8A];
	_ =	sdelay $0x3  }
0x37: {  	[smem:$0x3F8A] =	sst s10  }
0x38: {  	s10 =	sld [smem:$0x3F8B]  }
0x39: {  	_ = 	snop;
	(pc) =	sbr.ind lr, $3  }
0x3a: {  	_ = 	snop  }
0x3b: {  	_ = 	snop  }
0x3c: {  	p2 =	seq.s32 s10, $0x1;
	s10 =	sld [smem:$0x3F8A]  }
0x3d: {  	_ =	shalt  }
0x3e: {  	_ =	shalt  }
0x3f: {  	_ =	shalt  }
0x40: {  	_ =	shalt  }
0x41: {  	_ =	shalt  }
0x42: {  	_ =	shalt  }
0x43: {  	_ =	shalt  }
0x44: {  	_ =	shalt  }
0x45: {  	_ =	shalt  }
0x46: {  	_ =	shalt  }
0x47: {  	_ =	shalt  }
0x48: {  	_ =	shalt  }
0x49: {  	_ =	shalt  }
0x4a: {  	_ =	shalt  }
0x4b: {  	_ =	shalt  }
0x4c: {  	_ =	shalt  }
0x4d: {  	_ =	shalt  }
0x4e: {  	_ =	shalt  }
0x4f: {  	_ =	shalt  }
0x50: {  	_ =	shalt  }
0x51: {  	_ =	shalt  }
0x52: {  	_ =	shalt  }
0x53: {  	_ =	shalt  }
0x54: {  	_ =	shalt  }
0x55: {  	_ =	shalt  }
0x56: {  	_ =	shalt  }
0x57: {  	_ =	shalt  }
0x58: {  	_ =	shalt  }
0x59: {  	_ =	shalt  }
0x5a: {  	_ =	shalt  }
0x5b: {  	_ =	shalt  }
0x5c: {  	_ =	shalt  }
0x5d: {  	_ =	shalt  }
0x5e: {  	_ =	shalt  }
0x5f: {  	_ =	shalt  }
0x60: {  	_ =	shalt  }
0x61: {  	_ =	shalt  }
0x62: {  	_ =	shalt  }
0x63: {  	_ =	shalt  }
0x64: {  	_ =	shalt  }
0x65: {  	_ =	shalt  }
0x66: {  	_ =	shalt  }
0x67: {  	_ =	shalt  }
0x68: {  	_ =	shalt  }
0x69: {  	_ =	shalt  }
0x6a: {  	_ =	shalt  }
0x6b: {  	_ =	shalt  }
0x6c: {  	_ =	shalt  }
0x6d: {  	_ =	shalt  }
0x6e: {  	_ =	shalt  }
0x6f: {  	_ =	shalt  }
0x70: {  	_ =	shalt  }
0x71: {  	_ =	shalt  }
0x72: {  	_ =	shalt  }
0x73: {  	_ =	shalt  }
0x74: {  	_ =	shalt  }
0x75: {  	_ =	shalt  }
0x76: {  	_ =	shalt  }
0x77: {  	_ =	shalt  }
0x78: {  	_ =	shalt  }
0x79: {  	_ =	shalt  }
0x7a: {  	_ =	shalt  }
0x7b: {  	_ =	shalt  }
0x7c: {  	_ =	shalt  }
0x7d: {  	_ =	shalt  }
0x7e: {  	_ =	shalt  }
0x7f: {  	_ =	shalt  }
0x80: {  	_ =	shalt  }
0x81: {  	_ =	shalt  }
0x82: {  	_ =	shalt  }
0x83: {  	_ =	shalt  }
0x84: {  	_ =	shalt  }
0x85: {  	_ =	shalt  }
0x86: {  	_ =	shalt  }
0x87: {  	_ =	shalt  }
.Lfunc_end0:
.L_simem_size_0:
called_computation.2_lowered:
.L_overlay_start_0:
0x88: {  	s2 =	sld [smem:$0x3FD9]  }
0x89: {  	s3 =	sld [smem:$0x3FFE];
	_ =	sdelay $0x1  }
0x8a: {  	s1 =	srdreg.scid  }
0x8b: {  	s0 =	sand.u32 $0x1, s1  }
0x8c: {  	s17 =	sshll.u32 s0, $0xA;
	s2 =	sadd.s32 s3, s2  }
0x8d: {  	s2 =	sadd.s32 s2, s17  }
0x8e: {  	[smem:$0x3F96] =	sst s2  }
0x8f: {  	_ = 	snop  }
0x90: {  	(tm) =	ssettm $0x1  }
0x91: {  	s18 =	sld [smem:$0x3FFB];
	_ =	sdelay $0x3  }
0x92: {  	_ =	strace s18  }
0x93: {  	s2 =	sld [smem:$0x3FFC];
	_ =	sdelay $0x3  }
0x94: {  	_ =	strace s2  }
0x95: {  	s2 =	sld [smem:$0x3FFD];
	_ =	sdelay $0x3  }
0x96: {  	_ =	strace s2  }
0x97: {  	_ =	strace $0x8FFFFFFF  }
0x98: {  	s19 =	sld [smem:$0x3FDB];
	_ =	sdelay $0x1  }
0x99: {  	s20 =	simm.s32 $_scs_section_size  }
0x9a: {  	s4 =	simm.s32 $_size__tile_overlayer_lowered;
	s5 =	simm.s32 $_tile_overlayer_lowered  }
0x9b: {  	s6 =	simm.s32 $0x1BFF;
	s21 =	sshll.u32 s5, $0x1;
	s3 =	sadd.s32 s20, s19  }
0x9c: {  	s22 =	simm.s32 $0x0;
	s4 =	sshll.u32 s4, $0x1;
	s5 =	sadd.s32 s21, s3  }
0x9d: {  	[timem:s22], [sflag:s6] =	dma.local [hbm:s5], s4  }
0x9e: {  	_ =	swait.ge [sflag:s6], s4  }
0x9f: {  	s4 =	ssub.s32 $0x0, s4;
	[sflag:s6] =	ssyncset.done $0x0  }
0xa0: {  	[sflag:s6] =	ssyncadd.s32 s4;
	_ =	sdelay $0x1  }
0xa1: {  	s23 =	simm.s32 $0x1B8B  }
0xa2: {  	_ =	swait.ge [sflag:s23], $0x1  }
0xa3: {  	[sflag:s23] =	ssyncset.done $0x0  }
0xa4: {  	[sflag:s23] =	ssyncadd.s32 $0xFFFFFFFF  }
0xa5: {  	s4 =	sld [smem:$0x0]  }
0xa6: {  	s5 =	sand.u32 $0xFFFFFFFE, s1  }
0xa7: {  	p0 =	sne.s32 s1, s5  }
0xa8: {  	s5 =	sshll.u32 @p0 s5, $0xE  }
0xa9: {  	s5 =	sadd.s32 @p0 $0x11B8D, s5;
	s6 =	sshll.u32 @p0 s4, $0x11  }
0xaa: {  	s5 =	sor.u32 @p0 s6, s5  }
0xab: {  	[sflag:s5] =	ssyncadd.remote.s32 @p0 $0x1;
	_ =	sdelay $0x1  }
0xac: {  	s5 =	simm.s32 @p0 $0x1B8D  }
0xad: {  	_ =	swait.eq @p0 [sflag:s5], $0x1  }
0xae: {  	[sflag:s5] =	ssyncadd.s32 @p0 $0xFFFFFFFF  }
0xaf: {  	s6 =	sshll.u32 @!p0 s1, $0xE  }
0xb0: {  	s6 =	sor.u32 @!p0 $0x4000, s6;
	s5 =	simm.s32 @!p0 $0x1B8D  }
0xb1: {  	s4 =	sshll.u32 @!p0 s4, $0x11;
	s6 =	sadd.s32 @!p0 $0x11B8D, s6;
	_ =	swait.eq @!p0 [sflag:s5], $0x1  }
0xb2: {  	s4 =	sor.u32 @!p0 s4, s6;
	[sflag:s5] =	ssyncadd.s32 @!p0 $0xFFFFFFFF  }
0xb3: {  	s25 =	simm.s32 $0x1B8E;
	s24 =	sld [smem:$0x3FFE];
	[sflag:s4] =	ssyncadd.remote.s32 @!p0 $0x1  }
0xb4: {  	s26 =	simm.s32 $execute0_lowered;
	[smem:$0x3FD2] =	sst s25  }
0xb5: {  	s5 =	sshll.u32 s26, $0x1;
	_ =	strace $0x8000004C;
	[dreg:$0x1] =	wrdreg $0xFFFFFFFF  }
0xb6: {  	s28 =	simm.s32 $_size_execute0_lowered;
	s3 =	sadd.s32 s3, s5;
	[dreg:$0x0] =	wrdreg $0x0  }
0xb7: {  	s5 =	sshll.u32 s28, $0x1;
	[dreg:$0x2] =	wrdreg s3  }
0xb8: {  	[dreg:$0x3] =	wrdreg s5  }
0xb9: {  	[dreg:$0x4] =	wrdreg $0xC0  }
0xba: {  	_ =	task [dreg:s22], $0x5FFFF  }
0xbb: {  	[dreg:$0x1] =	wrdreg $0xFFFFFFFF  }
0xbc: {  	[dreg:$0x0] =	wrdreg $0x60  }
0xbd: {  	[dreg:$0x2] =	wrdreg s24  }
0xbe: {  	[dreg:$0x3] =	wrdreg $0xB  }
0xbf: {  	_ =	task.clear_ibuf [dreg:s22], $0x4FFFF;
	_ =	strace $0x9000004C  }
0xc0: {  	s29 =	simm.s32 $0xB;
	_ =	strace $0x8000004E  }
0xc1: {  	_ =	swait.ge [sflag:s29], $0x1  }
0xc2: {  	[sflag:s29] =	ssyncadd.s32 $0xFFFFFFFF  }
0xc3: {  	_ =	strace $0x9000004E  }
0xc4: {  	_ =	sfence  }
0xc5: {  	s30 =	sld [smem:$0x0];
	_ =	sdelay $0x2  }
0xc6: {  	s31 =	sshll.u32 s1, $0xD;
	s1 =	sshrl.u32 s1, $0x2  }
0xc7: {  	s4 =	sand.u32 $0x4000, s31;
	s1 =	sadd.s32 s1, s30  }
0xc8: {  	s0 =	sor.u32 s4, s0;
	s1 =	sshll.u32 s1, $0x11  }
0xc9: {  	s0 =	sor.u32 s1, s0  }
0xca: {  	s0 =	sadd.s32 $0x8F2B, s0  }
0xcb: {  	[sflag:s0] =	ssyncadd.remote.s32 $0x1  }
0xcc: {  	_ =	sfence.sel $0xFFFF  }
0xcd: {  	[dreg:$0x0] =	wrdreg $0xFFFFFFFF;
	(pc) =	sbr.abs _section_cstart, $3  }
0xce: {  	[dreg:$0x1] =	wrdreg $0xFFFFFFFF  }
0xcf: {  	_ =	task.clear_ibuf [dreg:s22], $0x2FFFF;
	_ =	strace $0x9FFFFFFF  }
0xd0: {  	(tm) =	ssettm $0x7FFFFFFF  }
0xd1: {  	_ =	shalt  }
tec
execute0_lowered:
.L_overlay_start_1:
0x0: {  	(tag) =	ssettag $0x1  }
0x1: {  	s0 =	srdreg.scid;
	s5 =	rddreg [dreg:$0x0]  }
0x2: {  	s1 =	stileid.u32;
	s6 =	simm.s32 $0x1;
	s9 =	simm.s32 $0x1  }
0x3: {  	s10 =	simm.s32 $0x3;
	s13 =	simm.s32 $0x0;
	s2 =	sshll.u32 s0, $0xE  }
0x4: {  	s12 =	simm.s32 $0x0;
	s3 =	sshll.u32 s1, $0xF;
	s2 =	sand.u32 $0x4000, s2  }
0x5: {  	s0 =	rddreg [dreg:$0x1];
	_ =	strace $0x8000004D;
	s2 =	sor.u32 s3, s2  }
0x6: {  	s4 =	sadd.s32 $0x17800, s5;
	[sflag:s6] =	ssyncpa.u1 $0x0;
	s8 =	ssub.s32 $0xA0000, s2  }
.Ltmp0:
0x7: {  	s3 =	sadd.s32 $0x52A00, s5;
	s7 =	sand.u32 $0x7C000, s8;
	(pc) =	sbr.rel .LBB2_1-.Ltmp0, $4  }
0x8: {  	s5 =	sadd.s32 $0x17A200, s5;
	s11 =	smov.u32 s2;
	p0 =	sne.s32 s7, $0x0  }
0x9: {  	s8 =	sshrl.u32 s8, $0x13;
	s7 =	simm.s32 $0x2;
	s9 =	simm.s32 @!p0 $0x0  }
0xa: {  	[sflag:s7] =	ssyncpa.u1 $0x0;
	p0 =	por $0x0, $0x0;
	s8 =	sadd.s32 s9, s8  }
0xb: {  	vm0 =	vmmov $0xffff;
	[sflag:s10] =	ssyncpa.u1 $0x0;
	s10 =	simm.s32 $0x0;
	s9 =	sadd.s32 $0x1, s8  }
.LBB2_4:
0xc: {  	v2 =	vnsel vm1, $0x0, v2  }
0xd: {  	vm1 =	vgt.s32 v0, $0x0;
	v2 =	vmin.u32 v2, $0x9FFFF  }
0xe: {  	v0 =	vnsel vm1, $0x0, v0  }
0xf: {  	v0 =	vmin.u32 v0, $0x9FFFF  }
0x10: {  	[tilespmem:s15], [sflag:$0x1] =	stream.indirect_vreg.gather [hbm4b:s3+s10], $0x1, v1, vm0, $0x4038;
	[tilespmem:$0x10000] =	vst v63  }
0x11: {  	(ifvalue) =	ssetifvalue $0x7FFFFFFF  }
0x12: {  	[tilespmem:s16], [sflag:$0x1] =	stream.indirect_vreg.gather [hbm4b:s3+s10], $0x1, v2, vm0, $0x4038;
	[tilespmem:$0x10000] =	vst v63  }
0x13: {  	s29 =	sadd.s32 $0x10, s16;
	(ifvalue) =	ssetifvalue $0x7FFFFFFF  }
0x14: {  	[tilespmem:s29], [sflag:$0x1] =	stream.indirect_vreg.gather [hbm4b:s3+s10], $0x1, v0, vm0, $0x4038;
	[tilespmem:$0x10000] =	vst v63  }
0x15: {  	_ =	swait.ge [sflag:s6], $0x4000  }
0x16: {  	s30 =	sshrl.u32 s13, $0x3;
	[sflag:s6] =	ssyncset.done $0x0  }
0x17: {  	s31 =	sand.u32 $0x7, s13;
	s15 =	sadd.s32 s5, s30;
	[sflag:s6] =	ssyncadd.s32 $0xFFFFC000  }
0x18: {  	[hbm4b:s15+s31] =	stream.linear.scatter [tilespmem:s14], [sflag:$0x3], $0x4000, $0x38;
	[tilespmem:$0x10000] =	vst v63  }
.LBB2_5:
0x19: {  	s15 =	sadd.s32 $0x80000, s11  }
0x1a: {  	p2 =	sgt.s32 s15, $0x9FFFF  }
0x1b: {  	s15 =	smov.u32 @p2 s2;
	p2 =	sne.s32 s12, s9  }
.Ltmp1:
0x1c: {  	p1 =	slt.u32 s12, $0x2;
	(pc) =	sbr.rel @!p2 .LBB2_6-.Ltmp1, $4  }
0x1d: {  	s14 =	simm.s32 @!p1 $0x3  }
0x1e: {  	s16 =	sadd.s32 $0x1, s12;
	_ =	swait.ge @!p1 [sflag:s14], $0x4000  }
0x1f: {  	s13 =	smov.u32 s11;
	p0 =	por !p0, !p0;
	[sflag:s14] =	ssyncset.done @!p1 $0x0  }
0x20: {  	s12 =	smov.u32 s16;
	s11 =	smov.u32 s15;
	[sflag:s14] =	ssyncadd.s32 @!p1 $0xFFFFC000  }
.LBB2_1:
0x21: {  	p1 =	sge.u32 s12, s8  }
0x22: {  	s14 =	sxor.u32 @!p1 $0xFFFFFFFF, s12  }
0x23: {  	s31 =	sadd.s32 $0xFFFFFFFF, s12;
	s15 =	sshrl.u32 @!p1 s11, $0x3;
	s14 =	sshll.u32 @!p1 s14, $0xE  }
0x24: {  	s16 =	sand.u32 @!p1 $0x7, s11;
	s15 =	sadd.s32 @!p1 s4, s15;
	s14 =	sand.u32 @!p1 $0x4000, s14  }
0x25: {  	[tilespmem:s14], [sflag:$0x2] =	stream.linear.gather @!p1 [hbm4b:s15+s16], $0x4000, $0x38;
	[tilespmem:$0x10000] =	vst v63  }
0x26: {  	p1 =	sge.u32 s31, s8  }
.Ltmp2:
0x27: {  	_ = 	snop;
	(pc) =	sbr.rel @p1 .LBB2_5-.Ltmp2, $1  }
0x28: {  	_ =	sdelay $0x3  }
0x29: {  	s14 =	simm.s32 $0x1  }
0x2a: {  	_ =	swait.ge [sflag:s7], $0x4000;
	s14 =	simm.s32 @!p0 $0x0  }
0x2b: {  	[sflag:s7] =	ssyncset.done $0x0;
	s14 =	sshll.u32 s14, $0xE  }
0x2c: {  	[sflag:s7] =	ssyncadd.s32 $0xFFFFC000;
	(ifvalue) =	ssetifvalue $0x7FFFFFFF;
	v0 =	vld.msk [tilespmem:s14+$0x0 ss:$0x1], $0xffff;
	_ =	sdelay $0x4  }
0x2d: {  	s15 =	sadd.s32 $0x10, s14;
	vm1 =	vgt.s32 v0, $0x0  }
0x2e: {  	v2 =	vld.msk [tilespmem:s15+$0x0 ss:$0x1], $0xffff;
	v1 =	vnsel vm1, $0x0, v0  }
0x2f: {  	v1 =	vmin.u32 v1, $0x9FFFF;
	_ =	sdelay $0x1  }
0x30: {  	s16 =	sshll.u32 s12, $0xE;
	s18 =	simm.s32 $0x20  }
0x31: {  	s16 =	sand.u32 $0x4000, s16;
	s17 =	sadd.s32 $0x10, s15;
	s15 =	sor.u32 $0x8000, s14  }
0x32: {  	s14 =	sor.u32 $0x8000, s16;
	s16 =	sadd.s32 $0x10, s15;
	v0 =	vld.msk [tilespmem:s17+$0x0 ss:$0x1], $0xffff;
	vm1 =	vgt.s32 v2, $0x0;
	(ifvalue) =	ssetifvalue $0x7FFFFFFF  }
.LBB2_3:
0x33: {  	[tilespmem:s15], [sflag:$0x1] =	stream.indirect_vreg.gather [hbm4b:s3+s10], $0x1, v1, vm0, $0x4038;
	[tilespmem:$0x10000] =	vst v63  }
0x34: {  	s18 =	sadd.s32 $0x10, s18  }
0x35: {  	v2 =	vnsel vm1, $0x0, v2;
	p1 =	slt.u32 s18, $0x3FF0  }
.Ltmp3:
0x36: {  	s15 =	smov.u32 s16;
	v1 =	vmin.u32 v2, $0x9FFFF;
	(pc) =	sbr.rel @p1 .LBB2_3-.Ltmp3, $3  }
0x37: {  	_ =	sdelay $0x1  }
0x38: {  	s17 =	sadd.s32 $0x10, s17  }
0x39: {  	vm1 =	vgt.s32 v0, $0x0;
	s16 =	sadd.s32 $0x10, s16;
	v2 =	vmov v0;
	(ifvalue) =	ssetifvalue $0x7FFFFFFF;
	v0 =	vld.msk [tilespmem:s17+$0x0 ss:$0x1], $0xffff  }
.Ltmp4:
0x3a: {  	_ = 	snop;
	(pc) =	sbr.rel .LBB2_4-.Ltmp4, $1  }
0x3b: {  	_ =	sdelay $0x3  }
.LBB2_6:
0x3c: {  	_ =	sfence.sel $0x180000  }
0x3d: {  	s2 =	simm.s32 $0x2;
	[bflag:$0x0] =	sbarrier.arrive $0xFFFF  }
0x3e: {  	s30 =	simm.s32 $0x3;
	[sflag:s2] =	ssyncpa.u1 $0x1  }
0x3f: {  	s31 =	simm.s32 $0x1;
	[sflag:s30] =	ssyncpa.u1 $0x1  }
0x40: {  	[sflag:s31] =	ssyncpa.u1 $0x1  }
0x41: {  	p0 =	sne.s32 s1, $0x0;
	_ =	strace $0x9000004D  }
0x42: {  	s0 =	sadd.s32 @!p0 $0x100000, s0;
	[bflag:$0x2] =	sbarrier.arrive $0xFFFF  }
0x43: {  	[sflag:s0] =	ssyncadd.tile.s32 @!p0 $0x1;
	_ =	shalt  }
.Lfunc_end2:
_tile_overlayer_lowered:
.L_overlay_start_2:
0x44: {  	(tag) =	ssettag $0x2  }
0x45: {  	s0 =	rddreg [dreg:$0x0];
	s2 =	stileid.u32  }
0x46: {  	s1 =	rddreg [dreg:$0x1];
	p0 =	sne.s32 s2, $0x0  }
0x47: {  	s3 =	rddreg [dreg:$0x2];
	[bflag:$0x3] =	sbarrier.arrive $0xFFFF;
	s2 =	simm.s32 @!p0 $0x1C01  }
0x48: {  	[timem:s3], [sflag:s2] =	dma.local @!p0 [hbm:s0], s1  }
0x49: {  	s0 =	simm.s32 @!p0 $0x1  }
0x4a: {  	_ =	swait.ge @!p0 [sflag:s0], s1  }
0x4b: {  	s1 =	ssub.s32 @!p0 $0x0, s1;
	[sflag:s0] =	ssyncset.done @!p0 $0x0  }
0x4c: {  	[sflag:s0] =	ssyncadd.s32 @!p0 s1  }
0x4d: {  	[bflag:$0x3] =	sbarrier.arrive $0xFFFF  }
0x4e: {  	_ =	shalt  }

// kernel: gather_offload_async_start
scs
__scs_entry_jumppad:
0x0: {  	(pc) =	sbr.rel $0x88, $3  }
0x1: {  	(tag) =	ssettag $0x0;
	lr =	simm.s32 $0x1  }
0x2: {  	[smem:$0x3F6F] =	sst lr;
	_ =	strace $0xD0000000  }
0x3: {  	_ = 	snop  }
0x4: {  	_ = 	snop  }
0x5: {  	_ = 	snop  }
0x6: {  	_ = 	snop  }
0x7: {  	_ = 	snop  }
__scs_overlays_trampoline_lowered:
0x8: {  	[smem:$0x3F7E] =	sst s0  }
0x9: {  	[smem:$0x3F7F] =	sst s1  }
0xa: {  	[smem:$0x3F80] =	sst s2  }
0xb: {  	[smem:$0x3F81] =	sst s3  }
0xc: {  	[smem:$0x3F82] =	sst s4  }
0xd: {  	[smem:$0x3F83] =	sst s5  }
0xe: {  	[smem:$0x3F84] =	sst s6  }
0xf: {  	[smem:$0x3F85] =	sst s7  }
0x10: {  	[smem:$0x3F86] =	sst s8  }
0x11: {  	[smem:$0x3F87] =	sst s9;
	s0 =	simm.s32 @!p0 $0x0  }
0x12: {  	s1 =	sld [smem:$0x3F6D];
	s0 =	simm.s32 @p0 $0x1  }
0x13: {  	[smem:$0x3F88] =	sst s0;
	s0 =	simm.s32 @!p1 $0x0  }
0x14: {  	s2 =	sld [smem:$0x3F6C];
	s0 =	simm.s32 @p1 $0x1  }
0x15: {  	[smem:$0x3F89] =	sst s0;
	s0 =	simm.s32 @!p2 $0x0  }
0x16: {  	s3 =	sld [smem:$0x3FDB];
	s0 =	simm.s32 @p2 $0x1  }
0x17: {  	s4 =	simm.s32 $0x1BF5;
	[smem:$0x3F8B] =	sst s0  }
0x18: {  	s0 =	sld [smem:$0x3F6E];
	_ =	swait.ge [sflag:s4], $0x0  }
0x19: {  	s7 =	sld [smem:$0x3F6F]  }
0x1a: {  	s8 =	sadd.s32 $0xFFFFE003, lr  }
0x1b: {  	s9 =	sadd.s32 $0xFFFFFEF7, lr;
	s5 =	simm.s32 $0xFFFFFFFF;
	p2 =	slt.u32 s8, $0xFFFFF086  }
0x1c: {  	p1 =	slt.u32 s9, $0xF7A;
	s5 =	simm.s32 @!p2 $0x0  }
0x1d: {  	s5 =	simm.s32 @p1 $0x1;
	p0 =	seq.s32 s7, s2  }
0x1e: {  	s7 =	smul.u32 @!p0 $0xF7A, s2;
	p2 =	seq.s32 @!p0 s5, $0x0  }
0x1f: {  	s9 =	smul.u32 $0xF7A, s1;
	s8 =	simm.s32 @!p0 $0x1BF5;
	p2 =	por !p2, p0  }
0x20: {  	[sflag:s8] =	ssyncset.s32 @!p0 $0xFFFFF086;
	s6 =	sadd.s32 @!p0 s3, s7;
	s7 =	simm.s32 @!p0 $0x108  }
0x21: {  	s3 =	sadd.s32 s3, s9;
	s6 =	sadd.s32 @!p0 $0x88, s6;
	s7 =	simm.s32 @p2 $0x1082  }
0x22: {  	[simem:s7], [sflag:s8] =	dma.local @!p0 [hbm:s6], $0xF7A  }
0x23: {  	s9 =	sor.u32 $0xD0000000, s2;
	s6 =	simm.s32 $0x108;
	_ =	swait.ge @!p0 [sflag:s8], $0x0  }
0x24: {  	s3 =	sadd.s32 $0x88, s3;
	s6 =	simm.s32 @!p1 $0x1082;
	[sflag:s4] =	ssyncset.s32 $0xFFFFF086  }
0x25: {  	[simem:s6], [sflag:s4] =	dma.local [hbm:s3], $0xF7A  }
0x26: {  	[smem:$0x3F6F] =	sst s1;
	(tag) =	ssettag s2;
	_ =	strace s9  }
0x27: {  	s1 =	sld [smem:$0x3F7F]  }
0x28: {  	s2 =	sld [smem:$0x3F80]  }
0x29: {  	s4 =	sld [smem:$0x3F82]  }
0x2a: {  	p0 =	seq.s32 s5, $0x0;
	s5 =	sld [smem:$0x3F83]  }
0x2b: {  	s6 =	sld [smem:$0x3F84]  }
0x2c: {  	s7 =	sld [smem:$0x3F85]  }
0x2d: {  	s3 =	simm.s32 $0x108;
	s8 =	sld [smem:$0x3F86]  }
0x2e: {  	s3 =	simm.s32 @!p0 $0x1082;
	s9 =	sld [smem:$0x3F87]  }
0x2f: {  	lr =	sadd.s32 s0, s3;
	s0 =	sld [smem:$0x3F7E]  }
0x30: {  	s3 =	sld [smem:$0x3F81]  }
0x31: {  	[smem:$0x3F8A] =	sst s10  }
0x32: {  	s10 =	sld [smem:$0x3F88];
	_ =	sdelay $0x3  }
0x33: {  	p0 =	seq.s32 s10, $0x1;
	s10 =	sld [smem:$0x3F8A];
	_ =	sdelay $0x3  }
0x34: {  	[smem:$0x3F8A] =	sst s10  }
0x35: {  	s10 =	sld [smem:$0x3F89];
	_ =	sdelay $0x3  }
0x36: {  	p1 =	seq.s32 s10, $0x1;
	s10 =	sld [smem:$0x3F8A];
	_ =	sdelay $0x3  }
0x37: {  	[smem:$0x3F8A] =	sst s10  }
0x38: {  	s10 =	sld [smem:$0x3F8B]  }
0x39: {  	_ = 	snop;
	(pc) =	sbr.ind lr, $3  }
0x3a: {  	_ = 	snop  }
0x3b: {  	_ = 	snop  }
0x3c: {  	p2 =	seq.s32 s10, $0x1;
	s10 =	sld [smem:$0x3F8A]  }
0x3d: {  	_ =	shalt  }
0x3e: {  	_ =	shalt  }
0x3f: {  	_ =	shalt  }
0x40: {  	_ =	shalt  }
0x41: {  	_ =	shalt  }
0x42: {  	_ =	shalt  }
0x43: {  	_ =	shalt  }
0x44: {  	_ =	shalt  }
0x45: {  	_ =	shalt  }
0x46: {  	_ =	shalt  }
0x47: {  	_ =	shalt  }
0x48: {  	_ =	shalt  }
0x49: {  	_ =	shalt  }
0x4a: {  	_ =	shalt  }
0x4b: {  	_ =	shalt  }
0x4c: {  	_ =	shalt  }
0x4d: {  	_ =	shalt  }
0x4e: {  	_ =	shalt  }
0x4f: {  	_ =	shalt  }
0x50: {  	_ =	shalt  }
0x51: {  	_ =	shalt  }
0x52: {  	_ =	shalt  }
0x53: {  	_ =	shalt  }
0x54: {  	_ =	shalt  }
0x55: {  	_ =	shalt  }
0x56: {  	_ =	shalt  }
0x57: {  	_ =	shalt  }
0x58: {  	_ =	shalt  }
0x59: {  	_ =	shalt  }
0x5a: {  	_ =	shalt  }
0x5b: {  	_ =	shalt  }
0x5c: {  	_ =	shalt  }
0x5d: {  	_ =	shalt  }
0x5e: {  	_ =	shalt  }
0x5f: {  	_ =	shalt  }
0x60: {  	_ =	shalt  }
0x61: {  	_ =	shalt  }
0x62: {  	_ =	shalt  }
0x63: {  	_ =	shalt  }
0x64: {  	_ =	shalt  }
0x65: {  	_ =	shalt  }
0x66: {  	_ =	shalt  }
0x67: {  	_ =	shalt  }
0x68: {  	_ =	shalt  }
0x69: {  	_ =	shalt  }
0x6a: {  	_ =	shalt  }
0x6b: {  	_ =	shalt  }
0x6c: {  	_ =	shalt  }
0x6d: {  	_ =	shalt  }
0x6e: {  	_ =	shalt  }
0x6f: {  	_ =	shalt  }
0x70: {  	_ =	shalt  }
0x71: {  	_ =	shalt  }
0x72: {  	_ =	shalt  }
0x73: {  	_ =	shalt  }
0x74: {  	_ =	shalt  }
0x75: {  	_ =	shalt  }
0x76: {  	_ =	shalt  }
0x77: {  	_ =	shalt  }
0x78: {  	_ =	shalt  }
0x79: {  	_ =	shalt  }
0x7a: {  	_ =	shalt  }
0x7b: {  	_ =	shalt  }
0x7c: {  	_ =	shalt  }
0x7d: {  	_ =	shalt  }
0x7e: {  	_ =	shalt  }
0x7f: {  	_ =	shalt  }
0x80: {  	_ =	shalt  }
0x81: {  	_ =	shalt  }
0x82: {  	_ =	shalt  }
0x83: {  	_ =	shalt  }
0x84: {  	_ =	shalt  }
0x85: {  	_ =	shalt  }
0x86: {  	_ =	shalt  }
0x87: {  	_ =	shalt  }
.Lfunc_end0:
.L_simem_size_0:
called_computation_lowered:
.L_overlay_start_0:
0x88: {  	s2 =	sld [smem:$0x3FD9]  }
0x89: {  	s3 =	sld [smem:$0x3FFE];
	_ =	sdelay $0x1  }
0x8a: {  	s1 =	srdreg.scid  }
0x8b: {  	s0 =	sand.u32 $0x1, s1  }
0x8c: {  	s17 =	sshll.u32 s0, $0xA;
	s2 =	sadd.s32 s3, s2  }
0x8d: {  	s2 =	sadd.s32 s2, s17  }
0x8e: {  	[smem:$0x3F96] =	sst s2  }
0x8f: {  	_ = 	snop  }
0x90: {  	s18 =	sld [smem:$0x3FD0];
	(tm) =	ssettm $0x1  }
0x91: {  	s19 =	sld [smem:$0x3FFB];
	_ =	sdelay $0x3  }
0x92: {  	_ =	strace s19  }
0x93: {  	s2 =	sld [smem:$0x3FFC];
	_ =	sdelay $0x3  }
0x94: {  	_ =	strace s2  }
0x95: {  	s2 =	sld [smem:$0x3FFD];
	_ =	sdelay $0x3  }
0x96: {  	_ =	strace s2  }
0x97: {  	_ =	strace $0x8FFFFFFF  }
0x98: {  	s20 =	sld [smem:$0x3FDB];
	_ =	sdelay $0x1  }
0x99: {  	s4 =	simm.s32 $_scs_section_size  }
0x9a: {  	s5 =	simm.s32 $_size__tile_overlayer_lowered;
	s6 =	simm.s32 $_tile_overlayer_lowered  }
0x9b: {  	s7 =	simm.s32 $0x1BFF;
	s21 =	sshll.u32 s6, $0x1;
	s4 =	sadd.s32 s4, s20  }
0x9c: {  	s22 =	simm.s32 $0x0;
	s5 =	sshll.u32 s5, $0x1;
	s6 =	sadd.s32 s21, s4  }
0x9d: {  	[timem:s22], [sflag:s7] =	dma.local [hbm:s6], s5  }
0x9e: {  	_ =	swait.ge [sflag:s7], s5  }
0x9f: {  	s5 =	ssub.s32 $0x0, s5;
	[sflag:s7] =	ssyncset.done $0x0  }
0xa0: {  	[sflag:s7] =	ssyncadd.s32 s5;
	_ =	sdelay $0x1  }
0xa1: {  	s23 =	simm.s32 $0x1B8B  }
0xa2: {  	_ =	swait.ge [sflag:s23], $0x1  }
0xa3: {  	[sflag:s23] =	ssyncset.done $0x0  }
0xa4: {  	[sflag:s23] =	ssyncadd.s32 $0xFFFFFFFF  }
0xa5: {  	s5 =	sld [smem:$0x0]  }
0xa6: {  	s6 =	sand.u32 $0xFFFFFFFE, s1  }
0xa7: {  	p0 =	sne.s32 s1, s6  }
0xa8: {  	s6 =	sshll.u32 @p0 s6, $0xE  }
0xa9: {  	s6 =	sadd.s32 @p0 $0x11B8D, s6;
	s7 =	sshll.u32 @p0 s5, $0x11  }
0xaa: {  	s6 =	sor.u32 @p0 s7, s6  }
0xab: {  	[sflag:s6] =	ssyncadd.remote.s32 @p0 $0x1;
	_ =	sdelay $0x1  }
0xac: {  	s6 =	simm.s32 @p0 $0x1B8D  }
0xad: {  	_ =	swait.eq @p0 [sflag:s6], $0x1  }
0xae: {  	[sflag:s6] =	ssyncadd.s32 @p0 $0xFFFFFFFF  }
0xaf: {  	s7 =	sshll.u32 @!p0 s1, $0xE  }
0xb0: {  	s7 =	sor.u32 @!p0 $0x4000, s7;
	s6 =	simm.s32 @!p0 $0x1B8D  }
0xb1: {  	s5 =	sshll.u32 @!p0 s5, $0x11;
	s7 =	sadd.s32 @!p0 $0x11B8D, s7;
	_ =	swait.eq @!p0 [sflag:s6], $0x1  }
0xb2: {  	s5 =	sor.u32 @!p0 s5, s7;
	[sflag:s6] =	ssyncadd.s32 @!p0 $0xFFFFFFFF  }
0xb3: {  	s25 =	simm.s32 $0x1B8E;
	s24 =	sld [smem:$0x3FFE];
	[sflag:s5] =	ssyncadd.remote.s32 @!p0 $0x1  }
0xb4: {  	s26 =	simm.s32 $execute0_lowered;
	[smem:$0x3FD2] =	sst s25  }
0xb5: {  	s6 =	sshll.u32 s26, $0x1;
	_ =	strace $0x80000049;
	[dreg:$0x1] =	wrdreg $0xFFFFFFFF  }
0xb6: {  	s28 =	simm.s32 $_size_execute0_lowered;
	s4 =	sadd.s32 s4, s6;
	[dreg:$0x0] =	wrdreg $0x0  }
0xb7: {  	s6 =	sshll.u32 s28, $0x1;
	[dreg:$0x2] =	wrdreg s4  }
0xb8: {  	[dreg:$0x3] =	wrdreg s6  }
0xb9: {  	[dreg:$0x4] =	wrdreg $0xC0  }
0xba: {  	_ =	task [dreg:s22], $0x5FFFF  }
0xbb: {  	[dreg:$0x1] =	wrdreg $0xFFFFFFFF  }
0xbc: {  	[dreg:$0x0] =	wrdreg $0x60  }
0xbd: {  	[dreg:$0x2] =	wrdreg s18  }
0xbe: {  	[dreg:$0x3] =	wrdreg s24  }
0xbf: {  	[dreg:$0x4] =	wrdreg $0x9  }
0xc0: {  	_ =	task.clear_ibuf [dreg:s22], $0x5FFFF;
	_ =	strace $0x90000049  }
0xc1: {  	s29 =	simm.s32 $0x9;
	_ =	strace $0x8000004B  }
0xc2: {  	_ =	swait.ge [sflag:s29], $0x1  }
0xc3: {  	[sflag:s29] =	ssyncadd.s32 $0xFFFFFFFF  }
0xc4: {  	_ =	strace $0x9000004B  }
0xc5: {  	_ =	sfence  }
0xc6: {  	s30 =	sld [smem:$0x0];
	_ =	sdelay $0x2  }
0xc7: {  	s31 =	sshll.u32 s1, $0xD;
	s1 =	sshrl.u32 s1, $0x2  }
0xc8: {  	s4 =	sand.u32 $0x4000, s31;
	s1 =	sadd.s32 s1, s30  }
0xc9: {  	s0 =	sor.u32 s4, s0;
	s1 =	sshll.u32 s1, $0x11  }
0xca: {  	s0 =	sor.u32 s1, s0  }
0xcb: {  	s0 =	sadd.s32 $0x8F2B, s0  }
0xcc: {  	[sflag:s0] =	ssyncadd.remote.s32 $0x1  }
0xcd: {  	_ =	sfence.sel $0xFFFF  }
0xce: {  	[dreg:$0x0] =	wrdreg $0xFFFFFFFF;
	(pc) =	sbr.abs _section_cstart, $3  }
0xcf: {  	[dreg:$0x1] =	wrdreg $0xFFFFFFFF  }
0xd0: {  	_ =	task.clear_ibuf [dreg:s22], $0x2FFFF;
	_ =	strace $0x9FFFFFFF  }
0xd1: {  	(tm) =	ssettm $0x7FFFFFFF  }
tec
execute0_lowered:
.L_overlay_start_1:
0x0: {  	(tag) =	ssettag $0x1  }
0x1: {  	s1 =	srdreg.scid;
	s2 =	rddreg [dreg:$0x0]  }
0x2: {  	s0 =	stileid.u32;
	s5 =	rddreg [dreg:$0x1];
	s6 =	simm.s32 $0x1  }
0x3: {  	s9 =	simm.s32 $0x1;
	s10 =	simm.s32 $0x3;
	s1 =	sshll.u32 s1, $0xE  }
0x4: {  	s13 =	simm.s32 $0x0;
	s3 =	sshll.u32 s0, $0xF;
	s4 =	sand.u32 $0x4000, s1  }
0x5: {  	s12 =	simm.s32 $0x0;
	s1 =	rddreg [dreg:$0x2];
	s3 =	sor.u32 s3, s4  }
0x6: {  	_ =	strace $0x8000004A;
	s4 =	sadd.s32 $0x17800, s5;
	s8 =	ssub.s32 $0xA0000, s3  }
.Ltmp0:
0x7: {  	s5 =	sadd.s32 $0x7BA00, s5;
	s7 =	sand.u32 $0x7C000, s8;
	(pc) =	sbr.rel .LBB2_1-.Ltmp0, $4  }
0x8: {  	[sflag:s6] =	ssyncpa.u1 $0x0;
	s11 =	smov.u32 s3;
	p0 =	sne.s32 s7, $0x0  }
0x9: {  	s8 =	sshrl.u32 s8, $0x13;
	s7 =	simm.s32 $0x2;
	s9 =	simm.s32 @!p0 $0x0  }
0xa: {  	[sflag:s7] =	ssyncpa.u1 $0x0;
	p0 =	por $0x0, $0x0;
	s8 =	sadd.s32 s9, s8  }
0xb: {  	vm0 =	vmmov $0xffff;
	[sflag:s10] =	ssyncpa.u1 $0x0;
	s10 =	simm.s32 $0x0;
	s9 =	sadd.s32 $0x1, s8  }
.LBB2_4:
0xc: {  	v2 =	vnsel vm1, $0x0, v2  }
0xd: {  	vm1 =	vgt.s32 v0, $0x0;
	v2 =	vmin.u32 v2, $0x9FFFF  }
0xe: {  	v0 =	vnsel vm1, $0x0, v0  }
0xf: {  	v0 =	vmin.u32 v0, $0x9FFFF  }
0x10: {  	[tilespmem:s15], [sflag:$0x1] =	stream.indirect_vreg.gather [hbm4b:s2+s10], $0x1, v1, vm0, $0x4038;
	[tilespmem:$0x10000] =	vst v63  }
0x11: {  	(ifvalue) =	ssetifvalue $0x7FFFFFFF  }
0x12: {  	[tilespmem:s16], [sflag:$0x1] =	stream.indirect_vreg.gather [hbm4b:s2+s10], $0x1, v2, vm0, $0x4038;
	[tilespmem:$0x10000] =	vst v63  }
0x13: {  	s29 =	sadd.s32 $0x10, s16;
	(ifvalue) =	ssetifvalue $0x7FFFFFFF  }
0x14: {  	[tilespmem:s29], [sflag:$0x1] =	stream.indirect_vreg.gather [hbm4b:s2+s10], $0x1, v0, vm0, $0x4038;
	[tilespmem:$0x10000] =	vst v63  }
0x15: {  	_ =	swait.ge [sflag:s6], $0x4000  }
0x16: {  	s30 =	sshrl.u32 s13, $0x3;
	[sflag:s6] =	ssyncset.done $0x0  }
0x17: {  	s31 =	sand.u32 $0x7, s13;
	s15 =	sadd.s32 s5, s30;
	[sflag:s6] =	ssyncadd.s32 $0xFFFFC000  }
0x18: {  	[hbm4b:s15+s31] =	stream.linear.scatter [tilespmem:s14], [sflag:$0x3], $0x4000, $0x38;
	[tilespmem:$0x10000] =	vst v63  }
.LBB2_5:
0x19: {  	s15 =	sadd.s32 $0x80000, s11  }
0x1a: {  	p2 =	sgt.s32 s15, $0x9FFFF  }
0x1b: {  	s15 =	smov.u32 @p2 s3;
	p2 =	sne.s32 s12, s9  }
.Ltmp1:
0x1c: {  	p1 =	slt.u32 s12, $0x2;
	(pc) =	sbr.rel @!p2 .LBB2_6-.Ltmp1, $4  }
0x1d: {  	s14 =	simm.s32 @!p1 $0x3  }
0x1e: {  	s16 =	sadd.s32 $0x1, s12;
	_ =	swait.ge @!p1 [sflag:s14], $0x4000  }
0x1f: {  	s13 =	smov.u32 s11;
	p0 =	por !p0, !p0;
	[sflag:s14] =	ssyncset.done @!p1 $0x0  }
0x20: {  	s12 =	smov.u32 s16;
	s11 =	smov.u32 s15;
	[sflag:s14] =	ssyncadd.s32 @!p1 $0xFFFFC000  }
.LBB2_1:
0x21: {  	p1 =	sge.u32 s12, s8  }
0x22: {  	s14 =	sxor.u32 @!p1 $0xFFFFFFFF, s12  }
0x23: {  	s31 =	sadd.s32 $0xFFFFFFFF, s12;
	s15 =	sshrl.u32 @!p1 s11, $0x3;
	s14 =	sshll.u32 @!p1 s14, $0xE  }
0x24: {  	s16 =	sand.u32 @!p1 $0x7, s11;
	s15 =	sadd.s32 @!p1 s4, s15;
	s14 =	sand.u32 @!p1 $0x4000, s14  }
0x25: {  	[tilespmem:s14], [sflag:$0x2] =	stream.linear.gather @!p1 [hbm4b:s15+s16], $0x4000, $0x38;
	[tilespmem:$0x10000] =	vst v63  }
0x26: {  	p1 =	sge.u32 s31, s8  }
.Ltmp2:
0x27: {  	_ = 	snop;
	(pc) =	sbr.rel @p1 .LBB2_5-.Ltmp2, $1  }
0x28: {  	_ =	sdelay $0x3  }
0x29: {  	s14 =	simm.s32 $0x1  }
0x2a: {  	_ =	swait.ge [sflag:s7], $0x4000;
	s14 =	simm.s32 @!p0 $0x0  }
0x2b: {  	[sflag:s7] =	ssyncset.done $0x0;
	s14 =	sshll.u32 s14, $0xE  }
0x2c: {  	[sflag:s7] =	ssyncadd.s32 $0xFFFFC000;
	(ifvalue) =	ssetifvalue $0x7FFFFFFF;
	v0 =	vld.msk [tilespmem:s14+$0x0 ss:$0x1], $0xffff;
	_ =	sdelay $0x4  }
0x2d: {  	s15 =	sadd.s32 $0x10, s14;
	vm1 =	vgt.s32 v0, $0x0  }
0x2e: {  	v2 =	vld.msk [tilespmem:s15+$0x0 ss:$0x1], $0xffff;
	v1 =	vnsel vm1, $0x0, v0  }
0x2f: {  	v1 =	vmin.u32 v1, $0x9FFFF;
	_ =	sdelay $0x1  }
0x30: {  	s16 =	sshll.u32 s12, $0xE;
	s18 =	simm.s32 $0x20  }
0x31: {  	s16 =	sand.u32 $0x4000, s16;
	s17 =	sadd.s32 $0x10, s15;
	s15 =	sor.u32 $0x8000, s14  }
0x32: {  	s14 =	sor.u32 $0x8000, s16;
	s16 =	sadd.s32 $0x10, s15;
	v0 =	vld.msk [tilespmem:s17+$0x0 ss:$0x1], $0xffff;
	vm1 =	vgt.s32 v2, $0x0;
	(ifvalue) =	ssetifvalue $0x7FFFFFFF  }
.LBB2_3:
0x33: {  	[tilespmem:s15], [sflag:$0x1] =	stream.indirect_vreg.gather [hbm4b:s2+s10], $0x1, v1, vm0, $0x4038;
	[tilespmem:$0x10000] =	vst v63  }
0x34: {  	s18 =	sadd.s32 $0x10, s18  }
0x35: {  	v2 =	vnsel vm1, $0x0, v2;
	p1 =	slt.u32 s18, $0x3FF0  }
.Ltmp3:
0x36: {  	s15 =	smov.u32 s16;
	v1 =	vmin.u32 v2, $0x9FFFF;
	(pc) =	sbr.rel @p1 .LBB2_3-.Ltmp3, $3  }
0x37: {  	_ =	sdelay $0x1  }
0x38: {  	s17 =	sadd.s32 $0x10, s17  }
0x39: {  	vm1 =	vgt.s32 v0, $0x0;
	s16 =	sadd.s32 $0x10, s16;
	v2 =	vmov v0;
	(ifvalue) =	ssetifvalue $0x7FFFFFFF;
	v0 =	vld.msk [tilespmem:s17+$0x0 ss:$0x1], $0xffff  }
.Ltmp4:
0x3a: {  	_ = 	snop;
	(pc) =	sbr.rel .LBB2_4-.Ltmp4, $1  }
0x3b: {  	_ =	sdelay $0x3  }
.LBB2_6:
0x3c: {  	_ =	sfence.sel $0x180000  }
0x3d: {  	s2 =	simm.s32 $0x2;
	[bflag:$0x0] =	sbarrier.arrive $0xFFFF  }
0x3e: {  	s30 =	simm.s32 $0x3;
	[sflag:s2] =	ssyncpa.u1 $0x1  }
0x3f: {  	s31 =	simm.s32 $0x1;
	[sflag:s30] =	ssyncpa.u1 $0x1  }
0x40: {  	[sflag:s31] =	ssyncpa.u1 $0x1  }
0x41: {  	p0 =	sne.s32 s0, $0x0;
	_ =	strace $0x9000004A  }
0x42: {  	s0 =	sadd.s32 @!p0 $0x100000, s1;
	[bflag:$0x2] =	sbarrier.arrive $0xFFFF  }
0x43: {  	[sflag:s0] =	ssyncadd.tile.s32 @!p0 $0x1;
	_ =	shalt  }
.Lfunc_end2:
_tile_overlayer_lowered:
.L_overlay_start_2:
0x44: {  	(tag) =	ssettag $0x2  }
0x45: {  	s0 =	rddreg [dreg:$0x0];
	s2 =	stileid.u32  }
0x46: {  	s1 =	rddreg [dreg:$0x1];
	p0 =	sne.s32 s2, $0x0  }
0x47: {  	s3 =	rddreg [dreg:$0x2];
	[bflag:$0x3] =	sbarrier.arrive $0xFFFF;
	s2 =	simm.s32 @!p0 $0x1C01  }
0x48: {  	[timem:s3], [sflag:s2] =	dma.local @!p0 [hbm:s0], s1  }
0x49: {  	s0 =	simm.s32 @!p0 $0x1  }
0x4a: {  	_ =	swait.ge @!p0 [sflag:s0], s1  }
0x4b: {  	s1 =	ssub.s32 @!p0 $0x0, s1;
	[sflag:s0] =	ssyncset.done @!p0 $0x0  }
0x4c: {  	[sflag:s0] =	ssyncadd.s32 @!p0 s1  }
0x4d: {  	[bflag:$0x3] =	sbarrier.arrive $0xFFFF  }
0x4e: {  	_ =	shalt  }

// kernel: kernel.10.cloned.1.call-start
scs
__scs_entry_jumppad:
0x0: {  	(pc) =	sbr.rel $0x88, $3  }
0x1: {  	(tag) =	ssettag $0x0;
	lr =	simm.s32 $0x1  }
0x2: {  	[smem:$0x3F6F] =	sst lr;
	_ =	strace $0xD0000000  }
0x3: {  	_ = 	snop  }
0x4: {  	_ = 	snop  }
0x5: {  	_ = 	snop  }
0x6: {  	_ = 	snop  }
0x7: {  	_ = 	snop  }
__scs_overlays_trampoline_lowered:
0x8: {  	[smem:$0x3F7E] =	sst s0  }
0x9: {  	[smem:$0x3F7F] =	sst s1  }
0xa: {  	[smem:$0x3F80] =	sst s2  }
0xb: {  	[smem:$0x3F81] =	sst s3  }
0xc: {  	[smem:$0x3F82] =	sst s4  }
0xd: {  	[smem:$0x3F83] =	sst s5  }
0xe: {  	[smem:$0x3F84] =	sst s6  }
0xf: {  	[smem:$0x3F85] =	sst s7  }
0x10: {  	[smem:$0x3F86] =	sst s8  }
0x11: {  	[smem:$0x3F87] =	sst s9;
	s0 =	simm.s32 @!p0 $0x0  }
0x12: {  	s1 =	sld [smem:$0x3F6D];
	s0 =	simm.s32 @p0 $0x1  }
0x13: {  	[smem:$0x3F88] =	sst s0;
	s0 =	simm.s32 @!p1 $0x0  }
0x14: {  	s2 =	sld [smem:$0x3F6C];
	s0 =	simm.s32 @p1 $0x1  }
0x15: {  	[smem:$0x3F89] =	sst s0;
	s0 =	simm.s32 @!p2 $0x0  }
0x16: {  	s3 =	sld [smem:$0x3FDB];
	s0 =	simm.s32 @p2 $0x1  }
0x17: {  	s4 =	simm.s32 $0x1BF5;
	[smem:$0x3F8B] =	sst s0  }
0x18: {  	s0 =	sld [smem:$0x3F6E];
	_ =	swait.ge [sflag:s4], $0x0  }
0x19: {  	s7 =	sld [smem:$0x3F6F]  }
0x1a: {  	s8 =	sadd.s32 $0xFFFFE003, lr  }
0x1b: {  	s9 =	sadd.s32 $0xFFFFFEF7, lr;
	s5 =	simm.s32 $0xFFFFFFFF;
	p2 =	slt.u32 s8, $0xFFFFF086  }
0x1c: {  	p1 =	slt.u32 s9, $0xF7A;
	s5 =	simm.s32 @!p2 $0x0  }
0x1d: {  	s5 =	simm.s32 @p1 $0x1;
	p0 =	seq.s32 s7, s2  }
0x1e: {  	s7 =	smul.u32 @!p0 $0xF7A, s2;
	p2 =	seq.s32 @!p0 s5, $0x0  }
0x1f: {  	s9 =	smul.u32 $0xF7A, s1;
	s8 =	simm.s32 @!p0 $0x1BF5;
	p2 =	por !p2, p0  }
0x20: {  	[sflag:s8] =	ssyncset.s32 @!p0 $0xFFFFF086;
	s6 =	sadd.s32 @!p0 s3, s7;
	s7 =	simm.s32 @!p0 $0x108  }
0x21: {  	s3 =	sadd.s32 s3, s9;
	s6 =	sadd.s32 @!p0 $0x88, s6;
	s7 =	simm.s32 @p2 $0x1082  }
0x22: {  	[simem:s7], [sflag:s8] =	dma.local @!p0 [hbm:s6], $0xF7A  }
0x23: {  	s9 =	sor.u32 $0xD0000000, s2;
	s6 =	simm.s32 $0x108;
	_ =	swait.ge @!p0 [sflag:s8], $0x0  }
0x24: {  	s3 =	sadd.s32 $0x88, s3;
	s6 =	simm.s32 @!p1 $0x1082;
	[sflag:s4] =	ssyncset.s32 $0xFFFFF086  }
0x25: {  	[simem:s6], [sflag:s4] =	dma.local [hbm:s3], $0xF7A  }
0x26: {  	[smem:$0x3F6F] =	sst s1;
	(tag) =	ssettag s2;
	_ =	strace s9  }
0x27: {  	s1 =	sld [smem:$0x3F7F]  }
0x28: {  	s2 =	sld [smem:$0x3F80]  }
0x29: {  	s4 =	sld [smem:$0x3F82]  }
0x2a: {  	p0 =	seq.s32 s5, $0x0;
	s5 =	sld [smem:$0x3F83]  }
0x2b: {  	s6 =	sld [smem:$0x3F84]  }
0x2c: {  	s7 =	sld [smem:$0x3F85]  }
0x2d: {  	s3 =	simm.s32 $0x108;
	s8 =	sld [smem:$0x3F86]  }
0x2e: {  	s3 =	simm.s32 @!p0 $0x1082;
	s9 =	sld [smem:$0x3F87]  }
0x2f: {  	lr =	sadd.s32 s0, s3;
	s0 =	sld [smem:$0x3F7E]  }
0x30: {  	s3 =	sld [smem:$0x3F81]  }
0x31: {  	[smem:$0x3F8A] =	sst s10  }
0x32: {  	s10 =	sld [smem:$0x3F88];
	_ =	sdelay $0x3  }
0x33: {  	p0 =	seq.s32 s10, $0x1;
	s10 =	sld [smem:$0x3F8A];
	_ =	sdelay $0x3  }
0x34: {  	[smem:$0x3F8A] =	sst s10  }
0x35: {  	s10 =	sld [smem:$0x3F89];
	_ =	sdelay $0x3  }
0x36: {  	p1 =	seq.s32 s10, $0x1;
	s10 =	sld [smem:$0x3F8A];
	_ =	sdelay $0x3  }
0x37: {  	[smem:$0x3F8A] =	sst s10  }
0x38: {  	s10 =	sld [smem:$0x3F8B]  }
0x39: {  	_ = 	snop;
	(pc) =	sbr.ind lr, $3  }
0x3a: {  	_ = 	snop  }
0x3b: {  	_ = 	snop  }
0x3c: {  	p2 =	seq.s32 s10, $0x1;
	s10 =	sld [smem:$0x3F8A]  }
0x3d: {  	_ =	shalt  }
0x3e: {  	_ =	shalt  }
0x3f: {  	_ =	shalt  }
0x40: {  	_ =	shalt  }
0x41: {  	_ =	shalt  }
0x42: {  	_ =	shalt  }
0x43: {  	_ =	shalt  }
0x44: {  	_ =	shalt  }
0x45: {  	_ =	shalt  }
0x46: {  	_ =	shalt  }
0x47: {  	_ =	shalt  }
0x48: {  	_ =	shalt  }
0x49: {  	_ =	shalt  }
0x4a: {  	_ =	shalt  }
0x4b: {  	_ =	shalt  }
0x4c: {  	_ =	shalt  }
0x4d: {  	_ =	shalt  }
0x4e: {  	_ =	shalt  }
0x4f: {  	_ =	shalt  }
0x50: {  	_ =	shalt  }
0x51: {  	_ =	shalt  }
0x52: {  	_ =	shalt  }
0x53: {  	_ =	shalt  }
0x54: {  	_ =	shalt  }
0x55: {  	_ =	shalt  }
0x56: {  	_ =	shalt  }
0x57: {  	_ =	shalt  }
0x58: {  	_ =	shalt  }
0x59: {  	_ =	shalt  }
0x5a: {  	_ =	shalt  }
0x5b: {  	_ =	shalt  }
0x5c: {  	_ =	shalt  }
0x5d: {  	_ =	shalt  }
0x5e: {  	_ =	shalt  }
0x5f: {  	_ =	shalt  }
0x60: {  	_ =	shalt  }
0x61: {  	_ =	shalt  }
0x62: {  	_ =	shalt  }
0x63: {  	_ =	shalt  }
0x64: {  	_ =	shalt  }
0x65: {  	_ =	shalt  }
0x66: {  	_ =	shalt  }
0x67: {  	_ =	shalt  }
0x68: {  	_ =	shalt  }
0x69: {  	_ =	shalt  }
0x6a: {  	_ =	shalt  }
0x6b: {  	_ =	shalt  }
0x6c: {  	_ =	shalt  }
0x6d: {  	_ =	shalt  }
0x6e: {  	_ =	shalt  }
0x6f: {  	_ =	shalt  }
0x70: {  	_ =	shalt  }
0x71: {  	_ =	shalt  }
0x72: {  	_ =	shalt  }
0x73: {  	_ =	shalt  }
0x74: {  	_ =	shalt  }
0x75: {  	_ =	shalt  }
0x76: {  	_ =	shalt  }
0x77: {  	_ =	shalt  }
0x78: {  	_ =	shalt  }
0x79: {  	_ =	shalt  }
0x7a: {  	_ =	shalt  }
0x7b: {  	_ =	shalt  }
0x7c: {  	_ =	shalt  }
0x7d: {  	_ =	shalt  }
0x7e: {  	_ =	shalt  }
0x7f: {  	_ =	shalt  }
0x80: {  	_ =	shalt  }
0x81: {  	_ =	shalt  }
0x82: {  	_ =	shalt  }
0x83: {  	_ =	shalt  }
0x84: {  	_ =	shalt  }
0x85: {  	_ =	shalt  }
0x86: {  	_ =	shalt  }
0x87: {  	_ =	shalt  }
.Lfunc_end0:
.L_simem_size_0:
called_computation.3_lowered:
.L_overlay_start_0:
0x88: {  	s2 =	sld [smem:$0x3FD9]  }
0x89: {  	s3 =	sld [smem:$0x3FFE];
	_ =	sdelay $0x1  }
0x8a: {  	s1 =	srdreg.scid  }
0x8b: {  	s0 =	sand.u32 $0x1, s1  }
0x8c: {  	s16 =	sshll.u32 s0, $0xA;
	s2 =	sadd.s32 s3, s2  }
0x8d: {  	s2 =	sadd.s32 s2, s16  }
0x8e: {  	[smem:$0x3F96] =	sst s2  }
0x8f: {  	_ = 	snop  }
0x90: {  	(tm) =	ssettm $0x1  }
0x91: {  	s17 =	sld [smem:$0x3FFB];
	_ =	sdelay $0x3  }
0x92: {  	_ =	strace s17  }
0x93: {  	s2 =	sld [smem:$0x3FFC];
	_ =	sdelay $0x3  }
0x94: {  	_ =	strace s2  }
0x95: {  	s2 =	sld [smem:$0x3FFD];
	_ =	sdelay $0x3  }
0x96: {  	_ =	strace s2  }
0x97: {  	_ =	strace $0x8FFFFFFF  }
0x98: {  	s18 =	sld [smem:$0x3FDB];
	_ =	sdelay $0x1  }
0x99: {  	s19 =	simm.s32 $_scs_section_size  }
0x9a: {  	s4 =	simm.s32 $_size__tile_overlayer_lowered;
	s5 =	simm.s32 $_tile_overlayer_lowered  }
0x9b: {  	s22 =	simm.s32 $0x1BFF;
	s21 =	sshll.u32 s5, $0x1;
	s2 =	sadd.s32 s19, s18  }
0x9c: {  	s6 =	simm.s32 $0x0;
	s20 =	sshll.u32 s4, $0x1;
	s4 =	sadd.s32 s21, s2  }
0x9d: {  	[timem:s6], [sflag:s22] =	dma.local [hbm:s4], s20  }
0x9e: {  	_ =	swait.ge [sflag:s22], s20  }
0x9f: {  	s3 =	ssub.s32 $0x0, s20;
	[sflag:s22] =	ssyncset.done $0x0  }
0xa0: {  	[sflag:s22] =	ssyncadd.s32 s3;
	_ =	sdelay $0x1  }
0xa1: {  	s23 =	simm.s32 $0x1B8B  }
0xa2: {  	_ =	swait.ge [sflag:s23], $0x1  }
0xa3: {  	[sflag:s23] =	ssyncset.done $0x0  }
0xa4: {  	s25 =	simm.s32 $0x1B8E;
	s24 =	sld [smem:$0x3FFE];
	[sflag:s23] =	ssyncadd.s32 $0xFFFFFFFF  }
0xa5: {  	s26 =	simm.s32 $execute0_lowered;
	[smem:$0x3FD2] =	sst s25  }
0xa6: {  	s4 =	sshll.u32 s26, $0x1;
	_ =	strace $0x8000004F;
	[dreg:$0x1] =	wrdreg $0xFFFFFFFF  }
0xa7: {  	s28 =	simm.s32 $_size_execute0_lowered;
	s2 =	sadd.s32 s2, s4;
	[dreg:$0x0] =	wrdreg $0x0  }
0xa8: {  	s4 =	sshll.u32 s28, $0x1;
	[dreg:$0x2] =	wrdreg s2  }
0xa9: {  	[dreg:$0x3] =	wrdreg s4  }
0xaa: {  	[dreg:$0x4] =	wrdreg $0xC0  }
0xab: {  	_ =	task [dreg:s6], $0x5FFFF  }
0xac: {  	[dreg:$0x1] =	wrdreg $0xFFFFFFFF  }
0xad: {  	[dreg:$0x0] =	wrdreg $0x60  }
0xae: {  	[dreg:$0x2] =	wrdreg s24  }
0xaf: {  	[dreg:$0x3] =	wrdreg $0x0  }
0xb0: {  	[dreg:$0x4] =	wrdreg $0x9  }
0xb1: {  	_ =	task.clear_ibuf [dreg:s6], $0x5FFFF;
	_ =	strace $0x9000004F  }
0xb2: {  	s29 =	simm.s32 $0x9;
	_ =	strace $0x80000051  }
0xb3: {  	_ =	swait.ge [sflag:s29], $0x1  }
0xb4: {  	[sflag:s29] =	ssyncadd.s32 $0xFFFFFFFF  }
0xb5: {  	_ =	strace $0x90000051  }
0xb6: {  	_ =	sfence  }
0xb7: {  	s30 =	sld [smem:$0x0];
	_ =	sdelay $0x2  }
0xb8: {  	s31 =	sshll.u32 s1, $0xD;
	s1 =	sshrl.u32 s1, $0x2  }
0xb9: {  	s3 =	sand.u32 $0x4000, s31;
	s1 =	sadd.s32 s1, s30  }
0xba: {  	s0 =	sor.u32 s3, s0;
	s1 =	sshll.u32 s1, $0x11  }
0xbb: {  	s0 =	sor.u32 s1, s0  }
0xbc: {  	s0 =	sadd.s32 $0x8F2B, s0  }
0xbd: {  	[sflag:s0] =	ssyncadd.remote.s32 $0x1  }
0xbe: {  	_ =	sfence.sel $0xFFFF  }
0xbf: {  	[dreg:$0x0] =	wrdreg $0xFFFFFFFF;
	(pc) =	sbr.abs _section_cstart, $3  }
0xc0: {  	[dreg:$0x1] =	wrdreg $0xFFFFFFFF  }
0xc1: {  	_ =	task.clear_ibuf [dreg:s6], $0x2FFFF;
	_ =	strace $0x9FFFFFFF  }
0xc2: {  	(tm) =	ssettm $0x7FFFFFFF  }
0xc3: {  	_ =	shalt  }
tec
execute0_lowered:
.L_overlay_start_1:
0x0: {  	(tag) =	ssettag $0x1  }
0x1: {  	s0 =	rddreg [dreg:$0x0]  }
0x2: {  	s1 =	rddreg [dreg:$0x1];
	s2 =	simm.s32 $0x0;
	s7 =	srdreg.scid  }
0x3: {  	s3 =	stileid.u32;
	s22 =	simm.s32 $0x13C00;
	s23 =	simm.s32 $0x14C00  }
0x4: {  	s24 =	simm.s32 $0x15C00;
	s25 =	simm.s32 $0x80;
	s26 =	simm.s32 $0x1  }
0x5: {  	s28 =	simm.s32 $0x0;
	[smem:$0x7FF] =	sst s2;
	s4 =	sadd.s32 $0x8FA00, s0  }
0x6: {  	s5 =	sadd.s32 $0x7BA00, s0;
	s6 =	sadd.s32 $0x17A200, s0;
	s9 =	sand.u32 $0x1, s7  }
0x7: {  	s7 =	sadd.s32 $0x67A00, s0;
	s10 =	smul.u32 $0x4F000, s3;
	s0 =	sadd.s32 $0x18E200, s0  }
0x8: {  	s12 =	smul.u32 $0x13C00, s3;
	_ =	strace $0x80000050;
	s8 =	ssub.s32 $0x2, s9  }
0x9: {  	s29 =	sshll.u32 s9, $0x4;
	s18 =	smul.u32 $0x13C000, s9;
	s11 =	sshrl.u32 s8, $0x1  }
0xa: {  	s10 =	sshrl.u32 s10, $0x2;
	s13 =	sor.u32 s3, s29;
	s14 =	sadd.s32 $0x4000, s12  }
0xb: {  	s16 =	sadd.s32 $0x8000, s12;
	s17 =	sadd.s32 $0xC000, s12;
	s20 =	sadd.s32 $0x10000, s12  }
0xc: {  	s19 =	ssub.s32 s8, s11;
	s8 =	sadd.s32 s10, s1;
	s9 =	sadd.s32 s14, s1  }
0xd: {  	s10 =	sadd.s32 s16, s1;
	s11 =	sadd.s32 s17, s1;
	s15 =	sadd.s32 s12, s18  }
0xe: {  	s14 =	sadd.s32 s18, s14;
	s12 =	sadd.s32 s20, s1;
	s13 =	smul.u32 $0x5000, s13  }
0xf: {  	s16 =	sadd.s32 s18, s16;
	s17 =	sadd.s32 s18, s17;
	s18 =	sadd.s32 s18, s20  }
0x10: {  	s20 =	simm.s32 $0x16C00;
	s15 =	sshrl.u32 s15, $0x3;
	s21 =	sshrl.u32 s14, $0x3  }
0x11: {  	s16 =	sshrl.u32 s16, $0x3;
	s17 =	sshrl.u32 s17, $0x3;
	s18 =	sshrl.u32 s18, $0x3  }
0x12: {  	s19 =	smax.u32 s19, $0x1;
	s30 =	sadd.s32 s0, s15;
	s31 =	sadd.s32 s0, s21  }
0x13: {  	s16 =	sadd.s32 s0, s16;
	s17 =	sadd.s32 s0, s17;
	[dreg:$0x3] =	wrdreg s30  }
0x14: {  	v0 =	vimm.f32 $0.0e+00;
	s18 =	sadd.s32 s0, s18;
	s21 =	simm.s32 $0x2;
	[dreg:$0x4] =	wrdreg s31  }
.LBB2_1:
0x15: {  	s0 =	simm.s32 $0x0;
	s29 =	simm.s32 $0x200  }
.LBB2_2:
0x16: {  	p0 =	sne.s32 s29, $0xFE00;
	[tilespmem:s0+$0x16C70] =	vst v0  }
0x17: {  	[tilespmem:s0+$0x16C00] =	vst v0  }
0x18: {  	[tilespmem:s0+$0x16C10] =	vst v0  }
.Ltmp0:
0x19: {  	[tilespmem:s0+$0x16C20] =	vst v0;
	(pc) =	sbr.rel @p0 .LBB2_2-.Ltmp0, $4  }
0x1a: {  	[tilespmem:s0+$0x16C30] =	vst v0  }
0x1b: {  	[tilespmem:s0+$0x16C40] =	vst v0  }
0x1c: {  	[tilespmem:s0+$0x16C50] =	vst v0  }
0x1d: {  	[tilespmem:s0+$0x16C60] =	vst v0;
	s0 =	sshra.s32 s29, $0x2;
	s29 =	sadd.s32 $0x200, s29  }
0x1e: {  	[tilespmem:s0+$0x16C70] =	vst v0  }
0x1f: {  	[tilespmem:s0+$0x16C00] =	vst v0  }
0x20: {  	[tilespmem:s0+$0x16C10] =	vst v0  }
0x21: {  	[tilespmem:s0+$0x16C20] =	vst v0  }
0x22: {  	[tilespmem:s0+$0x16C30] =	vst v0  }
0x23: {  	[tilespmem:s0+$0x16C40] =	vst v0  }
0x24: {  	[tilespmem:s0+$0x16C50] =	vst v0  }
0x25: {  	[tilespmem:s0+$0x16C60] =	vst v0  }
0x26: {  	[spmem:s8] =	stream.linear.scatter [tilespmem:s20], [sflag:$0x2], $0x4000, $0x38;
	[tilespmem:$0x1AC00] =	vst v63  }
0x27: {  	_ =	swait.ge [sflag:s21], $0x4000  }
0x28: {  	[sflag:s21] =	ssyncset.done $0x0  }
0x29: {  	[sflag:s21] =	ssyncadd.s32 $0xFFFFC000  }
0x2a: {  	[spmem:s9] =	stream.linear.scatter [tilespmem:s20], [sflag:$0x2], $0x4000, $0x38;
	[tilespmem:$0x1AC00] =	vst v63  }
0x2b: {  	_ =	swait.ge [sflag:s21], $0x4000  }
0x2c: {  	[sflag:s21] =	ssyncset.done $0x0  }
0x2d: {  	[sflag:s21] =	ssyncadd.s32 $0xFFFFC000  }
0x2e: {  	[spmem:s10] =	stream.linear.scatter [tilespmem:s20], [sflag:$0x2], $0x4000, $0x38;
	[tilespmem:$0x1AC00] =	vst v63  }
0x2f: {  	_ =	swait.ge [sflag:s21], $0x4000  }
0x30: {  	[sflag:s21] =	ssyncset.done $0x0  }
0x31: {  	[sflag:s21] =	ssyncadd.s32 $0xFFFFC000  }
0x32: {  	[spmem:s11] =	stream.linear.scatter [tilespmem:s20], [sflag:$0x2], $0x4000, $0x38;
	[tilespmem:$0x1AC00] =	vst v63  }
0x33: {  	_ =	swait.ge [sflag:s21], $0x4000  }
0x34: {  	[sflag:s21] =	ssyncset.done $0x0  }
0x35: {  	[sflag:s21] =	ssyncadd.s32 $0xFFFFC000  }
0x36: {  	[spmem:s12] =	stream.linear.scatter [tilespmem:s20], [sflag:$0x2], $0x3C00, $0x38;
	[tilespmem:$0x1AC00] =	vst v63  }
0x37: {  	_ =	swait.ge [sflag:s21], $0x3C00  }
0x38: {  	[sflag:s21] =	ssyncset.done $0x0  }
0x39: {  	[sflag:s21] =	ssyncadd.s32 $0xFFFFC400  }
0x3a: {  	s29 =	simm.s32 $0x0;
	s30 =	simm.s32 $0x0;
	[bflag:$0x0] =	sbarrier.arrive $0xFFFF  }
.LBB2_4:
0x3b: {  	s0 =	sshll.u32 s30, $0xC  }
0x3c: {  	s0 =	sadd.s32 s13, s0  }
0x3d: {  	s0 =	sshrl.u32 s0, $0x3  }
0x3e: {  	s31 =	sadd.s32 s5, s0  }
0x3f: {  	[tilespmem:s22], [sflag:$0x2] =	stream.linear.gather [hbm4b:s31+s29], $0x1000, $0x38;
	[tilespmem:$0x1AC00] =	vst v63  }
0x40: {  	_ =	swait.ge [sflag:s21], $0x1000  }
0x41: {  	[sflag:s21] =	ssyncset.done $0x0  }
0x42: {  	s31 =	sadd.s32 s6, s0;
	[sflag:s21] =	ssyncadd.s32 $0xFFFFF000  }
0x43: {  	[tilespmem:s23], [sflag:$0x2] =	stream.linear.gather [hbm4b:s31+s29], $0x1000, $0x38;
	[tilespmem:$0x1AC00] =	vst v63  }
0x44: {  	_ =	swait.ge [sflag:s21], $0x1000  }
0x45: {  	[sflag:s21] =	ssyncset.done $0x0  }
0x46: {  	s0 =	sadd.s32 s7, s0;
	[sflag:s21] =	ssyncadd.s32 $0xFFFFF000  }
0x47: {  	[tilespmem:s24], [sflag:$0x2] =	stream.linear.gather [hbm4b:s0+s29], $0x1000, $0x38;
	[tilespmem:$0x1AC00] =	vst v63  }
0x48: {  	_ =	swait.ge [sflag:s21], $0x1000  }
0x49: {  	[sflag:s21] =	ssyncset.done $0x0  }
0x4a: {  	s31 =	simm.s32 $0x0;
	[sflag:s21] =	ssyncadd.s32 $0xFFFFF000  }
0x4b: {  	v3 =	vld [tilespmem:s31+$0x13C00]  }
0x4c: {  	v2 =	vld [tilespmem:s31+$0x14C00]  }
0x4d: {  	v4 =	vld [tilespmem:s31+$0x14C10]  }
0x4e: {  	v6 =	vld [tilespmem:s31+$0x14C20]  }
0x4f: {  	v5 =	vld [tilespmem:s31+$0x13C10]  }
0x50: {  	v1 =	vld [tilespmem:s31+$0x13C20]  }
0x51: {  	v10 =	vld [tilespmem:s31+$0x14C30];
	v7 =	vadd.s32 $0xFFFFFFFF, v2;
	v2 =	vmul.u32 $0x2710, v2  }
0x52: {  	v8 =	vadd.s32 $0xFFFFFFFF, v4;
	v4 =	vmul.u32 $0x2710, v4;
	vm0 =	vlt.u32 v7, $0x4;
	v7 =	vld [tilespmem:s31+$0x14C40]  }
0x53: {  	v12 =	vadd.s32 $0xFFFFFFFF, v6;
	v13 =	vmul.u32 $0x2710, v6;
	v6 =	vld [tilespmem:s31+$0x13C40];
	vm14 =	vlt.u32 v8, $0x4  }
0x54: {  	v9 =	vnsel vm0, $0x0, v2;
	v11 =	vnsel vm14, $0x0, v4;
	v4 =	vld [tilespmem:s31+$0x14C50]  }
0x55: {  	vm15 =	vlt.u32 v12, $0x4;
	v2 =	vld [tilespmem:s31+$0x13C30];
	v8 =	vadd.s32 v3, v9;
	v5 =	vadd.s32 v5, v11  }
0x56: {  	s0 =	simm.s32 $0x200;
	v9 =	vnsel vm15, $0x0, v13;
	v11 =	vadd.s32 $0xFFFFFFFF, v10;
	v10 =	vmul.u32 $0x2710, v10;
	v3 =	vld [tilespmem:s31+$0x14C60]  }
.LBB2_5:
0x57: {  	p0 =	sne.s32 s0, $0x3E00;
	vm0 =	vlt.u32 v11, $0x4;
	v11 =	vadd.s32 $0xFFFFFFFF, v7;
	v7 =	vmul.u32 $0x2710, v7;
	v12 =	vld [tilespmem:s31+$0x14C70]  }
0x58: {  	v1 =	vadd.s32 v1, v9;
	v9 =	vnsel vm0, $0x0, v10;
	vm0 =	vlt.u32 v11, $0x4;
	v10 =	vld [tilespmem:s31+$0x13C50]  }
0x59: {  	[tilespmem:s31+$0x14C00] =	vst v8;
	v7 =	vnsel vm0, $0x0, v7;
	v8 =	vadd.s32 $0xFFFFFFFF, v4;
	v4 =	vmul.u32 $0x2710, v4;
	v11 =	vld [tilespmem:s31+$0x13C60]  }
0x5a: {  	s3 =	sshra.s32 s0, $0x2;
	v2 =	vadd.s32 v2, v9;
	[tilespmem:s31+$0x14C10] =	vst v5;
	v5 =	vadd.s32 v6, v7;
	vm0 =	vlt.u32 v8, $0x4;
	v6 =	vld [tilespmem:s31+$0x13C70]  }
0x5b: {  	v8 =	vld [tilespmem:s3+$0x13C00];
	[tilespmem:s31+$0x14C20] =	vst v1;
	v1 =	vnsel vm0, $0x0, v4;
	v4 =	vadd.s32 $0xFFFFFFFF, v3;
	v3 =	vmul.u32 $0x2710, v3  }
0x5c: {  	v7 =	vld [tilespmem:s3+$0x14C00];
	[tilespmem:s31+$0x14C30] =	vst v2;
	vm0 =	vlt.u32 v4, $0x4;
	v2 =	vadd.s32 $0xFFFFFFFF, v12;
	v4 =	vmul.u32 $0x2710, v12  }
0x5d: {  	v9 =	vld [tilespmem:s3+$0x14C10];
	[tilespmem:s31+$0x14C40] =	vst v5;
	v1 =	vadd.s32 v10, v1;
	v3 =	vnsel vm0, $0x0, v3;
	vm0 =	vlt.u32 v2, $0x4  }
0x5e: {  	v5 =	vld [tilespmem:s3+$0x13C10];
	[tilespmem:s31+$0x14C50] =	vst v1;
	v1 =	vadd.s32 v11, v3;
	v2 =	vnsel vm0, $0x0, v4  }
0x5f: {  	v3 =	vld [tilespmem:s3+$0x14C20];
	[tilespmem:s31+$0x14C60] =	vst v1;
	v2 =	vadd.s32 v6, v2  }
0x60: {  	v1 =	vld [tilespmem:s3+$0x13C20];
	[tilespmem:s31+$0x14C70] =	vst v2;
	s31 =	smov.u32 s3  }
0x61: {  	v2 =	vadd.s32 $0xFFFFFFFF, v7;
	v4 =	vmul.u32 $0x2710, v7;
	v10 =	vld [tilespmem:s31+$0x14C30]  }
.Ltmp1:
0x62: {  	vm0 =	vlt.u32 v2, $0x4;
	v2 =	vadd.s32 $0xFFFFFFFF, v9;
	v6 =	vmul.u32 $0x2710, v9;
	v7 =	vld [tilespmem:s31+$0x14C40];
	(pc) =	sbr.rel @p0 .LBB2_5-.Ltmp1, $4  }
0x63: {  	v9 =	vnsel vm0, $0x0, v4;
	vm0 =	vlt.u32 v2, $0x4;
	v2 =	vld [tilespmem:s31+$0x13C30]  }
0x64: {  	v6 =	vnsel vm0, $0x0, v6;
	v11 =	vadd.s32 $0xFFFFFFFF, v3;
	v3 =	vmul.u32 $0x2710, v3;
	v4 =	vld [tilespmem:s31+$0x14C50]  }
0x65: {  	v8 =	vadd.s32 v8, v9;
	v5 =	vadd.s32 v5, v6;
	vm0 =	vlt.u32 v11, $0x4;
	v6 =	vld [tilespmem:s31+$0x13C40]  }
0x66: {  	s0 =	sadd.s32 $0x200, s0;
	v9 =	vnsel vm0, $0x0, v3;
	v11 =	vadd.s32 $0xFFFFFFFF, v10;
	v10 =	vmul.u32 $0x2710, v10;
	v3 =	vld [tilespmem:s31+$0x14C60]  }
0x67: {  	v12 =	vld [tilespmem:s31+$0x14C70];
	vm0 =	vlt.u32 v11, $0x4;
	v54 =	vadd.s32 $0xFFFFFFFF, v7;
	v55 =	vmul.u32 $0x2710, v7  }
0x68: {  	v13 =	vld [tilespmem:s31+$0x13C50];
	v1 =	vadd.s32 v1, v9;
	v56 =	vnsel vm0, $0x0, v10;
	vm12 =	vlt.u32 v54, $0x4  }
0x69: {  	[tilespmem:s31+$0x14C00] =	vst v8;
	v57 =	vld [tilespmem:s31+$0x13C60];
	v7 =	vnsel vm12, $0x0, v55;
	v58 =	vadd.s32 $0xFFFFFFFF, v4;
	v59 =	vmul.u32 $0x2710, v4  }
0x6a: {  	[tilespmem:s31+$0x14C10] =	vst v5;
	v61 =	vld [tilespmem:s31+$0x13C70];
	v2 =	vadd.s32 v2, v56;
	v60 =	vadd.s32 v6, v7;
	vm13 =	vlt.u32 v58, $0x4  }
0x6b: {  	[tilespmem:s31+$0x14C20] =	vst v1;
	v1 =	vnsel vm13, $0x0, v59;
	v62 =	vadd.s32 $0xFFFFFFFF, v3;
	v3 =	vmul.u32 $0x2710, v3  }
0x6c: {  	[tilespmem:s31+$0x14C30] =	vst v2;
	vm14 =	vlt.u32 v62, $0x4;
	v2 =	vadd.s32 $0xFFFFFFFF, v12;
	v63 =	vmul.u32 $0x2710, v12  }
0x6d: {  	[tilespmem:s31+$0x14C40] =	vst v60;
	v1 =	vadd.s32 v13, v1;
	v3 =	vnsel vm14, $0x0, v3;
	vm15 =	vlt.u32 v2, $0x4  }
0x6e: {  	[tilespmem:s31+$0x14C50] =	vst v1;
	v1 =	vadd.s32 v57, v3;
	v2 =	vnsel vm15, $0x0, v63  }
0x6f: {  	[tilespmem:s31+$0x14C60] =	vst v1;
	v1 =	vadd.s32 v61, v2  }
0x70: {  	s0 =	simm.s32 $0x14C00;
	[tilespmem:s31+$0x14C70] =	vst v1  }
0x71: {  	[tilespmem:s20], [sflag:$0x1] =	stream.indirect.gather [hbm4b:s4+s25], $0x80, s0, s25, $0xb8;
	[tilespmem:$0x1AC00] =	vst v63  }
0x72: {  	_ =	swait.ge [sflag:s26], $0x4000  }
0x73: {  	[sflag:s26] =	ssyncset.done $0x0  }
0x74: {  	s15 =	simm.s32 $0x15C00;
	[sflag:s26] =	ssyncadd.s32 $0xFFFFC000  }
0x75: {  	[spmem:s1] =	stream.indirect.scatter.add.f32 [tilespmem:s20], [sflag:$0x2], $0x80, s15, s25, $0xb8;
	[tilespmem:$0x1AC00] =	vst v63  }
0x76: {  	_ =	swait.ge [sflag:s21], $0x4000  }
0x77: {  	s31 =	simm.s32 $0x400;
	s0 =	simm.s32 $0x80;
	[sflag:s21] =	ssyncset.done $0x0  }
.LBB2_7:
0x78: {  	s3 =	sadd.s32 $0x14C00, s0  }
0x79: {  	[sflag:s21] =	ssyncadd.s32 $0xFFFFC000;
	s14 =	smov.u32 s31;
	s15 =	sadd.s32 $0x200, s31  }
0x7a: {  	[tilespmem:s20], [sflag:$0x1] =	stream.indirect.gather [hbm4b:s4+s25], $0x80, s3, s25, $0xb8;
	[tilespmem:$0x1AC00] =	vst v63  }
0x7b: {  	p0 =	sne.s32 s31, $0x3E00;
	_ =	swait.ge [sflag:s26], $0x4000  }
.Ltmp2:
0x7c: {  	[sflag:s26] =	ssyncset.done $0x0;
	(pc) =	sbr.rel @p0 .LBB2_7-.Ltmp2, $4  }
0x7d: {  	s0 =	sadd.s32 $0x15C00, s0;
	[sflag:s26] =	ssyncadd.s32 $0xFFFFC000  }
0x7e: {  	[spmem:s1] =	stream.indirect.scatter.add.f32 [tilespmem:s20], [sflag:$0x2], $0x80, s0, s25, $0xb8;
	[tilespmem:$0x1AC00] =	vst v63  }
0x7f: {  	_ =	swait.ge [sflag:s21], $0x4000  }
0x80: {  	s31 =	smov.u32 s15;
	s0 =	sshra.s32 s14, $0x2;
	[sflag:s21] =	ssyncset.done $0x0  }
0x81: {  	s3 =	sadd.s32 $0x14C00, s0;
	[sflag:s21] =	ssyncadd.s32 $0xFFFFC000  }
0x82: {  	[tilespmem:s20], [sflag:$0x1] =	stream.indirect.gather [hbm4b:s4+s25], $0x80, s3, s25, $0xb8;
	[tilespmem:$0x1AC00] =	vst v63  }
0x83: {  	s30 =	sadd.s32 $0x1, s30;
	_ =	swait.ge [sflag:s26], $0x4000  }
0x84: {  	p0 =	sne.s32 s30, $0x5;
	[sflag:s26] =	ssyncset.done $0x0  }
.Ltmp3:
0x85: {  	s31 =	sadd.s32 $0x15C00, s0;
	[sflag:s26] =	ssyncadd.s32 $0xFFFFC000;
	(pc) =	sbr.rel @p0 .LBB2_4-.Ltmp3, $4  }
0x86: {  	[spmem:s1] =	stream.indirect.scatter.add.f32 [tilespmem:s20], [sflag:$0x2], $0x80, s31, s25, $0xb8;
	[tilespmem:$0x1AC00] =	vst v63  }
0x87: {  	_ =	swait.ge [sflag:s21], $0x4000  }
0x88: {  	[sflag:s21] =	ssyncset.done $0x0  }
0x89: {  	[sflag:s21] =	ssyncadd.s32 $0xFFFFC000  }
0x8a: {  	[bflag:$0x0] =	sbarrier.arrive $0xFFFF  }
0x8b: {  	[tilespmem:s20], [sflag:$0x2] =	stream.linear.gather [spmem:s8], $0x4000, $0x38;
	[tilespmem:$0x1AC00] =	vst v63  }
0x8c: {  	_ =	swait.ge [sflag:s21], $0x4000  }
0x8d: {  	[sflag:s21] =	ssyncset.done $0x0  }
0x8e: {  	s0 =	rddreg [dreg:$0x3];
	[sflag:s21] =	ssyncadd.s32 $0xFFFFC000  }
0x8f: {  	[hbm4b:s0+s2] =	stream.linear.scatter [tilespmem:s20], [sflag:$0x2], $0x4000, $0x38;
	[tilespmem:$0x1AC00] =	vst v63  }
0x90: {  	_ =	swait.ge [sflag:s21], $0x4000  }
0x91: {  	[sflag:s21] =	ssyncset.done $0x0  }
0x92: {  	[sflag:s21] =	ssyncadd.s32 $0xFFFFC000  }
0x93: {  	[tilespmem:s20], [sflag:$0x2] =	stream.linear.gather [spmem:s9], $0x4000, $0x38;
	[tilespmem:$0x1AC00] =	vst v63  }
0x94: {  	_ =	swait.ge [sflag:s21], $0x4000  }
0x95: {  	[sflag:s21] =	ssyncset.done $0x0  }
0x96: {  	s31 =	rddreg [dreg:$0x4];
	[sflag:s21] =	ssyncadd.s32 $0xFFFFC000  }
0x97: {  	[hbm4b:s31+s2] =	stream.linear.scatter [tilespmem:s20], [sflag:$0x2], $0x4000, $0x38;
	[tilespmem:$0x1AC00] =	vst v63  }
0x98: {  	_ =	swait.ge [sflag:s21], $0x4000  }
0x99: {  	[sflag:s21] =	ssyncset.done $0x0  }
0x9a: {  	[sflag:s21] =	ssyncadd.s32 $0xFFFFC000  }
0x9b: {  	[tilespmem:s20], [sflag:$0x2] =	stream.linear.gather [spmem:s10], $0x4000, $0x38;
	[tilespmem:$0x1AC00] =	vst v63  }
0x9c: {  	_ =	swait.ge [sflag:s21], $0x4000  }
0x9d: {  	[sflag:s21] =	ssyncset.done $0x0  }
0x9e: {  	[sflag:s21] =	ssyncadd.s32 $0xFFFFC000  }
0x9f: {  	[hbm4b:s16+s2] =	stream.linear.scatter [tilespmem:s20], [sflag:$0x2], $0x4000, $0x38;
	[tilespmem:$0x1AC00] =	vst v63  }
0xa0: {  	_ =	swait.ge [sflag:s21], $0x4000  }
0xa1: {  	[sflag:s21] =	ssyncset.done $0x0  }
0xa2: {  	[sflag:s21] =	ssyncadd.s32 $0xFFFFC000  }
0xa3: {  	[tilespmem:s20], [sflag:$0x2] =	stream.linear.gather [spmem:s11], $0x4000, $0x38;
	[tilespmem:$0x1AC00] =	vst v63  }
0xa4: {  	_ =	swait.ge [sflag:s21], $0x4000  }
0xa5: {  	[sflag:s21] =	ssyncset.done $0x0  }
0xa6: {  	[sflag:s21] =	ssyncadd.s32 $0xFFFFC000  }
0xa7: {  	[hbm4b:s17+s2] =	stream.linear.scatter [tilespmem:s20], [sflag:$0x2], $0x4000, $0x38;
	[tilespmem:$0x1AC00] =	vst v63  }
0xa8: {  	_ =	swait.ge [sflag:s21], $0x4000  }
0xa9: {  	[sflag:s21] =	ssyncset.done $0x0  }
0xaa: {  	[sflag:s21] =	ssyncadd.s32 $0xFFFFC000  }
0xab: {  	[tilespmem:s20], [sflag:$0x2] =	stream.linear.gather [spmem:s12], $0x3C00, $0x38;
	[tilespmem:$0x1AC00] =	vst v63  }
0xac: {  	s28 =	sadd.s32 $0x1, s28;
	_ =	swait.ge [sflag:s21], $0x3C00  }
0xad: {  	p0 =	sne.s32 s28, s19;
	[sflag:s21] =	ssyncset.done $0x0  }
.Ltmp4:
0xae: {  	[sflag:s21] =	ssyncadd.s32 $0xFFFFC400;
	(pc) =	sbr.rel @p0 .LBB2_1-.Ltmp4, $4  }
0xaf: {  	[hbm4b:s18+s2] =	stream.linear.scatter [tilespmem:s20], [sflag:$0x2], $0x3C00, $0x38;
	[tilespmem:$0x1AC00] =	vst v63  }
0xb0: {  	_ =	swait.ge [sflag:s21], $0x3C00  }
0xb1: {  	[sflag:s21] =	ssyncset.done $0x0  }
0xb2: {  	[sflag:s21] =	ssyncadd.s32 $0xFFFFC400  }
0xb3: {  	_ =	sfence.sel $0x180000  }
0xb4: {  	[bflag:$0x0] =	sbarrier.arrive $0xFFFF  }
0xb5: {  	_ =	strace $0x90000050  }
0xb6: {  	s0 =	stileid.u32;
	[bflag:$0x2] =	sbarrier.arrive $0xFFFF  }
0xb7: {  	p0 =	sne.s32 s0, $0x0;
	s0 =	rddreg [dreg:$0x2]  }
0xb8: {  	s0 =	sadd.s32 @!p0 $0x100000, s0  }
0xb9: {  	[sflag:s0] =	ssyncadd.tile.s32 @!p0 $0x1;
	_ =	shalt  }
.Lfunc_end2:
_tile_overlayer_lowered:
.L_overlay_start_2:
0xba: {  	(tag) =	ssettag $0x2  }
0xbb: {  	s0 =	rddreg [dreg:$0x0];
	s2 =	stileid.u32  }
0xbc: {  	s1 =	rddreg [dreg:$0x1];
	p0 =	sne.s32 s2, $0x0  }
0xbd: {  	s3 =	rddreg [dreg:$0x2];
	[bflag:$0x3] =	sbarrier.arrive $0xFFFF;
	s2 =	simm.s32 @!p0 $0x1C02  }
0xbe: {  	[timem:s3], [sflag:s2] =	dma.local @!p0 [hbm:s0], s1  }
0xbf: {  	s0 =	simm.s32 @!p0 $0x2  }
0xc0: {  	_ =	swait.ge @!p0 [sflag:s0], s1  }
0xc1: {  	s1 =	ssub.s32 @!p0 $0x0, s1;
	[sflag:s0] =	ssyncset.done @!p0 $0x0  }
0xc2: {  	[sflag:s0] =	ssyncadd.s32 @!p0 s1  }
0xc3: {  	[bflag:$0x3] =	sbarrier.arrive $0xFFFF  }
0xc4: {  	_ =	shalt  }

// kernel: kernel.13.cloned.1.call-start
scs
__scs_entry_jumppad:
0x0: {  	(pc) =	sbr.rel $0x88, $3  }
0x1: {  	(tag) =	ssettag $0x0;
	lr =	simm.s32 $0x1  }
0x2: {  	[smem:$0x3F6F] =	sst lr;
	_ =	strace $0xD0000000  }
0x3: {  	_ = 	snop  }
0x4: {  	_ = 	snop  }
0x5: {  	_ = 	snop  }
0x6: {  	_ = 	snop  }
0x7: {  	_ = 	snop  }
__scs_overlays_trampoline_lowered:
0x8: {  	[smem:$0x3F7E] =	sst s0  }
0x9: {  	[smem:$0x3F7F] =	sst s1  }
0xa: {  	[smem:$0x3F80] =	sst s2  }
0xb: {  	[smem:$0x3F81] =	sst s3  }
0xc: {  	[smem:$0x3F82] =	sst s4  }
0xd: {  	[smem:$0x3F83] =	sst s5  }
0xe: {  	[smem:$0x3F84] =	sst s6  }
0xf: {  	[smem:$0x3F85] =	sst s7  }
0x10: {  	[smem:$0x3F86] =	sst s8  }
0x11: {  	[smem:$0x3F87] =	sst s9;
	s0 =	simm.s32 @!p0 $0x0  }
0x12: {  	s1 =	sld [smem:$0x3F6D];
	s0 =	simm.s32 @p0 $0x1  }
0x13: {  	[smem:$0x3F88] =	sst s0;
	s0 =	simm.s32 @!p1 $0x0  }
0x14: {  	s2 =	sld [smem:$0x3F6C];
	s0 =	simm.s32 @p1 $0x1  }
0x15: {  	[smem:$0x3F89] =	sst s0;
	s0 =	simm.s32 @!p2 $0x0  }
0x16: {  	s3 =	sld [smem:$0x3FDB];
	s0 =	simm.s32 @p2 $0x1  }
0x17: {  	s4 =	simm.s32 $0x1BF5;
	[smem:$0x3F8B] =	sst s0  }
0x18: {  	s0 =	sld [smem:$0x3F6E];
	_ =	swait.ge [sflag:s4], $0x0  }
0x19: {  	s7 =	sld [smem:$0x3F6F]  }
0x1a: {  	s8 =	sadd.s32 $0xFFFFE003, lr  }
0x1b: {  	s9 =	sadd.s32 $0xFFFFFEF7, lr;
	s5 =	simm.s32 $0xFFFFFFFF;
	p2 =	slt.u32 s8, $0xFFFFF086  }
0x1c: {  	p1 =	slt.u32 s9, $0xF7A;
	s5 =	simm.s32 @!p2 $0x0  }
0x1d: {  	s5 =	simm.s32 @p1 $0x1;
	p0 =	seq.s32 s7, s2  }
0x1e: {  	s7 =	smul.u32 @!p0 $0xF7A, s2;
	p2 =	seq.s32 @!p0 s5, $0x0  }
0x1f: {  	s9 =	smul.u32 $0xF7A, s1;
	s8 =	simm.s32 @!p0 $0x1BF5;
	p2 =	por !p2, p0  }
0x20: {  	[sflag:s8] =	ssyncset.s32 @!p0 $0xFFFFF086;
	s6 =	sadd.s32 @!p0 s3, s7;
	s7 =	simm.s32 @!p0 $0x108  }
0x21: {  	s3 =	sadd.s32 s3, s9;
	s6 =	sadd.s32 @!p0 $0x88, s6;
	s7 =	simm.s32 @p2 $0x1082  }
0x22: {  	[simem:s7], [sflag:s8] =	dma.local @!p0 [hbm:s6], $0xF7A  }
0x23: {  	s9 =	sor.u32 $0xD0000000, s2;
	s6 =	simm.s32 $0x108;
	_ =	swait.ge @!p0 [sflag:s8], $0x0  }
0x24: {  	s3 =	sadd.s32 $0x88, s3;
	s6 =	simm.s32 @!p1 $0x1082;
	[sflag:s4] =	ssyncset.s32 $0xFFFFF086  }
0x25: {  	[simem:s6], [sflag:s4] =	dma.local [hbm:s3], $0xF7A  }
0x26: {  	[smem:$0x3F6F] =	sst s1;
	(tag) =	ssettag s2;
	_ =	strace s9  }
0x27: {  	s1 =	sld [smem:$0x3F7F]  }
0x28: {  	s2 =	sld [smem:$0x3F80]  }
0x29: {  	s4 =	sld [smem:$0x3F82]  }
0x2a: {  	p0 =	seq.s32 s5, $0x0;
	s5 =	sld [smem:$0x3F83]  }
0x2b: {  	s6 =	sld [smem:$0x3F84]  }
0x2c: {  	s7 =	sld [smem:$0x3F85]  }
0x2d: {  	s3 =	simm.s32 $0x108;
	s8 =	sld [smem:$0x3F86]  }
0x2e: {  	s3 =	simm.s32 @!p0 $0x1082;
	s9 =	sld [smem:$0x3F87]  }
0x2f: {  	lr =	sadd.s32 s0, s3;
	s0 =	sld [smem:$0x3F7E]  }
0x30: {  	s3 =	sld [smem:$0x3F81]  }
0x31: {  	[smem:$0x3F8A] =	sst s10  }
0x32: {  	s10 =	sld [smem:$0x3F88];
	_ =	sdelay $0x3  }
0x33: {  	p0 =	seq.s32 s10, $0x1;
	s10 =	sld [smem:$0x3F8A];
	_ =	sdelay $0x3  }
0x34: {  	[smem:$0x3F8A] =	sst s10  }
0x35: {  	s10 =	sld [smem:$0x3F89];
	_ =	sdelay $0x3  }
0x36: {  	p1 =	seq.s32 s10, $0x1;
	s10 =	sld [smem:$0x3F8A];
	_ =	sdelay $0x3  }
0x37: {  	[smem:$0x3F8A] =	sst s10  }
0x38: {  	s10 =	sld [smem:$0x3F8B]  }
0x39: {  	_ = 	snop;
	(pc) =	sbr.ind lr, $3  }
0x3a: {  	_ = 	snop  }
0x3b: {  	_ = 	snop  }
0x3c: {  	p2 =	seq.s32 s10, $0x1;
	s10 =	sld [smem:$0x3F8A]  }
0x3d: {  	_ =	shalt  }
0x3e: {  	_ =	shalt  }
0x3f: {  	_ =	shalt  }
0x40: {  	_ =	shalt  }
0x41: {  	_ =	shalt  }
0x42: {  	_ =	shalt  }
0x43: {  	_ =	shalt  }
0x44: {  	_ =	shalt  }
0x45: {  	_ =	shalt  }
0x46: {  	_ =	shalt  }
0x47: {  	_ =	shalt  }
0x48: {  	_ =	shalt  }
0x49: {  	_ =	shalt  }
0x4a: {  	_ =	shalt  }
0x4b: {  	_ =	shalt  }
0x4c: {  	_ =	shalt  }
0x4d: {  	_ =	shalt  }
0x4e: {  	_ =	shalt  }
0x4f: {  	_ =	shalt  }
0x50: {  	_ =	shalt  }
0x51: {  	_ =	shalt  }
0x52: {  	_ =	shalt  }
0x53: {  	_ =	shalt  }
0x54: {  	_ =	shalt  }
0x55: {  	_ =	shalt  }
0x56: {  	_ =	shalt  }
0x57: {  	_ =	shalt  }
0x58: {  	_ =	shalt  }
0x59: {  	_ =	shalt  }
0x5a: {  	_ =	shalt  }
0x5b: {  	_ =	shalt  }
0x5c: {  	_ =	shalt  }
0x5d: {  	_ =	shalt  }
0x5e: {  	_ =	shalt  }
0x5f: {  	_ =	shalt  }
0x60: {  	_ =	shalt  }
0x61: {  	_ =	shalt  }
0x62: {  	_ =	shalt  }
0x63: {  	_ =	shalt  }
0x64: {  	_ =	shalt  }
0x65: {  	_ =	shalt  }
0x66: {  	_ =	shalt  }
0x67: {  	_ =	shalt  }
0x68: {  	_ =	shalt  }
0x69: {  	_ =	shalt  }
0x6a: {  	_ =	shalt  }
0x6b: {  	_ =	shalt  }
0x6c: {  	_ =	shalt  }
0x6d: {  	_ =	shalt  }
0x6e: {  	_ =	shalt  }
0x6f: {  	_ =	shalt  }
0x70: {  	_ =	shalt  }
0x71: {  	_ =	shalt  }
0x72: {  	_ =	shalt  }
0x73: {  	_ =	shalt  }
0x74: {  	_ =	shalt  }
0x75: {  	_ =	shalt  }
0x76: {  	_ =	shalt  }
0x77: {  	_ =	shalt  }
0x78: {  	_ =	shalt  }
0x79: {  	_ =	shalt  }
0x7a: {  	_ =	shalt  }
0x7b: {  	_ =	shalt  }
0x7c: {  	_ =	shalt  }
0x7d: {  	_ =	shalt  }
0x7e: {  	_ =	shalt  }
0x7f: {  	_ =	shalt  }
0x80: {  	_ =	shalt  }
0x81: {  	_ =	shalt  }
0x82: {  	_ =	shalt  }
0x83: {  	_ =	shalt  }
0x84: {  	_ =	shalt  }
0x85: {  	_ =	shalt  }
0x86: {  	_ =	shalt  }
0x87: {  	_ =	shalt  }
.Lfunc_end0:
.L_simem_size_0:
called_computation.4_lowered:
.L_overlay_start_0:
0x88: {  	s2 =	sld [smem:$0x3FD9]  }
0x89: {  	s3 =	sld [smem:$0x3FFE];
	_ =	sdelay $0x1  }
0x8a: {  	s1 =	srdreg.scid  }
0x8b: {  	s0 =	sand.u32 $0x1, s1  }
0x8c: {  	s16 =	sshll.u32 s0, $0xA;
	s2 =	sadd.s32 s3, s2  }
0x8d: {  	s2 =	sadd.s32 s2, s16  }
0x8e: {  	[smem:$0x3F96] =	sst s2  }
0x8f: {  	_ = 	snop  }
0x90: {  	(tm) =	ssettm $0x1  }
0x91: {  	s17 =	sld [smem:$0x3FFB];
	_ =	sdelay $0x3  }
0x92: {  	_ =	strace s17  }
0x93: {  	s2 =	sld [smem:$0x3FFC];
	_ =	sdelay $0x3  }
0x94: {  	_ =	strace s2  }
0x95: {  	s2 =	sld [smem:$0x3FFD];
	_ =	sdelay $0x3  }
0x96: {  	_ =	strace s2  }
0x97: {  	_ =	strace $0x8FFFFFFF  }
0x98: {  	s18 =	sld [smem:$0x3FDB];
	_ =	sdelay $0x1  }
0x99: {  	s19 =	simm.s32 $_scs_section_size  }
0x9a: {  	s4 =	simm.s32 $_size__tile_overlayer_lowered;
	s5 =	simm.s32 $_tile_overlayer_lowered  }
0x9b: {  	s22 =	simm.s32 $0x1BFF;
	s21 =	sshll.u32 s5, $0x1;
	s2 =	sadd.s32 s19, s18  }
0x9c: {  	s6 =	simm.s32 $0x0;
	s20 =	sshll.u32 s4, $0x1;
	s4 =	sadd.s32 s21, s2  }
0x9d: {  	[timem:s6], [sflag:s22] =	dma.local [hbm:s4], s20  }
0x9e: {  	_ =	swait.ge [sflag:s22], s20  }
0x9f: {  	s3 =	ssub.s32 $0x0, s20;
	[sflag:s22] =	ssyncset.done $0x0  }
0xa0: {  	[sflag:s22] =	ssyncadd.s32 s3;
	_ =	sdelay $0x1  }
0xa1: {  	s23 =	simm.s32 $0x1B8B  }
0xa2: {  	_ =	swait.ge [sflag:s23], $0x1  }
0xa3: {  	[sflag:s23] =	ssyncset.done $0x0  }
0xa4: {  	s25 =	simm.s32 $0x1B8E;
	s24 =	sld [smem:$0x3FFE];
	[sflag:s23] =	ssyncadd.s32 $0xFFFFFFFF  }
0xa5: {  	s26 =	simm.s32 $execute0_lowered;
	[smem:$0x3FD2] =	sst s25  }
0xa6: {  	s4 =	sshll.u32 s26, $0x1;
	_ =	strace $0x80000052;
	[dreg:$0x1] =	wrdreg $0xFFFFFFFF  }
0xa7: {  	s28 =	simm.s32 $_size_execute0_lowered;
	s2 =	sadd.s32 s2, s4;
	[dreg:$0x0] =	wrdreg $0x0  }
0xa8: {  	s4 =	sshll.u32 s28, $0x1;
	[dreg:$0x2] =	wrdreg s2  }
0xa9: {  	[dreg:$0x3] =	wrdreg s4  }
0xaa: {  	[dreg:$0x4] =	wrdreg $0xC0  }
0xab: {  	_ =	task [dreg:s6], $0x5FFFF  }
0xac: {  	[dreg:$0x1] =	wrdreg $0xFFFFFFFF  }
0xad: {  	[dreg:$0x0] =	wrdreg $0x60  }
0xae: {  	[dreg:$0x2] =	wrdreg s24  }
0xaf: {  	[dreg:$0x3] =	wrdreg $0x0  }
0xb0: {  	[dreg:$0x4] =	wrdreg $0x9  }
0xb1: {  	_ =	task.clear_ibuf [dreg:s6], $0x5FFFF;
	_ =	strace $0x90000052  }
0xb2: {  	s29 =	simm.s32 $0x9;
	_ =	strace $0x80000054  }
0xb3: {  	_ =	swait.ge [sflag:s29], $0x1  }
0xb4: {  	[sflag:s29] =	ssyncadd.s32 $0xFFFFFFFF  }
0xb5: {  	_ =	strace $0x90000054  }
0xb6: {  	_ =	sfence  }
0xb7: {  	s30 =	sld [smem:$0x0];
	_ =	sdelay $0x2  }
0xb8: {  	s31 =	sshll.u32 s1, $0xD;
	s1 =	sshrl.u32 s1, $0x2  }
0xb9: {  	s3 =	sand.u32 $0x4000, s31;
	s1 =	sadd.s32 s1, s30  }
0xba: {  	s0 =	sor.u32 s3, s0;
	s1 =	sshll.u32 s1, $0x11  }
0xbb: {  	s0 =	sor.u32 s1, s0  }
0xbc: {  	s0 =	sadd.s32 $0x8F2B, s0  }
0xbd: {  	[sflag:s0] =	ssyncadd.remote.s32 $0x1  }
0xbe: {  	_ =	sfence.sel $0xFFFF  }
0xbf: {  	[dreg:$0x0] =	wrdreg $0xFFFFFFFF;
	(pc) =	sbr.abs _section_cstart, $3  }
0xc0: {  	[dreg:$0x1] =	wrdreg $0xFFFFFFFF  }
0xc1: {  	_ =	task.clear_ibuf [dreg:s6], $0x2FFFF;
	_ =	strace $0x9FFFFFFF  }
0xc2: {  	(tm) =	ssettm $0x7FFFFFFF  }
0xc3: {  	_ =	shalt  }
tec
execute0_lowered:
.L_overlay_start_1:
0x0: {  	(tag) =	ssettag $0x1  }
0x1: {  	s0 =	rddreg [dreg:$0x0]  }
0x2: {  	s1 =	rddreg [dreg:$0x1];
	s2 =	simm.s32 $0x0;
	s7 =	srdreg.scid  }
0x3: {  	s3 =	stileid.u32;
	s22 =	simm.s32 $0x13C00;
	s23 =	simm.s32 $0x14C00  }
0x4: {  	s24 =	simm.s32 $0x15C00;
	s25 =	simm.s32 $0x80;
	s26 =	simm.s32 $0x1  }
0x5: {  	s28 =	simm.s32 $0x0;
	[smem:$0x7FF] =	sst s2;
	s4 =	sadd.s32 $0x8FA00, s0  }
0x6: {  	s5 =	sadd.s32 $0x7BA00, s0;
	s6 =	sadd.s32 $0x17A200, s0;
	s9 =	sand.u32 $0x1, s7  }
0x7: {  	s7 =	sadd.s32 $0x67A00, s0;
	s10 =	smul.u32 $0x4F000, s3;
	s0 =	sadd.s32 $0x2800, s0  }
0x8: {  	s12 =	smul.u32 $0x13C00, s3;
	_ =	strace $0x80000053;
	s8 =	ssub.s32 $0x2, s9  }
0x9: {  	s29 =	sshll.u32 s9, $0x4;
	s18 =	smul.u32 $0x13C000, s9;
	s11 =	sshrl.u32 s8, $0x1  }
0xa: {  	s10 =	sshrl.u32 s10, $0x2;
	s13 =	sor.u32 s3, s29;
	s14 =	sadd.s32 $0x4000, s12  }
0xb: {  	s16 =	sadd.s32 $0x8000, s12;
	s17 =	sadd.s32 $0xC000, s12;
	s20 =	sadd.s32 $0x10000, s12  }
0xc: {  	s19 =	ssub.s32 s8, s11;
	s8 =	sadd.s32 s10, s1;
	s9 =	sadd.s32 s14, s1  }
0xd: {  	s10 =	sadd.s32 s16, s1;
	s11 =	sadd.s32 s17, s1;
	s15 =	sadd.s32 s12, s18  }
0xe: {  	s14 =	sadd.s32 s18, s14;
	s12 =	sadd.s32 s20, s1;
	s13 =	smul.u32 $0x5000, s13  }
0xf: {  	s16 =	sadd.s32 s18, s16;
	s17 =	sadd.s32 s18, s17;
	s18 =	sadd.s32 s18, s20  }
0x10: {  	s20 =	simm.s32 $0x16C00;
	s15 =	sshrl.u32 s15, $0x3;
	s21 =	sshrl.u32 s14, $0x3  }
0x11: {  	s16 =	sshrl.u32 s16, $0x3;
	s17 =	sshrl.u32 s17, $0x3;
	s18 =	sshrl.u32 s18, $0x3  }
0x12: {  	s19 =	smax.u32 s19, $0x1;
	s30 =	sadd.s32 s0, s15;
	s31 =	sadd.s32 s0, s21  }
0x13: {  	s16 =	sadd.s32 s0, s16;
	s17 =	sadd.s32 s0, s17;
	[dreg:$0x3] =	wrdreg s30  }
0x14: {  	v0 =	vimm.f32 $0.0e+00;
	s18 =	sadd.s32 s0, s18;
	s21 =	simm.s32 $0x2;
	[dreg:$0x4] =	wrdreg s31  }
.LBB2_1:
0x15: {  	s0 =	simm.s32 $0x0;
	s29 =	simm.s32 $0x200  }
.LBB2_2:
0x16: {  	p0 =	sne.s32 s29, $0xFE00;
	[tilespmem:s0+$0x16C70] =	vst v0  }
0x17: {  	[tilespmem:s0+$0x16C00] =	vst v0  }
0x18: {  	[tilespmem:s0+$0x16C10] =	vst v0  }
.Ltmp0:
0x19: {  	[tilespmem:s0+$0x16C20] =	vst v0;
	(pc) =	sbr.rel @p0 .LBB2_2-.Ltmp0, $4  }
0x1a: {  	[tilespmem:s0+$0x16C30] =	vst v0  }
0x1b: {  	[tilespmem:s0+$0x16C40] =	vst v0  }
0x1c: {  	[tilespmem:s0+$0x16C50] =	vst v0  }
0x1d: {  	[tilespmem:s0+$0x16C60] =	vst v0;
	s0 =	sshra.s32 s29, $0x2;
	s29 =	sadd.s32 $0x200, s29  }
0x1e: {  	[tilespmem:s0+$0x16C70] =	vst v0  }
0x1f: {  	[tilespmem:s0+$0x16C00] =	vst v0  }
0x20: {  	[tilespmem:s0+$0x16C10] =	vst v0  }
0x21: {  	[tilespmem:s0+$0x16C20] =	vst v0  }
0x22: {  	[tilespmem:s0+$0x16C30] =	vst v0  }
0x23: {  	[tilespmem:s0+$0x16C40] =	vst v0  }
0x24: {  	[tilespmem:s0+$0x16C50] =	vst v0  }
0x25: {  	[tilespmem:s0+$0x16C60] =	vst v0  }
0x26: {  	[spmem:s8] =	stream.linear.scatter [tilespmem:s20], [sflag:$0x2], $0x4000, $0x38;
	[tilespmem:$0x1AC00] =	vst v63  }
0x27: {  	_ =	swait.ge [sflag:s21], $0x4000  }
0x28: {  	[sflag:s21] =	ssyncset.done $0x0  }
0x29: {  	[sflag:s21] =	ssyncadd.s32 $0xFFFFC000  }
0x2a: {  	[spmem:s9] =	stream.linear.scatter [tilespmem:s20], [sflag:$0x2], $0x4000, $0x38;
	[tilespmem:$0x1AC00] =	vst v63  }
0x2b: {  	_ =	swait.ge [sflag:s21], $0x4000  }
0x2c: {  	[sflag:s21] =	ssyncset.done $0x0  }
0x2d: {  	[sflag:s21] =	ssyncadd.s32 $0xFFFFC000  }
0x2e: {  	[spmem:s10] =	stream.linear.scatter [tilespmem:s20], [sflag:$0x2], $0x4000, $0x38;
	[tilespmem:$0x1AC00] =	vst v63  }
0x2f: {  	_ =	swait.ge [sflag:s21], $0x4000  }
0x30: {  	[sflag:s21] =	ssyncset.done $0x0  }
0x31: {  	[sflag:s21] =	ssyncadd.s32 $0xFFFFC000  }
0x32: {  	[spmem:s11] =	stream.linear.scatter [tilespmem:s20], [sflag:$0x2], $0x4000, $0x38;
	[tilespmem:$0x1AC00] =	vst v63  }
0x33: {  	_ =	swait.ge [sflag:s21], $0x4000  }
0x34: {  	[sflag:s21] =	ssyncset.done $0x0  }
0x35: {  	[sflag:s21] =	ssyncadd.s32 $0xFFFFC000  }
0x36: {  	[spmem:s12] =	stream.linear.scatter [tilespmem:s20], [sflag:$0x2], $0x3C00, $0x38;
	[tilespmem:$0x1AC00] =	vst v63  }
0x37: {  	_ =	swait.ge [sflag:s21], $0x3C00  }
0x38: {  	[sflag:s21] =	ssyncset.done $0x0  }
0x39: {  	[sflag:s21] =	ssyncadd.s32 $0xFFFFC400  }
0x3a: {  	s29 =	simm.s32 $0x0;
	s30 =	simm.s32 $0x0;
	[bflag:$0x0] =	sbarrier.arrive $0xFFFF  }
.LBB2_4:
0x3b: {  	s0 =	sshll.u32 s30, $0xC  }
0x3c: {  	s0 =	sadd.s32 s13, s0  }
0x3d: {  	s0 =	sshrl.u32 s0, $0x3  }
0x3e: {  	s31 =	sadd.s32 s5, s0  }
0x3f: {  	[tilespmem:s22], [sflag:$0x2] =	stream.linear.gather [hbm4b:s31+s29], $0x1000, $0x38;
	[tilespmem:$0x1AC00] =	vst v63  }
0x40: {  	_ =	swait.ge [sflag:s21], $0x1000  }
0x41: {  	[sflag:s21] =	ssyncset.done $0x0  }
0x42: {  	s31 =	sadd.s32 s6, s0;
	[sflag:s21] =	ssyncadd.s32 $0xFFFFF000  }
0x43: {  	[tilespmem:s23], [sflag:$0x2] =	stream.linear.gather [hbm4b:s31+s29], $0x1000, $0x38;
	[tilespmem:$0x1AC00] =	vst v63  }
0x44: {  	_ =	swait.ge [sflag:s21], $0x1000  }
0x45: {  	[sflag:s21] =	ssyncset.done $0x0  }
0x46: {  	s0 =	sadd.s32 s7, s0;
	[sflag:s21] =	ssyncadd.s32 $0xFFFFF000  }
0x47: {  	[tilespmem:s24], [sflag:$0x2] =	stream.linear.gather [hbm4b:s0+s29], $0x1000, $0x38;
	[tilespmem:$0x1AC00] =	vst v63  }
0x48: {  	_ =	swait.ge [sflag:s21], $0x1000  }
0x49: {  	[sflag:s21] =	ssyncset.done $0x0  }
0x4a: {  	s31 =	simm.s32 $0x0;
	[sflag:s21] =	ssyncadd.s32 $0xFFFFF000  }
0x4b: {  	v3 =	vld [tilespmem:s31+$0x13C00]  }
0x4c: {  	v2 =	vld [tilespmem:s31+$0x14C00]  }
0x4d: {  	v4 =	vld [tilespmem:s31+$0x14C10]  }
0x4e: {  	v6 =	vld [tilespmem:s31+$0x14C20]  }
0x4f: {  	v5 =	vld [tilespmem:s31+$0x13C10]  }
0x50: {  	v1 =	vld [tilespmem:s31+$0x13C20]  }
0x51: {  	v10 =	vld [tilespmem:s31+$0x14C30];
	v7 =	vadd.s32 $0xFFFFFFFF, v2;
	v2 =	vmul.u32 $0x2710, v2  }
0x52: {  	v8 =	vadd.s32 $0xFFFFFFFF, v4;
	v4 =	vmul.u32 $0x2710, v4;
	vm0 =	vlt.u32 v7, $0x4;
	v7 =	vld [tilespmem:s31+$0x14C40]  }
0x53: {  	v12 =	vadd.s32 $0xFFFFFFFF, v6;
	v13 =	vmul.u32 $0x2710, v6;
	v6 =	vld [tilespmem:s31+$0x13C40];
	vm14 =	vlt.u32 v8, $0x4  }
0x54: {  	v9 =	vnsel vm0, $0x0, v2;
	v11 =	vnsel vm14, $0x0, v4;
	v4 =	vld [tilespmem:s31+$0x14C50]  }
0x55: {  	vm15 =	vlt.u32 v12, $0x4;
	v2 =	vld [tilespmem:s31+$0x13C30];
	v8 =	vadd.s32 v3, v9;
	v5 =	vadd.s32 v5, v11  }
0x56: {  	s0 =	simm.s32 $0x200;
	v9 =	vnsel vm15, $0x0, v13;
	v11 =	vadd.s32 $0xFFFFFFFF, v10;
	v10 =	vmul.u32 $0x2710, v10;
	v3 =	vld [tilespmem:s31+$0x14C60]  }
.LBB2_5:
0x57: {  	p0 =	sne.s32 s0, $0x3E00;
	vm0 =	vlt.u32 v11, $0x4;
	v11 =	vadd.s32 $0xFFFFFFFF, v7;
	v7 =	vmul.u32 $0x2710, v7;
	v12 =	vld [tilespmem:s31+$0x14C70]  }
0x58: {  	v1 =	vadd.s32 v1, v9;
	v9 =	vnsel vm0, $0x0, v10;
	vm0 =	vlt.u32 v11, $0x4;
	v10 =	vld [tilespmem:s31+$0x13C50]  }
0x59: {  	[tilespmem:s31+$0x14C00] =	vst v8;
	v7 =	vnsel vm0, $0x0, v7;
	v8 =	vadd.s32 $0xFFFFFFFF, v4;
	v4 =	vmul.u32 $0x2710, v4;
	v11 =	vld [tilespmem:s31+$0x13C60]  }
0x5a: {  	s3 =	sshra.s32 s0, $0x2;
	v2 =	vadd.s32 v2, v9;
	[tilespmem:s31+$0x14C10] =	vst v5;
	v5 =	vadd.s32 v6, v7;
	vm0 =	vlt.u32 v8, $0x4;
	v6 =	vld [tilespmem:s31+$0x13C70]  }
0x5b: {  	v8 =	vld [tilespmem:s3+$0x13C00];
	[tilespmem:s31+$0x14C20] =	vst v1;
	v1 =	vnsel vm0, $0x0, v4;
	v4 =	vadd.s32 $0xFFFFFFFF, v3;
	v3 =	vmul.u32 $0x2710, v3  }
0x5c: {  	v7 =	vld [tilespmem:s3+$0x14C00];
	[tilespmem:s31+$0x14C30] =	vst v2;
	vm0 =	vlt.u32 v4, $0x4;
	v2 =	vadd.s32 $0xFFFFFFFF, v12;
	v4 =	vmul.u32 $0x2710, v12  }
0x5d: {  	v9 =	vld [tilespmem:s3+$0x14C10];
	[tilespmem:s31+$0x14C40] =	vst v5;
	v1 =	vadd.s32 v10, v1;
	v3 =	vnsel vm0, $0x0, v3;
	vm0 =	vlt.u32 v2, $0x4  }
0x5e: {  	v5 =	vld [tilespmem:s3+$0x13C10];
	[tilespmem:s31+$0x14C50] =	vst v1;
	v1 =	vadd.s32 v11, v3;
	v2 =	vnsel vm0, $0x0, v4  }
0x5f: {  	v3 =	vld [tilespmem:s3+$0x14C20];
	[tilespmem:s31+$0x14C60] =	vst v1;
	v2 =	vadd.s32 v6, v2  }
0x60: {  	v1 =	vld [tilespmem:s3+$0x13C20];
	[tilespmem:s31+$0x14C70] =	vst v2;
	s31 =	smov.u32 s3  }
0x61: {  	v2 =	vadd.s32 $0xFFFFFFFF, v7;
	v4 =	vmul.u32 $0x2710, v7;
	v10 =	vld [tilespmem:s31+$0x14C30]  }
.Ltmp1:
0x62: {  	vm0 =	vlt.u32 v2, $0x4;
	v2 =	vadd.s32 $0xFFFFFFFF, v9;
	v6 =	vmul.u32 $0x2710, v9;
	v7 =	vld [tilespmem:s31+$0x14C40];
	(pc) =	sbr.rel @p0 .LBB2_5-.Ltmp1, $4  }
0x63: {  	v9 =	vnsel vm0, $0x0, v4;
	vm0 =	vlt.u32 v2, $0x4;
	v2 =	vld [tilespmem:s31+$0x13C30]  }
0x64: {  	v6 =	vnsel vm0, $0x0, v6;
	v11 =	vadd.s32 $0xFFFFFFFF, v3;
	v3 =	vmul.u32 $0x2710, v3;
	v4 =	vld [tilespmem:s31+$0x14C50]  }
0x65: {  	v8 =	vadd.s32 v8, v9;
	v5 =	vadd.s32 v5, v6;
	vm0 =	vlt.u32 v11, $0x4;
	v6 =	vld [tilespmem:s31+$0x13C40]  }
0x66: {  	s0 =	sadd.s32 $0x200, s0;
	v9 =	vnsel vm0, $0x0, v3;
	v11 =	vadd.s32 $0xFFFFFFFF, v10;
	v10 =	vmul.u32 $0x2710, v10;
	v3 =	vld [tilespmem:s31+$0x14C60]  }
0x67: {  	v12 =	vld [tilespmem:s31+$0x14C70];
	vm0 =	vlt.u32 v11, $0x4;
	v54 =	vadd.s32 $0xFFFFFFFF, v7;
	v55 =	vmul.u32 $0x2710, v7  }
0x68: {  	v13 =	vld [tilespmem:s31+$0x13C50];
	v1 =	vadd.s32 v1, v9;
	v56 =	vnsel vm0, $0x0, v10;
	vm12 =	vlt.u32 v54, $0x4  }
0x69: {  	[tilespmem:s31+$0x14C00] =	vst v8;
	v57 =	vld [tilespmem:s31+$0x13C60];
	v7 =	vnsel vm12, $0x0, v55;
	v58 =	vadd.s32 $0xFFFFFFFF, v4;
	v59 =	vmul.u32 $0x2710, v4  }
0x6a: {  	[tilespmem:s31+$0x14C10] =	vst v5;
	v61 =	vld [tilespmem:s31+$0x13C70];
	v2 =	vadd.s32 v2, v56;
	v60 =	vadd.s32 v6, v7;
	vm13 =	vlt.u32 v58, $0x4  }
0x6b: {  	[tilespmem:s31+$0x14C20] =	vst v1;
	v1 =	vnsel vm13, $0x0, v59;
	v62 =	vadd.s32 $0xFFFFFFFF, v3;
	v3 =	vmul.u32 $0x2710, v3  }
0x6c: {  	[tilespmem:s31+$0x14C30] =	vst v2;
	vm14 =	vlt.u32 v62, $0x4;
	v2 =	vadd.s32 $0xFFFFFFFF, v12;
	v63 =	vmul.u32 $0x2710, v12  }
0x6d: {  	[tilespmem:s31+$0x14C40] =	vst v60;
	v1 =	vadd.s32 v13, v1;
	v3 =	vnsel vm14, $0x0, v3;
	vm15 =	vlt.u32 v2, $0x4  }
0x6e: {  	[tilespmem:s31+$0x14C50] =	vst v1;
	v1 =	vadd.s32 v57, v3;
	v2 =	vnsel vm15, $0x0, v63  }
0x6f: {  	[tilespmem:s31+$0x14C60] =	vst v1;
	v1 =	vadd.s32 v61, v2  }
0x70: {  	s0 =	simm.s32 $0x14C00;
	[tilespmem:s31+$0x14C70] =	vst v1  }
0x71: {  	[tilespmem:s20], [sflag:$0x1] =	stream.indirect.gather [hbm4b:s4+s25], $0x80, s0, s25, $0xb8;
	[tilespmem:$0x1AC00] =	vst v63  }
0x72: {  	_ =	swait.ge [sflag:s26], $0x4000  }
0x73: {  	[sflag:s26] =	ssyncset.done $0x0  }
0x74: {  	s15 =	simm.s32 $0x15C00;
	[sflag:s26] =	ssyncadd.s32 $0xFFFFC000  }
0x75: {  	[spmem:s1] =	stream.indirect.scatter.add.f32 [tilespmem:s20], [sflag:$0x2], $0x80, s15, s25, $0xb8;
	[tilespmem:$0x1AC00] =	vst v63  }
0x76: {  	_ =	swait.ge [sflag:s21], $0x4000  }
0x77: {  	s31 =	simm.s32 $0x400;
	s0 =	simm.s32 $0x80;
	[sflag:s21] =	ssyncset.done $0x0  }
.LBB2_7:
0x78: {  	s3 =	sadd.s32 $0x14C00, s0  }
0x79: {  	[sflag:s21] =	ssyncadd.s32 $0xFFFFC000;
	s14 =	smov.u32 s31;
	s15 =	sadd.s32 $0x200, s31  }
0x7a: {  	[tilespmem:s20], [sflag:$0x1] =	stream.indirect.gather [hbm4b:s4+s25], $0x80, s3, s25, $0xb8;
	[tilespmem:$0x1AC00] =	vst v63  }
0x7b: {  	p0 =	sne.s32 s31, $0x3E00;
	_ =	swait.ge [sflag:s26], $0x4000  }
.Ltmp2:
0x7c: {  	[sflag:s26] =	ssyncset.done $0x0;
	(pc) =	sbr.rel @p0 .LBB2_7-.Ltmp2, $4  }
0x7d: {  	s0 =	sadd.s32 $0x15C00, s0;
	[sflag:s26] =	ssyncadd.s32 $0xFFFFC000  }
0x7e: {  	[spmem:s1] =	stream.indirect.scatter.add.f32 [tilespmem:s20], [sflag:$0x2], $0x80, s0, s25, $0xb8;
	[tilespmem:$0x1AC00] =	vst v63  }
0x7f: {  	_ =	swait.ge [sflag:s21], $0x4000  }
0x80: {  	s31 =	smov.u32 s15;
	s0 =	sshra.s32 s14, $0x2;
	[sflag:s21] =	ssyncset.done $0x0  }
0x81: {  	s3 =	sadd.s32 $0x14C00, s0;
	[sflag:s21] =	ssyncadd.s32 $0xFFFFC000  }
0x82: {  	[tilespmem:s20], [sflag:$0x1] =	stream.indirect.gather [hbm4b:s4+s25], $0x80, s3, s25, $0xb8;
	[tilespmem:$0x1AC00] =	vst v63  }
0x83: {  	s30 =	sadd.s32 $0x1, s30;
	_ =	swait.ge [sflag:s26], $0x4000  }
0x84: {  	p0 =	sne.s32 s30, $0x5;
	[sflag:s26] =	ssyncset.done $0x0  }
.Ltmp3:
0x85: {  	s31 =	sadd.s32 $0x15C00, s0;
	[sflag:s26] =	ssyncadd.s32 $0xFFFFC000;
	(pc) =	sbr.rel @p0 .LBB2_4-.Ltmp3, $4  }
0x86: {  	[spmem:s1] =	stream.indirect.scatter.add.f32 [tilespmem:s20], [sflag:$0x2], $0x80, s31, s25, $0xb8;
	[tilespmem:$0x1AC00] =	vst v63  }
0x87: {  	_ =	swait.ge [sflag:s21], $0x4000  }
0x88: {  	[sflag:s21] =	ssyncset.done $0x0  }
0x89: {  	[sflag:s21] =	ssyncadd.s32 $0xFFFFC000  }
0x8a: {  	[bflag:$0x0] =	sbarrier.arrive $0xFFFF  }
0x8b: {  	[tilespmem:s20], [sflag:$0x2] =	stream.linear.gather [spmem:s8], $0x4000, $0x38;
	[tilespmem:$0x1AC00] =	vst v63  }
0x8c: {  	_ =	swait.ge [sflag:s21], $0x4000  }
0x8d: {  	[sflag:s21] =	ssyncset.done $0x0  }
0x8e: {  	s0 =	rddreg [dreg:$0x3];
	[sflag:s21] =	ssyncadd.s32 $0xFFFFC000  }
0x8f: {  	[hbm4b:s0+s2] =	stream.linear.scatter [tilespmem:s20], [sflag:$0x2], $0x4000, $0x38;
	[tilespmem:$0x1AC00] =	vst v63  }
0x90: {  	_ =	swait.ge [sflag:s21], $0x4000  }
0x91: {  	[sflag:s21] =	ssyncset.done $0x0  }
0x92: {  	[sflag:s21] =	ssyncadd.s32 $0xFFFFC000  }
0x93: {  	[tilespmem:s20], [sflag:$0x2] =	stream.linear.gather [spmem:s9], $0x4000, $0x38;
	[tilespmem:$0x1AC00] =	vst v63  }
0x94: {  	_ =	swait.ge [sflag:s21], $0x4000  }
0x95: {  	[sflag:s21] =	ssyncset.done $0x0  }
0x96: {  	s31 =	rddreg [dreg:$0x4];
	[sflag:s21] =	ssyncadd.s32 $0xFFFFC000  }
0x97: {  	[hbm4b:s31+s2] =	stream.linear.scatter [tilespmem:s20], [sflag:$0x2], $0x4000, $0x38;
	[tilespmem:$0x1AC00] =	vst v63  }
0x98: {  	_ =	swait.ge [sflag:s21], $0x4000  }
0x99: {  	[sflag:s21] =	ssyncset.done $0x0  }
0x9a: {  	[sflag:s21] =	ssyncadd.s32 $0xFFFFC000  }
0x9b: {  	[tilespmem:s20], [sflag:$0x2] =	stream.linear.gather [spmem:s10], $0x4000, $0x38;
	[tilespmem:$0x1AC00] =	vst v63  }
0x9c: {  	_ =	swait.ge [sflag:s21], $0x4000  }
0x9d: {  	[sflag:s21] =	ssyncset.done $0x0  }
0x9e: {  	[sflag:s21] =	ssyncadd.s32 $0xFFFFC000  }
0x9f: {  	[hbm4b:s16+s2] =	stream.linear.scatter [tilespmem:s20], [sflag:$0x2], $0x4000, $0x38;
	[tilespmem:$0x1AC00] =	vst v63  }
0xa0: {  	_ =	swait.ge [sflag:s21], $0x4000  }
0xa1: {  	[sflag:s21] =	ssyncset.done $0x0  }
0xa2: {  	[sflag:s21] =	ssyncadd.s32 $0xFFFFC000  }
0xa3: {  	[tilespmem:s20], [sflag:$0x2] =	stream.linear.gather [spmem:s11], $0x4000, $0x38;
	[tilespmem:$0x1AC00] =	vst v63  }
0xa4: {  	_ =	swait.ge [sflag:s21], $0x4000  }
0xa5: {  	[sflag:s21] =	ssyncset.done $0x0  }
0xa6: {  	[sflag:s21] =	ssyncadd.s32 $0xFFFFC000  }
0xa7: {  	[hbm4b:s17+s2] =	stream.linear.scatter [tilespmem:s20], [sflag:$0x2], $0x4000, $0x38;
	[tilespmem:$0x1AC00] =	vst v63  }
0xa8: {  	_ =	swait.ge [sflag:s21], $0x4000  }
0xa9: {  	[sflag:s21] =	ssyncset.done $0x0  }
0xaa: {  	[sflag:s21] =	ssyncadd.s32 $0xFFFFC000  }
0xab: {  	[tilespmem:s20], [sflag:$0x2] =	stream.linear.gather [spmem:s12], $0x3C00, $0x38;
	[tilespmem:$0x1AC00] =	vst v63  }
0xac: {  	s28 =	sadd.s32 $0x1, s28;
	_ =	swait.ge [sflag:s21], $0x3C00  }
0xad: {  	p0 =	sne.s32 s28, s19;
	[sflag:s21] =	ssyncset.done $0x0  }
.Ltmp4:
0xae: {  	[sflag:s21] =	ssyncadd.s32 $0xFFFFC400;
	(pc) =	sbr.rel @p0 .LBB2_1-.Ltmp4, $4  }
0xaf: {  	[hbm4b:s18+s2] =	stream.linear.scatter [tilespmem:s20], [sflag:$0x2], $0x3C00, $0x38;
	[tilespmem:$0x1AC00] =	vst v63  }
0xb0: {  	_ =	swait.ge [sflag:s21], $0x3C00  }
0xb1: {  	[sflag:s21] =	ssyncset.done $0x0  }
0xb2: {  	[sflag:s21] =	ssyncadd.s32 $0xFFFFC400  }
0xb3: {  	_ =	sfence.sel $0x180000  }
0xb4: {  	[bflag:$0x0] =	sbarrier.arrive $0xFFFF  }
0xb5: {  	_ =	strace $0x90000053  }
0xb6: {  	s0 =	stileid.u32;
	[bflag:$0x2] =	sbarrier.arrive $0xFFFF  }
0xb7: {  	p0 =	sne.s32 s0, $0x0;
	s0 =	rddreg [dreg:$0x2]  }
0xb8: {  	s0 =	sadd.s32 @!p0 $0x100000, s0  }
0xb9: {  	[sflag:s0] =	ssyncadd.tile.s32 @!p0 $0x1;
	_ =	shalt  }
.Lfunc_end2:
_tile_overlayer_lowered:
.L_overlay_start_2:
0xba: {  	(tag) =	ssettag $0x2  }
0xbb: {  	s0 =	rddreg [dreg:$0x0];
	s2 =	stileid.u32  }
0xbc: {  	s1 =	rddreg [dreg:$0x1];
	p0 =	sne.s32 s2, $0x0  }
0xbd: {  	s3 =	rddreg [dreg:$0x2];
	[bflag:$0x3] =	sbarrier.arrive $0xFFFF;
	s2 =	simm.s32 @!p0 $0x1C02  }
0xbe: {  	[timem:s3], [sflag:s2] =	dma.local @!p0 [hbm:s0], s1  }
0xbf: {  	s0 =	simm.s32 @!p0 $0x2  }
0xc0: {  	_ =	swait.ge @!p0 [sflag:s0], s1  }
0xc1: {  	s1 =	ssub.s32 @!p0 $0x0, s1;
	[sflag:s0] =	ssyncset.done @!p0 $0x0  }
0xc2: {  	[sflag:s0] =	ssyncadd.s32 @!p0 s1  }
0xc3: {  	[bflag:$0x3] =	sbarrier.arrive $0xFFFF  }
0xc4: {  	_ =	shalt  }

// kernel: kernel.16.cloned.1.call-start
scs
__scs_entry_jumppad:
0x0: {  	(pc) =	sbr.rel $0x88, $3  }
0x1: {  	(tag) =	ssettag $0x0;
	lr =	simm.s32 $0x1  }
0x2: {  	[smem:$0x3F6F] =	sst lr;
	_ =	strace $0xD0000000  }
0x3: {  	_ = 	snop  }
0x4: {  	_ = 	snop  }
0x5: {  	_ = 	snop  }
0x6: {  	_ = 	snop  }
0x7: {  	_ = 	snop  }
__scs_overlays_trampoline_lowered:
0x8: {  	[smem:$0x3F7E] =	sst s0  }
0x9: {  	[smem:$0x3F7F] =	sst s1  }
0xa: {  	[smem:$0x3F80] =	sst s2  }
0xb: {  	[smem:$0x3F81] =	sst s3  }
0xc: {  	[smem:$0x3F82] =	sst s4  }
0xd: {  	[smem:$0x3F83] =	sst s5  }
0xe: {  	[smem:$0x3F84] =	sst s6  }
0xf: {  	[smem:$0x3F85] =	sst s7  }
0x10: {  	[smem:$0x3F86] =	sst s8  }
0x11: {  	[smem:$0x3F87] =	sst s9;
	s0 =	simm.s32 @!p0 $0x0  }
0x12: {  	s1 =	sld [smem:$0x3F6D];
	s0 =	simm.s32 @p0 $0x1  }
0x13: {  	[smem:$0x3F88] =	sst s0;
	s0 =	simm.s32 @!p1 $0x0  }
0x14: {  	s2 =	sld [smem:$0x3F6C];
	s0 =	simm.s32 @p1 $0x1  }
0x15: {  	[smem:$0x3F89] =	sst s0;
	s0 =	simm.s32 @!p2 $0x0  }
0x16: {  	s3 =	sld [smem:$0x3FDB];
	s0 =	simm.s32 @p2 $0x1  }
0x17: {  	s4 =	simm.s32 $0x1BF5;
	[smem:$0x3F8B] =	sst s0  }
0x18: {  	s0 =	sld [smem:$0x3F6E];
	_ =	swait.ge [sflag:s4], $0x0  }
0x19: {  	s7 =	sld [smem:$0x3F6F]  }
0x1a: {  	s8 =	sadd.s32 $0xFFFFE003, lr  }
0x1b: {  	s9 =	sadd.s32 $0xFFFFFEF7, lr;
	s5 =	simm.s32 $0xFFFFFFFF;
	p2 =	slt.u32 s8, $0xFFFFF086  }
0x1c: {  	p1 =	slt.u32 s9, $0xF7A;
	s5 =	simm.s32 @!p2 $0x0  }
0x1d: {  	s5 =	simm.s32 @p1 $0x1;
	p0 =	seq.s32 s7, s2  }
0x1e: {  	s7 =	smul.u32 @!p0 $0xF7A, s2;
	p2 =	seq.s32 @!p0 s5, $0x0  }
0x1f: {  	s9 =	smul.u32 $0xF7A, s1;
	s8 =	simm.s32 @!p0 $0x1BF5;
	p2 =	por !p2, p0  }
0x20: {  	[sflag:s8] =	ssyncset.s32 @!p0 $0xFFFFF086;
	s6 =	sadd.s32 @!p0 s3, s7;
	s7 =	simm.s32 @!p0 $0x108  }
0x21: {  	s3 =	sadd.s32 s3, s9;
	s6 =	sadd.s32 @!p0 $0x88, s6;
	s7 =	simm.s32 @p2 $0x1082  }
0x22: {  	[simem:s7], [sflag:s8] =	dma.local @!p0 [hbm:s6], $0xF7A  }
0x23: {  	s9 =	sor.u32 $0xD0000000, s2;
	s6 =	simm.s32 $0x108;
	_ =	swait.ge @!p0 [sflag:s8], $0x0  }
0x24: {  	s3 =	sadd.s32 $0x88, s3;
	s6 =	simm.s32 @!p1 $0x1082;
	[sflag:s4] =	ssyncset.s32 $0xFFFFF086  }
0x25: {  	[simem:s6], [sflag:s4] =	dma.local [hbm:s3], $0xF7A  }
0x26: {  	[smem:$0x3F6F] =	sst s1;
	(tag) =	ssettag s2;
	_ =	strace s9  }
0x27: {  	s1 =	sld [smem:$0x3F7F]  }
0x28: {  	s2 =	sld [smem:$0x3F80]  }
0x29: {  	s4 =	sld [smem:$0x3F82]  }
0x2a: {  	p0 =	seq.s32 s5, $0x0;
	s5 =	sld [smem:$0x3F83]  }
0x2b: {  	s6 =	sld [smem:$0x3F84]  }
0x2c: {  	s7 =	sld [smem:$0x3F85]  }
0x2d: {  	s3 =	simm.s32 $0x108;
	s8 =	sld [smem:$0x3F86]  }
0x2e: {  	s3 =	simm.s32 @!p0 $0x1082;
	s9 =	sld [smem:$0x3F87]  }
0x2f: {  	lr =	sadd.s32 s0, s3;
	s0 =	sld [smem:$0x3F7E]  }
0x30: {  	s3 =	sld [smem:$0x3F81]  }
0x31: {  	[smem:$0x3F8A] =	sst s10  }
0x32: {  	s10 =	sld [smem:$0x3F88];
	_ =	sdelay $0x3  }
0x33: {  	p0 =	seq.s32 s10, $0x1;
	s10 =	sld [smem:$0x3F8A];
	_ =	sdelay $0x3  }
0x34: {  	[smem:$0x3F8A] =	sst s10  }
0x35: {  	s10 =	sld [smem:$0x3F89];
	_ =	sdelay $0x3  }
0x36: {  	p1 =	seq.s32 s10, $0x1;
	s10 =	sld [smem:$0x3F8A];
	_ =	sdelay $0x3  }
0x37: {  	[smem:$0x3F8A] =	sst s10  }
0x38: {  	s10 =	sld [smem:$0x3F8B]  }
0x39: {  	_ = 	snop;
	(pc) =	sbr.ind lr, $3  }
0x3a: {  	_ = 	snop  }
0x3b: {  	_ = 	snop  }
0x3c: {  	p2 =	seq.s32 s10, $0x1;
	s10 =	sld [smem:$0x3F8A]  }
0x3d: {  	_ =	shalt  }
0x3e: {  	_ =	shalt  }
0x3f: {  	_ =	shalt  }
0x40: {  	_ =	shalt  }
0x41: {  	_ =	shalt  }
0x42: {  	_ =	shalt  }
0x43: {  	_ =	shalt  }
0x44: {  	_ =	shalt  }
0x45: {  	_ =	shalt  }
0x46: {  	_ =	shalt  }
0x47: {  	_ =	shalt  }
0x48: {  	_ =	shalt  }
0x49: {  	_ =	shalt  }
0x4a: {  	_ =	shalt  }
0x4b: {  	_ =	shalt  }
0x4c: {  	_ =	shalt  }
0x4d: {  	_ =	shalt  }
0x4e: {  	_ =	shalt  }
0x4f: {  	_ =	shalt  }
0x50: {  	_ =	shalt  }
0x51: {  	_ =	shalt  }
0x52: {  	_ =	shalt  }
0x53: {  	_ =	shalt  }
0x54: {  	_ =	shalt  }
0x55: {  	_ =	shalt  }
0x56: {  	_ =	shalt  }
0x57: {  	_ =	shalt  }
0x58: {  	_ =	shalt  }
0x59: {  	_ =	shalt  }
0x5a: {  	_ =	shalt  }
0x5b: {  	_ =	shalt  }
0x5c: {  	_ =	shalt  }
0x5d: {  	_ =	shalt  }
0x5e: {  	_ =	shalt  }
0x5f: {  	_ =	shalt  }
0x60: {  	_ =	shalt  }
0x61: {  	_ =	shalt  }
0x62: {  	_ =	shalt  }
0x63: {  	_ =	shalt  }
0x64: {  	_ =	shalt  }
0x65: {  	_ =	shalt  }
0x66: {  	_ =	shalt  }
0x67: {  	_ =	shalt  }
0x68: {  	_ =	shalt  }
0x69: {  	_ =	shalt  }
0x6a: {  	_ =	shalt  }
0x6b: {  	_ =	shalt  }
0x6c: {  	_ =	shalt  }
0x6d: {  	_ =	shalt  }
0x6e: {  	_ =	shalt  }
0x6f: {  	_ =	shalt  }
0x70: {  	_ =	shalt  }
0x71: {  	_ =	shalt  }
0x72: {  	_ =	shalt  }
0x73: {  	_ =	shalt  }
0x74: {  	_ =	shalt  }
0x75: {  	_ =	shalt  }
0x76: {  	_ =	shalt  }
0x77: {  	_ =	shalt  }
0x78: {  	_ =	shalt  }
0x79: {  	_ =	shalt  }
0x7a: {  	_ =	shalt  }
0x7b: {  	_ =	shalt  }
0x7c: {  	_ =	shalt  }
0x7d: {  	_ =	shalt  }
0x7e: {  	_ =	shalt  }
0x7f: {  	_ =	shalt  }
0x80: {  	_ =	shalt  }
0x81: {  	_ =	shalt  }
0x82: {  	_ =	shalt  }
0x83: {  	_ =	shalt  }
0x84: {  	_ =	shalt  }
0x85: {  	_ =	shalt  }
0x86: {  	_ =	shalt  }
0x87: {  	_ =	shalt  }
.Lfunc_end0:
.L_simem_size_0:
called_computation.5_lowered:
.L_overlay_start_0:
0x88: {  	s2 =	sld [smem:$0x3FD9]  }
0x89: {  	s3 =	sld [smem:$0x3FFE];
	_ =	sdelay $0x1  }
0x8a: {  	s1 =	srdreg.scid  }
0x8b: {  	s0 =	sand.u32 $0x1, s1  }
0x8c: {  	s16 =	sshll.u32 s0, $0xA;
	s2 =	sadd.s32 s3, s2  }
0x8d: {  	s2 =	sadd.s32 s2, s16  }
0x8e: {  	[smem:$0x3F96] =	sst s2  }
0x8f: {  	_ = 	snop  }
0x90: {  	(tm) =	ssettm $0x1  }
0x91: {  	s17 =	sld [smem:$0x3FFB];
	_ =	sdelay $0x3  }
0x92: {  	_ =	strace s17  }
0x93: {  	s2 =	sld [smem:$0x3FFC];
	_ =	sdelay $0x3  }
0x94: {  	_ =	strace s2  }
0x95: {  	s2 =	sld [smem:$0x3FFD];
	_ =	sdelay $0x3  }
0x96: {  	_ =	strace s2  }
0x97: {  	_ =	strace $0x8FFFFFFF  }
0x98: {  	s18 =	sld [smem:$0x3FDB];
	_ =	sdelay $0x1  }
0x99: {  	s19 =	simm.s32 $_scs_section_size  }
0x9a: {  	s4 =	simm.s32 $_size__tile_overlayer_lowered;
	s5 =	simm.s32 $_tile_overlayer_lowered  }
0x9b: {  	s22 =	simm.s32 $0x1BFF;
	s21 =	sshll.u32 s5, $0x1;
	s2 =	sadd.s32 s19, s18  }
0x9c: {  	s6 =	simm.s32 $0x0;
	s20 =	sshll.u32 s4, $0x1;
	s4 =	sadd.s32 s21, s2  }
0x9d: {  	[timem:s6], [sflag:s22] =	dma.local [hbm:s4], s20  }
0x9e: {  	_ =	swait.ge [sflag:s22], s20  }
0x9f: {  	s3 =	ssub.s32 $0x0, s20;
	[sflag:s22] =	ssyncset.done $0x0  }
0xa0: {  	[sflag:s22] =	ssyncadd.s32 s3;
	_ =	sdelay $0x1  }
0xa1: {  	s23 =	simm.s32 $0x1B8B  }
0xa2: {  	_ =	swait.ge [sflag:s23], $0x1  }
0xa3: {  	[sflag:s23] =	ssyncset.done $0x0  }
0xa4: {  	s25 =	simm.s32 $0x1B8E;
	s24 =	sld [smem:$0x3FFE];
	[sflag:s23] =	ssyncadd.s32 $0xFFFFFFFF  }
0xa5: {  	s26 =	simm.s32 $execute0_lowered;
	[smem:$0x3FD2] =	sst s25  }
0xa6: {  	s4 =	sshll.u32 s26, $0x1;
	_ =	strace $0x80000055;
	[dreg:$0x1] =	wrdreg $0xFFFFFFFF  }
0xa7: {  	s28 =	simm.s32 $_size_execute0_lowered;
	s2 =	sadd.s32 s2, s4;
	[dreg:$0x0] =	wrdreg $0x0  }
0xa8: {  	s4 =	sshll.u32 s28, $0x1;
	[dreg:$0x2] =	wrdreg s2  }
0xa9: {  	[dreg:$0x3] =	wrdreg s4  }
0xaa: {  	[dreg:$0x4] =	wrdreg $0xC0  }
0xab: {  	_ =	task [dreg:s6], $0x5FFFF  }
0xac: {  	[dreg:$0x1] =	wrdreg $0xFFFFFFFF  }
0xad: {  	[dreg:$0x0] =	wrdreg $0x60  }
0xae: {  	[dreg:$0x2] =	wrdreg s24  }
0xaf: {  	[dreg:$0x3] =	wrdreg $0x0  }
0xb0: {  	[dreg:$0x4] =	wrdreg $0x9  }
0xb1: {  	_ =	task.clear_ibuf [dreg:s6], $0x5FFFF;
	_ =	strace $0x90000055  }
0xb2: {  	s29 =	simm.s32 $0x9;
	_ =	strace $0x80000057  }
0xb3: {  	_ =	swait.ge [sflag:s29], $0x1  }
0xb4: {  	[sflag:s29] =	ssyncadd.s32 $0xFFFFFFFF  }
0xb5: {  	_ =	strace $0x90000057  }
0xb6: {  	_ =	sfence  }
0xb7: {  	s30 =	sld [smem:$0x0];
	_ =	sdelay $0x2  }
0xb8: {  	s31 =	sshll.u32 s1, $0xD;
	s1 =	sshrl.u32 s1, $0x2  }
0xb9: {  	s3 =	sand.u32 $0x4000, s31;
	s1 =	sadd.s32 s1, s30  }
0xba: {  	s0 =	sor.u32 s3, s0;
	s1 =	sshll.u32 s1, $0x11  }
0xbb: {  	s0 =	sor.u32 s1, s0  }
0xbc: {  	s0 =	sadd.s32 $0x8F2B, s0  }
0xbd: {  	[sflag:s0] =	ssyncadd.remote.s32 $0x1  }
0xbe: {  	_ =	sfence.sel $0xFFFF  }
0xbf: {  	[dreg:$0x0] =	wrdreg $0xFFFFFFFF;
	(pc) =	sbr.abs _section_cstart, $3  }
0xc0: {  	[dreg:$0x1] =	wrdreg $0xFFFFFFFF  }
0xc1: {  	_ =	task.clear_ibuf [dreg:s6], $0x2FFFF;
	_ =	strace $0x9FFFFFFF  }
0xc2: {  	(tm) =	ssettm $0x7FFFFFFF  }
0xc3: {  	_ =	shalt  }
tec
execute0_lowered:
.L_overlay_start_1:
0x0: {  	(tag) =	ssettag $0x1  }
0x1: {  	s0 =	rddreg [dreg:$0x0]  }
0x2: {  	s1 =	rddreg [dreg:$0x1];
	s2 =	simm.s32 $0x0;
	s7 =	srdreg.scid  }
0x3: {  	s3 =	stileid.u32;
	s22 =	simm.s32 $0x13C00;
	s23 =	simm.s32 $0x14C00  }
0x4: {  	s24 =	simm.s32 $0x15C00;
	s25 =	simm.s32 $0x80;
	s26 =	simm.s32 $0x1  }
0x5: {  	s28 =	simm.s32 $0x0;
	[smem:$0x7FF] =	sst s2;
	s4 =	sadd.s32 $0x8FA00, s0  }
0x6: {  	s5 =	sadd.s32 $0x7BA00, s0;
	s6 =	sadd.s32 $0x17A200, s0;
	s9 =	sand.u32 $0x1, s7  }
0x7: {  	s7 =	sadd.s32 $0x67A00, s0;
	s10 =	smul.u32 $0x4F000, s3;
	s0 =	sadd.s32 $0x2800, s0  }
0x8: {  	s12 =	smul.u32 $0x13C00, s3;
	_ =	strace $0x80000056;
	s8 =	ssub.s32 $0x2, s9  }
0x9: {  	s29 =	sshll.u32 s9, $0x4;
	s18 =	smul.u32 $0x13C000, s9;
	s11 =	sshrl.u32 s8, $0x1  }
0xa: {  	s10 =	sshrl.u32 s10, $0x2;
	s13 =	sor.u32 s3, s29;
	s14 =	sadd.s32 $0x4000, s12  }
0xb: {  	s16 =	sadd.s32 $0x8000, s12;
	s17 =	sadd.s32 $0xC000, s12;
	s20 =	sadd.s32 $0x10000, s12  }
0xc: {  	s19 =	ssub.s32 s8, s11;
	s8 =	sadd.s32 s10, s1;
	s9 =	sadd.s32 s14, s1  }
0xd: {  	s10 =	sadd.s32 s16, s1;
	s11 =	sadd.s32 s17, s1;
	s15 =	sadd.s32 s12, s18  }
0xe: {  	s14 =	sadd.s32 s18, s14;
	s12 =	sadd.s32 s20, s1;
	s13 =	smul.u32 $0x5000, s13  }
0xf: {  	s16 =	sadd.s32 s18, s16;
	s17 =	sadd.s32 s18, s17;
	s18 =	sadd.s32 s18, s20  }
0x10: {  	s20 =	simm.s32 $0x16C00;
	s15 =	sshrl.u32 s15, $0x3;
	s21 =	sshrl.u32 s14, $0x3  }
0x11: {  	s16 =	sshrl.u32 s16, $0x3;
	s17 =	sshrl.u32 s17, $0x3;
	s18 =	sshrl.u32 s18, $0x3  }
0x12: {  	s19 =	smax.u32 s19, $0x1;
	s30 =	sadd.s32 s0, s15;
	s31 =	sadd.s32 s0, s21  }
0x13: {  	s16 =	sadd.s32 s0, s16;
	s17 =	sadd.s32 s0, s17;
	[dreg:$0x3] =	wrdreg s30  }
0x14: {  	v0 =	vimm.f32 $0.0e+00;
	s18 =	sadd.s32 s0, s18;
	s21 =	simm.s32 $0x2;
	[dreg:$0x4] =	wrdreg s31  }
.LBB2_1:
0x15: {  	s0 =	simm.s32 $0x0;
	s29 =	simm.s32 $0x200  }
.LBB2_2:
0x16: {  	p0 =	sne.s32 s29, $0xFE00;
	[tilespmem:s0+$0x16C70] =	vst v0  }
0x17: {  	[tilespmem:s0+$0x16C00] =	vst v0  }
0x18: {  	[tilespmem:s0+$0x16C10] =	vst v0  }
.Ltmp0:
0x19: {  	[tilespmem:s0+$0x16C20] =	vst v0;
	(pc) =	sbr.rel @p0 .LBB2_2-.Ltmp0, $4  }
0x1a: {  	[tilespmem:s0+$0x16C30] =	vst v0  }
0x1b: {  	[tilespmem:s0+$0x16C40] =	vst v0  }
0x1c: {  	[tilespmem:s0+$0x16C50] =	vst v0  }
0x1d: {  	[tilespmem:s0+$0x16C60] =	vst v0;
	s0 =	sshra.s32 s29, $0x2;
	s29 =	sadd.s32 $0x200, s29  }
0x1e: {  	[tilespmem:s0+$0x16C70] =	vst v0  }
0x1f: {  	[tilespmem:s0+$0x16C00] =	vst v0  }
0x20: {  	[tilespmem:s0+$0x16C10] =	vst v0  }
0x21: {  	[tilespmem:s0+$0x16C20] =	vst v0  }
0x22: {  	[tilespmem:s0+$0x16C30] =	vst v0  }
0x23: {  	[tilespmem:s0+$0x16C40] =	vst v0  }
0x24: {  	[tilespmem:s0+$0x16C50] =	vst v0  }
0x25: {  	[tilespmem:s0+$0x16C60] =	vst v0  }
0x26: {  	[spmem:s8] =	stream.linear.scatter [tilespmem:s20], [sflag:$0x2], $0x4000, $0x38;
	[tilespmem:$0x1AC00] =	vst v63  }
0x27: {  	_ =	swait.ge [sflag:s21], $0x4000  }
0x28: {  	[sflag:s21] =	ssyncset.done $0x0  }
0x29: {  	[sflag:s21] =	ssyncadd.s32 $0xFFFFC000  }
0x2a: {  	[spmem:s9] =	stream.linear.scatter [tilespmem:s20], [sflag:$0x2], $0x4000, $0x38;
	[tilespmem:$0x1AC00] =	vst v63  }
0x2b: {  	_ =	swait.ge [sflag:s21], $0x4000  }
0x2c: {  	[sflag:s21] =	ssyncset.done $0x0  }
0x2d: {  	[sflag:s21] =	ssyncadd.s32 $0xFFFFC000  }
0x2e: {  	[spmem:s10] =	stream.linear.scatter [tilespmem:s20], [sflag:$0x2], $0x4000, $0x38;
	[tilespmem:$0x1AC00] =	vst v63  }
0x2f: {  	_ =	swait.ge [sflag:s21], $0x4000  }
0x30: {  	[sflag:s21] =	ssyncset.done $0x0  }
0x31: {  	[sflag:s21] =	ssyncadd.s32 $0xFFFFC000  }
0x32: {  	[spmem:s11] =	stream.linear.scatter [tilespmem:s20], [sflag:$0x2], $0x4000, $0x38;
	[tilespmem:$0x1AC00] =	vst v63  }
0x33: {  	_ =	swait.ge [sflag:s21], $0x4000  }
0x34: {  	[sflag:s21] =	ssyncset.done $0x0  }
0x35: {  	[sflag:s21] =	ssyncadd.s32 $0xFFFFC000  }
0x36: {  	[spmem:s12] =	stream.linear.scatter [tilespmem:s20], [sflag:$0x2], $0x3C00, $0x38;
	[tilespmem:$0x1AC00] =	vst v63  }
0x37: {  	_ =	swait.ge [sflag:s21], $0x3C00  }
0x38: {  	[sflag:s21] =	ssyncset.done $0x0  }
0x39: {  	[sflag:s21] =	ssyncadd.s32 $0xFFFFC400  }
0x3a: {  	s29 =	simm.s32 $0x0;
	s30 =	simm.s32 $0x0;
	[bflag:$0x0] =	sbarrier.arrive $0xFFFF  }
.LBB2_4:
0x3b: {  	s0 =	sshll.u32 s30, $0xC  }
0x3c: {  	s0 =	sadd.s32 s13, s0  }
0x3d: {  	s0 =	sshrl.u32 s0, $0x3  }
0x3e: {  	s31 =	sadd.s32 s5, s0  }
0x3f: {  	[tilespmem:s22], [sflag:$0x2] =	stream.linear.gather [hbm4b:s31+s29], $0x1000, $0x38;
	[tilespmem:$0x1AC00] =	vst v63  }
0x40: {  	_ =	swait.ge [sflag:s21], $0x1000  }
0x41: {  	[sflag:s21] =	ssyncset.done $0x0  }
0x42: {  	s31 =	sadd.s32 s6, s0;
	[sflag:s21] =	ssyncadd.s32 $0xFFFFF000  }
0x43: {  	[tilespmem:s23], [sflag:$0x2] =	stream.linear.gather [hbm4b:s31+s29], $0x1000, $0x38;
	[tilespmem:$0x1AC00] =	vst v63  }
0x44: {  	_ =	swait.ge [sflag:s21], $0x1000  }
0x45: {  	[sflag:s21] =	ssyncset.done $0x0  }
0x46: {  	s0 =	sadd.s32 s7, s0;
	[sflag:s21] =	ssyncadd.s32 $0xFFFFF000  }
0x47: {  	[tilespmem:s24], [sflag:$0x2] =	stream.linear.gather [hbm4b:s0+s29], $0x1000, $0x38;
	[tilespmem:$0x1AC00] =	vst v63  }
0x48: {  	_ =	swait.ge [sflag:s21], $0x1000  }
0x49: {  	[sflag:s21] =	ssyncset.done $0x0  }
0x4a: {  	s31 =	simm.s32 $0x0;
	[sflag:s21] =	ssyncadd.s32 $0xFFFFF000  }
0x4b: {  	v3 =	vld [tilespmem:s31+$0x13C00]  }
0x4c: {  	v2 =	vld [tilespmem:s31+$0x14C00]  }
0x4d: {  	v4 =	vld [tilespmem:s31+$0x14C10]  }
0x4e: {  	v6 =	vld [tilespmem:s31+$0x14C20]  }
0x4f: {  	v5 =	vld [tilespmem:s31+$0x13C10]  }
0x50: {  	v1 =	vld [tilespmem:s31+$0x13C20]  }
0x51: {  	v10 =	vld [tilespmem:s31+$0x14C30];
	v7 =	vadd.s32 $0xFFFFFFFF, v2;
	v2 =	vmul.u32 $0x2710, v2  }
0x52: {  	v8 =	vadd.s32 $0xFFFFFFFF, v4;
	v4 =	vmul.u32 $0x2710, v4;
	vm0 =	vlt.u32 v7, $0x4;
	v7 =	vld [tilespmem:s31+$0x14C40]  }
0x53: {  	v12 =	vadd.s32 $0xFFFFFFFF, v6;
	v13 =	vmul.u32 $0x2710, v6;
	v6 =	vld [tilespmem:s31+$0x13C40];
	vm14 =	vlt.u32 v8, $0x4  }
0x54: {  	v9 =	vnsel vm0, $0x0, v2;
	v11 =	vnsel vm14, $0x0, v4;
	v4 =	vld [tilespmem:s31+$0x14C50]  }
0x55: {  	vm15 =	vlt.u32 v12, $0x4;
	v2 =	vld [tilespmem:s31+$0x13C30];
	v8 =	vadd.s32 v3, v9;
	v5 =	vadd.s32 v5, v11  }
0x56: {  	s0 =	simm.s32 $0x200;
	v9 =	vnsel vm15, $0x0, v13;
	v11 =	vadd.s32 $0xFFFFFFFF, v10;
	v10 =	vmul.u32 $0x2710, v10;
	v3 =	vld [tilespmem:s31+$0x14C60]  }
.LBB2_5:
0x57: {  	p0 =	sne.s32 s0, $0x3E00;
	vm0 =	vlt.u32 v11, $0x4;
	v11 =	vadd.s32 $0xFFFFFFFF, v7;
	v7 =	vmul.u32 $0x2710, v7;
	v12 =	vld [tilespmem:s31+$0x14C70]  }
0x58: {  	v1 =	vadd.s32 v1, v9;
	v9 =	vnsel vm0, $0x0, v10;
	vm0 =	vlt.u32 v11, $0x4;
	v10 =	vld [tilespmem:s31+$0x13C50]  }
0x59: {  	[tilespmem:s31+$0x14C00] =	vst v8;
	v7 =	vnsel vm0, $0x0, v7;
	v8 =	vadd.s32 $0xFFFFFFFF, v4;
	v4 =	vmul.u32 $0x2710, v4;
	v11 =	vld [tilespmem:s31+$0x13C60]  }
0x5a: {  	s3 =	sshra.s32 s0, $0x2;
	v2 =	vadd.s32 v2, v9;
	[tilespmem:s31+$0x14C10] =	vst v5;
	v5 =	vadd.s32 v6, v7;
	vm0 =	vlt.u32 v8, $0x4;
	v6 =	vld [tilespmem:s31+$0x13C70]  }
0x5b: {  	v8 =	vld [tilespmem:s3+$0x13C00];
	[tilespmem:s31+$0x14C20] =	vst v1;
	v1 =	vnsel vm0, $0x0, v4;
	v4 =	vadd.s32 $0xFFFFFFFF, v3;
	v3 =	vmul.u32 $0x2710, v3  }
0x5c: {  	v7 =	vld [tilespmem:s3+$0x14C00];
	[tilespmem:s31+$0x14C30] =	vst v2;
	vm0 =	vlt.u32 v4, $0x4;
	v2 =	vadd.s32 $0xFFFFFFFF, v12;
	v4 =	vmul.u32 $0x2710, v12  }
0x5d: {  	v9 =	vld [tilespmem:s3+$0x14C10];
	[tilespmem:s31+$0x14C40] =	vst v5;
	v1 =	vadd.s32 v10, v1;
	v3 =	vnsel vm0, $0x0, v3;
	vm0 =	vlt.u32 v2, $0x4  }
0x5e: {  	v5 =	vld [tilespmem:s3+$0x13C10];
	[tilespmem:s31+$0x14C50] =	vst v1;
	v1 =	vadd.s32 v11, v3;
	v2 =	vnsel vm0, $0x0, v4  }
0x5f: {  	v3 =	vld [tilespmem:s3+$0x14C20];
	[tilespmem:s31+$0x14C60] =	vst v1;
	v2 =	vadd.s32 v6, v2  }
0x60: {  	v1 =	vld [tilespmem:s3+$0x13C20];
	[tilespmem:s31+$0x14C70] =	vst v2;
	s31 =	smov.u32 s3  }
0x61: {  	v2 =	vadd.s32 $0xFFFFFFFF, v7;
	v4 =	vmul.u32 $0x2710, v7;
	v10 =	vld [tilespmem:s31+$0x14C30]  }
.Ltmp1:
0x62: {  	vm0 =	vlt.u32 v2, $0x4;
	v2 =	vadd.s32 $0xFFFFFFFF, v9;
	v6 =	vmul.u32 $0x2710, v9;
	v7 =	vld [tilespmem:s31+$0x14C40];
	(pc) =	sbr.rel @p0 .LBB2_5-.Ltmp1, $4  }
0x63: {  	v9 =	vnsel vm0, $0x0, v4;
	vm0 =	vlt.u32 v2, $0x4;
	v2 =	vld [tilespmem:s31+$0x13C30]  }
0x64: {  	v6 =	vnsel vm0, $0x0, v6;
	v11 =	vadd.s32 $0xFFFFFFFF, v3;
	v3 =	vmul.u32 $0x2710, v3;
	v4 =	vld [tilespmem:s31+$0x14C50]  }
0x65: {  	v8 =	vadd.s32 v8, v9;
	v5 =	vadd.s32 v5, v6;
	vm0 =	vlt.u32 v11, $0x4;
	v6 =	vld [tilespmem:s31+$0x13C40]  }
0x66: {  	s0 =	sadd.s32 $0x200, s0;
	v9 =	vnsel vm0, $0x0, v3;
	v11 =	vadd.s32 $0xFFFFFFFF, v10;
	v10 =	vmul.u32 $0x2710, v10;
	v3 =	vld [tilespmem:s31+$0x14C60]  }
0x67: {  	v12 =	vld [tilespmem:s31+$0x14C70];
	vm0 =	vlt.u32 v11, $0x4;
	v54 =	vadd.s32 $0xFFFFFFFF, v7;
	v55 =	vmul.u32 $0x2710, v7  }
0x68: {  	v13 =	vld [tilespmem:s31+$0x13C50];
	v1 =	vadd.s32 v1, v9;
	v56 =	vnsel vm0, $0x0, v10;
	vm12 =	vlt.u32 v54, $0x4  }
0x69: {  	[tilespmem:s31+$0x14C00] =	vst v8;
	v57 =	vld [tilespmem:s31+$0x13C60];
	v7 =	vnsel vm12, $0x0, v55;
	v58 =	vadd.s32 $0xFFFFFFFF, v4;
	v59 =	vmul.u32 $0x2710, v4  }
0x6a: {  	[tilespmem:s31+$0x14C10] =	vst v5;
	v61 =	vld [tilespmem:s31+$0x13C70];
	v2 =	vadd.s32 v2, v56;
	v60 =	vadd.s32 v6, v7;
	vm13 =	vlt.u32 v58, $0x4  }
0x6b: {  	[tilespmem:s31+$0x14C20] =	vst v1;
	v1 =	vnsel vm13, $0x0, v59;
	v62 =	vadd.s32 $0xFFFFFFFF, v3;
	v3 =	vmul.u32 $0x2710, v3  }
0x6c: {  	[tilespmem:s31+$0x14C30] =	vst v2;
	vm14 =	vlt.u32 v62, $0x4;
	v2 =	vadd.s32 $0xFFFFFFFF, v12;
	v63 =	vmul.u32 $0x2710, v12  }
0x6d: {  	[tilespmem:s31+$0x14C40] =	vst v60;
	v1 =	vadd.s32 v13, v1;
	v3 =	vnsel vm14, $0x0, v3;
	vm15 =	vlt.u32 v2, $0x4  }
0x6e: {  	[tilespmem:s31+$0x14C50] =	vst v1;
	v1 =	vadd.s32 v57, v3;
	v2 =	vnsel vm15, $0x0, v63  }
0x6f: {  	[tilespmem:s31+$0x14C60] =	vst v1;
	v1 =	vadd.s32 v61, v2  }
0x70: {  	s0 =	simm.s32 $0x14C00;
	[tilespmem:s31+$0x14C70] =	vst v1  }
0x71: {  	[tilespmem:s20], [sflag:$0x1] =	stream.indirect.gather [hbm4b:s4+s25], $0x80, s0, s25, $0xb8;
	[tilespmem:$0x1AC00] =	vst v63  }
0x72: {  	_ =	swait.ge [sflag:s26], $0x4000  }
0x73: {  	[sflag:s26] =	ssyncset.done $0x0  }
0x74: {  	s15 =	simm.s32 $0x15C00;
	[sflag:s26] =	ssyncadd.s32 $0xFFFFC000  }
0x75: {  	[spmem:s1] =	stream.indirect.scatter.add.f32 [tilespmem:s20], [sflag:$0x2], $0x80, s15, s25, $0xb8;
	[tilespmem:$0x1AC00] =	vst v63  }
0x76: {  	_ =	swait.ge [sflag:s21], $0x4000  }
0x77: {  	s31 =	simm.s32 $0x400;
	s0 =	simm.s32 $0x80;
	[sflag:s21] =	ssyncset.done $0x0  }
.LBB2_7:
0x78: {  	s3 =	sadd.s32 $0x14C00, s0  }
0x79: {  	[sflag:s21] =	ssyncadd.s32 $0xFFFFC000;
	s14 =	smov.u32 s31;
	s15 =	sadd.s32 $0x200, s31  }
0x7a: {  	[tilespmem:s20], [sflag:$0x1] =	stream.indirect.gather [hbm4b:s4+s25], $0x80, s3, s25, $0xb8;
	[tilespmem:$0x1AC00] =	vst v63  }
0x7b: {  	p0 =	sne.s32 s31, $0x3E00;
	_ =	swait.ge [sflag:s26], $0x4000  }
.Ltmp2:
0x7c: {  	[sflag:s26] =	ssyncset.done $0x0;
	(pc) =	sbr.rel @p0 .LBB2_7-.Ltmp2, $4  }
0x7d: {  	s0 =	sadd.s32 $0x15C00, s0;
	[sflag:s26] =	ssyncadd.s32 $0xFFFFC000  }
0x7e: {  	[spmem:s1] =	stream.indirect.scatter.add.f32 [tilespmem:s20], [sflag:$0x2], $0x80, s0, s25, $0xb8;
	[tilespmem:$0x1AC00] =	vst v63  }
0x7f: {  	_ =	swait.ge [sflag:s21], $0x4000  }
0x80: {  	s31 =	smov.u32 s15;
	s0 =	sshra.s32 s14, $0x2;
	[sflag:s21] =	ssyncset.done $0x0  }
0x81: {  	s3 =	sadd.s32 $0x14C00, s0;
	[sflag:s21] =	ssyncadd.s32 $0xFFFFC000  }
0x82: {  	[tilespmem:s20], [sflag:$0x1] =	stream.indirect.gather [hbm4b:s4+s25], $0x80, s3, s25, $0xb8;
	[tilespmem:$0x1AC00] =	vst v63  }
0x83: {  	s30 =	sadd.s32 $0x1, s30;
	_ =	swait.ge [sflag:s26], $0x4000  }
0x84: {  	p0 =	sne.s32 s30, $0x5;
	[sflag:s26] =	ssyncset.done $0x0  }
.Ltmp3:
0x85: {  	s31 =	sadd.s32 $0x15C00, s0;
	[sflag:s26] =	ssyncadd.s32 $0xFFFFC000;
	(pc) =	sbr.rel @p0 .LBB2_4-.Ltmp3, $4  }
0x86: {  	[spmem:s1] =	stream.indirect.scatter.add.f32 [tilespmem:s20], [sflag:$0x2], $0x80, s31, s25, $0xb8;
	[tilespmem:$0x1AC00] =	vst v63  }
0x87: {  	_ =	swait.ge [sflag:s21], $0x4000  }
0x88: {  	[sflag:s21] =	ssyncset.done $0x0  }
0x89: {  	[sflag:s21] =	ssyncadd.s32 $0xFFFFC000  }
0x8a: {  	[bflag:$0x0] =	sbarrier.arrive $0xFFFF  }
0x8b: {  	[tilespmem:s20], [sflag:$0x2] =	stream.linear.gather [spmem:s8], $0x4000, $0x38;
	[tilespmem:$0x1AC00] =	vst v63  }
0x8c: {  	_ =	swait.ge [sflag:s21], $0x4000  }
0x8d: {  	[sflag:s21] =	ssyncset.done $0x0  }
0x8e: {  	s0 =	rddreg [dreg:$0x3];
	[sflag:s21] =	ssyncadd.s32 $0xFFFFC000  }
0x8f: {  	[hbm4b:s0+s2] =	stream.linear.scatter [tilespmem:s20], [sflag:$0x2], $0x4000, $0x38;
	[tilespmem:$0x1AC00] =	vst v63  }
0x90: {  	_ =	swait.ge [sflag:s21], $0x4000  }
0x91: {  	[sflag:s21] =	ssyncset.done $0x0  }
0x92: {  	[sflag:s21] =	ssyncadd.s32 $0xFFFFC000  }
0x93: {  	[tilespmem:s20], [sflag:$0x2] =	stream.linear.gather [spmem:s9], $0x4000, $0x38;
	[tilespmem:$0x1AC00] =	vst v63  }
0x94: {  	_ =	swait.ge [sflag:s21], $0x4000  }
0x95: {  	[sflag:s21] =	ssyncset.done $0x0  }
0x96: {  	s31 =	rddreg [dreg:$0x4];
	[sflag:s21] =	ssyncadd.s32 $0xFFFFC000  }
0x97: {  	[hbm4b:s31+s2] =	stream.linear.scatter [tilespmem:s20], [sflag:$0x2], $0x4000, $0x38;
	[tilespmem:$0x1AC00] =	vst v63  }
0x98: {  	_ =	swait.ge [sflag:s21], $0x4000  }
0x99: {  	[sflag:s21] =	ssyncset.done $0x0  }
0x9a: {  	[sflag:s21] =	ssyncadd.s32 $0xFFFFC000  }
0x9b: {  	[tilespmem:s20], [sflag:$0x2] =	stream.linear.gather [spmem:s10], $0x4000, $0x38;
	[tilespmem:$0x1AC00] =	vst v63  }
0x9c: {  	_ =	swait.ge [sflag:s21], $0x4000  }
0x9d: {  	[sflag:s21] =	ssyncset.done $0x0  }
0x9e: {  	[sflag:s21] =	ssyncadd.s32 $0xFFFFC000  }
0x9f: {  	[hbm4b:s16+s2] =	stream.linear.scatter [tilespmem:s20], [sflag:$0x2], $0x4000, $0x38;
	[tilespmem:$0x1AC00] =	vst v63  }
0xa0: {  	_ =	swait.ge [sflag:s21], $0x4000  }
0xa1: {  	[sflag:s21] =	ssyncset.done $0x0  }
0xa2: {  	[sflag:s21] =	ssyncadd.s32 $0xFFFFC000  }
0xa3: {  	[tilespmem:s20], [sflag:$0x2] =	stream.linear.gather [spmem:s11], $0x4000, $0x38;
	[tilespmem:$0x1AC00] =	vst v63  }
0xa4: {  	_ =	swait.ge [sflag:s21], $0x4000  }
0xa5: {  	[sflag:s21] =	ssyncset.done $0x0  }
0xa6: {  	[sflag:s21] =	ssyncadd.s32 $0xFFFFC000  }
0xa7: {  	[hbm4b:s17+s2] =	stream.linear.scatter [tilespmem:s20], [sflag:$0x2], $0x4000, $0x38;
	[tilespmem:$0x1AC00] =	vst v63  }
0xa8: {  	_ =	swait.ge [sflag:s21], $0x4000  }
0xa9: {  	[sflag:s21] =	ssyncset.done $0x0  }
0xaa: {  	[sflag:s21] =	ssyncadd.s32 $0xFFFFC000  }
0xab: {  	[tilespmem:s20], [sflag:$0x2] =	stream.linear.gather [spmem:s12], $0x3C00, $0x38;
	[tilespmem:$0x1AC00] =	vst v63  }
0xac: {  	s28 =	sadd.s32 $0x1, s28;
	_ =	swait.ge [sflag:s21], $0x3C00  }
0xad: {  	p0 =	sne.s32 s28, s19;
	[sflag:s21] =	ssyncset.done $0x0  }
.Ltmp4:
0xae: {  	[sflag:s21] =	ssyncadd.s32 $0xFFFFC400;
	(pc) =	sbr.rel @p0 .LBB2_1-.Ltmp4, $4  }
0xaf: {  	[hbm4b:s18+s2] =	stream.linear.scatter [tilespmem:s20], [sflag:$0x2], $0x3C00, $0x38;
	[tilespmem:$0x1AC00] =	vst v63  }
0xb0: {  	_ =	swait.ge [sflag:s21], $0x3C00  }
0xb1: {  	[sflag:s21] =	ssyncset.done $0x0  }
0xb2: {  	[sflag:s21] =	ssyncadd.s32 $0xFFFFC400  }
0xb3: {  	_ =	sfence.sel $0x180000  }
0xb4: {  	[bflag:$0x0] =	sbarrier.arrive $0xFFFF  }
0xb5: {  	_ =	strace $0x90000056  }
0xb6: {  	s0 =	stileid.u32;
	[bflag:$0x2] =	sbarrier.arrive $0xFFFF  }
0xb7: {  	p0 =	sne.s32 s0, $0x0;
	s0 =	rddreg [dreg:$0x2]  }
0xb8: {  	s0 =	sadd.s32 @!p0 $0x100000, s0  }
0xb9: {  	[sflag:s0] =	ssyncadd.tile.s32 @!p0 $0x1;
	_ =	shalt  }
.Lfunc_end2:
_tile_overlayer_lowered:
.L_overlay_start_2:
0xba: {  	(tag) =	ssettag $0x2  }
0xbb: {  	s0 =	rddreg [dreg:$0x0];
	s2 =	stileid.u32  }
0xbc: {  	s1 =	rddreg [dreg:$0x1];
	p0 =	sne.s32 s2, $0x0  }
0xbd: {  	s3 =	rddreg [dreg:$0x2];
	[bflag:$0x3] =	sbarrier.arrive $0xFFFF;
	s2 =	simm.s32 @!p0 $0x1C02  }
0xbe: {  	[timem:s3], [sflag:s2] =	dma.local @!p0 [hbm:s0], s1  }
0xbf: {  	s0 =	simm.s32 @!p0 $0x2  }
0xc0: {  	_ =	swait.ge @!p0 [sflag:s0], s1  }
0xc1: {  	s1 =	ssub.s32 @!p0 $0x0, s1;
	[sflag:s0] =	ssyncset.done @!p0 $0x0  }
0xc2: {  	[sflag:s0] =	ssyncadd.s32 @!p0 s1  }
0xc3: {  	[bflag:$0x3] =	sbarrier.arrive $0xFFFF  }
0xc4: {  	_ =	shalt  }

</sc_bundles>
